<compile_context>
chip_gen: v7x
topology: tpu7x:2x2x1
jax: 0.10.2.dev20260603
libtpu: 0.0.44.dev20260713+nightly
codegen_flags: <defaults>
</compile_context>

<pallas_src>
import functools
import math

import jax
import jax.numpy as jnp
from jax import lax
from jax.experimental import pallas as pl
from jax.experimental.pallas import tpu as pltpu
from jax.experimental.pallas import tpu_sc as plsc

_N = 1000
_NPAD = 1024
_C = 256
_CP = _C // 2
_H = 64
_W = 64
_P = 7
_NB = _P * _P
_NCLS = 91
_CPAD = 128
_FC = 1024
_SCALE = 0.0625
_PS = 14
_NR = 200
_G1 = 96
_G2 = 104
_NW = 32
_A = 32
_B = 32
_SPLIT = 16 * _A
_MAGIC = 8388608.0
_LOGK = math.log(1000.0 / 16)


def _rint(t):
    return (t + _MAGIC) - _MAGIC



def _table_body(feat_ref, out_ref):
    xt = jnp.transpose(feat_ref[...])
    bl = lax.bitcast_convert_type(xt[:, :_CP], jnp.int32)
    bh = lax.bitcast_convert_type(xt[:, _CP:], jnp.int32)
    half = jnp.int32(0x8000)
    word = (lax.shift_right_logical(bl + half, 16)
            | ((bh + half) & jnp.int32(-65536)))
    out_ref[...] = word


def _prep_table(feat):
    return pl.pallas_call(
        _table_body,
        out_shape=jax.ShapeDtypeStruct((_H * _W, _CP), jnp.int32),
    )(feat)


def _w6_body(w_ref, out_ref):
    out_ref[...] = w_ref[...].reshape(1, _C, 8, 128).astype(jnp.bfloat16)


def _prep_w6(w6v):
    return pl.pallas_call(
        _w6_body,
        grid=(_NB,),
        in_specs=[pl.BlockSpec((_C, 1, 8, 128), lambda p: (0, p, 0, 0))],
        out_specs=pl.BlockSpec((1, _C, 8, 128), lambda p: (p, 0, 0, 0)),
        out_shape=jax.ShapeDtypeStruct((_NB, _C, 8, 128), jnp.bfloat16),
        compiler_params=pltpu.CompilerParams(
            dimension_semantics=("arbitrary",)),
    )(w6v)



def _sc_pool_body(table_hbm, prop_hbm, out_hbm, prop_v, idx_v,
                  rows0, rows1, pooled0, pooled1,
                  gs0, gs1, ws0, ws1):
    cid = lax.axis_index("c")
    sid = lax.axis_index("s")
    is0 = cid == 0
    base = jnp.where(is0, sid * _A, _SPLIT + sid * _B)
    poff = jnp.where(is0, sid * (4 * _A), 16 * (4 * _A) + sid * (4 * _B))
    rpw = jnp.where(is0, _A, _B)

    pltpu.sync_copy(prop_hbm.at[pl.ds(pl.multiple_of(poff, 8), 4 * _A)],
                    prop_v)

    lane = lax.iota(jnp.int32, 16)
    for cc in range(max(_A, _B) // 16):
        @pl.when(cc * 16 < rpw)
        def _build():
            o0 = pl.multiple_of(0 * rpw + cc * 16, 8)
            o1 = pl.multiple_of(1 * rpw + cc * 16, 8)
            o2 = pl.multiple_of(2 * rpw + cc * 16, 8)
            o3 = pl.multiple_of(3 * rpw + cc * 16, 8)
            x1 = prop_v[pl.ds(o0, 16)]
            y1 = prop_v[pl.ds(o1, 16)]
            x2 = prop_v[pl.ds(o2, 16)]
            y2 = prop_v[pl.ds(o3, 16)]
            r0 = _rint(x1 * _SCALE)
            r1 = _rint(y1 * _SCALE)
            r2 = _rint(x2 * _SCALE)
            r3 = _rint(y2 * _SCALE)
            w7 = jnp.maximum(r2 - r0 + 1.0, 1.0) / 7.0
            h7 = jnp.maximum(r3 - r1 + 1.0, 1.0) / 7.0
            xi = []
            yb = []
            for k in range(_PS):
                g = (k + 0.5) / 2.0
                xs = r0 + g * w7
                xi.append(jnp.minimum(xs.astype(jnp.int32), _W - 1))
                ys = r1 + g * h7
                yb.append(jnp.minimum(ys.astype(jnp.int32), _H - 1) * _W)
            roi_off = (lane + cc * 16) * _NR
            for ky in range(_PS):
                for kx in range(_PS):
                    flat = yb[ky] + xi[kx]
                    plsc.store_scatter(idx_v,
                                       [roi_off + (ky * _PS + kx)], flat)
            pad = yb[_PS - 1] + xi[_PS - 1]
            for pp in range(_PS * _PS, _NR):
                plsc.store_scatter(idx_v, [roi_off + pp], pad)

    def issue_gather(i, rows_b, sem_b):
        off = pl.multiple_of(i * _NR, 8)
        pltpu.async_copy(table_hbm.at[idx_v.at[pl.ds(off, _G1)]],
                         rows_b.at[pl.ds(0, _G1)], sem_b)
        off2 = pl.multiple_of(i * _NR + _G1, 8)
        pltpu.async_copy(table_hbm.at[idx_v.at[pl.ds(off2, _G2)]],
                         rows_b.at[pl.ds(_G1, _G2)], sem_b)

    @pl.when(rpw > 0)
    def _prologue():
        issue_gather(0, rows0, gs0)
        issue_gather(1, rows1, gs1)

    def process(g, i, rows_b, pooled_b, gs_b, ws_b):
        pltpu.make_async_copy(table_hbm.at[pl.ds(0, _NR)], rows_b,
                              gs_b).wait()

        @pl.when(g > 0)
        def _():
            pltpu.make_async_copy(pooled_b, out_hbm.at[0], ws_b).wait()

        def pool_body(j, c2):
            py = j // _P
            px = j % _P
            r00 = py * (2 * _PS) + px * 2
            for ch in range(_CP // 16):
                s = ch * 16
                a = plsc.bitcast(rows_b[r00, pl.ds(s, 16)], jnp.bfloat16)
                b = plsc.bitcast(rows_b[r00 + 1, pl.ds(s, 16)], jnp.bfloat16)
                c = plsc.bitcast(rows_b[r00 + _PS, pl.ds(s, 16)],
                                 jnp.bfloat16)
                d = plsc.bitcast(rows_b[r00 + _PS + 1, pl.ds(s, 16)],
                                 jnp.bfloat16)
                m = jnp.maximum(jnp.maximum(a, b), jnp.maximum(c, d))
                pooled_b[j, 0, pl.ds(s, 16)] = plsc.bitcast(m, jnp.int32)
            return c2

        lax.fori_loop(0, _NB, pool_body, 0)
        pltpu.async_copy(pooled_b, out_hbm.at[base + i], ws_b)

        @pl.when(i + 2 < rpw)
        def _():
            issue_gather(i + 2, rows_b, gs_b)

    def roi_pair(g, carry):
        process(g, 2 * g + 0, rows0, pooled0, gs0, ws0)
        process(g, 2 * g + 1, rows1, pooled1, gs1, ws1)
        return carry

    npairs = jnp.where(is0, _A // 2, _B // 2)
    lax.fori_loop(0, npairs, roi_pair, 0)

    @pl.when(rpw > 0)
    def _drain():
        pltpu.make_async_copy(pooled0, out_hbm.at[0], ws0).wait()
        pltpu.make_async_copy(pooled1, out_hbm.at[0], ws1).wait()


@functools.partial(jax.jit)
def _sc_pool(table, prop_w):
    mesh = plsc.VectorSubcoreMesh(core_axis_name="c", subcore_axis_name="s")
    fn = pl.kernel(
        _sc_pool_body,
        out_type=jax.ShapeDtypeStruct((_NPAD, _NB, 1, _CP), jnp.int32),
        mesh=mesh,
        scratch_types=[
            pltpu.VMEM((4 * _A,), jnp.float32),
            pltpu.VMEM((_A * _NR,), jnp.int32),
            pltpu.VMEM((_NR, _CP), jnp.int32),
            pltpu.VMEM((_NR, _CP), jnp.int32),
            pltpu.VMEM((_NB, 1, _CP), jnp.int32),
            pltpu.VMEM((_NB, 1, _CP), jnp.int32),
            pltpu.SemaphoreType.DMA,
            pltpu.SemaphoreType.DMA,
            pltpu.SemaphoreType.DMA,
            pltpu.SemaphoreType.DMA,
        ],
        compiler_params=pltpu.CompilerParams(needs_layout_passes=False),
    )
    return fn(table, prop_w)



def _tc_body(img_ref, xs_ref, w6_ref, b6_ref, w7_ref, b7_ref, wc_ref, bc_ref,
             wr_ref, br_ref, prop_ref, cls_ref, box_ref, acc_ref):
    p = pl.program_id(0)

    @pl.when(p == 0)
    def _init():
        acc_ref[...] = jnp.zeros_like(acc_ref)

    ai = xs_ref[:, 0, 0, :]
    lo = lax.bitcast_convert_type(lax.shift_left(ai, 16), jnp.float32)
    hi = lax.bitcast_convert_type(ai & jnp.int32(-65536), jnp.float32)
    a = jnp.concatenate([lo, hi], axis=1).astype(jnp.bfloat16)
    w = w6_ref[0]
    acc_ref[...] += jnp.dot(a, w, preferred_element_type=jnp.float32)

    @pl.when(p == _NB - 1)
    def _epilogue():
        x6 = jnp.maximum(acc_ref[...] + b6_ref[...], 0.0).astype(jnp.bfloat16)
        w7 = w7_ref[...].astype(jnp.bfloat16)
        x7 = jnp.maximum(
            jnp.dot(x6, w7, preferred_element_type=jnp.float32)
            + b7_ref[...], 0.0)
        cls_ref[...] = (jnp.dot(x7, wc_ref[...],
                                preferred_element_type=jnp.float32)
                        + bc_ref[...])
        bp = (jnp.dot(x7, wr_ref[...], preferred_element_type=jnp.float32)
              + br_ref[...])
        x1 = prop_ref[:, 0:1]
        y1 = prop_ref[:, 1:2]
        x2 = prop_ref[:, 2:3]
        y2 = prop_ref[:, 3:4]
        w = x2 - x1
        h = y2 - y1
        cx = x1 + 0.5 * w
        cy = y1 + 0.5 * h
        dx = bp[:, 0 * _CPAD:1 * _CPAD]
        dy = bp[:, 1 * _CPAD:2 * _CPAD]
        dw = jnp.minimum(bp[:, 2 * _CPAD:3 * _CPAD], _LOGK)
        dh = jnp.minimum(bp[:, 3 * _CPAD:4 * _CPAD], _LOGK)
        pcx = dx * w + cx
        pcy = dy * h + cy
        pw = jnp.exp(dw) * w
        ph = jnp.exp(dh) * h
        wimg = img_ref[0, 1].astype(jnp.float32)
        himg = img_ref[0, 0].astype(jnp.float32)
        box_ref[0, :, :] = jnp.clip(pcx - 0.5 * pw, 0.0, wimg)
        box_ref[1, :, :] = jnp.clip(pcy - 0.5 * ph, 0.0, himg)
        box_ref[2, :, :] = jnp.clip(pcx + 0.5 * pw, 0.0, wimg)
        box_ref[3, :, :] = jnp.clip(pcy + 0.5 * ph, 0.0, himg)


def _tc_heads(img2, xs, w6p, b6r, w7, b7r, wc2, bc2, wr2, br2, prop):
    return pl.pallas_call(
        _tc_body,
        grid=(_NB,),
        in_specs=[
            pl.BlockSpec(memory_space=pltpu.SMEM),
            pl.BlockSpec((_NPAD, 1, 1, _CP), lambda p: (0, p, 0, 0)),
            pl.BlockSpec((1, _C, _FC), lambda p: (p, 0, 0)),
            pl.BlockSpec((1, _FC), lambda p: (0, 0)),
            pl.BlockSpec((_FC, _FC), lambda p: (0, 0)),
            pl.BlockSpec((1, _FC), lambda p: (0, 0)),
            pl.BlockSpec((_FC, _CPAD), lambda p: (0, 0)),
            pl.BlockSpec((1, _CPAD), lambda p: (0, 0)),
            pl.BlockSpec((_FC, 4 * _CPAD), lambda p: (0, 0)),
            pl.BlockSpec((1, 4 * _CPAD), lambda p: (0, 0)),
            pl.BlockSpec((_NPAD, 4), lambda p: (0, 0)),
        ],
        out_specs=[
            pl.BlockSpec((_NPAD, _CPAD), lambda p: (0, 0)),
            pl.BlockSpec((4, _NPAD, _CPAD), lambda p: (0, 0, 0)),
        ],
        out_shape=[
            jax.ShapeDtypeStruct((_NPAD, _CPAD), jnp.float32),
            jax.ShapeDtypeStruct((4, _NPAD, _CPAD), jnp.float32),
        ],
        scratch_shapes=[pltpu.VMEM((_NPAD, _FC), jnp.float32)],
        compiler_params=pltpu.CompilerParams(
            dimension_semantics=("arbitrary",)),
    )(img2, xs, w6p, b6r, w7, b7r, wc2, bc2, wr2, br2, prop)


def kernel(feat, proposals, image_shape, W6, b6, W7, b7, Wc, bc, Wr, br):
    table = _prep_table(feat.reshape(_C, _H * _W))
    w6p = _prep_w6(W6.reshape(_C, _NB, 8, 128))

    prop_pad = jnp.zeros((_NPAD, 4), jnp.float32).at[:_N].set(proposals)
    p0 = (prop_pad[:_SPLIT].reshape(16, _A, 4)
          .transpose(0, 2, 1).reshape(16 * 4 * _A))
    p1 = (prop_pad[_SPLIT:].reshape(16, _B, 4)
          .transpose(0, 2, 1).reshape(16 * 4 * _B))
    prop_w = jnp.concatenate(
        [p0, p1, jnp.zeros((4 * _A,), jnp.float32)])

    xs = _sc_pool(table, prop_w)

    wc2 = jnp.zeros((_FC, _CPAD), jnp.float32).at[:, :_NCLS].set(Wc)
    bc2 = jnp.zeros((1, _CPAD), jnp.float32).at[0, :_NCLS].set(bc)
    wr2 = (jnp.zeros((_FC, 4, _CPAD), jnp.float32)
           .at[:, :, :_NCLS]
           .set(Wr.reshape(_FC, _NCLS, 4).transpose(0, 2, 1))
           .reshape(_FC, 4 * _CPAD))
    br2 = (jnp.zeros((1, 4, _CPAD), jnp.float32)
           .at[0, :, :_NCLS].set(br.reshape(_NCLS, 4).T)
           .reshape(1, 4 * _CPAD))
    img2 = image_shape.reshape(1, 2)

    cls_pad, box_t = _tc_heads(img2, xs,
                               w6p.reshape(_NB, _C, _FC), b6[None],
                               W7, b7[None], wc2, bc2, wr2, br2, prop_pad)
    cls_scores = cls_pad[:_N, :_NCLS]
    pred_boxes = jnp.transpose(box_t, (1, 2, 0))[:_N, :_NCLS, :]
    return cls_scores, pred_boxes

# --- scband reference (transcript-rebuilt; emitter-appended) ---
"""Pipeline reference for scband-roihead-22557168238613 (READ-ONLY COPY).

The authoritative reference and input builder live on the scoring server;
editing this copy changes nothing except your own understanding.
"""

import jax, jax.numpy as jnp
import numpy as np
import math

N = 1000
C = 256
H = 64
W = 64
P = 7
S = 2
NUM_CLASSES = 91
FC_DIM = 1024
IMG = 1024
SCALE = 0.0625


def setup_inputs(seed: int = 0):
    key = jax.random.key(seed)
    ks = jax.random.split(key, 16)
    feat = jax.random.normal(ks[0], (1, C, H, W), dtype=jnp.float32)
    cx = jax.random.uniform(ks[1], (N,), minval=0.0, maxval=float(IMG))
    cy = jax.random.uniform(ks[2], (N,), minval=0.0, maxval=float(IMG))
    bw = jax.random.uniform(ks[3], (N,), minval=16.0, maxval=256.0)
    bh = jax.random.uniform(ks[4], (N,), minval=16.0, maxval=256.0)
    x1 = jnp.clip(cx - 0.5 * bw, 0.0, IMG - 2.0)
    y1 = jnp.clip(cy - 0.5 * bh, 0.0, IMG - 2.0)
    x2 = jnp.clip(cx + 0.5 * bw, x1 + 1.0, float(IMG))
    y2 = jnp.clip(cy + 0.5 * bh, y1 + 1.0, float(IMG))
    proposals = jnp.stack([x1, y1, x2, y2], axis=1).astype(jnp.float32)
    d_in = C * P * P
    def lin(k, fi, fo):
        bound = 1.0 / np.sqrt(fi)
        return jax.random.uniform(k, (fi, fo), minval=-bound, maxval=bound, dtype=jnp.float32)
    W6 = lin(ks[5], d_in, FC_DIM); b6 = jnp.zeros((FC_DIM,), jnp.float32)
    W7 = lin(ks[6], FC_DIM, FC_DIM); b7 = jnp.zeros((FC_DIM,), jnp.float32)
    Wc = lin(ks[7], FC_DIM, NUM_CLASSES); bc = jnp.zeros((NUM_CLASSES,), jnp.float32)
    Wr = lin(ks[8], FC_DIM, NUM_CLASSES * 4); br = jnp.zeros((NUM_CLASSES * 4,), jnp.float32)
    image_shape = jnp.array([IMG, IMG], dtype=jnp.int32)
    return {"feat": feat, "proposals": proposals, "image_shape": image_shape,
            "W6": W6, "b6": b6, "W7": W7, "b7": b7,
            "Wc": Wc, "bc": bc, "Wr": Wr, "br": br}


def roi_max_pool(feat, rois):
    # torchvision.ops.roi_pool equivalent with a fixed SxS sampling grid per bin
    # (nearest-pixel gather + max), spatial_scale = 0.0625.
    f = feat[0]
    r = jnp.round(rois * SCALE)
    x1 = r[:, 0]; y1 = r[:, 1]
    roi_w = jnp.maximum(r[:, 2] - x1 + 1.0, 1.0)
    roi_h = jnp.maximum(r[:, 3] - y1 + 1.0, 1.0)
    grid = (jnp.arange(P * S, dtype=jnp.float32) + 0.5) / S
    xs = x1[:, None] + grid[None, :] * (roi_w / P)[:, None]
    ys = y1[:, None] + grid[None, :] * (roi_h / P)[:, None]
    xi = jnp.clip(jnp.floor(xs).astype(jnp.int32), 0, W - 1)
    yi = jnp.clip(jnp.floor(ys).astype(jnp.int32), 0, H - 1)
    sampled = f[:, yi[:, :, None], xi[:, None, :]]  # [C, N, P*S, P*S]
    sampled = jnp.transpose(sampled, (1, 0, 2, 3))
    pooled = sampled.reshape(rois.shape[0], C, P, S, P, S).max(axis=(3, 5))
    return pooled


def apply_regression_pred(box_transform_pred, proposals):
    pred = box_transform_pred.reshape(box_transform_pred.shape[0], -1, 4)
    w = proposals[:, 2] - proposals[:, 0]
    h = proposals[:, 3] - proposals[:, 1]
    center_x = proposals[:, 0] + 0.5 * w
    center_y = proposals[:, 1] + 0.5 * h
    dx = pred[..., 0]; dy = pred[..., 1]
    dw = jnp.minimum(pred[..., 2], math.log(1000.0 / 16))
    dh = jnp.minimum(pred[..., 3], math.log(1000.0 / 16))
    pcx = dx * w[:, None] + center_x[:, None]
    pcy = dy * h[:, None] + center_y[:, None]
    pw = jnp.exp(dw) * w[:, None]
    ph = jnp.exp(dh) * h[:, None]
    return jnp.stack([pcx - 0.5 * pw, pcy - 0.5 * ph, pcx + 0.5 * pw, pcy + 0.5 * ph], axis=2)


def clamp_boxes(boxes, image_shape):
    height = image_shape[-2]; width = image_shape[-1]
    x1c = jnp.clip(boxes[..., 0], 0, width)
    y1c = jnp.clip(boxes[..., 1], 0, height)
    x2c = jnp.clip(boxes[..., 2], 0, width)
    y2c = jnp.clip(boxes[..., 3], 0, height)
    return jnp.stack([x1c, y1c, x2c, y2c], axis=-1)


def reference(feat, proposals, image_shape, W6, b6, W7, b7, Wc, bc, Wr, br):
    # Inference path of ROIHead.forward (target=None): roi_pool -> fc6 -> fc7 ->
    # cls_scores + box_transform_pred -> decoded, image-clamped boxes.
    pooled = roi_max_pool(feat, proposals)
    x = pooled.reshape(pooled.shape[0], -1)
    x = jax.nn.relu(x @ W6 + b6)
    x = jax.nn.relu(x @ W7 + b7)
    cls_scores = x @ Wc + bc
    box_transform_pred = x @ Wr + br
    pred_boxes = apply_regression_pred(box_transform_pred, proposals)
    pred_boxes = clamp_boxes(pred_boxes, image_shape)
    return cls_scores, pred_boxes


if False:  # reference __main__ guard neutralized (emitter)
    inp = setup_inputs()
    out = reference(**inp)
    print(out[0].shape, out[1].shape)

if __name__ == "__main__":
    import jax
    _d = setup_inputs()
    print(jax.jit(kernel)(*tuple(_d.values())))

</pallas_src>

<mosaic_0001>
#map = affine_map<(d0, d1) -> (0, 0)>
#map1 = affine_map<(d0, d1) -> (0)>
#map2 = affine_map<(d0, d1) -> (0, 0, 0, 0)>
module attributes {stable_mosaic.version = 14 : i64} {
  func.func @_sc_pool_body(%arg0: i32, %arg1: i32, %arg2: memref<4096x128xi32, #tpu.memory_space<hbm>>, %arg3: memref<4224xf32, #tpu.memory_space<hbm>>, %arg4: memref<1024x49x1x128xi32, #tpu.memory_space<hbm>>, %arg5: memref<128xf32, #tpu.memory_space<vmem>>, %arg6: memref<6400xi32, #tpu.memory_space<vmem>>, %arg7: memref<200x128xi32, #tpu.memory_space<vmem>>, %arg8: memref<200x128xi32, #tpu.memory_space<vmem>>, %arg9: memref<49x1x128xi32, #tpu.memory_space<vmem>>, %arg10: memref<49x1x128xi32, #tpu.memory_space<vmem>>, %arg11: memref<!tpu.dma_semaphore, #tpu.memory_space<semaphore_mem>>, %arg12: memref<!tpu.dma_semaphore, #tpu.memory_space<semaphore_mem>>, %arg13: memref<!tpu.dma_semaphore, #tpu.memory_space<semaphore_mem>>, %arg14: memref<!tpu.dma_semaphore, #tpu.memory_space<semaphore_mem>>) attributes {dimension_semantics = [#tpu.dimension_semantics<core_parallel>, #tpu.dimension_semantics<subcore_parallel>], iteration_bounds = array<i64: 2, 16>, scalar_prefetch = 0 : i64, scratch_operands = 10 : i64, tpu.core_type = #tpu.core_type<sc_vector_subcore>, window_params = [{transform_indices = #map}, {transform_indices = #map1}, {transform_indices = #map2}]} {
    %eq3A = arith.constant 0 : i32
    %eq3A_0 = arith.cmpi eq, %arg0, %eq3A : i32
    %mul3A = arith.constant 32 : i32
    %mul3A_1 = arith.muli %arg1, %mul3A : i32
    %mul3A_2 = arith.constant 32 : i32
    %mul3A_3 = arith.muli %arg1, %mul3A_2 : i32
    %add3A = arith.constant 512 : i32
    %add3A_4 = arith.addi %add3A, %mul3A_3 : i32
    %select_n3A = arith.select %eq3A_0, %mul3A_1, %add3A_4 : i32
    %mul3A_5 = arith.constant 128 : i32
    %mul3A_6 = arith.muli %arg1, %mul3A_5 : i32
    %mul3A_7 = arith.constant 128 : i32
    %mul3A_8 = arith.muli %arg1, %mul3A_7 : i32
    %add3A_9 = arith.constant 2048 : i32
    %add3A_10 = arith.addi %add3A_9, %mul3A_8 : i32
    %select_n3A_11 = arith.select %eq3A_0, %mul3A_6, %add3A_10 : i32
    %jit3A = arith.constant 32 : i32
    %jit3A_12 = arith.constant 32 : i32
    %select_n3A_13 = arith.select %eq3A_0, %jit3A, %jit3A_12 : i32
    %multiple_of3A = tpu.assume_multiple %select_n3A_11, 8 : i32
    "tpu.region"() ({
      %run_scoped3A = tpu.sem_alloc : memref<!tpu.dma_semaphore, #tpu.memory_space<semaphore_mem>>
      %dma_start3A = tpu.memref_slice %arg3[%multiple_of3A] : memref<4224xf32, #tpu.memory_space<hbm>> -> memref<128xf32, #tpu.memory_space<hbm>>
      %dma_start3A_43 = tpu.memref_slice %arg3[%multiple_of3A] : memref<4224xf32, #tpu.memory_space<hbm>> -> memref<128xf32, #tpu.memory_space<hbm>>
      tpu.enqueue_dma source(%dma_start3A_43 : memref<128xf32, #tpu.memory_space<hbm>>) target(%arg5 : memref<128xf32, #tpu.memory_space<vmem>>) target_semaphore(%run_scoped3A : memref<!tpu.dma_semaphore, #tpu.memory_space<semaphore_mem>>)
      %dma_wait3A = tpu.memref_slice %arg3[%multiple_of3A] : memref<4224xf32, #tpu.memory_space<hbm>> -> memref<128xf32, #tpu.memory_space<hbm>>
      %dma_wait3A_44 = tpu.memref_slice %arg3[%multiple_of3A] : memref<4224xf32, #tpu.memory_space<hbm>> -> memref<128xf32, #tpu.memory_space<hbm>>
      tpu.wait_dma2 semaphore(%run_scoped3A : memref<!tpu.dma_semaphore, #tpu.memory_space<semaphore_mem>>) src(%dma_wait3A_44 : memref<128xf32, #tpu.memory_space<hbm>>) dst(%arg5 : memref<128xf32, #tpu.memory_space<vmem>>)
      tpu.yield
    }) : () -> ()
    %iota3A = tpu.iota {dimensions = array<i32: 0>} : vector<16xi32>
    %gt3A = arith.constant 0 : i32
    %gt3A_14 = arith.cmpi sgt, %select_n3A_13, %gt3A : i32
    %convert_element_type3A = arith.extui %gt3A_14 : i1 to i32
    %cond3A = arith.constant 0 : i32
    %cond3A_15 = arith.cmpi ne, %convert_element_type3A, %cond3A : i32
    scf.if %cond3A_15 {
      %mul3A_43 = arith.constant 0 : i32
      %mul3A_44 = arith.muli %mul3A_43, %select_n3A_13 : i32
      %add3A_45 = arith.constant 0 : i32
      %add3A_46 = arith.addi %mul3A_44, %add3A_45 : i32
      %multiple_of3A_47 = tpu.assume_multiple %add3A_46, 8 : i32
      %mul3A_48 = arith.constant 1 : i32
      %mul3A_49 = arith.muli %mul3A_48, %select_n3A_13 : i32
      %add3A_50 = arith.constant 0 : i32
      %add3A_51 = arith.addi %mul3A_49, %add3A_50 : i32
      %multiple_of3A_52 = tpu.assume_multiple %add3A_51, 8 : i32
      %mul3A_53 = arith.constant 2 : i32
      %mul3A_54 = arith.muli %mul3A_53, %select_n3A_13 : i32
      %add3A_55 = arith.constant 0 : i32
      %add3A_56 = arith.addi %mul3A_54, %add3A_55 : i32
      %multiple_of3A_57 = tpu.assume_multiple %add3A_56, 8 : i32
      %mul3A_58 = arith.constant 3 : i32
      %mul3A_59 = arith.muli %mul3A_58, %select_n3A_13 : i32
      %add3A_60 = arith.constant 0 : i32
      %add3A_61 = arith.addi %mul3A_59, %add3A_60 : i32
      %multiple_of3A_62 = tpu.assume_multiple %add3A_61, 8 : i32
      %get3A = arith.index_cast %multiple_of3A_47 : i32 to index
      %get3A_63 = tpu.vector_load %arg5[%get3A] {strides = array<i32>} : memref<128xf32, #tpu.memory_space<vmem>>, vector<16xf32>,
      %get3A_64 = arith.index_cast %multiple_of3A_52 : i32 to index
      %get3A_65 = tpu.vector_load %arg5[%get3A_64] {strides = array<i32>} : memref<128xf32, #tpu.memory_space<vmem>>, vector<16xf32>,
      %get3A_66 = arith.index_cast %multiple_of3A_57 : i32 to index
      %get3A_67 = tpu.vector_load %arg5[%get3A_66] {strides = array<i32>} : memref<128xf32, #tpu.memory_space<vmem>>, vector<16xf32>,
      %get3A_68 = arith.index_cast %multiple_of3A_62 : i32 to index
      %get3A_69 = tpu.vector_load %arg5[%get3A_68] {strides = array<i32>} : memref<128xf32, #tpu.memory_space<vmem>>, vector<16xf32>,
      %mul3A_70 = arith.constant 6.250000e-02 : f32
      %mul3A_71 = vector.broadcast %mul3A_70 : f32 to vector<16xf32>
      %mul3A_72 = arith.mulf %get3A_63, %mul3A_71 : vector<16xf32>
      %add3A_73 = arith.constant 0x4B000000 : f32
      %add3A_74 = vector.broadcast %add3A_73 : f32 to vector<16xf32>
      %add3A_75 = arith.addf %mul3A_72, %add3A_74 : vector<16xf32>
      %sub3A = arith.constant 0x4B000000 : f32
      %sub3A_76 = vector.broadcast %sub3A : f32 to vector<16xf32>
      %sub3A_77 = arith.subf %add3A_75, %sub3A_76 : vector<16xf32>
      %mul3A_78 = arith.constant 6.250000e-02 : f32
      %mul3A_79 = vector.broadcast %mul3A_78 : f32 to vector<16xf32>
      %mul3A_80 = arith.mulf %get3A_65, %mul3A_79 : vector<16xf32>
      %add3A_81 = arith.constant 0x4B000000 : f32
      %add3A_82 = vector.broadcast %add3A_81 : f32 to vector<16xf32>
      %add3A_83 = arith.addf %mul3A_80, %add3A_82 : vector<16xf32>
      %sub3A_84 = arith.constant 0x4B000000 : f32
      %sub3A_85 = vector.broadcast %sub3A_84 : f32 to vector<16xf32>
      %sub3A_86 = arith.subf %add3A_83, %sub3A_85 : vector<16xf32>
      %mul3A_87 = arith.constant 6.250000e-02 : f32
      %mul3A_88 = vector.broadcast %mul3A_87 : f32 to vector<16xf32>
      %mul3A_89 = arith.mulf %get3A_67, %mul3A_88 : vector<16xf32>
      %add3A_90 = arith.constant 0x4B000000 : f32
      %add3A_91 = vector.broadcast %add3A_90 : f32 to vector<16xf32>
      %add3A_92 = arith.addf %mul3A_89, %add3A_91 : vector<16xf32>
      %sub3A_93 = arith.constant 0x4B000000 : f32
      %sub3A_94 = vector.broadcast %sub3A_93 : f32 to vector<16xf32>
      %sub3A_95 = arith.subf %add3A_92, %sub3A_94 : vector<16xf32>
      %mul3A_96 = arith.constant 6.250000e-02 : f32
      %mul3A_97 = vector.broadcast %mul3A_96 : f32 to vector<16xf32>
      %mul3A_98 = arith.mulf %get3A_69, %mul3A_97 : vector<16xf32>
      %add3A_99 = arith.constant 0x4B000000 : f32
      %add3A_100 = vector.broadcast %add3A_99 : f32 to vector<16xf32>
      %add3A_101 = arith.addf %mul3A_98, %add3A_100 : vector<16xf32>
      %sub3A_102 = arith.constant 0x4B000000 : f32
      %sub3A_103 = vector.broadcast %sub3A_102 : f32 to vector<16xf32>
      %sub3A_104 = arith.subf %add3A_101, %sub3A_103 : vector<16xf32>
      %sub3A_105 = arith.subf %sub3A_95, %sub3A_77 : vector<16xf32>
      %add3A_106 = arith.constant 1.000000e+00 : f32
      %add3A_107 = vector.broadcast %add3A_106 : f32 to vector<16xf32>
      %add3A_108 = arith.addf %sub3A_105, %add3A_107 : vector<16xf32>
      %max3A = arith.constant 1.000000e+00 : f32
      %max3A_109 = vector.broadcast %max3A : f32 to vector<16xf32>
      %max3A_110 = arith.maximumf %add3A_108, %max3A_109 : vector<16xf32>
      %div3A = arith.constant 7.000000e+00 : f32
      %div3A_111 = vector.broadcast %div3A : f32 to vector<16xf32>
      %div3A_112 = arith.divf %max3A_110, %div3A_111 : vector<16xf32>
      %sub3A_113 = arith.subf %sub3A_104, %sub3A_86 : vector<16xf32>
      %add3A_114 = arith.constant 1.000000e+00 : f32
      %add3A_115 = vector.broadcast %add3A_114 : f32 to vector<16xf32>
      %add3A_116 = arith.addf %sub3A_113, %add3A_115 : vector<16xf32>
      %max3A_117 = arith.constant 1.000000e+00 : f32
      %max3A_118 = vector.broadcast %max3A_117 : f32 to vector<16xf32>
      %max3A_119 = arith.maximumf %add3A_116, %max3A_118 : vector<16xf32>
      %div3A_120 = arith.constant 7.000000e+00 : f32
      %div3A_121 = vector.broadcast %div3A_120 : f32 to vector<16xf32>
      %div3A_122 = arith.divf %max3A_119, %div3A_121 : vector<16xf32>
      %mul3A_123 = arith.constant 2.500000e-01 : f32
      %mul3A_124 = vector.broadcast %mul3A_123 : f32 to vector<16xf32>
      %mul3A_125 = arith.mulf %mul3A_124, %div3A_112 : vector<16xf32>
      %add3A_126 = arith.addf %sub3A_77, %mul3A_125 : vector<16xf32>
      %convert_element_type3A_127 = arith.fptosi %add3A_126 : vector<16xf32> to vector<16xi32>
      %min3A = arith.constant 63 : i32
      %min3A_128 = vector.broadcast %min3A : i32 to vector<16xi32>
      %min3A_129 = arith.minsi %convert_element_type3A_127, %min3A_128 : vector<16xi32>
      %mul3A_130 = arith.constant 2.500000e-01 : f32
      %mul3A_131 = vector.broadcast %mul3A_130 : f32 to vector<16xf32>
      %mul3A_132 = arith.mulf %mul3A_131, %div3A_122 : vector<16xf32>
      %add3A_133 = arith.addf %sub3A_86, %mul3A_132 : vector<16xf32>
      %convert_element_type3A_134 = arith.fptosi %add3A_133 : vector<16xf32> to vector<16xi32>
      %min3A_135 = arith.constant 63 : i32
      %min3A_136 = vector.broadcast %min3A_135 : i32 to vector<16xi32>
      %min3A_137 = arith.minsi %convert_element_type3A_134, %min3A_136 : vector<16xi32>
      %mul3A_138 = arith.constant 64 : i32
      %mul3A_139 = vector.broadcast %mul3A_138 : i32 to vector<16xi32>
      %mul3A_140 = arith.muli %min3A_137, %mul3A_139 : vector<16xi32>
      %mul3A_141 = arith.constant 7.500000e-01 : f32
      %mul3A_142 = vector.broadcast %mul3A_141 : f32 to vector<16xf32>
      %mul3A_143 = arith.mulf %mul3A_142, %div3A_112 : vector<16xf32>
      %add3A_144 = arith.addf %sub3A_77, %mul3A_143 : vector<16xf32>
      %convert_element_type3A_145 = arith.fptosi %add3A_144 : vector<16xf32> to vector<16xi32>
      %min3A_146 = arith.constant 63 : i32
      %min3A_147 = vector.broadcast %min3A_146 : i32 to vector<16xi32>
      %min3A_148 = arith.minsi %convert_element_type3A_145, %min3A_147 : vector<16xi32>
      %mul3A_149 = arith.constant 7.500000e-01 : f32
      %mul3A_150 = vector.broadcast %mul3A_149 : f32 to vector<16xf32>
      %mul3A_151 = arith.mulf %mul3A_150, %div3A_122 : vector<16xf32>
      %add3A_152 = arith.addf %sub3A_86, %mul3A_151 : vector<16xf32>
      %convert_element_type3A_153 = arith.fptosi %add3A_152 : vector<16xf32> to vector<16xi32>
      %min3A_154 = arith.constant 63 : i32
      %min3A_155 = vector.broadcast %min3A_154 : i32 to vector<16xi32>
      %min3A_156 = arith.minsi %convert_element_type3A_153, %min3A_155 : vector<16xi32>
      %mul3A_157 = arith.constant 64 : i32
      %mul3A_158 = vector.broadcast %mul3A_157 : i32 to vector<16xi32>
      %mul3A_159 = arith.muli %min3A_156, %mul3A_158 : vector<16xi32>
      %mul3A_160 = arith.constant 1.250000e+00 : f32
      %mul3A_161 = vector.broadcast %mul3A_160 : f32 to vector<16xf32>
      %mul3A_162 = arith.mulf %mul3A_161, %div3A_112 : vector<16xf32>
      %add3A_163 = arith.addf %sub3A_77, %mul3A_162 : vector<16xf32>
      %convert_element_type3A_164 = arith.fptosi %add3A_163 : vector<16xf32> to vector<16xi32>
      %min3A_165 = arith.constant 63 : i32
      %min3A_166 = vector.broadcast %min3A_165 : i32 to vector<16xi32>
      %min3A_167 = arith.minsi %convert_element_type3A_164, %min3A_166 : vector<16xi32>
      %mul3A_168 = arith.constant 1.250000e+00 : f32
      %mul3A_169 = vector.broadcast %mul3A_168 : f32 to vector<16xf32>
      %mul3A_170 = arith.mulf %mul3A_169, %div3A_122 : vector<16xf32>
      %add3A_171 = arith.addf %sub3A_86, %mul3A_170 : vector<16xf32>
      %convert_element_type3A_172 = arith.fptosi %add3A_171 : vector<16xf32> to vector<16xi32>
      %min3A_173 = arith.constant 63 : i32
      %min3A_174 = vector.broadcast %min3A_173 : i32 to vector<16xi32>
      %min3A_175 = arith.minsi %convert_element_type3A_172, %min3A_174 : vector<16xi32>
      %mul3A_176 = arith.constant 64 : i32
      %mul3A_177 = vector.broadcast %mul3A_176 : i32 to vector<16xi32>
      %mul3A_178 = arith.muli %min3A_175, %mul3A_177 : vector<16xi32>
      %mul3A_179 = arith.constant 1.750000e+00 : f32
      %mul3A_180 = vector.broadcast %mul3A_179 : f32 to vector<16xf32>
      %mul3A_181 = arith.mulf %mul3A_180, %div3A_112 : vector<16xf32>
      %add3A_182 = arith.addf %sub3A_77, %mul3A_181 : vector<16xf32>
      %convert_element_type3A_183 = arith.fptosi %add3A_182 : vector<16xf32> to vector<16xi32>
      %min3A_184 = arith.constant 63 : i32
      %min3A_185 = vector.broadcast %min3A_184 : i32 to vector<16xi32>
      %min3A_186 = arith.minsi %convert_element_type3A_183, %min3A_185 : vector<16xi32>
      %mul3A_187 = arith.constant 1.750000e+00 : f32
      %mul3A_188 = vector.broadcast %mul3A_187 : f32 to vector<16xf32>
      %mul3A_189 = arith.mulf %mul3A_188, %div3A_122 : vector<16xf32>
      %add3A_190 = arith.addf %sub3A_86, %mul3A_189 : vector<16xf32>
      %convert_element_type3A_191 = arith.fptosi %add3A_190 : vector<16xf32> to vector<16xi32>
      %min3A_192 = arith.constant 63 : i32
      %min3A_193 = vector.broadcast %min3A_192 : i32 to vector<16xi32>
      %min3A_194 = arith.minsi %convert_element_type3A_191, %min3A_193 : vector<16xi32>
      %mul3A_195 = arith.constant 64 : i32
      %mul3A_196 = vector.broadcast %mul3A_195 : i32 to vector<16xi32>
      %mul3A_197 = arith.muli %min3A_194, %mul3A_196 : vector<16xi32>
      %mul3A_198 = arith.constant 2.250000e+00 : f32
      %mul3A_199 = vector.broadcast %mul3A_198 : f32 to vector<16xf32>
      %mul3A_200 = arith.mulf %mul3A_199, %div3A_112 : vector<16xf32>
      %add3A_201 = arith.addf %sub3A_77, %mul3A_200 : vector<16xf32>
      %convert_element_type3A_202 = arith.fptosi %add3A_201 : vector<16xf32> to vector<16xi32>
      %min3A_203 = arith.constant 63 : i32
      %min3A_204 = vector.broadcast %min3A_203 : i32 to vector<16xi32>
      %min3A_205 = arith.minsi %convert_element_type3A_202, %min3A_204 : vector<16xi32>
      %mul3A_206 = arith.constant 2.250000e+00 : f32
      %mul3A_207 = vector.broadcast %mul3A_206 : f32 to vector<16xf32>
      %mul3A_208 = arith.mulf %mul3A_207, %div3A_122 : vector<16xf32>
      %add3A_209 = arith.addf %sub3A_86, %mul3A_208 : vector<16xf32>
      %convert_element_type3A_210 = arith.fptosi %add3A_209 : vector<16xf32> to vector<16xi32>
      %min3A_211 = arith.constant 63 : i32
      %min3A_212 = vector.broadcast %min3A_211 : i32 to vector<16xi32>
      %min3A_213 = arith.minsi %convert_element_type3A_210, %min3A_212 : vector<16xi32>
      %mul3A_214 = arith.constant 64 : i32
      %mul3A_215 = vector.broadcast %mul3A_214 : i32 to vector<16xi32>
      %mul3A_216 = arith.muli %min3A_213, %mul3A_215 : vector<16xi32>
      %mul3A_217 = arith.constant 2.750000e+00 : f32
      %mul3A_218 = vector.broadcast %mul3A_217 : f32 to vector<16xf32>
      %mul3A_219 = arith.mulf %mul3A_218, %div3A_112 : vector<16xf32>
      %add3A_220 = arith.addf %sub3A_77, %mul3A_219 : vector<16xf32>
      %convert_element_type3A_221 = arith.fptosi %add3A_220 : vector<16xf32> to vector<16xi32>
      %min3A_222 = arith.constant 63 : i32
      %min3A_223 = vector.broadcast %min3A_222 : i32 to vector<16xi32>
      %min3A_224 = arith.minsi %convert_element_type3A_221, %min3A_223 : vector<16xi32>
      %mul3A_225 = arith.constant 2.750000e+00 : f32
      %mul3A_226 = vector.broadcast %mul3A_225 : f32 to vector<16xf32>
      %mul3A_227 = arith.mulf %mul3A_226, %div3A_122 : vector<16xf32>
      %add3A_228 = arith.addf %sub3A_86, %mul3A_227 : vector<16xf32>
      %convert_element_type3A_229 = arith.fptosi %add3A_228 : vector<16xf32> to vector<16xi32>
      %min3A_230 = arith.constant 63 : i32
      %min3A_231 = vector.broadcast %min3A_230 : i32 to vector<16xi32>
      %min3A_232 = arith.minsi %convert_element_type3A_229, %min3A_231 : vector<16xi32>
      %mul3A_233 = arith.constant 64 : i32
      %mul3A_234 = vector.broadcast %mul3A_233 : i32 to vector<16xi32>
      %mul3A_235 = arith.muli %min3A_232, %mul3A_234 : vector<16xi32>
      %mul3A_236 = arith.constant 3.250000e+00 : f32
      %mul3A_237 = vector.broadcast %mul3A_236 : f32 to vector<16xf32>
      %mul3A_238 = arith.mulf %mul3A_237, %div3A_112 : vector<16xf32>
      %add3A_239 = arith.addf %sub3A_77, %mul3A_238 : vector<16xf32>
      %convert_element_type3A_240 = arith.fptosi %add3A_239 : vector<16xf32> to vector<16xi32>
      %min3A_241 = arith.constant 63 : i32
      %min3A_242 = vector.broadcast %min3A_241 : i32 to vector<16xi32>
      %min3A_243 = arith.minsi %convert_element_type3A_240, %min3A_242 : vector<16xi32>
      %mul3A_244 = arith.constant 3.250000e+00 : f32
      %mul3A_245 = vector.broadcast %mul3A_244 : f32 to vector<16xf32>
      %mul3A_246 = arith.mulf %mul3A_245, %div3A_122 : vector<16xf32>
      %add3A_247 = arith.addf %sub3A_86, %mul3A_246 : vector<16xf32>
      %convert_element_type3A_248 = arith.fptosi %add3A_247 : vector<16xf32> to vector<16xi32>
      %min3A_249 = arith.constant 63 : i32
      %min3A_250 = vector.broadcast %min3A_249 : i32 to vector<16xi32>
      %min3A_251 = arith.minsi %convert_element_type3A_248, %min3A_250 : vector<16xi32>
      %mul3A_252 = arith.constant 64 : i32
      %mul3A_253 = vector.broadcast %mul3A_252 : i32 to vector<16xi32>
      %mul3A_254 = arith.muli %min3A_251, %mul3A_253 : vector<16xi32>
      %mul3A_255 = arith.constant 3.750000e+00 : f32
      %mul3A_256 = vector.broadcast %mul3A_255 : f32 to vector<16xf32>
      %mul3A_257 = arith.mulf %mul3A_256, %div3A_112 : vector<16xf32>
      %add3A_258 = arith.addf %sub3A_77, %mul3A_257 : vector<16xf32>
      %convert_element_type3A_259 = arith.fptosi %add3A_258 : vector<16xf32> to vector<16xi32>
      %min3A_260 = arith.constant 63 : i32
      %min3A_261 = vector.broadcast %min3A_260 : i32 to vector<16xi32>
      %min3A_262 = arith.minsi %convert_element_type3A_259, %min3A_261 : vector<16xi32>
      %mul3A_263 = arith.constant 3.750000e+00 : f32
      %mul3A_264 = vector.broadcast %mul3A_263 : f32 to vector<16xf32>
      %mul3A_265 = arith.mulf %mul3A_264, %div3A_122 : vector<16xf32>
      %add3A_266 = arith.addf %sub3A_86, %mul3A_265 : vector<16xf32>
      %convert_element_type3A_267 = arith.fptosi %add3A_266 : vector<16xf32> to vector<16xi32>
      %min3A_268 = arith.constant 63 : i32
      %min3A_269 = vector.broadcast %min3A_268 : i32 to vector<16xi32>
      %min3A_270 = arith.minsi %convert_element_type3A_267, %min3A_269 : vector<16xi32>
      %mul3A_271 = arith.constant 64 : i32
      %mul3A_272 = vector.broadcast %mul3A_271 : i32 to vector<16xi32>
      %mul3A_273 = arith.muli %min3A_270, %mul3A_272 : vector<16xi32>
      %mul3A_274 = arith.constant 4.250000e+00 : f32
      %mul3A_275 = vector.broadcast %mul3A_274 : f32 to vector<16xf32>
      %mul3A_276 = arith.mulf %mul3A_275, %div3A_112 : vector<16xf32>
      %add3A_277 = arith.addf %sub3A_77, %mul3A_276 : vector<16xf32>
      %convert_element_type3A_278 = arith.fptosi %add3A_277 : vector<16xf32> to vector<16xi32>
      %min3A_279 = arith.constant 63 : i32
      %min3A_280 = vector.broadcast %min3A_279 : i32 to vector<16xi32>
      %min3A_281 = arith.minsi %convert_element_type3A_278, %min3A_280 : vector<16xi32>
      %mul3A_282 = arith.constant 4.250000e+00 : f32
      %mul3A_283 = vector.broadcast %mul3A_282 : f32 to vector<16xf32>
      %mul3A_284 = arith.mulf %mul3A_283, %div3A_122 : vector<16xf32>
      %add3A_285 = arith.addf %sub3A_86, %mul3A_284 : vector<16xf32>
      %convert_element_type3A_286 = arith.fptosi %add3A_285 : vector<16xf32> to vector<16xi32>
      %min3A_287 = arith.constant 63 : i32
      %min3A_288 = vector.broadcast %min3A_287 : i32 to vector<16xi32>
      %min3A_289 = arith.minsi %convert_element_type3A_286, %min3A_288 : vector<16xi32>
      %mul3A_290 = arith.constant 64 : i32
      %mul3A_291 = vector.broadcast %mul3A_290 : i32 to vector<16xi32>
      %mul3A_292 = arith.muli %min3A_289, %mul3A_291 : vector<16xi32>
      %mul3A_293 = arith.constant 4.750000e+00 : f32
      %mul3A_294 = vector.broadcast %mul3A_293 : f32 to vector<16xf32>
      %mul3A_295 = arith.mulf %mul3A_294, %div3A_112 : vector<16xf32>
      %add3A_296 = arith.addf %sub3A_77, %mul3A_295 : vector<16xf32>
      %convert_element_type3A_297 = arith.fptosi %add3A_296 : vector<16xf32> to vector<16xi32>
      %min3A_298 = arith.constant 63 : i32
      %min3A_299 = vector.broadcast %min3A_298 : i32 to vector<16xi32>
      %min3A_300 = arith.minsi %convert_element_type3A_297, %min3A_299 : vector<16xi32>
      %mul3A_301 = arith.constant 4.750000e+00 : f32
      %mul3A_302 = vector.broadcast %mul3A_301 : f32 to vector<16xf32>
      %mul3A_303 = arith.mulf %mul3A_302, %div3A_122 : vector<16xf32>
      %add3A_304 = arith.addf %sub3A_86, %mul3A_303 : vector<16xf32>
      %convert_element_type3A_305 = arith.fptosi %add3A_304 : vector<16xf32> to vector<16xi32>
      %min3A_306 = arith.constant 63 : i32
      %min3A_307 = vector.broadcast %min3A_306 : i32 to vector<16xi32>
      %min3A_308 = arith.minsi %convert_element_type3A_305, %min3A_307 : vector<16xi32>
      %mul3A_309 = arith.constant 64 : i32
      %mul3A_310 = vector.broadcast %mul3A_309 : i32 to vector<16xi32>
      %mul3A_311 = arith.muli %min3A_308, %mul3A_310 : vector<16xi32>
      %mul3A_312 = arith.constant 5.250000e+00 : f32
      %mul3A_313 = vector.broadcast %mul3A_312 : f32 to vector<16xf32>
      %mul3A_314 = arith.mulf %mul3A_313, %div3A_112 : vector<16xf32>
      %add3A_315 = arith.addf %sub3A_77, %mul3A_314 : vector<16xf32>
      %convert_element_type3A_316 = arith.fptosi %add3A_315 : vector<16xf32> to vector<16xi32>
      %min3A_317 = arith.constant 63 : i32
      %min3A_318 = vector.broadcast %min3A_317 : i32 to vector<16xi32>
      %min3A_319 = arith.minsi %convert_element_type3A_316, %min3A_318 : vector<16xi32>
      %mul3A_320 = arith.constant 5.250000e+00 : f32
      %mul3A_321 = vector.broadcast %mul3A_320 : f32 to vector<16xf32>
      %mul3A_322 = arith.mulf %mul3A_321, %div3A_122 : vector<16xf32>
      %add3A_323 = arith.addf %sub3A_86, %mul3A_322 : vector<16xf32>
      %convert_element_type3A_324 = arith.fptosi %add3A_323 : vector<16xf32> to vector<16xi32>
      %min3A_325 = arith.constant 63 : i32
      %min3A_326 = vector.broadcast %min3A_325 : i32 to vector<16xi32>
      %min3A_327 = arith.minsi %convert_element_type3A_324, %min3A_326 : vector<16xi32>
      %mul3A_328 = arith.constant 64 : i32
      %mul3A_329 = vector.broadcast %mul3A_328 : i32 to vector<16xi32>
      %mul3A_330 = arith.muli %min3A_327, %mul3A_329 : vector<16xi32>
      %mul3A_331 = arith.constant 5.750000e+00 : f32
      %mul3A_332 = vector.broadcast %mul3A_331 : f32 to vector<16xf32>
      %mul3A_333 = arith.mulf %mul3A_332, %div3A_112 : vector<16xf32>
      %add3A_334 = arith.addf %sub3A_77, %mul3A_333 : vector<16xf32>
      %convert_element_type3A_335 = arith.fptosi %add3A_334 : vector<16xf32> to vector<16xi32>
      %min3A_336 = arith.constant 63 : i32
      %min3A_337 = vector.broadcast %min3A_336 : i32 to vector<16xi32>
      %min3A_338 = arith.minsi %convert_element_type3A_335, %min3A_337 : vector<16xi32>
      %mul3A_339 = arith.constant 5.750000e+00 : f32
      %mul3A_340 = vector.broadcast %mul3A_339 : f32 to vector<16xf32>
      %mul3A_341 = arith.mulf %mul3A_340, %div3A_122 : vector<16xf32>
      %add3A_342 = arith.addf %sub3A_86, %mul3A_341 : vector<16xf32>
      %convert_element_type3A_343 = arith.fptosi %add3A_342 : vector<16xf32> to vector<16xi32>
      %min3A_344 = arith.constant 63 : i32
      %min3A_345 = vector.broadcast %min3A_344 : i32 to vector<16xi32>
      %min3A_346 = arith.minsi %convert_element_type3A_343, %min3A_345 : vector<16xi32>
      %mul3A_347 = arith.constant 64 : i32
      %mul3A_348 = vector.broadcast %mul3A_347 : i32 to vector<16xi32>
      %mul3A_349 = arith.muli %min3A_346, %mul3A_348 : vector<16xi32>
      %mul3A_350 = arith.constant 6.250000e+00 : f32
      %mul3A_351 = vector.broadcast %mul3A_350 : f32 to vector<16xf32>
      %mul3A_352 = arith.mulf %mul3A_351, %div3A_112 : vector<16xf32>
      %add3A_353 = arith.addf %sub3A_77, %mul3A_352 : vector<16xf32>
      %convert_element_type3A_354 = arith.fptosi %add3A_353 : vector<16xf32> to vector<16xi32>
      %min3A_355 = arith.constant 63 : i32
      %min3A_356 = vector.broadcast %min3A_355 : i32 to vector<16xi32>
      %min3A_357 = arith.minsi %convert_element_type3A_354, %min3A_356 : vector<16xi32>
      %mul3A_358 = arith.constant 6.250000e+00 : f32
      %mul3A_359 = vector.broadcast %mul3A_358 : f32 to vector<16xf32>
      %mul3A_360 = arith.mulf %mul3A_359, %div3A_122 : vector<16xf32>
      %add3A_361 = arith.addf %sub3A_86, %mul3A_360 : vector<16xf32>
      %convert_element_type3A_362 = arith.fptosi %add3A_361 : vector<16xf32> to vector<16xi32>
      %min3A_363 = arith.constant 63 : i32
      %min3A_364 = vector.broadcast %min3A_363 : i32 to vector<16xi32>
      %min3A_365 = arith.minsi %convert_element_type3A_362, %min3A_364 : vector<16xi32>
      %mul3A_366 = arith.constant 64 : i32
      %mul3A_367 = vector.broadcast %mul3A_366 : i32 to vector<16xi32>
      %mul3A_368 = arith.muli %min3A_365, %mul3A_367 : vector<16xi32>
      %mul3A_369 = arith.constant 6.750000e+00 : f32
      %mul3A_370 = vector.broadcast %mul3A_369 : f32 to vector<16xf32>
      %mul3A_371 = arith.mulf %mul3A_370, %div3A_112 : vector<16xf32>
      %add3A_372 = arith.addf %sub3A_77, %mul3A_371 : vector<16xf32>
      %convert_element_type3A_373 = arith.fptosi %add3A_372 : vector<16xf32> to vector<16xi32>
      %min3A_374 = arith.constant 63 : i32
      %min3A_375 = vector.broadcast %min3A_374 : i32 to vector<16xi32>
      %min3A_376 = arith.minsi %convert_element_type3A_373, %min3A_375 : vector<16xi32>
      %mul3A_377 = arith.constant 6.750000e+00 : f32
      %mul3A_378 = vector.broadcast %mul3A_377 : f32 to vector<16xf32>
      %mul3A_379 = arith.mulf %mul3A_378, %div3A_122 : vector<16xf32>
      %add3A_380 = arith.addf %sub3A_86, %mul3A_379 : vector<16xf32>
      %convert_element_type3A_381 = arith.fptosi %add3A_380 : vector<16xf32> to vector<16xi32>
      %min3A_382 = arith.constant 63 : i32
      %min3A_383 = vector.broadcast %min3A_382 : i32 to vector<16xi32>
      %min3A_384 = arith.minsi %convert_element_type3A_381, %min3A_383 : vector<16xi32>
      %mul3A_385 = arith.constant 64 : i32
      %mul3A_386 = vector.broadcast %mul3A_385 : i32 to vector<16xi32>
      %mul3A_387 = arith.muli %min3A_384, %mul3A_386 : vector<16xi32>
      %add3A_388 = arith.constant 0 : i32
      %add3A_389 = vector.broadcast %add3A_388 : i32 to vector<16xi32>
      %add3A_390 = arith.addi %iota3A, %add3A_389 : vector<16xi32>
      %mul3A_391 = arith.constant 200 : i32
      %mul3A_392 = vector.broadcast %mul3A_391 : i32 to vector<16xi32>
      %mul3A_393 = arith.muli %add3A_390, %mul3A_392 : vector<16xi32>
      %add3A_394 = arith.addi %mul3A_140, %min3A_129 : vector<16xi32>
      %add3A_395 = arith.constant 0 : i32
      %add3A_396 = vector.broadcast %add3A_395 : i32 to vector<16xi32>
      %add3A_397 = arith.addi %mul3A_393, %add3A_396 : vector<16xi32>
      tpu.vector_store_idx %arg6[%add3A_397], %add3A_394 : memref<6400xi32, #tpu.memory_space<vmem>>[vector<16xi32>], vector<16xi32>,
      %add3A_398 = arith.addi %mul3A_140, %min3A_148 : vector<16xi32>
      %add3A_399 = arith.constant 1 : i32
      %add3A_400 = vector.broadcast %add3A_399 : i32 to vector<16xi32>
      %add3A_401 = arith.addi %mul3A_393, %add3A_400 : vector<16xi32>
      tpu.vector_store_idx %arg6[%add3A_401], %add3A_398 : memref<6400xi32, #tpu.memory_space<vmem>>[vector<16xi32>], vector<16xi32>,
      %add3A_402 = arith.addi %mul3A_140, %min3A_167 : vector<16xi32>
      %add3A_403 = arith.constant 2 : i32
      %add3A_404 = vector.broadcast %add3A_403 : i32 to vector<16xi32>
      %add3A_405 = arith.addi %mul3A_393, %add3A_404 : vector<16xi32>
      tpu.vector_store_idx %arg6[%add3A_405], %add3A_402 : memref<6400xi32, #tpu.memory_space<vmem>>[vector<16xi32>], vector<16xi32>,
      %add3A_406 = arith.addi %mul3A_140, %min3A_186 : vector<16xi32>
      %add3A_407 = arith.constant 3 : i32
      %add3A_408 = vector.broadcast %add3A_407 : i32 to vector<16xi32>
      %add3A_409 = arith.addi %mul3A_393, %add3A_408 : vector<16xi32>
      tpu.vector_store_idx %arg6[%add3A_409], %add3A_406 : memref<6400xi32, #tpu.memory_space<vmem>>[vector<16xi32>], vector<16xi32>,
      %add3A_410 = arith.addi %mul3A_140, %min3A_205 : vector<16xi32>
      %add3A_411 = arith.constant 4 : i32
      %add3A_412 = vector.broadcast %add3A_411 : i32 to vector<16xi32>
      %add3A_413 = arith.addi %mul3A_393, %add3A_412 : vector<16xi32>
      tpu.vector_store_idx %arg6[%add3A_413], %add3A_410 : memref<6400xi32, #tpu.memory_space<vmem>>[vector<16xi32>], vector<16xi32>,
      %add3A_414 = arith.addi %mul3A_140, %min3A_224 : vector<16xi32>
      %add3A_415 = arith.constant 5 : i32
      %add3A_416 = vector.broadcast %add3A_415 : i32 to vector<16xi32>
      %add3A_417 = arith.addi %mul3A_393, %add3A_416 : vector<16xi32>
      tpu.vector_store_idx %arg6[%add3A_417], %add3A_414 : memref<6400xi32, #tpu.memory_space<vmem>>[vector<16xi32>], vector<16xi32>,
      %add3A_418 = arith.addi %mul3A_140, %min3A_243 : vector<16xi32>
      %add3A_419 = arith.constant 6 : i32
      %add3A_420 = vector.broadcast %add3A_419 : i32 to vector<16xi32>
      %add3A_421 = arith.addi %mul3A_393, %add3A_420 : vector<16xi32>
      tpu.vector_store_idx %arg6[%add3A_421], %add3A_418 : memref<6400xi32, #tpu.memory_space<vmem>>[vector<16xi32>], vector<16xi32>,
      %add3A_422 = arith.addi %mul3A_140, %min3A_262 : vector<16xi32>
      %add3A_423 = arith.constant 7 : i32
      %add3A_424 = vector.broadcast %add3A_423 : i32 to vector<16xi32>
      %add3A_425 = arith.addi %mul3A_393, %add3A_424 : vector<16xi32>
      tpu.vector_store_idx %arg6[%add3A_425], %add3A_422 : memref<6400xi32, #tpu.memory_space<vmem>>[vector<16xi32>], vector<16xi32>,
      %add3A_426 = arith.addi %mul3A_140, %min3A_281 : vector<16xi32>
      %add3A_427 = arith.constant 8 : i32
      %add3A_428 = vector.broadcast %add3A_427 : i32 to vector<16xi32>
      %add3A_429 = arith.addi %mul3A_393, %add3A_428 : vector<16xi32>
      tpu.vector_store_idx %arg6[%add3A_429], %add3A_426 : memref<6400xi32, #tpu.memory_space<vmem>>[vector<16xi32>], vector<16xi32>,
      %add3A_430 = arith.addi %mul3A_140, %min3A_300 : vector<16xi32>
      %add3A_431 = arith.constant 9 : i32
      %add3A_432 = vector.broadcast %add3A_431 : i32 to vector<16xi32>
      %add3A_433 = arith.addi %mul3A_393, %add3A_432 : vector<16xi32>
      tpu.vector_store_idx %arg6[%add3A_433], %add3A_430 : memref<6400xi32, #tpu.memory_space<vmem>>[vector<16xi32>], vector<16xi32>,
      %add3A_434 = arith.addi %mul3A_140, %min3A_319 : vector<16xi32>
      %add3A_435 = arith.constant 10 : i32
      %add3A_436 = vector.broadcast %add3A_435 : i32 to vector<16xi32>
      %add3A_437 = arith.addi %mul3A_393, %add3A_436 : vector<16xi32>
      tpu.vector_store_idx %arg6[%add3A_437], %add3A_434 : memref<6400xi32, #tpu.memory_space<vmem>>[vector<16xi32>], vector<16xi32>,
      %add3A_438 = arith.addi %mul3A_140, %min3A_338 : vector<16xi32>
      %add3A_439 = arith.constant 11 : i32
      %add3A_440 = vector.broadcast %add3A_439 : i32 to vector<16xi32>
      %add3A_441 = arith.addi %mul3A_393, %add3A_440 : vector<16xi32>
      tpu.vector_store_idx %arg6[%add3A_441], %add3A_438 : memref<6400xi32, #tpu.memory_space<vmem>>[vector<16xi32>], vector<16xi32>,
      %add3A_442 = arith.addi %mul3A_140, %min3A_357 : vector<16xi32>
      %add3A_443 = arith.constant 12 : i32
      %add3A_444 = vector.broadcast %add3A_443 : i32 to vector<16xi32>
      %add3A_445 = arith.addi %mul3A_393, %add3A_444 : vector<16xi32>
      tpu.vector_store_idx %arg6[%add3A_445], %add3A_442 : memref<6400xi32, #tpu.memory_space<vmem>>[vector<16xi32>], vector<16xi32>,
      %add3A_446 = arith.addi %mul3A_140, %min3A_376 : vector<16xi32>
      %add3A_447 = arith.constant 13 : i32
      %add3A_448 = vector.broadcast %add3A_447 : i32 to vector<16xi32>
      %add3A_449 = arith.addi %mul3A_393, %add3A_448 : vector<16xi32>
      tpu.vector_store_idx %arg6[%add3A_449], %add3A_446 : memref<6400xi32, #tpu.memory_space<vmem>>[vector<16xi32>], vector<16xi32>,
      %add3A_450 = arith.addi %mul3A_159, %min3A_129 : vector<16xi32>
      %add3A_451 = arith.constant 14 : i32
      %add3A_452 = vector.broadcast %add3A_451 : i32 to vector<16xi32>
      %add3A_453 = arith.addi %mul3A_393, %add3A_452 : vector<16xi32>
      tpu.vector_store_idx %arg6[%add3A_453], %add3A_450 : memref<6400xi32, #tpu.memory_space<vmem>>[vector<16xi32>], vector<16xi32>,
      %add3A_454 = arith.addi %mul3A_159, %min3A_148 : vector<16xi32>
      %add3A_455 = arith.constant 15 : i32
      %add3A_456 = vector.broadcast %add3A_455 : i32 to vector<16xi32>
      %add3A_457 = arith.addi %mul3A_393, %add3A_456 : vector<16xi32>
      tpu.vector_store_idx %arg6[%add3A_457], %add3A_454 : memref<6400xi32, #tpu.memory_space<vmem>>[vector<16xi32>], vector<16xi32>,
      %add3A_458 = arith.addi %mul3A_159, %min3A_167 : vector<16xi32>
      %add3A_459 = arith.constant 16 : i32
      %add3A_460 = vector.broadcast %add3A_459 : i32 to vector<16xi32>
      %add3A_461 = arith.addi %mul3A_393, %add3A_460 : vector<16xi32>
      tpu.vector_store_idx %arg6[%add3A_461], %add3A_458 : memref<6400xi32, #tpu.memory_space<vmem>>[vector<16xi32>], vector<16xi32>,
      %add3A_462 = arith.addi %mul3A_159, %min3A_186 : vector<16xi32>
      %add3A_463 = arith.constant 17 : i32
      %add3A_464 = vector.broadcast %add3A_463 : i32 to vector<16xi32>
      %add3A_465 = arith.addi %mul3A_393, %add3A_464 : vector<16xi32>
      tpu.vector_store_idx %arg6[%add3A_465], %add3A_462 : memref<6400xi32, #tpu.memory_space<vmem>>[vector<16xi32>], vector<16xi32>,
      %add3A_466 = arith.addi %mul3A_159, %min3A_205 : vector<16xi32>
      %add3A_467 = arith.constant 18 : i32
      %add3A_468 = vector.broadcast %add3A_467 : i32 to vector<16xi32>
      %add3A_469 = arith.addi %mul3A_393, %add3A_468 : vector<16xi32>
      tpu.vector_store_idx %arg6[%add3A_469], %add3A_466 : memref<6400xi32, #tpu.memory_space<vmem>>[vector<16xi32>], vector<16xi32>,
      %add3A_470 = arith.addi %mul3A_159, %min3A_224 : vector<16xi32>
      %add3A_471 = arith.constant 19 : i32
      %add3A_472 = vector.broadcast %add3A_471 : i32 to vector<16xi32>
      %add3A_473 = arith.addi %mul3A_393, %add3A_472 : vector<16xi32>
      tpu.vector_store_idx %arg6[%add3A_473], %add3A_470 : memref<6400xi32, #tpu.memory_space<vmem>>[vector<16xi32>], vector<16xi32>,
      %add3A_474 = arith.addi %mul3A_159, %min3A_243 : vector<16xi32>
      %add3A_475 = arith.constant 20 : i32
      %add3A_476 = vector.broadcast %add3A_475 : i32 to vector<16xi32>
      %add3A_477 = arith.addi %mul3A_393, %add3A_476 : vector<16xi32>
      tpu.vector_store_idx %arg6[%add3A_477], %add3A_474 : memref<6400xi32, #tpu.memory_space<vmem>>[vector<16xi32>], vector<16xi32>,
      %add3A_478 = arith.addi %mul3A_159, %min3A_262 : vector<16xi32>
      %add3A_479 = arith.constant 21 : i32
      %add3A_480 = vector.broadcast %add3A_479 : i32 to vector<16xi32>
      %add3A_481 = arith.addi %mul3A_393, %add3A_480 : vector<16xi32>
      tpu.vector_store_idx %arg6[%add3A_481], %add3A_478 : memref<6400xi32, #tpu.memory_space<vmem>>[vector<16xi32>], vector<16xi32>,
      %add3A_482 = arith.addi %mul3A_159, %min3A_281 : vector<16xi32>
      %add3A_483 = arith.constant 22 : i32
      %add3A_484 = vector.broadcast %add3A_483 : i32 to vector<16xi32>
      %add3A_485 = arith.addi %mul3A_393, %add3A_484 : vector<16xi32>
      tpu.vector_store_idx %arg6[%add3A_485], %add3A_482 : memref<6400xi32, #tpu.memory_space<vmem>>[vector<16xi32>], vector<16xi32>,
      %add3A_486 = arith.addi %mul3A_159, %min3A_300 : vector<16xi32>
      %add3A_487 = arith.constant 23 : i32
      %add3A_488 = vector.broadcast %add3A_487 : i32 to vector<16xi32>
      %add3A_489 = arith.addi %mul3A_393, %add3A_488 : vector<16xi32>
      tpu.vector_store_idx %arg6[%add3A_489], %add3A_486 : memref<6400xi32, #tpu.memory_space<vmem>>[vector<16xi32>], vector<16xi32>,
      %add3A_490 = arith.addi %mul3A_159, %min3A_319 : vector<16xi32>
      %add3A_491 = arith.constant 24 : i32
      %add3A_492 = vector.broadcast %add3A_491 : i32 to vector<16xi32>
      %add3A_493 = arith.addi %mul3A_393, %add3A_492 : vector<16xi32>
      tpu.vector_store_idx %arg6[%add3A_493], %add3A_490 : memref<6400xi32, #tpu.memory_space<vmem>>[vector<16xi32>], vector<16xi32>,
      %add3A_494 = arith.addi %mul3A_159, %min3A_338 : vector<16xi32>
      %add3A_495 = arith.constant 25 : i32
      %add3A_496 = vector.broadcast %add3A_495 : i32 to vector<16xi32>
      %add3A_497 = arith.addi %mul3A_393, %add3A_496 : vector<16xi32>
      tpu.vector_store_idx %arg6[%add3A_497], %add3A_494 : memref<6400xi32, #tpu.memory_space<vmem>>[vector<16xi32>], vector<16xi32>,
      %add3A_498 = arith.addi %mul3A_159, %min3A_357 : vector<16xi32>
      %add3A_499 = arith.constant 26 : i32
      %add3A_500 = vector.broadcast %add3A_499 : i32 to vector<16xi32>
      %add3A_501 = arith.addi %mul3A_393, %add3A_500 : vector<16xi32>
      tpu.vector_store_idx %arg6[%add3A_501], %add3A_498 : memref<6400xi32, #tpu.memory_space<vmem>>[vector<16xi32>], vector<16xi32>,
      %add3A_502 = arith.addi %mul3A_159, %min3A_376 : vector<16xi32>
      %add3A_503 = arith.constant 27 : i32
      %add3A_504 = vector.broadcast %add3A_503 : i32 to vector<16xi32>
      %add3A_505 = arith.addi %mul3A_393, %add3A_504 : vector<16xi32>
      tpu.vector_store_idx %arg6[%add3A_505], %add3A_502 : memref<6400xi32, #tpu.memory_space<vmem>>[vector<16xi32>], vector<16xi32>,
      %add3A_506 = arith.addi %mul3A_178, %min3A_129 : vector<16xi32>
      %add3A_507 = arith.constant 28 : i32
      %add3A_508 = vector.broadcast %add3A_507 : i32 to vector<16xi32>
      %add3A_509 = arith.addi %mul3A_393, %add3A_508 : vector<16xi32>
      tpu.vector_store_idx %arg6[%add3A_509], %add3A_506 : memref<6400xi32, #tpu.memory_space<vmem>>[vector<16xi32>], vector<16xi32>,
      %add3A_510 = arith.addi %mul3A_178, %min3A_148 : vector<16xi32>
      %add3A_511 = arith.constant 29 : i32
      %add3A_512 = vector.broadcast %add3A_511 : i32 to vector<16xi32>
      %add3A_513 = arith.addi %mul3A_393, %add3A_512 : vector<16xi32>
      tpu.vector_store_idx %arg6[%add3A_513], %add3A_510 : memref<6400xi32, #tpu.memory_space<vmem>>[vector<16xi32>], vector<16xi32>,
      %add3A_514 = arith.addi %mul3A_178, %min3A_167 : vector<16xi32>
      %add3A_515 = arith.constant 30 : i32
      %add3A_516 = vector.broadcast %add3A_515 : i32 to vector<16xi32>
      %add3A_517 = arith.addi %mul3A_393, %add3A_516 : vector<16xi32>
      tpu.vector_store_idx %arg6[%add3A_517], %add3A_514 : memref<6400xi32, #tpu.memory_space<vmem>>[vector<16xi32>], vector<16xi32>,
      %add3A_518 = arith.addi %mul3A_178, %min3A_186 : vector<16xi32>
      %add3A_519 = arith.constant 31 : i32
      %add3A_520 = vector.broadcast %add3A_519 : i32 to vector<16xi32>
      %add3A_521 = arith.addi %mul3A_393, %add3A_520 : vector<16xi32>
      tpu.vector_store_idx %arg6[%add3A_521], %add3A_518 : memref<6400xi32, #tpu.memory_space<vmem>>[vector<16xi32>], vector<16xi32>,
      %add3A_522 = arith.addi %mul3A_178, %min3A_205 : vector<16xi32>
      %add3A_523 = arith.constant 32 : i32
      %add3A_524 = vector.broadcast %add3A_523 : i32 to vector<16xi32>
      %add3A_525 = arith.addi %mul3A_393, %add3A_524 : vector<16xi32>
      tpu.vector_store_idx %arg6[%add3A_525], %add3A_522 : memref<6400xi32, #tpu.memory_space<vmem>>[vector<16xi32>], vector<16xi32>,
      %add3A_526 = arith.addi %mul3A_178, %min3A_224 : vector<16xi32>
      %add3A_527 = arith.constant 33 : i32
      %add3A_528 = vector.broadcast %add3A_527 : i32 to vector<16xi32>
      %add3A_529 = arith.addi %mul3A_393, %add3A_528 : vector<16xi32>
      tpu.vector_store_idx %arg6[%add3A_529], %add3A_526 : memref<6400xi32, #tpu.memory_space<vmem>>[vector<16xi32>], vector<16xi32>,
      %add3A_530 = arith.addi %mul3A_178, %min3A_243 : vector<16xi32>
      %add3A_531 = arith.constant 34 : i32
      %add3A_532 = vector.broadcast %add3A_531 : i32 to vector<16xi32>
      %add3A_533 = arith.addi %mul3A_393, %add3A_532 : vector<16xi32>
      tpu.vector_store_idx %arg6[%add3A_533], %add3A_530 : memref<6400xi32, #tpu.memory_space<vmem>>[vector<16xi32>], vector<16xi32>,
      %add3A_534 = arith.addi %mul3A_178, %min3A_262 : vector<16xi32>
      %add3A_535 = arith.constant 35 : i32
      %add3A_536 = vector.broadcast %add3A_535 : i32 to vector<16xi32>
      %add3A_537 = arith.addi %mul3A_393, %add3A_536 : vector<16xi32>
      tpu.vector_store_idx %arg6[%add3A_537], %add3A_534 : memref<6400xi32, #tpu.memory_space<vmem>>[vector<16xi32>], vector<16xi32>,
      %add3A_538 = arith.addi %mul3A_178, %min3A_281 : vector<16xi32>
      %add3A_539 = arith.constant 36 : i32
      %add3A_540 = vector.broadcast %add3A_539 : i32 to vector<16xi32>
      %add3A_541 = arith.addi %mul3A_393, %add3A_540 : vector<16xi32>
      tpu.vector_store_idx %arg6[%add3A_541], %add3A_538 : memref<6400xi32, #tpu.memory_space<vmem>>[vector<16xi32>], vector<16xi32>,
      %add3A_542 = arith.addi %mul3A_178, %min3A_300 : vector<16xi32>
      %add3A_543 = arith.constant 37 : i32
      %add3A_544 = vector.broadcast %add3A_543 : i32 to vector<16xi32>
      %add3A_545 = arith.addi %mul3A_393, %add3A_544 : vector<16xi32>
      tpu.vector_store_idx %arg6[%add3A_545], %add3A_542 : memref<6400xi32, #tpu.memory_space<vmem>>[vector<16xi32>], vector<16xi32>,
      %add3A_546 = arith.addi %mul3A_178, %min3A_319 : vector<16xi32>
      %add3A_547 = arith.constant 38 : i32
      %add3A_548 = vector.broadcast %add3A_547 : i32 to vector<16xi32>
      %add3A_549 = arith.addi %mul3A_393, %add3A_548 : vector<16xi32>
      tpu.vector_store_idx %arg6[%add3A_549], %add3A_546 : memref<6400xi32, #tpu.memory_space<vmem>>[vector<16xi32>], vector<16xi32>,
      %add3A_550 = arith.addi %mul3A_178, %min3A_338 : vector<16xi32>
      %add3A_551 = arith.constant 39 : i32
      %add3A_552 = vector.broadcast %add3A_551 : i32 to vector<16xi32>
      %add3A_553 = arith.addi %mul3A_393, %add3A_552 : vector<16xi32>
      tpu.vector_store_idx %arg6[%add3A_553], %add3A_550 : memref<6400xi32, #tpu.memory_space<vmem>>[vector<16xi32>], vector<16xi32>,
      %add3A_554 = arith.addi %mul3A_178, %min3A_357 : vector<16xi32>
      %add3A_555 = arith.constant 40 : i32
      %add3A_556 = vector.broadcast %add3A_555 : i32 to vector<16xi32>
      %add3A_557 = arith.addi %mul3A_393, %add3A_556 : vector<16xi32>
      tpu.vector_store_idx %arg6[%add3A_557], %add3A_554 : memref<6400xi32, #tpu.memory_space<vmem>>[vector<16xi32>], vector<16xi32>,
      %add3A_558 = arith.addi %mul3A_178, %min3A_376 : vector<16xi32>
      %add3A_559 = arith.constant 41 : i32
      %add3A_560 = vector.broadcast %add3A_559 : i32 to vector<16xi32>
      %add3A_561 = arith.addi %mul3A_393, %add3A_560 : vector<16xi32>
      tpu.vector_store_idx %arg6[%add3A_561], %add3A_558 : memref<6400xi32, #tpu.memory_space<vmem>>[vector<16xi32>], vector<16xi32>,
      %add3A_562 = arith.addi %mul3A_197, %min3A_129 : vector<16xi32>
      %add3A_563 = arith.constant 42 : i32
      %add3A_564 = vector.broadcast %add3A_563 : i32 to vector<16xi32>
      %add3A_565 = arith.addi %mul3A_393, %add3A_564 : vector<16xi32>
      tpu.vector_store_idx %arg6[%add3A_565], %add3A_562 : memref<6400xi32, #tpu.memory_space<vmem>>[vector<16xi32>], vector<16xi32>,
      %add3A_566 = arith.addi %mul3A_197, %min3A_148 : vector<16xi32>
      %add3A_567 = arith.constant 43 : i32
      %add3A_568 = vector.broadcast %add3A_567 : i32 to vector<16xi32>
      %add3A_569 = arith.addi %mul3A_393, %add3A_568 : vector<16xi32>
      tpu.vector_store_idx %arg6[%add3A_569], %add3A_566 : memref<6400xi32, #tpu.memory_space<vmem>>[vector<16xi32>], vector<16xi32>,
      %add3A_570 = arith.addi %mul3A_197, %min3A_167 : vector<16xi32>
      %add3A_571 = arith.constant 44 : i32
      %add3A_572 = vector.broadcast %add3A_571 : i32 to vector<16xi32>
      %add3A_573 = arith.addi %mul3A_393, %add3A_572 : vector<16xi32>
      tpu.vector_store_idx %arg6[%add3A_573], %add3A_570 : memref<6400xi32, #tpu.memory_space<vmem>>[vector<16xi32>], vector<16xi32>,
      %add3A_574 = arith.addi %mul3A_197, %min3A_186 : vector<16xi32>
      %add3A_575 = arith.constant 45 : i32
      %add3A_576 = vector.broadcast %add3A_575 : i32 to vector<16xi32>
      %add3A_577 = arith.addi %mul3A_393, %add3A_576 : vector<16xi32>
      tpu.vector_store_idx %arg6[%add3A_577], %add3A_574 : memref<6400xi32, #tpu.memory_space<vmem>>[vector<16xi32>], vector<16xi32>,
      %add3A_578 = arith.addi %mul3A_197, %min3A_205 : vector<16xi32>
      %add3A_579 = arith.constant 46 : i32
      %add3A_580 = vector.broadcast %add3A_579 : i32 to vector<16xi32>
      %add3A_581 = arith.addi %mul3A_393, %add3A_580 : vector<16xi32>
      tpu.vector_store_idx %arg6[%add3A_581], %add3A_578 : memref<6400xi32, #tpu.memory_space<vmem>>[vector<16xi32>], vector<16xi32>,
      %add3A_582 = arith.addi %mul3A_197, %min3A_224 : vector<16xi32>
      %add3A_583 = arith.constant 47 : i32
      %add3A_584 = vector.broadcast %add3A_583 : i32 to vector<16xi32>
      %add3A_585 = arith.addi %mul3A_393, %add3A_584 : vector<16xi32>
      tpu.vector_store_idx %arg6[%add3A_585], %add3A_582 : memref<6400xi32, #tpu.memory_space<vmem>>[vector<16xi32>], vector<16xi32>,
      %add3A_586 = arith.addi %mul3A_197, %min3A_243 : vector<16xi32>
      %add3A_587 = arith.constant 48 : i32
      %add3A_588 = vector.broadcast %add3A_587 : i32 to vector<16xi32>
      %add3A_589 = arith.addi %mul3A_393, %add3A_588 : vector<16xi32>
      tpu.vector_store_idx %arg6[%add3A_589], %add3A_586 : memref<6400xi32, #tpu.memory_space<vmem>>[vector<16xi32>], vector<16xi32>,
      %add3A_590 = arith.addi %mul3A_197, %min3A_262 : vector<16xi32>
      %add3A_591 = arith.constant 49 : i32
      %add3A_592 = vector.broadcast %add3A_591 : i32 to vector<16xi32>
      %add3A_593 = arith.addi %mul3A_393, %add3A_592 : vector<16xi32>
      tpu.vector_store_idx %arg6[%add3A_593], %add3A_590 : memref<6400xi32, #tpu.memory_space<vmem>>[vector<16xi32>], vector<16xi32>,
      %add3A_594 = arith.addi %mul3A_197, %min3A_281 : vector<16xi32>
      %add3A_595 = arith.constant 50 : i32
      %add3A_596 = vector.broadcast %add3A_595 : i32 to vector<16xi32>
      %add3A_597 = arith.addi %mul3A_393, %add3A_596 : vector<16xi32>
      tpu.vector_store_idx %arg6[%add3A_597], %add3A_594 : memref<6400xi32, #tpu.memory_space<vmem>>[vector<16xi32>], vector<16xi32>,
      %add3A_598 = arith.addi %mul3A_197, %min3A_300 : vector<16xi32>
      %add3A_599 = arith.constant 51 : i32
      %add3A_600 = vector.broadcast %add3A_599 : i32 to vector<16xi32>
      %add3A_601 = arith.addi %mul3A_393, %add3A_600 : vector<16xi32>
      tpu.vector_store_idx %arg6[%add3A_601], %add3A_598 : memref<6400xi32, #tpu.memory_space<vmem>>[vector<16xi32>], vector<16xi32>,
      %add3A_602 = arith.addi %mul3A_197, %min3A_319 : vector<16xi32>
      %add3A_603 = arith.constant 52 : i32
      %add3A_604 = vector.broadcast %add3A_603 : i32 to vector<16xi32>
      %add3A_605 = arith.addi %mul3A_393, %add3A_604 : vector<16xi32>
      tpu.vector_store_idx %arg6[%add3A_605], %add3A_602 : memref<6400xi32, #tpu.memory_space<vmem>>[vector<16xi32>], vector<16xi32>,
      %add3A_606 = arith.addi %mul3A_197, %min3A_338 : vector<16xi32>
      %add3A_607 = arith.constant 53 : i32
      %add3A_608 = vector.broadcast %add3A_607 : i32 to vector<16xi32>
      %add3A_609 = arith.addi %mul3A_393, %add3A_608 : vector<16xi32>
      tpu.vector_store_idx %arg6[%add3A_609], %add3A_606 : memref<6400xi32, #tpu.memory_space<vmem>>[vector<16xi32>], vector<16xi32>,
      %add3A_610 = arith.addi %mul3A_197, %min3A_357 : vector<16xi32>
      %add3A_611 = arith.constant 54 : i32
      %add3A_612 = vector.broadcast %add3A_611 : i32 to vector<16xi32>
      %add3A_613 = arith.addi %mul3A_393, %add3A_612 : vector<16xi32>
      tpu.vector_store_idx %arg6[%add3A_613], %add3A_610 : memref<6400xi32, #tpu.memory_space<vmem>>[vector<16xi32>], vector<16xi32>,
      %add3A_614 = arith.addi %mul3A_197, %min3A_376 : vector<16xi32>
      %add3A_615 = arith.constant 55 : i32
      %add3A_616 = vector.broadcast %add3A_615 : i32 to vector<16xi32>
      %add3A_617 = arith.addi %mul3A_393, %add3A_616 : vector<16xi32>
      tpu.vector_store_idx %arg6[%add3A_617], %add3A_614 : memref<6400xi32, #tpu.memory_space<vmem>>[vector<16xi32>], vector<16xi32>,
      %add3A_618 = arith.addi %mul3A_216, %min3A_129 : vector<16xi32>
      %add3A_619 = arith.constant 56 : i32
      %add3A_620 = vector.broadcast %add3A_619 : i32 to vector<16xi32>
      %add3A_621 = arith.addi %mul3A_393, %add3A_620 : vector<16xi32>
      tpu.vector_store_idx %arg6[%add3A_621], %add3A_618 : memref<6400xi32, #tpu.memory_space<vmem>>[vector<16xi32>], vector<16xi32>,
      %add3A_622 = arith.addi %mul3A_216, %min3A_148 : vector<16xi32>
      %add3A_623 = arith.constant 57 : i32
      %add3A_624 = vector.broadcast %add3A_623 : i32 to vector<16xi32>
      %add3A_625 = arith.addi %mul3A_393, %add3A_624 : vector<16xi32>
      tpu.vector_store_idx %arg6[%add3A_625], %add3A_622 : memref<6400xi32, #tpu.memory_space<vmem>>[vector<16xi32>], vector<16xi32>,
      %add3A_626 = arith.addi %mul3A_216, %min3A_167 : vector<16xi32>
      %add3A_627 = arith.constant 58 : i32
      %add3A_628 = vector.broadcast %add3A_627 : i32 to vector<16xi32>
      %add3A_629 = arith.addi %mul3A_393, %add3A_628 : vector<16xi32>
      tpu.vector_store_idx %arg6[%add3A_629], %add3A_626 : memref<6400xi32, #tpu.memory_space<vmem>>[vector<16xi32>], vector<16xi32>,
      %add3A_630 = arith.addi %mul3A_216, %min3A_186 : vector<16xi32>
      %add3A_631 = arith.constant 59 : i32
      %add3A_632 = vector.broadcast %add3A_631 : i32 to vector<16xi32>
      %add3A_633 = arith.addi %mul3A_393, %add3A_632 : vector<16xi32>
      tpu.vector_store_idx %arg6[%add3A_633], %add3A_630 : memref<6400xi32, #tpu.memory_space<vmem>>[vector<16xi32>], vector<16xi32>,
      %add3A_634 = arith.addi %mul3A_216, %min3A_205 : vector<16xi32>
      %add3A_635 = arith.constant 60 : i32
      %add3A_636 = vector.broadcast %add3A_635 : i32 to vector<16xi32>
      %add3A_637 = arith.addi %mul3A_393, %add3A_636 : vector<16xi32>
      tpu.vector_store_idx %arg6[%add3A_637], %add3A_634 : memref<6400xi32, #tpu.memory_space<vmem>>[vector<16xi32>], vector<16xi32>,
      %add3A_638 = arith.addi %mul3A_216, %min3A_224 : vector<16xi32>
      %add3A_639 = arith.constant 61 : i32
      %add3A_640 = vector.broadcast %add3A_639 : i32 to vector<16xi32>
      %add3A_641 = arith.addi %mul3A_393, %add3A_640 : vector<16xi32>
      tpu.vector_store_idx %arg6[%add3A_641], %add3A_638 : memref<6400xi32, #tpu.memory_space<vmem>>[vector<16xi32>], vector<16xi32>,
      %add3A_642 = arith.addi %mul3A_216, %min3A_243 : vector<16xi32>
      %add3A_643 = arith.constant 62 : i32
      %add3A_644 = vector.broadcast %add3A_643 : i32 to vector<16xi32>
      %add3A_645 = arith.addi %mul3A_393, %add3A_644 : vector<16xi32>
      tpu.vector_store_idx %arg6[%add3A_645], %add3A_642 : memref<6400xi32, #tpu.memory_space<vmem>>[vector<16xi32>], vector<16xi32>,
      %add3A_646 = arith.addi %mul3A_216, %min3A_262 : vector<16xi32>
      %add3A_647 = arith.constant 63 : i32
      %add3A_648 = vector.broadcast %add3A_647 : i32 to vector<16xi32>
      %add3A_649 = arith.addi %mul3A_393, %add3A_648 : vector<16xi32>
      tpu.vector_store_idx %arg6[%add3A_649], %add3A_646 : memref<6400xi32, #tpu.memory_space<vmem>>[vector<16xi32>], vector<16xi32>,
      %add3A_650 = arith.addi %mul3A_216, %min3A_281 : vector<16xi32>
      %add3A_651 = arith.constant 64 : i32
      %add3A_652 = vector.broadcast %add3A_651 : i32 to vector<16xi32>
      %add3A_653 = arith.addi %mul3A_393, %add3A_652 : vector<16xi32>
      tpu.vector_store_idx %arg6[%add3A_653], %add3A_650 : memref<6400xi32, #tpu.memory_space<vmem>>[vector<16xi32>], vector<16xi32>,
      %add3A_654 = arith.addi %mul3A_216, %min3A_300 : vector<16xi32>
      %add3A_655 = arith.constant 65 : i32
      %add3A_656 = vector.broadcast %add3A_655 : i32 to vector<16xi32>
      %add3A_657 = arith.addi %mul3A_393, %add3A_656 : vector<16xi32>
      tpu.vector_store_idx %arg6[%add3A_657], %add3A_654 : memref<6400xi32, #tpu.memory_space<vmem>>[vector<16xi32>], vector<16xi32>,
      %add3A_658 = arith.addi %mul3A_216, %min3A_319 : vector<16xi32>
      %add3A_659 = arith.constant 66 : i32
      %add3A_660 = vector.broadcast %add3A_659 : i32 to vector<16xi32>
      %add3A_661 = arith.addi %mul3A_393, %add3A_660 : vector<16xi32>
      tpu.vector_store_idx %arg6[%add3A_661], %add3A_658 : memref<6400xi32, #tpu.memory_space<vmem>>[vector<16xi32>], vector<16xi32>,
      %add3A_662 = arith.addi %mul3A_216, %min3A_338 : vector<16xi32>
      %add3A_663 = arith.constant 67 : i32
      %add3A_664 = vector.broadcast %add3A_663 : i32 to vector<16xi32>
      %add3A_665 = arith.addi %mul3A_393, %add3A_664 : vector<16xi32>
      tpu.vector_store_idx %arg6[%add3A_665], %add3A_662 : memref<6400xi32, #tpu.memory_space<vmem>>[vector<16xi32>], vector<16xi32>,
      %add3A_666 = arith.addi %mul3A_216, %min3A_357 : vector<16xi32>
      %add3A_667 = arith.constant 68 : i32
      %add3A_668 = vector.broadcast %add3A_667 : i32 to vector<16xi32>
      %add3A_669 = arith.addi %mul3A_393, %add3A_668 : vector<16xi32>
      tpu.vector_store_idx %arg6[%add3A_669], %add3A_666 : memref<6400xi32, #tpu.memory_space<vmem>>[vector<16xi32>], vector<16xi32>,
      %add3A_670 = arith.addi %mul3A_216, %min3A_376 : vector<16xi32>
      %add3A_671 = arith.constant 69 : i32
      %add3A_672 = vector.broadcast %add3A_671 : i32 to vector<16xi32>
      %add3A_673 = arith.addi %mul3A_393, %add3A_672 : vector<16xi32>
      tpu.vector_store_idx %arg6[%add3A_673], %add3A_670 : memref<6400xi32, #tpu.memory_space<vmem>>[vector<16xi32>], vector<16xi32>,
      %add3A_674 = arith.addi %mul3A_235, %min3A_129 : vector<16xi32>
      %add3A_675 = arith.constant 70 : i32
      %add3A_676 = vector.broadcast %add3A_675 : i32 to vector<16xi32>
      %add3A_677 = arith.addi %mul3A_393, %add3A_676 : vector<16xi32>
      tpu.vector_store_idx %arg6[%add3A_677], %add3A_674 : memref<6400xi32, #tpu.memory_space<vmem>>[vector<16xi32>], vector<16xi32>,
      %add3A_678 = arith.addi %mul3A_235, %min3A_148 : vector<16xi32>
      %add3A_679 = arith.constant 71 : i32
      %add3A_680 = vector.broadcast %add3A_679 : i32 to vector<16xi32>
      %add3A_681 = arith.addi %mul3A_393, %add3A_680 : vector<16xi32>
      tpu.vector_store_idx %arg6[%add3A_681], %add3A_678 : memref<6400xi32, #tpu.memory_space<vmem>>[vector<16xi32>], vector<16xi32>,
      %add3A_682 = arith.addi %mul3A_235, %min3A_167 : vector<16xi32>
      %add3A_683 = arith.constant 72 : i32
      %add3A_684 = vector.broadcast %add3A_683 : i32 to vector<16xi32>
      %add3A_685 = arith.addi %mul3A_393, %add3A_684 : vector<16xi32>
      tpu.vector_store_idx %arg6[%add3A_685], %add3A_682 : memref<6400xi32, #tpu.memory_space<vmem>>[vector<16xi32>], vector<16xi32>,
      %add3A_686 = arith.addi %mul3A_235, %min3A_186 : vector<16xi32>
      %add3A_687 = arith.constant 73 : i32
      %add3A_688 = vector.broadcast %add3A_687 : i32 to vector<16xi32>
      %add3A_689 = arith.addi %mul3A_393, %add3A_688 : vector<16xi32>
      tpu.vector_store_idx %arg6[%add3A_689], %add3A_686 : memref<6400xi32, #tpu.memory_space<vmem>>[vector<16xi32>], vector<16xi32>,
      %add3A_690 = arith.addi %mul3A_235, %min3A_205 : vector<16xi32>
      %add3A_691 = arith.constant 74 : i32
      %add3A_692 = vector.broadcast %add3A_691 : i32 to vector<16xi32>
      %add3A_693 = arith.addi %mul3A_393, %add3A_692 : vector<16xi32>
      tpu.vector_store_idx %arg6[%add3A_693], %add3A_690 : memref<6400xi32, #tpu.memory_space<vmem>>[vector<16xi32>], vector<16xi32>,
      %add3A_694 = arith.addi %mul3A_235, %min3A_224 : vector<16xi32>
      %add3A_695 = arith.constant 75 : i32
      %add3A_696 = vector.broadcast %add3A_695 : i32 to vector<16xi32>
      %add3A_697 = arith.addi %mul3A_393, %add3A_696 : vector<16xi32>
      tpu.vector_store_idx %arg6[%add3A_697], %add3A_694 : memref<6400xi32, #tpu.memory_space<vmem>>[vector<16xi32>], vector<16xi32>,
      %add3A_698 = arith.addi %mul3A_235, %min3A_243 : vector<16xi32>
      %add3A_699 = arith.constant 76 : i32
      %add3A_700 = vector.broadcast %add3A_699 : i32 to vector<16xi32>
      %add3A_701 = arith.addi %mul3A_393, %add3A_700 : vector<16xi32>
      tpu.vector_store_idx %arg6[%add3A_701], %add3A_698 : memref<6400xi32, #tpu.memory_space<vmem>>[vector<16xi32>], vector<16xi32>,
      %add3A_702 = arith.addi %mul3A_235, %min3A_262 : vector<16xi32>
      %add3A_703 = arith.constant 77 : i32
      %add3A_704 = vector.broadcast %add3A_703 : i32 to vector<16xi32>
      %add3A_705 = arith.addi %mul3A_393, %add3A_704 : vector<16xi32>
      tpu.vector_store_idx %arg6[%add3A_705], %add3A_702 : memref<6400xi32, #tpu.memory_space<vmem>>[vector<16xi32>], vector<16xi32>,
      %add3A_706 = arith.addi %mul3A_235, %min3A_281 : vector<16xi32>
      %add3A_707 = arith.constant 78 : i32
      %add3A_708 = vector.broadcast %add3A_707 : i32 to vector<16xi32>
      %add3A_709 = arith.addi %mul3A_393, %add3A_708 : vector<16xi32>
      tpu.vector_store_idx %arg6[%add3A_709], %add3A_706 : memref<6400xi32, #tpu.memory_space<vmem>>[vector<16xi32>], vector<16xi32>,
      %add3A_710 = arith.addi %mul3A_235, %min3A_300 : vector<16xi32>
      %add3A_711 = arith.constant 79 : i32
      %add3A_712 = vector.broadcast %add3A_711 : i32 to vector<16xi32>
      %add3A_713 = arith.addi %mul3A_393, %add3A_712 : vector<16xi32>
      tpu.vector_store_idx %arg6[%add3A_713], %add3A_710 : memref<6400xi32, #tpu.memory_space<vmem>>[vector<16xi32>], vector<16xi32>,
      %add3A_714 = arith.addi %mul3A_235, %min3A_319 : vector<16xi32>
      %add3A_715 = arith.constant 80 : i32
      %add3A_716 = vector.broadcast %add3A_715 : i32 to vector<16xi32>
      %add3A_717 = arith.addi %mul3A_393, %add3A_716 : vector<16xi32>
      tpu.vector_store_idx %arg6[%add3A_717], %add3A_714 : memref<6400xi32, #tpu.memory_space<vmem>>[vector<16xi32>], vector<16xi32>,
      %add3A_718 = arith.addi %mul3A_235, %min3A_338 : vector<16xi32>
      %add3A_719 = arith.constant 81 : i32
      %add3A_720 = vector.broadcast %add3A_719 : i32 to vector<16xi32>
      %add3A_721 = arith.addi %mul3A_393, %add3A_720 : vector<16xi32>
      tpu.vector_store_idx %arg6[%add3A_721], %add3A_718 : memref<6400xi32, #tpu.memory_space<vmem>>[vector<16xi32>], vector<16xi32>,
      %add3A_722 = arith.addi %mul3A_235, %min3A_357 : vector<16xi32>
      %add3A_723 = arith.constant 82 : i32
      %add3A_724 = vector.broadcast %add3A_723 : i32 to vector<16xi32>
      %add3A_725 = arith.addi %mul3A_393, %add3A_724 : vector<16xi32>
      tpu.vector_store_idx %arg6[%add3A_725], %add3A_722 : memref<6400xi32, #tpu.memory_space<vmem>>[vector<16xi32>], vector<16xi32>,
      %add3A_726 = arith.addi %mul3A_235, %min3A_376 : vector<16xi32>
      %add3A_727 = arith.constant 83 : i32
      %add3A_728 = vector.broadcast %add3A_727 : i32 to vector<16xi32>
      %add3A_729 = arith.addi %mul3A_393, %add3A_728 : vector<16xi32>
      tpu.vector_store_idx %arg6[%add3A_729], %add3A_726 : memref<6400xi32, #tpu.memory_space<vmem>>[vector<16xi32>], vector<16xi32>,
      %add3A_730 = arith.addi %mul3A_254, %min3A_129 : vector<16xi32>
      %add3A_731 = arith.constant 84 : i32
      %add3A_732 = vector.broadcast %add3A_731 : i32 to vector<16xi32>
      %add3A_733 = arith.addi %mul3A_393, %add3A_732 : vector<16xi32>
      tpu.vector_store_idx %arg6[%add3A_733], %add3A_730 : memref<6400xi32, #tpu.memory_space<vmem>>[vector<16xi32>], vector<16xi32>,
      %add3A_734 = arith.addi %mul3A_254, %min3A_148 : vector<16xi32>
      %add3A_735 = arith.constant 85 : i32
      %add3A_736 = vector.broadcast %add3A_735 : i32 to vector<16xi32>
      %add3A_737 = arith.addi %mul3A_393, %add3A_736 : vector<16xi32>
      tpu.vector_store_idx %arg6[%add3A_737], %add3A_734 : memref<6400xi32, #tpu.memory_space<vmem>>[vector<16xi32>], vector<16xi32>,
      %add3A_738 = arith.addi %mul3A_254, %min3A_167 : vector<16xi32>
      %add3A_739 = arith.constant 86 : i32
      %add3A_740 = vector.broadcast %add3A_739 : i32 to vector<16xi32>
      %add3A_741 = arith.addi %mul3A_393, %add3A_740 : vector<16xi32>
      tpu.vector_store_idx %arg6[%add3A_741], %add3A_738 : memref<6400xi32, #tpu.memory_space<vmem>>[vector<16xi32>], vector<16xi32>,
      %add3A_742 = arith.addi %mul3A_254, %min3A_186 : vector<16xi32>
      %add3A_743 = arith.constant 87 : i32
      %add3A_744 = vector.broadcast %add3A_743 : i32 to vector<16xi32>
      %add3A_745 = arith.addi %mul3A_393, %add3A_744 : vector<16xi32>
      tpu.vector_store_idx %arg6[%add3A_745], %add3A_742 : memref<6400xi32, #tpu.memory_space<vmem>>[vector<16xi32>], vector<16xi32>,
      %add3A_746 = arith.addi %mul3A_254, %min3A_205 : vector<16xi32>
      %add3A_747 = arith.constant 88 : i32
      %add3A_748 = vector.broadcast %add3A_747 : i32 to vector<16xi32>
      %add3A_749 = arith.addi %mul3A_393, %add3A_748 : vector<16xi32>
      tpu.vector_store_idx %arg6[%add3A_749], %add3A_746 : memref<6400xi32, #tpu.memory_space<vmem>>[vector<16xi32>], vector<16xi32>,
      %add3A_750 = arith.addi %mul3A_254, %min3A_224 : vector<16xi32>
      %add3A_751 = arith.constant 89 : i32
      %add3A_752 = vector.broadcast %add3A_751 : i32 to vector<16xi32>
      %add3A_753 = arith.addi %mul3A_393, %add3A_752 : vector<16xi32>
      tpu.vector_store_idx %arg6[%add3A_753], %add3A_750 : memref<6400xi32, #tpu.memory_space<vmem>>[vector<16xi32>], vector<16xi32>,
      %add3A_754 = arith.addi %mul3A_254, %min3A_243 : vector<16xi32>
      %add3A_755 = arith.constant 90 : i32
      %add3A_756 = vector.broadcast %add3A_755 : i32 to vector<16xi32>
      %add3A_757 = arith.addi %mul3A_393, %add3A_756 : vector<16xi32>
      tpu.vector_store_idx %arg6[%add3A_757], %add3A_754 : memref<6400xi32, #tpu.memory_space<vmem>>[vector<16xi32>], vector<16xi32>,
      %add3A_758 = arith.addi %mul3A_254, %min3A_262 : vector<16xi32>
      %add3A_759 = arith.constant 91 : i32
      %add3A_760 = vector.broadcast %add3A_759 : i32 to vector<16xi32>
      %add3A_761 = arith.addi %mul3A_393, %add3A_760 : vector<16xi32>
      tpu.vector_store_idx %arg6[%add3A_761], %add3A_758 : memref<6400xi32, #tpu.memory_space<vmem>>[vector<16xi32>], vector<16xi32>,
      %add3A_762 = arith.addi %mul3A_254, %min3A_281 : vector<16xi32>
      %add3A_763 = arith.constant 92 : i32
      %add3A_764 = vector.broadcast %add3A_763 : i32 to vector<16xi32>
      %add3A_765 = arith.addi %mul3A_393, %add3A_764 : vector<16xi32>
      tpu.vector_store_idx %arg6[%add3A_765], %add3A_762 : memref<6400xi32, #tpu.memory_space<vmem>>[vector<16xi32>], vector<16xi32>,
      %add3A_766 = arith.addi %mul3A_254, %min3A_300 : vector<16xi32>
      %add3A_767 = arith.constant 93 : i32
      %add3A_768 = vector.broadcast %add3A_767 : i32 to vector<16xi32>
      %add3A_769 = arith.addi %mul3A_393, %add3A_768 : vector<16xi32>
      tpu.vector_store_idx %arg6[%add3A_769], %add3A_766 : memref<6400xi32, #tpu.memory_space<vmem>>[vector<16xi32>], vector<16xi32>,
      %add3A_770 = arith.addi %mul3A_254, %min3A_319 : vector<16xi32>
      %add3A_771 = arith.constant 94 : i32
      %add3A_772 = vector.broadcast %add3A_771 : i32 to vector<16xi32>
      %add3A_773 = arith.addi %mul3A_393, %add3A_772 : vector<16xi32>
      tpu.vector_store_idx %arg6[%add3A_773], %add3A_770 : memref<6400xi32, #tpu.memory_space<vmem>>[vector<16xi32>], vector<16xi32>,
      %add3A_774 = arith.addi %mul3A_254, %min3A_338 : vector<16xi32>
      %add3A_775 = arith.constant 95 : i32
      %add3A_776 = vector.broadcast %add3A_775 : i32 to vector<16xi32>
      %add3A_777 = arith.addi %mul3A_393, %add3A_776 : vector<16xi32>
      tpu.vector_store_idx %arg6[%add3A_777], %add3A_774 : memref<6400xi32, #tpu.memory_space<vmem>>[vector<16xi32>], vector<16xi32>,
      %add3A_778 = arith.addi %mul3A_254, %min3A_357 : vector<16xi32>
      %add3A_779 = arith.constant 96 : i32
      %add3A_780 = vector.broadcast %add3A_779 : i32 to vector<16xi32>
      %add3A_781 = arith.addi %mul3A_393, %add3A_780 : vector<16xi32>
      tpu.vector_store_idx %arg6[%add3A_781], %add3A_778 : memref<6400xi32, #tpu.memory_space<vmem>>[vector<16xi32>], vector<16xi32>,
      %add3A_782 = arith.addi %mul3A_254, %min3A_376 : vector<16xi32>
      %add3A_783 = arith.constant 97 : i32
      %add3A_784 = vector.broadcast %add3A_783 : i32 to vector<16xi32>
      %add3A_785 = arith.addi %mul3A_393, %add3A_784 : vector<16xi32>
      tpu.vector_store_idx %arg6[%add3A_785], %add3A_782 : memref<6400xi32, #tpu.memory_space<vmem>>[vector<16xi32>], vector<16xi32>,
      %add3A_786 = arith.addi %mul3A_273, %min3A_129 : vector<16xi32>
      %add3A_787 = arith.constant 98 : i32
      %add3A_788 = vector.broadcast %add3A_787 : i32 to vector<16xi32>
      %add3A_789 = arith.addi %mul3A_393, %add3A_788 : vector<16xi32>
      tpu.vector_store_idx %arg6[%add3A_789], %add3A_786 : memref<6400xi32, #tpu.memory_space<vmem>>[vector<16xi32>], vector<16xi32>,
      %add3A_790 = arith.addi %mul3A_273, %min3A_148 : vector<16xi32>
      %add3A_791 = arith.constant 99 : i32
      %add3A_792 = vector.broadcast %add3A_791 : i32 to vector<16xi32>
      %add3A_793 = arith.addi %mul3A_393, %add3A_792 : vector<16xi32>
      tpu.vector_store_idx %arg6[%add3A_793], %add3A_790 : memref<6400xi32, #tpu.memory_space<vmem>>[vector<16xi32>], vector<16xi32>,
      %add3A_794 = arith.addi %mul3A_273, %min3A_167 : vector<16xi32>
      %add3A_795 = arith.constant 100 : i32
      %add3A_796 = vector.broadcast %add3A_795 : i32 to vector<16xi32>
      %add3A_797 = arith.addi %mul3A_393, %add3A_796 : vector<16xi32>
      tpu.vector_store_idx %arg6[%add3A_797], %add3A_794 : memref<6400xi32, #tpu.memory_space<vmem>>[vector<16xi32>], vector<16xi32>,
      %add3A_798 = arith.addi %mul3A_273, %min3A_186 : vector<16xi32>
      %add3A_799 = arith.constant 101 : i32
      %add3A_800 = vector.broadcast %add3A_799 : i32 to vector<16xi32>
      %add3A_801 = arith.addi %mul3A_393, %add3A_800 : vector<16xi32>
      tpu.vector_store_idx %arg6[%add3A_801], %add3A_798 : memref<6400xi32, #tpu.memory_space<vmem>>[vector<16xi32>], vector<16xi32>,
      %add3A_802 = arith.addi %mul3A_273, %min3A_205 : vector<16xi32>
      %add3A_803 = arith.constant 102 : i32
      %add3A_804 = vector.broadcast %add3A_803 : i32 to vector<16xi32>
      %add3A_805 = arith.addi %mul3A_393, %add3A_804 : vector<16xi32>
      tpu.vector_store_idx %arg6[%add3A_805], %add3A_802 : memref<6400xi32, #tpu.memory_space<vmem>>[vector<16xi32>], vector<16xi32>,
      %add3A_806 = arith.addi %mul3A_273, %min3A_224 : vector<16xi32>
      %add3A_807 = arith.constant 103 : i32
      %add3A_808 = vector.broadcast %add3A_807 : i32 to vector<16xi32>
      %add3A_809 = arith.addi %mul3A_393, %add3A_808 : vector<16xi32>
      tpu.vector_store_idx %arg6[%add3A_809], %add3A_806 : memref<6400xi32, #tpu.memory_space<vmem>>[vector<16xi32>], vector<16xi32>,
      %add3A_810 = arith.addi %mul3A_273, %min3A_243 : vector<16xi32>
      %add3A_811 = arith.constant 104 : i32
      %add3A_812 = vector.broadcast %add3A_811 : i32 to vector<16xi32>
      %add3A_813 = arith.addi %mul3A_393, %add3A_812 : vector<16xi32>
      tpu.vector_store_idx %arg6[%add3A_813], %add3A_810 : memref<6400xi32, #tpu.memory_space<vmem>>[vector<16xi32>], vector<16xi32>,
      %add3A_814 = arith.addi %mul3A_273, %min3A_262 : vector<16xi32>
      %add3A_815 = arith.constant 105 : i32
      %add3A_816 = vector.broadcast %add3A_815 : i32 to vector<16xi32>
      %add3A_817 = arith.addi %mul3A_393, %add3A_816 : vector<16xi32>
      tpu.vector_store_idx %arg6[%add3A_817], %add3A_814 : memref<6400xi32, #tpu.memory_space<vmem>>[vector<16xi32>], vector<16xi32>,
      %add3A_818 = arith.addi %mul3A_273, %min3A_281 : vector<16xi32>
      %add3A_819 = arith.constant 106 : i32
      %add3A_820 = vector.broadcast %add3A_819 : i32 to vector<16xi32>
      %add3A_821 = arith.addi %mul3A_393, %add3A_820 : vector<16xi32>
      tpu.vector_store_idx %arg6[%add3A_821], %add3A_818 : memref<6400xi32, #tpu.memory_space<vmem>>[vector<16xi32>], vector<16xi32>,
      %add3A_822 = arith.addi %mul3A_273, %min3A_300 : vector<16xi32>
      %add3A_823 = arith.constant 107 : i32
      %add3A_824 = vector.broadcast %add3A_823 : i32 to vector<16xi32>
      %add3A_825 = arith.addi %mul3A_393, %add3A_824 : vector<16xi32>
      tpu.vector_store_idx %arg6[%add3A_825], %add3A_822 : memref<6400xi32, #tpu.memory_space<vmem>>[vector<16xi32>], vector<16xi32>,
      %add3A_826 = arith.addi %mul3A_273, %min3A_319 : vector<16xi32>
      %add3A_827 = arith.constant 108 : i32
      %add3A_828 = vector.broadcast %add3A_827 : i32 to vector<16xi32>
      %add3A_829 = arith.addi %mul3A_393, %add3A_828 : vector<16xi32>
      tpu.vector_store_idx %arg6[%add3A_829], %add3A_826 : memref<6400xi32, #tpu.memory_space<vmem>>[vector<16xi32>], vector<16xi32>,
      %add3A_830 = arith.addi %mul3A_273, %min3A_338 : vector<16xi32>
      %add3A_831 = arith.constant 109 : i32
      %add3A_832 = vector.broadcast %add3A_831 : i32 to vector<16xi32>
      %add3A_833 = arith.addi %mul3A_393, %add3A_832 : vector<16xi32>
      tpu.vector_store_idx %arg6[%add3A_833], %add3A_830 : memref<6400xi32, #tpu.memory_space<vmem>>[vector<16xi32>], vector<16xi32>,
      %add3A_834 = arith.addi %mul3A_273, %min3A_357 : vector<16xi32>
      %add3A_835 = arith.constant 110 : i32
      %add3A_836 = vector.broadcast %add3A_835 : i32 to vector<16xi32>
      %add3A_837 = arith.addi %mul3A_393, %add3A_836 : vector<16xi32>
      tpu.vector_store_idx %arg6[%add3A_837], %add3A_834 : memref<6400xi32, #tpu.memory_space<vmem>>[vector<16xi32>], vector<16xi32>,
      %add3A_838 = arith.addi %mul3A_273, %min3A_376 : vector<16xi32>
      %add3A_839 = arith.constant 111 : i32
      %add3A_840 = vector.broadcast %add3A_839 : i32 to vector<16xi32>
      %add3A_841 = arith.addi %mul3A_393, %add3A_840 : vector<16xi32>
      tpu.vector_store_idx %arg6[%add3A_841], %add3A_838 : memref<6400xi32, #tpu.memory_space<vmem>>[vector<16xi32>], vector<16xi32>,
      %add3A_842 = arith.addi %mul3A_292, %min3A_129 : vector<16xi32>
      %add3A_843 = arith.constant 112 : i32
      %add3A_844 = vector.broadcast %add3A_843 : i32 to vector<16xi32>
      %add3A_845 = arith.addi %mul3A_393, %add3A_844 : vector<16xi32>
      tpu.vector_store_idx %arg6[%add3A_845], %add3A_842 : memref<6400xi32, #tpu.memory_space<vmem>>[vector<16xi32>], vector<16xi32>,
      %add3A_846 = arith.addi %mul3A_292, %min3A_148 : vector<16xi32>
      %add3A_847 = arith.constant 113 : i32
      %add3A_848 = vector.broadcast %add3A_847 : i32 to vector<16xi32>
      %add3A_849 = arith.addi %mul3A_393, %add3A_848 : vector<16xi32>
      tpu.vector_store_idx %arg6[%add3A_849], %add3A_846 : memref<6400xi32, #tpu.memory_space<vmem>>[vector<16xi32>], vector<16xi32>,
      %add3A_850 = arith.addi %mul3A_292, %min3A_167 : vector<16xi32>
      %add3A_851 = arith.constant 114 : i32
      %add3A_852 = vector.broadcast %add3A_851 : i32 to vector<16xi32>
      %add3A_853 = arith.addi %mul3A_393, %add3A_852 : vector<16xi32>
      tpu.vector_store_idx %arg6[%add3A_853], %add3A_850 : memref<6400xi32, #tpu.memory_space<vmem>>[vector<16xi32>], vector<16xi32>,
      %add3A_854 = arith.addi %mul3A_292, %min3A_186 : vector<16xi32>
      %add3A_855 = arith.constant 115 : i32
      %add3A_856 = vector.broadcast %add3A_855 : i32 to vector<16xi32>
      %add3A_857 = arith.addi %mul3A_393, %add3A_856 : vector<16xi32>
      tpu.vector_store_idx %arg6[%add3A_857], %add3A_854 : memref<6400xi32, #tpu.memory_space<vmem>>[vector<16xi32>], vector<16xi32>,
      %add3A_858 = arith.addi %mul3A_292, %min3A_205 : vector<16xi32>
      %add3A_859 = arith.constant 116 : i32
      %add3A_860 = vector.broadcast %add3A_859 : i32 to vector<16xi32>
      %add3A_861 = arith.addi %mul3A_393, %add3A_860 : vector<16xi32>
      tpu.vector_store_idx %arg6[%add3A_861], %add3A_858 : memref<6400xi32, #tpu.memory_space<vmem>>[vector<16xi32>], vector<16xi32>,
      %add3A_862 = arith.addi %mul3A_292, %min3A_224 : vector<16xi32>
      %add3A_863 = arith.constant 117 : i32
      %add3A_864 = vector.broadcast %add3A_863 : i32 to vector<16xi32>
      %add3A_865 = arith.addi %mul3A_393, %add3A_864 : vector<16xi32>
      tpu.vector_store_idx %arg6[%add3A_865], %add3A_862 : memref<6400xi32, #tpu.memory_space<vmem>>[vector<16xi32>], vector<16xi32>,
      %add3A_866 = arith.addi %mul3A_292, %min3A_243 : vector<16xi32>
      %add3A_867 = arith.constant 118 : i32
      %add3A_868 = vector.broadcast %add3A_867 : i32 to vector<16xi32>
      %add3A_869 = arith.addi %mul3A_393, %add3A_868 : vector<16xi32>
      tpu.vector_store_idx %arg6[%add3A_869], %add3A_866 : memref<6400xi32, #tpu.memory_space<vmem>>[vector<16xi32>], vector<16xi32>,
      %add3A_870 = arith.addi %mul3A_292, %min3A_262 : vector<16xi32>
      %add3A_871 = arith.constant 119 : i32
      %add3A_872 = vector.broadcast %add3A_871 : i32 to vector<16xi32>
      %add3A_873 = arith.addi %mul3A_393, %add3A_872 : vector<16xi32>
      tpu.vector_store_idx %arg6[%add3A_873], %add3A_870 : memref<6400xi32, #tpu.memory_space<vmem>>[vector<16xi32>], vector<16xi32>,
      %add3A_874 = arith.addi %mul3A_292, %min3A_281 : vector<16xi32>
      %add3A_875 = arith.constant 120 : i32
      %add3A_876 = vector.broadcast %add3A_875 : i32 to vector<16xi32>
      %add3A_877 = arith.addi %mul3A_393, %add3A_876 : vector<16xi32>
      tpu.vector_store_idx %arg6[%add3A_877], %add3A_874 : memref<6400xi32, #tpu.memory_space<vmem>>[vector<16xi32>], vector<16xi32>,
      %add3A_878 = arith.addi %mul3A_292, %min3A_300 : vector<16xi32>
      %add3A_879 = arith.constant 121 : i32
      %add3A_880 = vector.broadcast %add3A_879 : i32 to vector<16xi32>
      %add3A_881 = arith.addi %mul3A_393, %add3A_880 : vector<16xi32>
      tpu.vector_store_idx %arg6[%add3A_881], %add3A_878 : memref<6400xi32, #tpu.memory_space<vmem>>[vector<16xi32>], vector<16xi32>,
      %add3A_882 = arith.addi %mul3A_292, %min3A_319 : vector<16xi32>
      %add3A_883 = arith.constant 122 : i32
      %add3A_884 = vector.broadcast %add3A_883 : i32 to vector<16xi32>
      %add3A_885 = arith.addi %mul3A_393, %add3A_884 : vector<16xi32>
      tpu.vector_store_idx %arg6[%add3A_885], %add3A_882 : memref<6400xi32, #tpu.memory_space<vmem>>[vector<16xi32>], vector<16xi32>,
      %add3A_886 = arith.addi %mul3A_292, %min3A_338 : vector<16xi32>
      %add3A_887 = arith.constant 123 : i32
      %add3A_888 = vector.broadcast %add3A_887 : i32 to vector<16xi32>
      %add3A_889 = arith.addi %mul3A_393, %add3A_888 : vector<16xi32>
      tpu.vector_store_idx %arg6[%add3A_889], %add3A_886 : memref<6400xi32, #tpu.memory_space<vmem>>[vector<16xi32>], vector<16xi32>,
      %add3A_890 = arith.addi %mul3A_292, %min3A_357 : vector<16xi32>
      %add3A_891 = arith.constant 124 : i32
      %add3A_892 = vector.broadcast %add3A_891 : i32 to vector<16xi32>
      %add3A_893 = arith.addi %mul3A_393, %add3A_892 : vector<16xi32>
      tpu.vector_store_idx %arg6[%add3A_893], %add3A_890 : memref<6400xi32, #tpu.memory_space<vmem>>[vector<16xi32>], vector<16xi32>,
      %add3A_894 = arith.addi %mul3A_292, %min3A_376 : vector<16xi32>
      %add3A_895 = arith.constant 125 : i32
      %add3A_896 = vector.broadcast %add3A_895 : i32 to vector<16xi32>
      %add3A_897 = arith.addi %mul3A_393, %add3A_896 : vector<16xi32>
      tpu.vector_store_idx %arg6[%add3A_897], %add3A_894 : memref<6400xi32, #tpu.memory_space<vmem>>[vector<16xi32>], vector<16xi32>,
      %add3A_898 = arith.addi %mul3A_311, %min3A_129 : vector<16xi32>
      %add3A_899 = arith.constant 126 : i32
      %add3A_900 = vector.broadcast %add3A_899 : i32 to vector<16xi32>
      %add3A_901 = arith.addi %mul3A_393, %add3A_900 : vector<16xi32>
      tpu.vector_store_idx %arg6[%add3A_901], %add3A_898 : memref<6400xi32, #tpu.memory_space<vmem>>[vector<16xi32>], vector<16xi32>,
      %add3A_902 = arith.addi %mul3A_311, %min3A_148 : vector<16xi32>
      %add3A_903 = arith.constant 127 : i32
      %add3A_904 = vector.broadcast %add3A_903 : i32 to vector<16xi32>
      %add3A_905 = arith.addi %mul3A_393, %add3A_904 : vector<16xi32>
      tpu.vector_store_idx %arg6[%add3A_905], %add3A_902 : memref<6400xi32, #tpu.memory_space<vmem>>[vector<16xi32>], vector<16xi32>,
      %add3A_906 = arith.addi %mul3A_311, %min3A_167 : vector<16xi32>
      %add3A_907 = arith.constant 128 : i32
      %add3A_908 = vector.broadcast %add3A_907 : i32 to vector<16xi32>
      %add3A_909 = arith.addi %mul3A_393, %add3A_908 : vector<16xi32>
      tpu.vector_store_idx %arg6[%add3A_909], %add3A_906 : memref<6400xi32, #tpu.memory_space<vmem>>[vector<16xi32>], vector<16xi32>,
      %add3A_910 = arith.addi %mul3A_311, %min3A_186 : vector<16xi32>
      %add3A_911 = arith.constant 129 : i32
      %add3A_912 = vector.broadcast %add3A_911 : i32 to vector<16xi32>
      %add3A_913 = arith.addi %mul3A_393, %add3A_912 : vector<16xi32>
      tpu.vector_store_idx %arg6[%add3A_913], %add3A_910 : memref<6400xi32, #tpu.memory_space<vmem>>[vector<16xi32>], vector<16xi32>,
      %add3A_914 = arith.addi %mul3A_311, %min3A_205 : vector<16xi32>
      %add3A_915 = arith.constant 130 : i32
      %add3A_916 = vector.broadcast %add3A_915 : i32 to vector<16xi32>
      %add3A_917 = arith.addi %mul3A_393, %add3A_916 : vector<16xi32>
      tpu.vector_store_idx %arg6[%add3A_917], %add3A_914 : memref<6400xi32, #tpu.memory_space<vmem>>[vector<16xi32>], vector<16xi32>,
      %add3A_918 = arith.addi %mul3A_311, %min3A_224 : vector<16xi32>
      %add3A_919 = arith.constant 131 : i32
      %add3A_920 = vector.broadcast %add3A_919 : i32 to vector<16xi32>
      %add3A_921 = arith.addi %mul3A_393, %add3A_920 : vector<16xi32>
      tpu.vector_store_idx %arg6[%add3A_921], %add3A_918 : memref<6400xi32, #tpu.memory_space<vmem>>[vector<16xi32>], vector<16xi32>,
      %add3A_922 = arith.addi %mul3A_311, %min3A_243 : vector<16xi32>
      %add3A_923 = arith.constant 132 : i32
      %add3A_924 = vector.broadcast %add3A_923 : i32 to vector<16xi32>
      %add3A_925 = arith.addi %mul3A_393, %add3A_924 : vector<16xi32>
      tpu.vector_store_idx %arg6[%add3A_925], %add3A_922 : memref<6400xi32, #tpu.memory_space<vmem>>[vector<16xi32>], vector<16xi32>,
      %add3A_926 = arith.addi %mul3A_311, %min3A_262 : vector<16xi32>
      %add3A_927 = arith.constant 133 : i32
      %add3A_928 = vector.broadcast %add3A_927 : i32 to vector<16xi32>
      %add3A_929 = arith.addi %mul3A_393, %add3A_928 : vector<16xi32>
      tpu.vector_store_idx %arg6[%add3A_929], %add3A_926 : memref<6400xi32, #tpu.memory_space<vmem>>[vector<16xi32>], vector<16xi32>,
      %add3A_930 = arith.addi %mul3A_311, %min3A_281 : vector<16xi32>
      %add3A_931 = arith.constant 134 : i32
      %add3A_932 = vector.broadcast %add3A_931 : i32 to vector<16xi32>
      %add3A_933 = arith.addi %mul3A_393, %add3A_932 : vector<16xi32>
      tpu.vector_store_idx %arg6[%add3A_933], %add3A_930 : memref<6400xi32, #tpu.memory_space<vmem>>[vector<16xi32>], vector<16xi32>,
      %add3A_934 = arith.addi %mul3A_311, %min3A_300 : vector<16xi32>
      %add3A_935 = arith.constant 135 : i32
      %add3A_936 = vector.broadcast %add3A_935 : i32 to vector<16xi32>
      %add3A_937 = arith.addi %mul3A_393, %add3A_936 : vector<16xi32>
      tpu.vector_store_idx %arg6[%add3A_937], %add3A_934 : memref<6400xi32, #tpu.memory_space<vmem>>[vector<16xi32>], vector<16xi32>,
      %add3A_938 = arith.addi %mul3A_311, %min3A_319 : vector<16xi32>
      %add3A_939 = arith.constant 136 : i32
      %add3A_940 = vector.broadcast %add3A_939 : i32 to vector<16xi32>
      %add3A_941 = arith.addi %mul3A_393, %add3A_940 : vector<16xi32>
      tpu.vector_store_idx %arg6[%add3A_941], %add3A_938 : memref<6400xi32, #tpu.memory_space<vmem>>[vector<16xi32>], vector<16xi32>,
      %add3A_942 = arith.addi %mul3A_311, %min3A_338 : vector<16xi32>
      %add3A_943 = arith.constant 137 : i32
      %add3A_944 = vector.broadcast %add3A_943 : i32 to vector<16xi32>
      %add3A_945 = arith.addi %mul3A_393, %add3A_944 : vector<16xi32>
      tpu.vector_store_idx %arg6[%add3A_945], %add3A_942 : memref<6400xi32, #tpu.memory_space<vmem>>[vector<16xi32>], vector<16xi32>,
      %add3A_946 = arith.addi %mul3A_311, %min3A_357 : vector<16xi32>
      %add3A_947 = arith.constant 138 : i32
      %add3A_948 = vector.broadcast %add3A_947 : i32 to vector<16xi32>
      %add3A_949 = arith.addi %mul3A_393, %add3A_948 : vector<16xi32>
      tpu.vector_store_idx %arg6[%add3A_949], %add3A_946 : memref<6400xi32, #tpu.memory_space<vmem>>[vector<16xi32>], vector<16xi32>,
      %add3A_950 = arith.addi %mul3A_311, %min3A_376 : vector<16xi32>
      %add3A_951 = arith.constant 139 : i32
      %add3A_952 = vector.broadcast %add3A_951 : i32 to vector<16xi32>
      %add3A_953 = arith.addi %mul3A_393, %add3A_952 : vector<16xi32>
      tpu.vector_store_idx %arg6[%add3A_953], %add3A_950 : memref<6400xi32, #tpu.memory_space<vmem>>[vector<16xi32>], vector<16xi32>,
      %add3A_954 = arith.addi %mul3A_330, %min3A_129 : vector<16xi32>
      %add3A_955 = arith.constant 140 : i32
      %add3A_956 = vector.broadcast %add3A_955 : i32 to vector<16xi32>
      %add3A_957 = arith.addi %mul3A_393, %add3A_956 : vector<16xi32>
      tpu.vector_store_idx %arg6[%add3A_957], %add3A_954 : memref<6400xi32, #tpu.memory_space<vmem>>[vector<16xi32>], vector<16xi32>,
      %add3A_958 = arith.addi %mul3A_330, %min3A_148 : vector<16xi32>
      %add3A_959 = arith.constant 141 : i32
      %add3A_960 = vector.broadcast %add3A_959 : i32 to vector<16xi32>
      %add3A_961 = arith.addi %mul3A_393, %add3A_960 : vector<16xi32>
      tpu.vector_store_idx %arg6[%add3A_961], %add3A_958 : memref<6400xi32, #tpu.memory_space<vmem>>[vector<16xi32>], vector<16xi32>,
      %add3A_962 = arith.addi %mul3A_330, %min3A_167 : vector<16xi32>
      %add3A_963 = arith.constant 142 : i32
      %add3A_964 = vector.broadcast %add3A_963 : i32 to vector<16xi32>
      %add3A_965 = arith.addi %mul3A_393, %add3A_964 : vector<16xi32>
      tpu.vector_store_idx %arg6[%add3A_965], %add3A_962 : memref<6400xi32, #tpu.memory_space<vmem>>[vector<16xi32>], vector<16xi32>,
      %add3A_966 = arith.addi %mul3A_330, %min3A_186 : vector<16xi32>
      %add3A_967 = arith.constant 143 : i32
      %add3A_968 = vector.broadcast %add3A_967 : i32 to vector<16xi32>
      %add3A_969 = arith.addi %mul3A_393, %add3A_968 : vector<16xi32>
      tpu.vector_store_idx %arg6[%add3A_969], %add3A_966 : memref<6400xi32, #tpu.memory_space<vmem>>[vector<16xi32>], vector<16xi32>,
      %add3A_970 = arith.addi %mul3A_330, %min3A_205 : vector<16xi32>
      %add3A_971 = arith.constant 144 : i32
      %add3A_972 = vector.broadcast %add3A_971 : i32 to vector<16xi32>
      %add3A_973 = arith.addi %mul3A_393, %add3A_972 : vector<16xi32>
      tpu.vector_store_idx %arg6[%add3A_973], %add3A_970 : memref<6400xi32, #tpu.memory_space<vmem>>[vector<16xi32>], vector<16xi32>,
      %add3A_974 = arith.addi %mul3A_330, %min3A_224 : vector<16xi32>
      %add3A_975 = arith.constant 145 : i32
      %add3A_976 = vector.broadcast %add3A_975 : i32 to vector<16xi32>
      %add3A_977 = arith.addi %mul3A_393, %add3A_976 : vector<16xi32>
      tpu.vector_store_idx %arg6[%add3A_977], %add3A_974 : memref<6400xi32, #tpu.memory_space<vmem>>[vector<16xi32>], vector<16xi32>,
      %add3A_978 = arith.addi %mul3A_330, %min3A_243 : vector<16xi32>
      %add3A_979 = arith.constant 146 : i32
      %add3A_980 = vector.broadcast %add3A_979 : i32 to vector<16xi32>
      %add3A_981 = arith.addi %mul3A_393, %add3A_980 : vector<16xi32>
      tpu.vector_store_idx %arg6[%add3A_981], %add3A_978 : memref<6400xi32, #tpu.memory_space<vmem>>[vector<16xi32>], vector<16xi32>,
      %add3A_982 = arith.addi %mul3A_330, %min3A_262 : vector<16xi32>
      %add3A_983 = arith.constant 147 : i32
      %add3A_984 = vector.broadcast %add3A_983 : i32 to vector<16xi32>
      %add3A_985 = arith.addi %mul3A_393, %add3A_984 : vector<16xi32>
      tpu.vector_store_idx %arg6[%add3A_985], %add3A_982 : memref<6400xi32, #tpu.memory_space<vmem>>[vector<16xi32>], vector<16xi32>,
      %add3A_986 = arith.addi %mul3A_330, %min3A_281 : vector<16xi32>
      %add3A_987 = arith.constant 148 : i32
      %add3A_988 = vector.broadcast %add3A_987 : i32 to vector<16xi32>
      %add3A_989 = arith.addi %mul3A_393, %add3A_988 : vector<16xi32>
      tpu.vector_store_idx %arg6[%add3A_989], %add3A_986 : memref<6400xi32, #tpu.memory_space<vmem>>[vector<16xi32>], vector<16xi32>,
      %add3A_990 = arith.addi %mul3A_330, %min3A_300 : vector<16xi32>
      %add3A_991 = arith.constant 149 : i32
      %add3A_992 = vector.broadcast %add3A_991 : i32 to vector<16xi32>
      %add3A_993 = arith.addi %mul3A_393, %add3A_992 : vector<16xi32>
      tpu.vector_store_idx %arg6[%add3A_993], %add3A_990 : memref<6400xi32, #tpu.memory_space<vmem>>[vector<16xi32>], vector<16xi32>,
      %add3A_994 = arith.addi %mul3A_330, %min3A_319 : vector<16xi32>
      %add3A_995 = arith.constant 150 : i32
      %add3A_996 = vector.broadcast %add3A_995 : i32 to vector<16xi32>
      %add3A_997 = arith.addi %mul3A_393, %add3A_996 : vector<16xi32>
      tpu.vector_store_idx %arg6[%add3A_997], %add3A_994 : memref<6400xi32, #tpu.memory_space<vmem>>[vector<16xi32>], vector<16xi32>,
      %add3A_998 = arith.addi %mul3A_330, %min3A_338 : vector<16xi32>
      %add3A_999 = arith.constant 151 : i32
      %add3A_1000 = vector.broadcast %add3A_999 : i32 to vector<16xi32>
      %add3A_1001 = arith.addi %mul3A_393, %add3A_1000 : vector<16xi32>
      tpu.vector_store_idx %arg6[%add3A_1001], %add3A_998 : memref<6400xi32, #tpu.memory_space<vmem>>[vector<16xi32>], vector<16xi32>,
      %add3A_1002 = arith.addi %mul3A_330, %min3A_357 : vector<16xi32>
      %add3A_1003 = arith.constant 152 : i32
      %add3A_1004 = vector.broadcast %add3A_1003 : i32 to vector<16xi32>
      %add3A_1005 = arith.addi %mul3A_393, %add3A_1004 : vector<16xi32>
      tpu.vector_store_idx %arg6[%add3A_1005], %add3A_1002 : memref<6400xi32, #tpu.memory_space<vmem>>[vector<16xi32>], vector<16xi32>,
      %add3A_1006 = arith.addi %mul3A_330, %min3A_376 : vector<16xi32>
      %add3A_1007 = arith.constant 153 : i32
      %add3A_1008 = vector.broadcast %add3A_1007 : i32 to vector<16xi32>
      %add3A_1009 = arith.addi %mul3A_393, %add3A_1008 : vector<16xi32>
      tpu.vector_store_idx %arg6[%add3A_1009], %add3A_1006 : memref<6400xi32, #tpu.memory_space<vmem>>[vector<16xi32>], vector<16xi32>,
      %add3A_1010 = arith.addi %mul3A_349, %min3A_129 : vector<16xi32>
      %add3A_1011 = arith.constant 154 : i32
      %add3A_1012 = vector.broadcast %add3A_1011 : i32 to vector<16xi32>
      %add3A_1013 = arith.addi %mul3A_393, %add3A_1012 : vector<16xi32>
      tpu.vector_store_idx %arg6[%add3A_1013], %add3A_1010 : memref<6400xi32, #tpu.memory_space<vmem>>[vector<16xi32>], vector<16xi32>,
      %add3A_1014 = arith.addi %mul3A_349, %min3A_148 : vector<16xi32>
      %add3A_1015 = arith.constant 155 : i32
      %add3A_1016 = vector.broadcast %add3A_1015 : i32 to vector<16xi32>
      %add3A_1017 = arith.addi %mul3A_393, %add3A_1016 : vector<16xi32>
      tpu.vector_store_idx %arg6[%add3A_1017], %add3A_1014 : memref<6400xi32, #tpu.memory_space<vmem>>[vector<16xi32>], vector<16xi32>,
      %add3A_1018 = arith.addi %mul3A_349, %min3A_167 : vector<16xi32>
      %add3A_1019 = arith.constant 156 : i32
      %add3A_1020 = vector.broadcast %add3A_1019 : i32 to vector<16xi32>
      %add3A_1021 = arith.addi %mul3A_393, %add3A_1020 : vector<16xi32>
      tpu.vector_store_idx %arg6[%add3A_1021], %add3A_1018 : memref<6400xi32, #tpu.memory_space<vmem>>[vector<16xi32>], vector<16xi32>,
      %add3A_1022 = arith.addi %mul3A_349, %min3A_186 : vector<16xi32>
      %add3A_1023 = arith.constant 157 : i32
      %add3A_1024 = vector.broadcast %add3A_1023 : i32 to vector<16xi32>
      %add3A_1025 = arith.addi %mul3A_393, %add3A_1024 : vector<16xi32>
      tpu.vector_store_idx %arg6[%add3A_1025], %add3A_1022 : memref<6400xi32, #tpu.memory_space<vmem>>[vector<16xi32>], vector<16xi32>,
      %add3A_1026 = arith.addi %mul3A_349, %min3A_205 : vector<16xi32>
      %add3A_1027 = arith.constant 158 : i32
      %add3A_1028 = vector.broadcast %add3A_1027 : i32 to vector<16xi32>
      %add3A_1029 = arith.addi %mul3A_393, %add3A_1028 : vector<16xi32>
      tpu.vector_store_idx %arg6[%add3A_1029], %add3A_1026 : memref<6400xi32, #tpu.memory_space<vmem>>[vector<16xi32>], vector<16xi32>,
      %add3A_1030 = arith.addi %mul3A_349, %min3A_224 : vector<16xi32>
      %add3A_1031 = arith.constant 159 : i32
      %add3A_1032 = vector.broadcast %add3A_1031 : i32 to vector<16xi32>
      %add3A_1033 = arith.addi %mul3A_393, %add3A_1032 : vector<16xi32>
      tpu.vector_store_idx %arg6[%add3A_1033], %add3A_1030 : memref<6400xi32, #tpu.memory_space<vmem>>[vector<16xi32>], vector<16xi32>,
      %add3A_1034 = arith.addi %mul3A_349, %min3A_243 : vector<16xi32>
      %add3A_1035 = arith.constant 160 : i32
      %add3A_1036 = vector.broadcast %add3A_1035 : i32 to vector<16xi32>
      %add3A_1037 = arith.addi %mul3A_393, %add3A_1036 : vector<16xi32>
      tpu.vector_store_idx %arg6[%add3A_1037], %add3A_1034 : memref<6400xi32, #tpu.memory_space<vmem>>[vector<16xi32>], vector<16xi32>,
      %add3A_1038 = arith.addi %mul3A_349, %min3A_262 : vector<16xi32>
      %add3A_1039 = arith.constant 161 : i32
      %add3A_1040 = vector.broadcast %add3A_1039 : i32 to vector<16xi32>
      %add3A_1041 = arith.addi %mul3A_393, %add3A_1040 : vector<16xi32>
      tpu.vector_store_idx %arg6[%add3A_1041], %add3A_1038 : memref<6400xi32, #tpu.memory_space<vmem>>[vector<16xi32>], vector<16xi32>,
      %add3A_1042 = arith.addi %mul3A_349, %min3A_281 : vector<16xi32>
      %add3A_1043 = arith.constant 162 : i32
      %add3A_1044 = vector.broadcast %add3A_1043 : i32 to vector<16xi32>
      %add3A_1045 = arith.addi %mul3A_393, %add3A_1044 : vector<16xi32>
      tpu.vector_store_idx %arg6[%add3A_1045], %add3A_1042 : memref<6400xi32, #tpu.memory_space<vmem>>[vector<16xi32>], vector<16xi32>,
      %add3A_1046 = arith.addi %mul3A_349, %min3A_300 : vector<16xi32>
      %add3A_1047 = arith.constant 163 : i32
      %add3A_1048 = vector.broadcast %add3A_1047 : i32 to vector<16xi32>
      %add3A_1049 = arith.addi %mul3A_393, %add3A_1048 : vector<16xi32>
      tpu.vector_store_idx %arg6[%add3A_1049], %add3A_1046 : memref<6400xi32, #tpu.memory_space<vmem>>[vector<16xi32>], vector<16xi32>,
      %add3A_1050 = arith.addi %mul3A_349, %min3A_319 : vector<16xi32>
      %add3A_1051 = arith.constant 164 : i32
      %add3A_1052 = vector.broadcast %add3A_1051 : i32 to vector<16xi32>
      %add3A_1053 = arith.addi %mul3A_393, %add3A_1052 : vector<16xi32>
      tpu.vector_store_idx %arg6[%add3A_1053], %add3A_1050 : memref<6400xi32, #tpu.memory_space<vmem>>[vector<16xi32>], vector<16xi32>,
      %add3A_1054 = arith.addi %mul3A_349, %min3A_338 : vector<16xi32>
      %add3A_1055 = arith.constant 165 : i32
      %add3A_1056 = vector.broadcast %add3A_1055 : i32 to vector<16xi32>
      %add3A_1057 = arith.addi %mul3A_393, %add3A_1056 : vector<16xi32>
      tpu.vector_store_idx %arg6[%add3A_1057], %add3A_1054 : memref<6400xi32, #tpu.memory_space<vmem>>[vector<16xi32>], vector<16xi32>,
      %add3A_1058 = arith.addi %mul3A_349, %min3A_357 : vector<16xi32>
      %add3A_1059 = arith.constant 166 : i32
      %add3A_1060 = vector.broadcast %add3A_1059 : i32 to vector<16xi32>
      %add3A_1061 = arith.addi %mul3A_393, %add3A_1060 : vector<16xi32>
      tpu.vector_store_idx %arg6[%add3A_1061], %add3A_1058 : memref<6400xi32, #tpu.memory_space<vmem>>[vector<16xi32>], vector<16xi32>,
      %add3A_1062 = arith.addi %mul3A_349, %min3A_376 : vector<16xi32>
      %add3A_1063 = arith.constant 167 : i32
      %add3A_1064 = vector.broadcast %add3A_1063 : i32 to vector<16xi32>
      %add3A_1065 = arith.addi %mul3A_393, %add3A_1064 : vector<16xi32>
      tpu.vector_store_idx %arg6[%add3A_1065], %add3A_1062 : memref<6400xi32, #tpu.memory_space<vmem>>[vector<16xi32>], vector<16xi32>,
      %add3A_1066 = arith.addi %mul3A_368, %min3A_129 : vector<16xi32>
      %add3A_1067 = arith.constant 168 : i32
      %add3A_1068 = vector.broadcast %add3A_1067 : i32 to vector<16xi32>
      %add3A_1069 = arith.addi %mul3A_393, %add3A_1068 : vector<16xi32>
      tpu.vector_store_idx %arg6[%add3A_1069], %add3A_1066 : memref<6400xi32, #tpu.memory_space<vmem>>[vector<16xi32>], vector<16xi32>,
      %add3A_1070 = arith.addi %mul3A_368, %min3A_148 : vector<16xi32>
      %add3A_1071 = arith.constant 169 : i32
      %add3A_1072 = vector.broadcast %add3A_1071 : i32 to vector<16xi32>
      %add3A_1073 = arith.addi %mul3A_393, %add3A_1072 : vector<16xi32>
      tpu.vector_store_idx %arg6[%add3A_1073], %add3A_1070 : memref<6400xi32, #tpu.memory_space<vmem>>[vector<16xi32>], vector<16xi32>,
      %add3A_1074 = arith.addi %mul3A_368, %min3A_167 : vector<16xi32>
      %add3A_1075 = arith.constant 170 : i32
      %add3A_1076 = vector.broadcast %add3A_1075 : i32 to vector<16xi32>
      %add3A_1077 = arith.addi %mul3A_393, %add3A_1076 : vector<16xi32>
      tpu.vector_store_idx %arg6[%add3A_1077], %add3A_1074 : memref<6400xi32, #tpu.memory_space<vmem>>[vector<16xi32>], vector<16xi32>,
      %add3A_1078 = arith.addi %mul3A_368, %min3A_186 : vector<16xi32>
      %add3A_1079 = arith.constant 171 : i32
      %add3A_1080 = vector.broadcast %add3A_1079 : i32 to vector<16xi32>
      %add3A_1081 = arith.addi %mul3A_393, %add3A_1080 : vector<16xi32>
      tpu.vector_store_idx %arg6[%add3A_1081], %add3A_1078 : memref<6400xi32, #tpu.memory_space<vmem>>[vector<16xi32>], vector<16xi32>,
      %add3A_1082 = arith.addi %mul3A_368, %min3A_205 : vector<16xi32>
      %add3A_1083 = arith.constant 172 : i32
      %add3A_1084 = vector.broadcast %add3A_1083 : i32 to vector<16xi32>
      %add3A_1085 = arith.addi %mul3A_393, %add3A_1084 : vector<16xi32>
      tpu.vector_store_idx %arg6[%add3A_1085], %add3A_1082 : memref<6400xi32, #tpu.memory_space<vmem>>[vector<16xi32>], vector<16xi32>,
      %add3A_1086 = arith.addi %mul3A_368, %min3A_224 : vector<16xi32>
      %add3A_1087 = arith.constant 173 : i32
      %add3A_1088 = vector.broadcast %add3A_1087 : i32 to vector<16xi32>
      %add3A_1089 = arith.addi %mul3A_393, %add3A_1088 : vector<16xi32>
      tpu.vector_store_idx %arg6[%add3A_1089], %add3A_1086 : memref<6400xi32, #tpu.memory_space<vmem>>[vector<16xi32>], vector<16xi32>,
      %add3A_1090 = arith.addi %mul3A_368, %min3A_243 : vector<16xi32>
      %add3A_1091 = arith.constant 174 : i32
      %add3A_1092 = vector.broadcast %add3A_1091 : i32 to vector<16xi32>
      %add3A_1093 = arith.addi %mul3A_393, %add3A_1092 : vector<16xi32>
      tpu.vector_store_idx %arg6[%add3A_1093], %add3A_1090 : memref<6400xi32, #tpu.memory_space<vmem>>[vector<16xi32>], vector<16xi32>,
      %add3A_1094 = arith.addi %mul3A_368, %min3A_262 : vector<16xi32>
      %add3A_1095 = arith.constant 175 : i32
      %add3A_1096 = vector.broadcast %add3A_1095 : i32 to vector<16xi32>
      %add3A_1097 = arith.addi %mul3A_393, %add3A_1096 : vector<16xi32>
      tpu.vector_store_idx %arg6[%add3A_1097], %add3A_1094 : memref<6400xi32, #tpu.memory_space<vmem>>[vector<16xi32>], vector<16xi32>,
      %add3A_1098 = arith.addi %mul3A_368, %min3A_281 : vector<16xi32>
      %add3A_1099 = arith.constant 176 : i32
      %add3A_1100 = vector.broadcast %add3A_1099 : i32 to vector<16xi32>
      %add3A_1101 = arith.addi %mul3A_393, %add3A_1100 : vector<16xi32>
      tpu.vector_store_idx %arg6[%add3A_1101], %add3A_1098 : memref<6400xi32, #tpu.memory_space<vmem>>[vector<16xi32>], vector<16xi32>,
      %add3A_1102 = arith.addi %mul3A_368, %min3A_300 : vector<16xi32>
      %add3A_1103 = arith.constant 177 : i32
      %add3A_1104 = vector.broadcast %add3A_1103 : i32 to vector<16xi32>
      %add3A_1105 = arith.addi %mul3A_393, %add3A_1104 : vector<16xi32>
      tpu.vector_store_idx %arg6[%add3A_1105], %add3A_1102 : memref<6400xi32, #tpu.memory_space<vmem>>[vector<16xi32>], vector<16xi32>,
      %add3A_1106 = arith.addi %mul3A_368, %min3A_319 : vector<16xi32>
      %add3A_1107 = arith.constant 178 : i32
      %add3A_1108 = vector.broadcast %add3A_1107 : i32 to vector<16xi32>
      %add3A_1109 = arith.addi %mul3A_393, %add3A_1108 : vector<16xi32>
      tpu.vector_store_idx %arg6[%add3A_1109], %add3A_1106 : memref<6400xi32, #tpu.memory_space<vmem>>[vector<16xi32>], vector<16xi32>,
      %add3A_1110 = arith.addi %mul3A_368, %min3A_338 : vector<16xi32>
      %add3A_1111 = arith.constant 179 : i32
      %add3A_1112 = vector.broadcast %add3A_1111 : i32 to vector<16xi32>
      %add3A_1113 = arith.addi %mul3A_393, %add3A_1112 : vector<16xi32>
      tpu.vector_store_idx %arg6[%add3A_1113], %add3A_1110 : memref<6400xi32, #tpu.memory_space<vmem>>[vector<16xi32>], vector<16xi32>,
      %add3A_1114 = arith.addi %mul3A_368, %min3A_357 : vector<16xi32>
      %add3A_1115 = arith.constant 180 : i32
      %add3A_1116 = vector.broadcast %add3A_1115 : i32 to vector<16xi32>
      %add3A_1117 = arith.addi %mul3A_393, %add3A_1116 : vector<16xi32>
      tpu.vector_store_idx %arg6[%add3A_1117], %add3A_1114 : memref<6400xi32, #tpu.memory_space<vmem>>[vector<16xi32>], vector<16xi32>,
      %add3A_1118 = arith.addi %mul3A_368, %min3A_376 : vector<16xi32>
      %add3A_1119 = arith.constant 181 : i32
      %add3A_1120 = vector.broadcast %add3A_1119 : i32 to vector<16xi32>
      %add3A_1121 = arith.addi %mul3A_393, %add3A_1120 : vector<16xi32>
      tpu.vector_store_idx %arg6[%add3A_1121], %add3A_1118 : memref<6400xi32, #tpu.memory_space<vmem>>[vector<16xi32>], vector<16xi32>,
      %add3A_1122 = arith.addi %mul3A_387, %min3A_129 : vector<16xi32>
      %add3A_1123 = arith.constant 182 : i32
      %add3A_1124 = vector.broadcast %add3A_1123 : i32 to vector<16xi32>
      %add3A_1125 = arith.addi %mul3A_393, %add3A_1124 : vector<16xi32>
      tpu.vector_store_idx %arg6[%add3A_1125], %add3A_1122 : memref<6400xi32, #tpu.memory_space<vmem>>[vector<16xi32>], vector<16xi32>,
      %add3A_1126 = arith.addi %mul3A_387, %min3A_148 : vector<16xi32>
      %add3A_1127 = arith.constant 183 : i32
      %add3A_1128 = vector.broadcast %add3A_1127 : i32 to vector<16xi32>
      %add3A_1129 = arith.addi %mul3A_393, %add3A_1128 : vector<16xi32>
      tpu.vector_store_idx %arg6[%add3A_1129], %add3A_1126 : memref<6400xi32, #tpu.memory_space<vmem>>[vector<16xi32>], vector<16xi32>,
      %add3A_1130 = arith.addi %mul3A_387, %min3A_167 : vector<16xi32>
      %add3A_1131 = arith.constant 184 : i32
      %add3A_1132 = vector.broadcast %add3A_1131 : i32 to vector<16xi32>
      %add3A_1133 = arith.addi %mul3A_393, %add3A_1132 : vector<16xi32>
      tpu.vector_store_idx %arg6[%add3A_1133], %add3A_1130 : memref<6400xi32, #tpu.memory_space<vmem>>[vector<16xi32>], vector<16xi32>,
      %add3A_1134 = arith.addi %mul3A_387, %min3A_186 : vector<16xi32>
      %add3A_1135 = arith.constant 185 : i32
      %add3A_1136 = vector.broadcast %add3A_1135 : i32 to vector<16xi32>
      %add3A_1137 = arith.addi %mul3A_393, %add3A_1136 : vector<16xi32>
      tpu.vector_store_idx %arg6[%add3A_1137], %add3A_1134 : memref<6400xi32, #tpu.memory_space<vmem>>[vector<16xi32>], vector<16xi32>,
      %add3A_1138 = arith.addi %mul3A_387, %min3A_205 : vector<16xi32>
      %add3A_1139 = arith.constant 186 : i32
      %add3A_1140 = vector.broadcast %add3A_1139 : i32 to vector<16xi32>
      %add3A_1141 = arith.addi %mul3A_393, %add3A_1140 : vector<16xi32>
      tpu.vector_store_idx %arg6[%add3A_1141], %add3A_1138 : memref<6400xi32, #tpu.memory_space<vmem>>[vector<16xi32>], vector<16xi32>,
      %add3A_1142 = arith.addi %mul3A_387, %min3A_224 : vector<16xi32>
      %add3A_1143 = arith.constant 187 : i32
      %add3A_1144 = vector.broadcast %add3A_1143 : i32 to vector<16xi32>
      %add3A_1145 = arith.addi %mul3A_393, %add3A_1144 : vector<16xi32>
      tpu.vector_store_idx %arg6[%add3A_1145], %add3A_1142 : memref<6400xi32, #tpu.memory_space<vmem>>[vector<16xi32>], vector<16xi32>,
      %add3A_1146 = arith.addi %mul3A_387, %min3A_243 : vector<16xi32>
      %add3A_1147 = arith.constant 188 : i32
      %add3A_1148 = vector.broadcast %add3A_1147 : i32 to vector<16xi32>
      %add3A_1149 = arith.addi %mul3A_393, %add3A_1148 : vector<16xi32>
      tpu.vector_store_idx %arg6[%add3A_1149], %add3A_1146 : memref<6400xi32, #tpu.memory_space<vmem>>[vector<16xi32>], vector<16xi32>,
      %add3A_1150 = arith.addi %mul3A_387, %min3A_262 : vector<16xi32>
      %add3A_1151 = arith.constant 189 : i32
      %add3A_1152 = vector.broadcast %add3A_1151 : i32 to vector<16xi32>
      %add3A_1153 = arith.addi %mul3A_393, %add3A_1152 : vector<16xi32>
      tpu.vector_store_idx %arg6[%add3A_1153], %add3A_1150 : memref<6400xi32, #tpu.memory_space<vmem>>[vector<16xi32>], vector<16xi32>,
      %add3A_1154 = arith.addi %mul3A_387, %min3A_281 : vector<16xi32>
      %add3A_1155 = arith.constant 190 : i32
      %add3A_1156 = vector.broadcast %add3A_1155 : i32 to vector<16xi32>
      %add3A_1157 = arith.addi %mul3A_393, %add3A_1156 : vector<16xi32>
      tpu.vector_store_idx %arg6[%add3A_1157], %add3A_1154 : memref<6400xi32, #tpu.memory_space<vmem>>[vector<16xi32>], vector<16xi32>,
      %add3A_1158 = arith.addi %mul3A_387, %min3A_300 : vector<16xi32>
      %add3A_1159 = arith.constant 191 : i32
      %add3A_1160 = vector.broadcast %add3A_1159 : i32 to vector<16xi32>
      %add3A_1161 = arith.addi %mul3A_393, %add3A_1160 : vector<16xi32>
      tpu.vector_store_idx %arg6[%add3A_1161], %add3A_1158 : memref<6400xi32, #tpu.memory_space<vmem>>[vector<16xi32>], vector<16xi32>,
      %add3A_1162 = arith.addi %mul3A_387, %min3A_319 : vector<16xi32>
      %add3A_1163 = arith.constant 192 : i32
      %add3A_1164 = vector.broadcast %add3A_1163 : i32 to vector<16xi32>
      %add3A_1165 = arith.addi %mul3A_393, %add3A_1164 : vector<16xi32>
      tpu.vector_store_idx %arg6[%add3A_1165], %add3A_1162 : memref<6400xi32, #tpu.memory_space<vmem>>[vector<16xi32>], vector<16xi32>,
      %add3A_1166 = arith.addi %mul3A_387, %min3A_338 : vector<16xi32>
      %add3A_1167 = arith.constant 193 : i32
      %add3A_1168 = vector.broadcast %add3A_1167 : i32 to vector<16xi32>
      %add3A_1169 = arith.addi %mul3A_393, %add3A_1168 : vector<16xi32>
      tpu.vector_store_idx %arg6[%add3A_1169], %add3A_1166 : memref<6400xi32, #tpu.memory_space<vmem>>[vector<16xi32>], vector<16xi32>,
      %add3A_1170 = arith.addi %mul3A_387, %min3A_357 : vector<16xi32>
      %add3A_1171 = arith.constant 194 : i32
      %add3A_1172 = vector.broadcast %add3A_1171 : i32 to vector<16xi32>
      %add3A_1173 = arith.addi %mul3A_393, %add3A_1172 : vector<16xi32>
      tpu.vector_store_idx %arg6[%add3A_1173], %add3A_1170 : memref<6400xi32, #tpu.memory_space<vmem>>[vector<16xi32>], vector<16xi32>,
      %add3A_1174 = arith.addi %mul3A_387, %min3A_376 : vector<16xi32>
      %add3A_1175 = arith.constant 195 : i32
      %add3A_1176 = vector.broadcast %add3A_1175 : i32 to vector<16xi32>
      %add3A_1177 = arith.addi %mul3A_393, %add3A_1176 : vector<16xi32>
      tpu.vector_store_idx %arg6[%add3A_1177], %add3A_1174 : memref<6400xi32, #tpu.memory_space<vmem>>[vector<16xi32>], vector<16xi32>,
      %add3A_1178 = arith.addi %mul3A_387, %min3A_376 : vector<16xi32>
      %add3A_1179 = arith.constant 196 : i32
      %add3A_1180 = vector.broadcast %add3A_1179 : i32 to vector<16xi32>
      %add3A_1181 = arith.addi %mul3A_393, %add3A_1180 : vector<16xi32>
      tpu.vector_store_idx %arg6[%add3A_1181], %add3A_1178 : memref<6400xi32, #tpu.memory_space<vmem>>[vector<16xi32>], vector<16xi32>,
      %add3A_1182 = arith.constant 197 : i32
      %add3A_1183 = vector.broadcast %add3A_1182 : i32 to vector<16xi32>
      %add3A_1184 = arith.addi %mul3A_393, %add3A_1183 : vector<16xi32>
      tpu.vector_store_idx %arg6[%add3A_1184], %add3A_1178 : memref<6400xi32, #tpu.memory_space<vmem>>[vector<16xi32>], vector<16xi32>,
      %add3A_1185 = arith.constant 198 : i32
      %add3A_1186 = vector.broadcast %add3A_1185 : i32 to vector<16xi32>
      %add3A_1187 = arith.addi %mul3A_393, %add3A_1186 : vector<16xi32>
      tpu.vector_store_idx %arg6[%add3A_1187], %add3A_1178 : memref<6400xi32, #tpu.memory_space<vmem>>[vector<16xi32>], vector<16xi32>,
      %add3A_1188 = arith.constant 199 : i32
      %add3A_1189 = vector.broadcast %add3A_1188 : i32 to vector<16xi32>
      %add3A_1190 = arith.addi %mul3A_393, %add3A_1189 : vector<16xi32>
      tpu.vector_store_idx %arg6[%add3A_1190], %add3A_1178 : memref<6400xi32, #tpu.memory_space<vmem>>[vector<16xi32>], vector<16xi32>,
    } else {
    }
    %gt3A_16 = arith.constant 16 : i32
    %gt3A_17 = arith.cmpi sgt, %select_n3A_13, %gt3A_16 : i32
    %convert_element_type3A_18 = arith.extui %gt3A_17 : i1 to i32
    %cond3A_19 = arith.constant 0 : i32
    %cond3A_20 = arith.cmpi ne, %convert_element_type3A_18, %cond3A_19 : i32
    scf.if %cond3A_20 {
      %mul3A_43 = arith.constant 0 : i32
      %mul3A_44 = arith.muli %mul3A_43, %select_n3A_13 : i32
      %add3A_45 = arith.constant 16 : i32
      %add3A_46 = arith.addi %mul3A_44, %add3A_45 : i32
      %multiple_of3A_47 = tpu.assume_multiple %add3A_46, 8 : i32
      %mul3A_48 = arith.constant 1 : i32
      %mul3A_49 = arith.muli %mul3A_48, %select_n3A_13 : i32
      %add3A_50 = arith.constant 16 : i32
      %add3A_51 = arith.addi %mul3A_49, %add3A_50 : i32
      %multiple_of3A_52 = tpu.assume_multiple %add3A_51, 8 : i32
      %mul3A_53 = arith.constant 2 : i32
      %mul3A_54 = arith.muli %mul3A_53, %select_n3A_13 : i32
      %add3A_55 = arith.constant 16 : i32
      %add3A_56 = arith.addi %mul3A_54, %add3A_55 : i32
      %multiple_of3A_57 = tpu.assume_multiple %add3A_56, 8 : i32
      %mul3A_58 = arith.constant 3 : i32
      %mul3A_59 = arith.muli %mul3A_58, %select_n3A_13 : i32
      %add3A_60 = arith.constant 16 : i32
      %add3A_61 = arith.addi %mul3A_59, %add3A_60 : i32
      %multiple_of3A_62 = tpu.assume_multiple %add3A_61, 8 : i32
      %get3A = arith.index_cast %multiple_of3A_47 : i32 to index
      %get3A_63 = tpu.vector_load %arg5[%get3A] {strides = array<i32>} : memref<128xf32, #tpu.memory_space<vmem>>, vector<16xf32>,
      %get3A_64 = arith.index_cast %multiple_of3A_52 : i32 to index
      %get3A_65 = tpu.vector_load %arg5[%get3A_64] {strides = array<i32>} : memref<128xf32, #tpu.memory_space<vmem>>, vector<16xf32>,
      %get3A_66 = arith.index_cast %multiple_of3A_57 : i32 to index
      %get3A_67 = tpu.vector_load %arg5[%get3A_66] {strides = array<i32>} : memref<128xf32, #tpu.memory_space<vmem>>, vector<16xf32>,
      %get3A_68 = arith.index_cast %multiple_of3A_62 : i32 to index
      %get3A_69 = tpu.vector_load %arg5[%get3A_68] {strides = array<i32>} : memref<128xf32, #tpu.memory_space<vmem>>, vector<16xf32>,
      %mul3A_70 = arith.constant 6.250000e-02 : f32
      %mul3A_71 = vector.broadcast %mul3A_70 : f32 to vector<16xf32>
      %mul3A_72 = arith.mulf %get3A_63, %mul3A_71 : vector<16xf32>
      %add3A_73 = arith.constant 0x4B000000 : f32
      %add3A_74 = vector.broadcast %add3A_73 : f32 to vector<16xf32>
      %add3A_75 = arith.addf %mul3A_72, %add3A_74 : vector<16xf32>
      %sub3A = arith.constant 0x4B000000 : f32
      %sub3A_76 = vector.broadcast %sub3A : f32 to vector<16xf32>
      %sub3A_77 = arith.subf %add3A_75, %sub3A_76 : vector<16xf32>
      %mul3A_78 = arith.constant 6.250000e-02 : f32
      %mul3A_79 = vector.broadcast %mul3A_78 : f32 to vector<16xf32>
      %mul3A_80 = arith.mulf %get3A_65, %mul3A_79 : vector<16xf32>
      %add3A_81 = arith.constant 0x4B000000 : f32
      %add3A_82 = vector.broadcast %add3A_81 : f32 to vector<16xf32>
      %add3A_83 = arith.addf %mul3A_80, %add3A_82 : vector<16xf32>
      %sub3A_84 = arith.constant 0x4B000000 : f32
      %sub3A_85 = vector.broadcast %sub3A_84 : f32 to vector<16xf32>
      %sub3A_86 = arith.subf %add3A_83, %sub3A_85 : vector<16xf32>
      %mul3A_87 = arith.constant 6.250000e-02 : f32
      %mul3A_88 = vector.broadcast %mul3A_87 : f32 to vector<16xf32>
      %mul3A_89 = arith.mulf %get3A_67, %mul3A_88 : vector<16xf32>
      %add3A_90 = arith.constant 0x4B000000 : f32
      %add3A_91 = vector.broadcast %add3A_90 : f32 to vector<16xf32>
      %add3A_92 = arith.addf %mul3A_89, %add3A_91 : vector<16xf32>
      %sub3A_93 = arith.constant 0x4B000000 : f32
      %sub3A_94 = vector.broadcast %sub3A_93 : f32 to vector<16xf32>
      %sub3A_95 = arith.subf %add3A_92, %sub3A_94 : vector<16xf32>
      %mul3A_96 = arith.constant 6.250000e-02 : f32
      %mul3A_97 = vector.broadcast %mul3A_96 : f32 to vector<16xf32>
      %mul3A_98 = arith.mulf %get3A_69, %mul3A_97 : vector<16xf32>
      %add3A_99 = arith.constant 0x4B000000 : f32
      %add3A_100 = vector.broadcast %add3A_99 : f32 to vector<16xf32>
      %add3A_101 = arith.addf %mul3A_98, %add3A_100 : vector<16xf32>
      %sub3A_102 = arith.constant 0x4B000000 : f32
      %sub3A_103 = vector.broadcast %sub3A_102 : f32 to vector<16xf32>
      %sub3A_104 = arith.subf %add3A_101, %sub3A_103 : vector<16xf32>
      %sub3A_105 = arith.subf %sub3A_95, %sub3A_77 : vector<16xf32>
      %add3A_106 = arith.constant 1.000000e+00 : f32
      %add3A_107 = vector.broadcast %add3A_106 : f32 to vector<16xf32>
      %add3A_108 = arith.addf %sub3A_105, %add3A_107 : vector<16xf32>
      %max3A = arith.constant 1.000000e+00 : f32
      %max3A_109 = vector.broadcast %max3A : f32 to vector<16xf32>
      %max3A_110 = arith.maximumf %add3A_108, %max3A_109 : vector<16xf32>
      %div3A = arith.constant 7.000000e+00 : f32
      %div3A_111 = vector.broadcast %div3A : f32 to vector<16xf32>
      %div3A_112 = arith.divf %max3A_110, %div3A_111 : vector<16xf32>
      %sub3A_113 = arith.subf %sub3A_104, %sub3A_86 : vector<16xf32>
      %add3A_114 = arith.constant 1.000000e+00 : f32
      %add3A_115 = vector.broadcast %add3A_114 : f32 to vector<16xf32>
      %add3A_116 = arith.addf %sub3A_113, %add3A_115 : vector<16xf32>
      %max3A_117 = arith.constant 1.000000e+00 : f32
      %max3A_118 = vector.broadcast %max3A_117 : f32 to vector<16xf32>
      %max3A_119 = arith.maximumf %add3A_116, %max3A_118 : vector<16xf32>
      %div3A_120 = arith.constant 7.000000e+00 : f32
      %div3A_121 = vector.broadcast %div3A_120 : f32 to vector<16xf32>
      %div3A_122 = arith.divf %max3A_119, %div3A_121 : vector<16xf32>
      %mul3A_123 = arith.constant 2.500000e-01 : f32
      %mul3A_124 = vector.broadcast %mul3A_123 : f32 to vector<16xf32>
      %mul3A_125 = arith.mulf %mul3A_124, %div3A_112 : vector<16xf32>
      %add3A_126 = arith.addf %sub3A_77, %mul3A_125 : vector<16xf32>
      %convert_element_type3A_127 = arith.fptosi %add3A_126 : vector<16xf32> to vector<16xi32>
      %min3A = arith.constant 63 : i32
      %min3A_128 = vector.broadcast %min3A : i32 to vector<16xi32>
      %min3A_129 = arith.minsi %convert_element_type3A_127, %min3A_128 : vector<16xi32>
      %mul3A_130 = arith.constant 2.500000e-01 : f32
      %mul3A_131 = vector.broadcast %mul3A_130 : f32 to vector<16xf32>
      %mul3A_132 = arith.mulf %mul3A_131, %div3A_122 : vector<16xf32>
      %add3A_133 = arith.addf %sub3A_86, %mul3A_132 : vector<16xf32>
      %convert_element_type3A_134 = arith.fptosi %add3A_133 : vector<16xf32> to vector<16xi32>
      %min3A_135 = arith.constant 63 : i32
      %min3A_136 = vector.broadcast %min3A_135 : i32 to vector<16xi32>
      %min3A_137 = arith.minsi %convert_element_type3A_134, %min3A_136 : vector<16xi32>
      %mul3A_138 = arith.constant 64 : i32
      %mul3A_139 = vector.broadcast %mul3A_138 : i32 to vector<16xi32>
      %mul3A_140 = arith.muli %min3A_137, %mul3A_139 : vector<16xi32>
      %mul3A_141 = arith.constant 7.500000e-01 : f32
      %mul3A_142 = vector.broadcast %mul3A_141 : f32 to vector<16xf32>
      %mul3A_143 = arith.mulf %mul3A_142, %div3A_112 : vector<16xf32>
      %add3A_144 = arith.addf %sub3A_77, %mul3A_143 : vector<16xf32>
      %convert_element_type3A_145 = arith.fptosi %add3A_144 : vector<16xf32> to vector<16xi32>
      %min3A_146 = arith.constant 63 : i32
      %min3A_147 = vector.broadcast %min3A_146 : i32 to vector<16xi32>
      %min3A_148 = arith.minsi %convert_element_type3A_145, %min3A_147 : vector<16xi32>
      %mul3A_149 = arith.constant 7.500000e-01 : f32
      %mul3A_150 = vector.broadcast %mul3A_149 : f32 to vector<16xf32>
      %mul3A_151 = arith.mulf %mul3A_150, %div3A_122 : vector<16xf32>
      %add3A_152 = arith.addf %sub3A_86, %mul3A_151 : vector<16xf32>
      %convert_element_type3A_153 = arith.fptosi %add3A_152 : vector<16xf32> to vector<16xi32>
      %min3A_154 = arith.constant 63 : i32
      %min3A_155 = vector.broadcast %min3A_154 : i32 to vector<16xi32>
      %min3A_156 = arith.minsi %convert_element_type3A_153, %min3A_155 : vector<16xi32>
      %mul3A_157 = arith.constant 64 : i32
      %mul3A_158 = vector.broadcast %mul3A_157 : i32 to vector<16xi32>
      %mul3A_159 = arith.muli %min3A_156, %mul3A_158 : vector<16xi32>
      %mul3A_160 = arith.constant 1.250000e+00 : f32
      %mul3A_161 = vector.broadcast %mul3A_160 : f32 to vector<16xf32>
      %mul3A_162 = arith.mulf %mul3A_161, %div3A_112 : vector<16xf32>
      %add3A_163 = arith.addf %sub3A_77, %mul3A_162 : vector<16xf32>
      %convert_element_type3A_164 = arith.fptosi %add3A_163 : vector<16xf32> to vector<16xi32>
      %min3A_165 = arith.constant 63 : i32
      %min3A_166 = vector.broadcast %min3A_165 : i32 to vector<16xi32>
      %min3A_167 = arith.minsi %convert_element_type3A_164, %min3A_166 : vector<16xi32>
      %mul3A_168 = arith.constant 1.250000e+00 : f32
      %mul3A_169 = vector.broadcast %mul3A_168 : f32 to vector<16xf32>
      %mul3A_170 = arith.mulf %mul3A_169, %div3A_122 : vector<16xf32>
      %add3A_171 = arith.addf %sub3A_86, %mul3A_170 : vector<16xf32>
      %convert_element_type3A_172 = arith.fptosi %add3A_171 : vector<16xf32> to vector<16xi32>
      %min3A_173 = arith.constant 63 : i32
      %min3A_174 = vector.broadcast %min3A_173 : i32 to vector<16xi32>
      %min3A_175 = arith.minsi %convert_element_type3A_172, %min3A_174 : vector<16xi32>
      %mul3A_176 = arith.constant 64 : i32
      %mul3A_177 = vector.broadcast %mul3A_176 : i32 to vector<16xi32>
      %mul3A_178 = arith.muli %min3A_175, %mul3A_177 : vector<16xi32>
      %mul3A_179 = arith.constant 1.750000e+00 : f32
      %mul3A_180 = vector.broadcast %mul3A_179 : f32 to vector<16xf32>
      %mul3A_181 = arith.mulf %mul3A_180, %div3A_112 : vector<16xf32>
      %add3A_182 = arith.addf %sub3A_77, %mul3A_181 : vector<16xf32>
      %convert_element_type3A_183 = arith.fptosi %add3A_182 : vector<16xf32> to vector<16xi32>
      %min3A_184 = arith.constant 63 : i32
      %min3A_185 = vector.broadcast %min3A_184 : i32 to vector<16xi32>
      %min3A_186 = arith.minsi %convert_element_type3A_183, %min3A_185 : vector<16xi32>
      %mul3A_187 = arith.constant 1.750000e+00 : f32
      %mul3A_188 = vector.broadcast %mul3A_187 : f32 to vector<16xf32>
      %mul3A_189 = arith.mulf %mul3A_188, %div3A_122 : vector<16xf32>
      %add3A_190 = arith.addf %sub3A_86, %mul3A_189 : vector<16xf32>
      %convert_element_type3A_191 = arith.fptosi %add3A_190 : vector<16xf32> to vector<16xi32>
      %min3A_192 = arith.constant 63 : i32
      %min3A_193 = vector.broadcast %min3A_192 : i32 to vector<16xi32>
      %min3A_194 = arith.minsi %convert_element_type3A_191, %min3A_193 : vector<16xi32>
      %mul3A_195 = arith.constant 64 : i32
      %mul3A_196 = vector.broadcast %mul3A_195 : i32 to vector<16xi32>
      %mul3A_197 = arith.muli %min3A_194, %mul3A_196 : vector<16xi32>
      %mul3A_198 = arith.constant 2.250000e+00 : f32
      %mul3A_199 = vector.broadcast %mul3A_198 : f32 to vector<16xf32>
      %mul3A_200 = arith.mulf %mul3A_199, %div3A_112 : vector<16xf32>
      %add3A_201 = arith.addf %sub3A_77, %mul3A_200 : vector<16xf32>
      %convert_element_type3A_202 = arith.fptosi %add3A_201 : vector<16xf32> to vector<16xi32>
      %min3A_203 = arith.constant 63 : i32
      %min3A_204 = vector.broadcast %min3A_203 : i32 to vector<16xi32>
      %min3A_205 = arith.minsi %convert_element_type3A_202, %min3A_204 : vector<16xi32>
      %mul3A_206 = arith.constant 2.250000e+00 : f32
      %mul3A_207 = vector.broadcast %mul3A_206 : f32 to vector<16xf32>
      %mul3A_208 = arith.mulf %mul3A_207, %div3A_122 : vector<16xf32>
      %add3A_209 = arith.addf %sub3A_86, %mul3A_208 : vector<16xf32>
      %convert_element_type3A_210 = arith.fptosi %add3A_209 : vector<16xf32> to vector<16xi32>
      %min3A_211 = arith.constant 63 : i32
      %min3A_212 = vector.broadcast %min3A_211 : i32 to vector<16xi32>
      %min3A_213 = arith.minsi %convert_element_type3A_210, %min3A_212 : vector<16xi32>
      %mul3A_214 = arith.constant 64 : i32
      %mul3A_215 = vector.broadcast %mul3A_214 : i32 to vector<16xi32>
      %mul3A_216 = arith.muli %min3A_213, %mul3A_215 : vector<16xi32>
      %mul3A_217 = arith.constant 2.750000e+00 : f32
      %mul3A_218 = vector.broadcast %mul3A_217 : f32 to vector<16xf32>
      %mul3A_219 = arith.mulf %mul3A_218, %div3A_112 : vector<16xf32>
      %add3A_220 = arith.addf %sub3A_77, %mul3A_219 : vector<16xf32>
      %convert_element_type3A_221 = arith.fptosi %add3A_220 : vector<16xf32> to vector<16xi32>
      %min3A_222 = arith.constant 63 : i32
      %min3A_223 = vector.broadcast %min3A_222 : i32 to vector<16xi32>
      %min3A_224 = arith.minsi %convert_element_type3A_221, %min3A_223 : vector<16xi32>
      %mul3A_225 = arith.constant 2.750000e+00 : f32
      %mul3A_226 = vector.broadcast %mul3A_225 : f32 to vector<16xf32>
      %mul3A_227 = arith.mulf %mul3A_226, %div3A_122 : vector<16xf32>
      %add3A_228 = arith.addf %sub3A_86, %mul3A_227 : vector<16xf32>
      %convert_element_type3A_229 = arith.fptosi %add3A_228 : vector<16xf32> to vector<16xi32>
      %min3A_230 = arith.constant 63 : i32
      %min3A_231 = vector.broadcast %min3A_230 : i32 to vector<16xi32>
      %min3A_232 = arith.minsi %convert_element_type3A_229, %min3A_231 : vector<16xi32>
      %mul3A_233 = arith.constant 64 : i32
      %mul3A_234 = vector.broadcast %mul3A_233 : i32 to vector<16xi32>
      %mul3A_235 = arith.muli %min3A_232, %mul3A_234 : vector<16xi32>
      %mul3A_236 = arith.constant 3.250000e+00 : f32
      %mul3A_237 = vector.broadcast %mul3A_236 : f32 to vector<16xf32>
      %mul3A_238 = arith.mulf %mul3A_237, %div3A_112 : vector<16xf32>
      %add3A_239 = arith.addf %sub3A_77, %mul3A_238 : vector<16xf32>
      %convert_element_type3A_240 = arith.fptosi %add3A_239 : vector<16xf32> to vector<16xi32>
      %min3A_241 = arith.constant 63 : i32
      %min3A_242 = vector.broadcast %min3A_241 : i32 to vector<16xi32>
      %min3A_243 = arith.minsi %convert_element_type3A_240, %min3A_242 : vector<16xi32>
      %mul3A_244 = arith.constant 3.250000e+00 : f32
      %mul3A_245 = vector.broadcast %mul3A_244 : f32 to vector<16xf32>
      %mul3A_246 = arith.mulf %mul3A_245, %div3A_122 : vector<16xf32>
      %add3A_247 = arith.addf %sub3A_86, %mul3A_246 : vector<16xf32>
      %convert_element_type3A_248 = arith.fptosi %add3A_247 : vector<16xf32> to vector<16xi32>
      %min3A_249 = arith.constant 63 : i32
      %min3A_250 = vector.broadcast %min3A_249 : i32 to vector<16xi32>
      %min3A_251 = arith.minsi %convert_element_type3A_248, %min3A_250 : vector<16xi32>
      %mul3A_252 = arith.constant 64 : i32
      %mul3A_253 = vector.broadcast %mul3A_252 : i32 to vector<16xi32>
      %mul3A_254 = arith.muli %min3A_251, %mul3A_253 : vector<16xi32>
      %mul3A_255 = arith.constant 3.750000e+00 : f32
      %mul3A_256 = vector.broadcast %mul3A_255 : f32 to vector<16xf32>
      %mul3A_257 = arith.mulf %mul3A_256, %div3A_112 : vector<16xf32>
      %add3A_258 = arith.addf %sub3A_77, %mul3A_257 : vector<16xf32>
      %convert_element_type3A_259 = arith.fptosi %add3A_258 : vector<16xf32> to vector<16xi32>
      %min3A_260 = arith.constant 63 : i32
      %min3A_261 = vector.broadcast %min3A_260 : i32 to vector<16xi32>
      %min3A_262 = arith.minsi %convert_element_type3A_259, %min3A_261 : vector<16xi32>
      %mul3A_263 = arith.constant 3.750000e+00 : f32
      %mul3A_264 = vector.broadcast %mul3A_263 : f32 to vector<16xf32>
      %mul3A_265 = arith.mulf %mul3A_264, %div3A_122 : vector<16xf32>
      %add3A_266 = arith.addf %sub3A_86, %mul3A_265 : vector<16xf32>
      %convert_element_type3A_267 = arith.fptosi %add3A_266 : vector<16xf32> to vector<16xi32>
      %min3A_268 = arith.constant 63 : i32
      %min3A_269 = vector.broadcast %min3A_268 : i32 to vector<16xi32>
      %min3A_270 = arith.minsi %convert_element_type3A_267, %min3A_269 : vector<16xi32>
      %mul3A_271 = arith.constant 64 : i32
      %mul3A_272 = vector.broadcast %mul3A_271 : i32 to vector<16xi32>
      %mul3A_273 = arith.muli %min3A_270, %mul3A_272 : vector<16xi32>
      %mul3A_274 = arith.constant 4.250000e+00 : f32
      %mul3A_275 = vector.broadcast %mul3A_274 : f32 to vector<16xf32>
      %mul3A_276 = arith.mulf %mul3A_275, %div3A_112 : vector<16xf32>
      %add3A_277 = arith.addf %sub3A_77, %mul3A_276 : vector<16xf32>
      %convert_element_type3A_278 = arith.fptosi %add3A_277 : vector<16xf32> to vector<16xi32>
      %min3A_279 = arith.constant 63 : i32
      %min3A_280 = vector.broadcast %min3A_279 : i32 to vector<16xi32>
      %min3A_281 = arith.minsi %convert_element_type3A_278, %min3A_280 : vector<16xi32>
      %mul3A_282 = arith.constant 4.250000e+00 : f32
      %mul3A_283 = vector.broadcast %mul3A_282 : f32 to vector<16xf32>
      %mul3A_284 = arith.mulf %mul3A_283, %div3A_122 : vector<16xf32>
      %add3A_285 = arith.addf %sub3A_86, %mul3A_284 : vector<16xf32>
      %convert_element_type3A_286 = arith.fptosi %add3A_285 : vector<16xf32> to vector<16xi32>
      %min3A_287 = arith.constant 63 : i32
      %min3A_288 = vector.broadcast %min3A_287 : i32 to vector<16xi32>
      %min3A_289 = arith.minsi %convert_element_type3A_286, %min3A_288 : vector<16xi32>
      %mul3A_290 = arith.constant 64 : i32
      %mul3A_291 = vector.broadcast %mul3A_290 : i32 to vector<16xi32>
      %mul3A_292 = arith.muli %min3A_289, %mul3A_291 : vector<16xi32>
      %mul3A_293 = arith.constant 4.750000e+00 : f32
      %mul3A_294 = vector.broadcast %mul3A_293 : f32 to vector<16xf32>
      %mul3A_295 = arith.mulf %mul3A_294, %div3A_112 : vector<16xf32>
      %add3A_296 = arith.addf %sub3A_77, %mul3A_295 : vector<16xf32>
      %convert_element_type3A_297 = arith.fptosi %add3A_296 : vector<16xf32> to vector<16xi32>
      %min3A_298 = arith.constant 63 : i32
      %min3A_299 = vector.broadcast %min3A_298 : i32 to vector<16xi32>
      %min3A_300 = arith.minsi %convert_element_type3A_297, %min3A_299 : vector<16xi32>
      %mul3A_301 = arith.constant 4.750000e+00 : f32
      %mul3A_302 = vector.broadcast %mul3A_301 : f32 to vector<16xf32>
      %mul3A_303 = arith.mulf %mul3A_302, %div3A_122 : vector<16xf32>
      %add3A_304 = arith.addf %sub3A_86, %mul3A_303 : vector<16xf32>
      %convert_element_type3A_305 = arith.fptosi %add3A_304 : vector<16xf32> to vector<16xi32>
      %min3A_306 = arith.constant 63 : i32
      %min3A_307 = vector.broadcast %min3A_306 : i32 to vector<16xi32>
      %min3A_308 = arith.minsi %convert_element_type3A_305, %min3A_307 : vector<16xi32>
      %mul3A_309 = arith.constant 64 : i32
      %mul3A_310 = vector.broadcast %mul3A_309 : i32 to vector<16xi32>
      %mul3A_311 = arith.muli %min3A_308, %mul3A_310 : vector<16xi32>
      %mul3A_312 = arith.constant 5.250000e+00 : f32
      %mul3A_313 = vector.broadcast %mul3A_312 : f32 to vector<16xf32>
      %mul3A_314 = arith.mulf %mul3A_313, %div3A_112 : vector<16xf32>
      %add3A_315 = arith.addf %sub3A_77, %mul3A_314 : vector<16xf32>
      %convert_element_type3A_316 = arith.fptosi %add3A_315 : vector<16xf32> to vector<16xi32>
      %min3A_317 = arith.constant 63 : i32
      %min3A_318 = vector.broadcast %min3A_317 : i32 to vector<16xi32>
      %min3A_319 = arith.minsi %convert_element_type3A_316, %min3A_318 : vector<16xi32>
      %mul3A_320 = arith.constant 5.250000e+00 : f32
      %mul3A_321 = vector.broadcast %mul3A_320 : f32 to vector<16xf32>
      %mul3A_322 = arith.mulf %mul3A_321, %div3A_122 : vector<16xf32>
      %add3A_323 = arith.addf %sub3A_86, %mul3A_322 : vector<16xf32>
      %convert_element_type3A_324 = arith.fptosi %add3A_323 : vector<16xf32> to vector<16xi32>
      %min3A_325 = arith.constant 63 : i32
      %min3A_326 = vector.broadcast %min3A_325 : i32 to vector<16xi32>
      %min3A_327 = arith.minsi %convert_element_type3A_324, %min3A_326 : vector<16xi32>
      %mul3A_328 = arith.constant 64 : i32
      %mul3A_329 = vector.broadcast %mul3A_328 : i32 to vector<16xi32>
      %mul3A_330 = arith.muli %min3A_327, %mul3A_329 : vector<16xi32>
      %mul3A_331 = arith.constant 5.750000e+00 : f32
      %mul3A_332 = vector.broadcast %mul3A_331 : f32 to vector<16xf32>
      %mul3A_333 = arith.mulf %mul3A_332, %div3A_112 : vector<16xf32>
      %add3A_334 = arith.addf %sub3A_77, %mul3A_333 : vector<16xf32>
      %convert_element_type3A_335 = arith.fptosi %add3A_334 : vector<16xf32> to vector<16xi32>
      %min3A_336 = arith.constant 63 : i32
      %min3A_337 = vector.broadcast %min3A_336 : i32 to vector<16xi32>
      %min3A_338 = arith.minsi %convert_element_type3A_335, %min3A_337 : vector<16xi32>
      %mul3A_339 = arith.constant 5.750000e+00 : f32
      %mul3A_340 = vector.broadcast %mul3A_339 : f32 to vector<16xf32>
      %mul3A_341 = arith.mulf %mul3A_340, %div3A_122 : vector<16xf32>
      %add3A_342 = arith.addf %sub3A_86, %mul3A_341 : vector<16xf32>
      %convert_element_type3A_343 = arith.fptosi %add3A_342 : vector<16xf32> to vector<16xi32>
      %min3A_344 = arith.constant 63 : i32
      %min3A_345 = vector.broadcast %min3A_344 : i32 to vector<16xi32>
      %min3A_346 = arith.minsi %convert_element_type3A_343, %min3A_345 : vector<16xi32>
      %mul3A_347 = arith.constant 64 : i32
      %mul3A_348 = vector.broadcast %mul3A_347 : i32 to vector<16xi32>
      %mul3A_349 = arith.muli %min3A_346, %mul3A_348 : vector<16xi32>
      %mul3A_350 = arith.constant 6.250000e+00 : f32
      %mul3A_351 = vector.broadcast %mul3A_350 : f32 to vector<16xf32>
      %mul3A_352 = arith.mulf %mul3A_351, %div3A_112 : vector<16xf32>
      %add3A_353 = arith.addf %sub3A_77, %mul3A_352 : vector<16xf32>
      %convert_element_type3A_354 = arith.fptosi %add3A_353 : vector<16xf32> to vector<16xi32>
      %min3A_355 = arith.constant 63 : i32
      %min3A_356 = vector.broadcast %min3A_355 : i32 to vector<16xi32>
      %min3A_357 = arith.minsi %convert_element_type3A_354, %min3A_356 : vector<16xi32>
      %mul3A_358 = arith.constant 6.250000e+00 : f32
      %mul3A_359 = vector.broadcast %mul3A_358 : f32 to vector<16xf32>
      %mul3A_360 = arith.mulf %mul3A_359, %div3A_122 : vector<16xf32>
      %add3A_361 = arith.addf %sub3A_86, %mul3A_360 : vector<16xf32>
      %convert_element_type3A_362 = arith.fptosi %add3A_361 : vector<16xf32> to vector<16xi32>
      %min3A_363 = arith.constant 63 : i32
      %min3A_364 = vector.broadcast %min3A_363 : i32 to vector<16xi32>
      %min3A_365 = arith.minsi %convert_element_type3A_362, %min3A_364 : vector<16xi32>
      %mul3A_366 = arith.constant 64 : i32
      %mul3A_367 = vector.broadcast %mul3A_366 : i32 to vector<16xi32>
      %mul3A_368 = arith.muli %min3A_365, %mul3A_367 : vector<16xi32>
      %mul3A_369 = arith.constant 6.750000e+00 : f32
      %mul3A_370 = vector.broadcast %mul3A_369 : f32 to vector<16xf32>
      %mul3A_371 = arith.mulf %mul3A_370, %div3A_112 : vector<16xf32>
      %add3A_372 = arith.addf %sub3A_77, %mul3A_371 : vector<16xf32>
      %convert_element_type3A_373 = arith.fptosi %add3A_372 : vector<16xf32> to vector<16xi32>
      %min3A_374 = arith.constant 63 : i32
      %min3A_375 = vector.broadcast %min3A_374 : i32 to vector<16xi32>
      %min3A_376 = arith.minsi %convert_element_type3A_373, %min3A_375 : vector<16xi32>
      %mul3A_377 = arith.constant 6.750000e+00 : f32
      %mul3A_378 = vector.broadcast %mul3A_377 : f32 to vector<16xf32>
      %mul3A_379 = arith.mulf %mul3A_378, %div3A_122 : vector<16xf32>
      %add3A_380 = arith.addf %sub3A_86, %mul3A_379 : vector<16xf32>
      %convert_element_type3A_381 = arith.fptosi %add3A_380 : vector<16xf32> to vector<16xi32>
      %min3A_382 = arith.constant 63 : i32
      %min3A_383 = vector.broadcast %min3A_382 : i32 to vector<16xi32>
      %min3A_384 = arith.minsi %convert_element_type3A_381, %min3A_383 : vector<16xi32>
      %mul3A_385 = arith.constant 64 : i32
      %mul3A_386 = vector.broadcast %mul3A_385 : i32 to vector<16xi32>
      %mul3A_387 = arith.muli %min3A_384, %mul3A_386 : vector<16xi32>
      %add3A_388 = arith.constant 16 : i32
      %add3A_389 = vector.broadcast %add3A_388 : i32 to vector<16xi32>
      %add3A_390 = arith.addi %iota3A, %add3A_389 : vector<16xi32>
      %mul3A_391 = arith.constant 200 : i32
      %mul3A_392 = vector.broadcast %mul3A_391 : i32 to vector<16xi32>
      %mul3A_393 = arith.muli %add3A_390, %mul3A_392 : vector<16xi32>
      %add3A_394 = arith.addi %mul3A_140, %min3A_129 : vector<16xi32>
      %add3A_395 = arith.constant 0 : i32
      %add3A_396 = vector.broadcast %add3A_395 : i32 to vector<16xi32>
      %add3A_397 = arith.addi %mul3A_393, %add3A_396 : vector<16xi32>
      tpu.vector_store_idx %arg6[%add3A_397], %add3A_394 : memref<6400xi32, #tpu.memory_space<vmem>>[vector<16xi32>], vector<16xi32>,
      %add3A_398 = arith.addi %mul3A_140, %min3A_148 : vector<16xi32>
      %add3A_399 = arith.constant 1 : i32
      %add3A_400 = vector.broadcast %add3A_399 : i32 to vector<16xi32>
      %add3A_401 = arith.addi %mul3A_393, %add3A_400 : vector<16xi32>
      tpu.vector_store_idx %arg6[%add3A_401], %add3A_398 : memref<6400xi32, #tpu.memory_space<vmem>>[vector<16xi32>], vector<16xi32>,
      %add3A_402 = arith.addi %mul3A_140, %min3A_167 : vector<16xi32>
      %add3A_403 = arith.constant 2 : i32
      %add3A_404 = vector.broadcast %add3A_403 : i32 to vector<16xi32>
      %add3A_405 = arith.addi %mul3A_393, %add3A_404 : vector<16xi32>
      tpu.vector_store_idx %arg6[%add3A_405], %add3A_402 : memref<6400xi32, #tpu.memory_space<vmem>>[vector<16xi32>], vector<16xi32>,
      %add3A_406 = arith.addi %mul3A_140, %min3A_186 : vector<16xi32>
      %add3A_407 = arith.constant 3 : i32
      %add3A_408 = vector.broadcast %add3A_407 : i32 to vector<16xi32>
      %add3A_409 = arith.addi %mul3A_393, %add3A_408 : vector<16xi32>
      tpu.vector_store_idx %arg6[%add3A_409], %add3A_406 : memref<6400xi32, #tpu.memory_space<vmem>>[vector<16xi32>], vector<16xi32>,
      %add3A_410 = arith.addi %mul3A_140, %min3A_205 : vector<16xi32>
      %add3A_411 = arith.constant 4 : i32
      %add3A_412 = vector.broadcast %add3A_411 : i32 to vector<16xi32>
      %add3A_413 = arith.addi %mul3A_393, %add3A_412 : vector<16xi32>
      tpu.vector_store_idx %arg6[%add3A_413], %add3A_410 : memref<6400xi32, #tpu.memory_space<vmem>>[vector<16xi32>], vector<16xi32>,
      %add3A_414 = arith.addi %mul3A_140, %min3A_224 : vector<16xi32>
      %add3A_415 = arith.constant 5 : i32
      %add3A_416 = vector.broadcast %add3A_415 : i32 to vector<16xi32>
      %add3A_417 = arith.addi %mul3A_393, %add3A_416 : vector<16xi32>
      tpu.vector_store_idx %arg6[%add3A_417], %add3A_414 : memref<6400xi32, #tpu.memory_space<vmem>>[vector<16xi32>], vector<16xi32>,
      %add3A_418 = arith.addi %mul3A_140, %min3A_243 : vector<16xi32>
      %add3A_419 = arith.constant 6 : i32
      %add3A_420 = vector.broadcast %add3A_419 : i32 to vector<16xi32>
      %add3A_421 = arith.addi %mul3A_393, %add3A_420 : vector<16xi32>
      tpu.vector_store_idx %arg6[%add3A_421], %add3A_418 : memref<6400xi32, #tpu.memory_space<vmem>>[vector<16xi32>], vector<16xi32>,
      %add3A_422 = arith.addi %mul3A_140, %min3A_262 : vector<16xi32>
      %add3A_423 = arith.constant 7 : i32
      %add3A_424 = vector.broadcast %add3A_423 : i32 to vector<16xi32>
      %add3A_425 = arith.addi %mul3A_393, %add3A_424 : vector<16xi32>
      tpu.vector_store_idx %arg6[%add3A_425], %add3A_422 : memref<6400xi32, #tpu.memory_space<vmem>>[vector<16xi32>], vector<16xi32>,
      %add3A_426 = arith.addi %mul3A_140, %min3A_281 : vector<16xi32>
      %add3A_427 = arith.constant 8 : i32
      %add3A_428 = vector.broadcast %add3A_427 : i32 to vector<16xi32>
      %add3A_429 = arith.addi %mul3A_393, %add3A_428 : vector<16xi32>
      tpu.vector_store_idx %arg6[%add3A_429], %add3A_426 : memref<6400xi32, #tpu.memory_space<vmem>>[vector<16xi32>], vector<16xi32>,
      %add3A_430 = arith.addi %mul3A_140, %min3A_300 : vector<16xi32>
      %add3A_431 = arith.constant 9 : i32
      %add3A_432 = vector.broadcast %add3A_431 : i32 to vector<16xi32>
      %add3A_433 = arith.addi %mul3A_393, %add3A_432 : vector<16xi32>
      tpu.vector_store_idx %arg6[%add3A_433], %add3A_430 : memref<6400xi32, #tpu.memory_space<vmem>>[vector<16xi32>], vector<16xi32>,
      %add3A_434 = arith.addi %mul3A_140, %min3A_319 : vector<16xi32>
      %add3A_435 = arith.constant 10 : i32
      %add3A_436 = vector.broadcast %add3A_435 : i32 to vector<16xi32>
      %add3A_437 = arith.addi %mul3A_393, %add3A_436 : vector<16xi32>
      tpu.vector_store_idx %arg6[%add3A_437], %add3A_434 : memref<6400xi32, #tpu.memory_space<vmem>>[vector<16xi32>], vector<16xi32>,
      %add3A_438 = arith.addi %mul3A_140, %min3A_338 : vector<16xi32>
      %add3A_439 = arith.constant 11 : i32
      %add3A_440 = vector.broadcast %add3A_439 : i32 to vector<16xi32>
      %add3A_441 = arith.addi %mul3A_393, %add3A_440 : vector<16xi32>
      tpu.vector_store_idx %arg6[%add3A_441], %add3A_438 : memref<6400xi32, #tpu.memory_space<vmem>>[vector<16xi32>], vector<16xi32>,
      %add3A_442 = arith.addi %mul3A_140, %min3A_357 : vector<16xi32>
      %add3A_443 = arith.constant 12 : i32
      %add3A_444 = vector.broadcast %add3A_443 : i32 to vector<16xi32>
      %add3A_445 = arith.addi %mul3A_393, %add3A_444 : vector<16xi32>
      tpu.vector_store_idx %arg6[%add3A_445], %add3A_442 : memref<6400xi32, #tpu.memory_space<vmem>>[vector<16xi32>], vector<16xi32>,
      %add3A_446 = arith.addi %mul3A_140, %min3A_376 : vector<16xi32>
      %add3A_447 = arith.constant 13 : i32
      %add3A_448 = vector.broadcast %add3A_447 : i32 to vector<16xi32>
      %add3A_449 = arith.addi %mul3A_393, %add3A_448 : vector<16xi32>
      tpu.vector_store_idx %arg6[%add3A_449], %add3A_446 : memref<6400xi32, #tpu.memory_space<vmem>>[vector<16xi32>], vector<16xi32>,
      %add3A_450 = arith.addi %mul3A_159, %min3A_129 : vector<16xi32>
      %add3A_451 = arith.constant 14 : i32
      %add3A_452 = vector.broadcast %add3A_451 : i32 to vector<16xi32>
      %add3A_453 = arith.addi %mul3A_393, %add3A_452 : vector<16xi32>
      tpu.vector_store_idx %arg6[%add3A_453], %add3A_450 : memref<6400xi32, #tpu.memory_space<vmem>>[vector<16xi32>], vector<16xi32>,
      %add3A_454 = arith.addi %mul3A_159, %min3A_148 : vector<16xi32>
      %add3A_455 = arith.constant 15 : i32
      %add3A_456 = vector.broadcast %add3A_455 : i32 to vector<16xi32>
      %add3A_457 = arith.addi %mul3A_393, %add3A_456 : vector<16xi32>
      tpu.vector_store_idx %arg6[%add3A_457], %add3A_454 : memref<6400xi32, #tpu.memory_space<vmem>>[vector<16xi32>], vector<16xi32>,
      %add3A_458 = arith.addi %mul3A_159, %min3A_167 : vector<16xi32>
      %add3A_459 = arith.constant 16 : i32
      %add3A_460 = vector.broadcast %add3A_459 : i32 to vector<16xi32>
      %add3A_461 = arith.addi %mul3A_393, %add3A_460 : vector<16xi32>
      tpu.vector_store_idx %arg6[%add3A_461], %add3A_458 : memref<6400xi32, #tpu.memory_space<vmem>>[vector<16xi32>], vector<16xi32>,
      %add3A_462 = arith.addi %mul3A_159, %min3A_186 : vector<16xi32>
      %add3A_463 = arith.constant 17 : i32
      %add3A_464 = vector.broadcast %add3A_463 : i32 to vector<16xi32>
      %add3A_465 = arith.addi %mul3A_393, %add3A_464 : vector<16xi32>
      tpu.vector_store_idx %arg6[%add3A_465], %add3A_462 : memref<6400xi32, #tpu.memory_space<vmem>>[vector<16xi32>], vector<16xi32>,
      %add3A_466 = arith.addi %mul3A_159, %min3A_205 : vector<16xi32>
      %add3A_467 = arith.constant 18 : i32
      %add3A_468 = vector.broadcast %add3A_467 : i32 to vector<16xi32>
      %add3A_469 = arith.addi %mul3A_393, %add3A_468 : vector<16xi32>
      tpu.vector_store_idx %arg6[%add3A_469], %add3A_466 : memref<6400xi32, #tpu.memory_space<vmem>>[vector<16xi32>], vector<16xi32>,
      %add3A_470 = arith.addi %mul3A_159, %min3A_224 : vector<16xi32>
      %add3A_471 = arith.constant 19 : i32
      %add3A_472 = vector.broadcast %add3A_471 : i32 to vector<16xi32>
      %add3A_473 = arith.addi %mul3A_393, %add3A_472 : vector<16xi32>
      tpu.vector_store_idx %arg6[%add3A_473], %add3A_470 : memref<6400xi32, #tpu.memory_space<vmem>>[vector<16xi32>], vector<16xi32>,
      %add3A_474 = arith.addi %mul3A_159, %min3A_243 : vector<16xi32>
      %add3A_475 = arith.constant 20 : i32
      %add3A_476 = vector.broadcast %add3A_475 : i32 to vector<16xi32>
      %add3A_477 = arith.addi %mul3A_393, %add3A_476 : vector<16xi32>
      tpu.vector_store_idx %arg6[%add3A_477], %add3A_474 : memref<6400xi32, #tpu.memory_space<vmem>>[vector<16xi32>], vector<16xi32>,
      %add3A_478 = arith.addi %mul3A_159, %min3A_262 : vector<16xi32>
      %add3A_479 = arith.constant 21 : i32
      %add3A_480 = vector.broadcast %add3A_479 : i32 to vector<16xi32>
      %add3A_481 = arith.addi %mul3A_393, %add3A_480 : vector<16xi32>
      tpu.vector_store_idx %arg6[%add3A_481], %add3A_478 : memref<6400xi32, #tpu.memory_space<vmem>>[vector<16xi32>], vector<16xi32>,
      %add3A_482 = arith.addi %mul3A_159, %min3A_281 : vector<16xi32>
      %add3A_483 = arith.constant 22 : i32
      %add3A_484 = vector.broadcast %add3A_483 : i32 to vector<16xi32>
      %add3A_485 = arith.addi %mul3A_393, %add3A_484 : vector<16xi32>
      tpu.vector_store_idx %arg6[%add3A_485], %add3A_482 : memref<6400xi32, #tpu.memory_space<vmem>>[vector<16xi32>], vector<16xi32>,
      %add3A_486 = arith.addi %mul3A_159, %min3A_300 : vector<16xi32>
      %add3A_487 = arith.constant 23 : i32
      %add3A_488 = vector.broadcast %add3A_487 : i32 to vector<16xi32>
      %add3A_489 = arith.addi %mul3A_393, %add3A_488 : vector<16xi32>
      tpu.vector_store_idx %arg6[%add3A_489], %add3A_486 : memref<6400xi32, #tpu.memory_space<vmem>>[vector<16xi32>], vector<16xi32>,
      %add3A_490 = arith.addi %mul3A_159, %min3A_319 : vector<16xi32>
      %add3A_491 = arith.constant 24 : i32
      %add3A_492 = vector.broadcast %add3A_491 : i32 to vector<16xi32>
      %add3A_493 = arith.addi %mul3A_393, %add3A_492 : vector<16xi32>
      tpu.vector_store_idx %arg6[%add3A_493], %add3A_490 : memref<6400xi32, #tpu.memory_space<vmem>>[vector<16xi32>], vector<16xi32>,
      %add3A_494 = arith.addi %mul3A_159, %min3A_338 : vector<16xi32>
      %add3A_495 = arith.constant 25 : i32
      %add3A_496 = vector.broadcast %add3A_495 : i32 to vector<16xi32>
      %add3A_497 = arith.addi %mul3A_393, %add3A_496 : vector<16xi32>
      tpu.vector_store_idx %arg6[%add3A_497], %add3A_494 : memref<6400xi32, #tpu.memory_space<vmem>>[vector<16xi32>], vector<16xi32>,
      %add3A_498 = arith.addi %mul3A_159, %min3A_357 : vector<16xi32>
      %add3A_499 = arith.constant 26 : i32
      %add3A_500 = vector.broadcast %add3A_499 : i32 to vector<16xi32>
      %add3A_501 = arith.addi %mul3A_393, %add3A_500 : vector<16xi32>
      tpu.vector_store_idx %arg6[%add3A_501], %add3A_498 : memref<6400xi32, #tpu.memory_space<vmem>>[vector<16xi32>], vector<16xi32>,
      %add3A_502 = arith.addi %mul3A_159, %min3A_376 : vector<16xi32>
      %add3A_503 = arith.constant 27 : i32
      %add3A_504 = vector.broadcast %add3A_503 : i32 to vector<16xi32>
      %add3A_505 = arith.addi %mul3A_393, %add3A_504 : vector<16xi32>
      tpu.vector_store_idx %arg6[%add3A_505], %add3A_502 : memref<6400xi32, #tpu.memory_space<vmem>>[vector<16xi32>], vector<16xi32>,
      %add3A_506 = arith.addi %mul3A_178, %min3A_129 : vector<16xi32>
      %add3A_507 = arith.constant 28 : i32
      %add3A_508 = vector.broadcast %add3A_507 : i32 to vector<16xi32>
      %add3A_509 = arith.addi %mul3A_393, %add3A_508 : vector<16xi32>
      tpu.vector_store_idx %arg6[%add3A_509], %add3A_506 : memref<6400xi32, #tpu.memory_space<vmem>>[vector<16xi32>], vector<16xi32>,
      %add3A_510 = arith.addi %mul3A_178, %min3A_148 : vector<16xi32>
      %add3A_511 = arith.constant 29 : i32
      %add3A_512 = vector.broadcast %add3A_511 : i32 to vector<16xi32>
      %add3A_513 = arith.addi %mul3A_393, %add3A_512 : vector<16xi32>
      tpu.vector_store_idx %arg6[%add3A_513], %add3A_510 : memref<6400xi32, #tpu.memory_space<vmem>>[vector<16xi32>], vector<16xi32>,
      %add3A_514 = arith.addi %mul3A_178, %min3A_167 : vector<16xi32>
      %add3A_515 = arith.constant 30 : i32
      %add3A_516 = vector.broadcast %add3A_515 : i32 to vector<16xi32>
      %add3A_517 = arith.addi %mul3A_393, %add3A_516 : vector<16xi32>
      tpu.vector_store_idx %arg6[%add3A_517], %add3A_514 : memref<6400xi32, #tpu.memory_space<vmem>>[vector<16xi32>], vector<16xi32>,
      %add3A_518 = arith.addi %mul3A_178, %min3A_186 : vector<16xi32>
      %add3A_519 = arith.constant 31 : i32
      %add3A_520 = vector.broadcast %add3A_519 : i32 to vector<16xi32>
      %add3A_521 = arith.addi %mul3A_393, %add3A_520 : vector<16xi32>
      tpu.vector_store_idx %arg6[%add3A_521], %add3A_518 : memref<6400xi32, #tpu.memory_space<vmem>>[vector<16xi32>], vector<16xi32>,
      %add3A_522 = arith.addi %mul3A_178, %min3A_205 : vector<16xi32>
      %add3A_523 = arith.constant 32 : i32
      %add3A_524 = vector.broadcast %add3A_523 : i32 to vector<16xi32>
      %add3A_525 = arith.addi %mul3A_393, %add3A_524 : vector<16xi32>
      tpu.vector_store_idx %arg6[%add3A_525], %add3A_522 : memref<6400xi32, #tpu.memory_space<vmem>>[vector<16xi32>], vector<16xi32>,
      %add3A_526 = arith.addi %mul3A_178, %min3A_224 : vector<16xi32>
      %add3A_527 = arith.constant 33 : i32
      %add3A_528 = vector.broadcast %add3A_527 : i32 to vector<16xi32>
      %add3A_529 = arith.addi %mul3A_393, %add3A_528 : vector<16xi32>
      tpu.vector_store_idx %arg6[%add3A_529], %add3A_526 : memref<6400xi32, #tpu.memory_space<vmem>>[vector<16xi32>], vector<16xi32>,
      %add3A_530 = arith.addi %mul3A_178, %min3A_243 : vector<16xi32>
      %add3A_531 = arith.constant 34 : i32
      %add3A_532 = vector.broadcast %add3A_531 : i32 to vector<16xi32>
      %add3A_533 = arith.addi %mul3A_393, %add3A_532 : vector<16xi32>
      tpu.vector_store_idx %arg6[%add3A_533], %add3A_530 : memref<6400xi32, #tpu.memory_space<vmem>>[vector<16xi32>], vector<16xi32>,
      %add3A_534 = arith.addi %mul3A_178, %min3A_262 : vector<16xi32>
      %add3A_535 = arith.constant 35 : i32
      %add3A_536 = vector.broadcast %add3A_535 : i32 to vector<16xi32>
      %add3A_537 = arith.addi %mul3A_393, %add3A_536 : vector<16xi32>
      tpu.vector_store_idx %arg6[%add3A_537], %add3A_534 : memref<6400xi32, #tpu.memory_space<vmem>>[vector<16xi32>], vector<16xi32>,
      %add3A_538 = arith.addi %mul3A_178, %min3A_281 : vector<16xi32>
      %add3A_539 = arith.constant 36 : i32
      %add3A_540 = vector.broadcast %add3A_539 : i32 to vector<16xi32>
      %add3A_541 = arith.addi %mul3A_393, %add3A_540 : vector<16xi32>
      tpu.vector_store_idx %arg6[%add3A_541], %add3A_538 : memref<6400xi32, #tpu.memory_space<vmem>>[vector<16xi32>], vector<16xi32>,
      %add3A_542 = arith.addi %mul3A_178, %min3A_300 : vector<16xi32>
      %add3A_543 = arith.constant 37 : i32
      %add3A_544 = vector.broadcast %add3A_543 : i32 to vector<16xi32>
      %add3A_545 = arith.addi %mul3A_393, %add3A_544 : vector<16xi32>
      tpu.vector_store_idx %arg6[%add3A_545], %add3A_542 : memref<6400xi32, #tpu.memory_space<vmem>>[vector<16xi32>], vector<16xi32>,
      %add3A_546 = arith.addi %mul3A_178, %min3A_319 : vector<16xi32>
      %add3A_547 = arith.constant 38 : i32
      %add3A_548 = vector.broadcast %add3A_547 : i32 to vector<16xi32>
      %add3A_549 = arith.addi %mul3A_393, %add3A_548 : vector<16xi32>
      tpu.vector_store_idx %arg6[%add3A_549], %add3A_546 : memref<6400xi32, #tpu.memory_space<vmem>>[vector<16xi32>], vector<16xi32>,
      %add3A_550 = arith.addi %mul3A_178, %min3A_338 : vector<16xi32>
      %add3A_551 = arith.constant 39 : i32
      %add3A_552 = vector.broadcast %add3A_551 : i32 to vector<16xi32>
      %add3A_553 = arith.addi %mul3A_393, %add3A_552 : vector<16xi32>
      tpu.vector_store_idx %arg6[%add3A_553], %add3A_550 : memref<6400xi32, #tpu.memory_space<vmem>>[vector<16xi32>], vector<16xi32>,
      %add3A_554 = arith.addi %mul3A_178, %min3A_357 : vector<16xi32>
      %add3A_555 = arith.constant 40 : i32
      %add3A_556 = vector.broadcast %add3A_555 : i32 to vector<16xi32>
      %add3A_557 = arith.addi %mul3A_393, %add3A_556 : vector<16xi32>
      tpu.vector_store_idx %arg6[%add3A_557], %add3A_554 : memref<6400xi32, #tpu.memory_space<vmem>>[vector<16xi32>], vector<16xi32>,
      %add3A_558 = arith.addi %mul3A_178, %min3A_376 : vector<16xi32>
      %add3A_559 = arith.constant 41 : i32
      %add3A_560 = vector.broadcast %add3A_559 : i32 to vector<16xi32>
      %add3A_561 = arith.addi %mul3A_393, %add3A_560 : vector<16xi32>
      tpu.vector_store_idx %arg6[%add3A_561], %add3A_558 : memref<6400xi32, #tpu.memory_space<vmem>>[vector<16xi32>], vector<16xi32>,
      %add3A_562 = arith.addi %mul3A_197, %min3A_129 : vector<16xi32>
      %add3A_563 = arith.constant 42 : i32
      %add3A_564 = vector.broadcast %add3A_563 : i32 to vector<16xi32>
      %add3A_565 = arith.addi %mul3A_393, %add3A_564 : vector<16xi32>
      tpu.vector_store_idx %arg6[%add3A_565], %add3A_562 : memref<6400xi32, #tpu.memory_space<vmem>>[vector<16xi32>], vector<16xi32>,
      %add3A_566 = arith.addi %mul3A_197, %min3A_148 : vector<16xi32>
      %add3A_567 = arith.constant 43 : i32
      %add3A_568 = vector.broadcast %add3A_567 : i32 to vector<16xi32>
      %add3A_569 = arith.addi %mul3A_393, %add3A_568 : vector<16xi32>
      tpu.vector_store_idx %arg6[%add3A_569], %add3A_566 : memref<6400xi32, #tpu.memory_space<vmem>>[vector<16xi32>], vector<16xi32>,
      %add3A_570 = arith.addi %mul3A_197, %min3A_167 : vector<16xi32>
      %add3A_571 = arith.constant 44 : i32
      %add3A_572 = vector.broadcast %add3A_571 : i32 to vector<16xi32>
      %add3A_573 = arith.addi %mul3A_393, %add3A_572 : vector<16xi32>
      tpu.vector_store_idx %arg6[%add3A_573], %add3A_570 : memref<6400xi32, #tpu.memory_space<vmem>>[vector<16xi32>], vector<16xi32>,
      %add3A_574 = arith.addi %mul3A_197, %min3A_186 : vector<16xi32>
      %add3A_575 = arith.constant 45 : i32
      %add3A_576 = vector.broadcast %add3A_575 : i32 to vector<16xi32>
      %add3A_577 = arith.addi %mul3A_393, %add3A_576 : vector<16xi32>
      tpu.vector_store_idx %arg6[%add3A_577], %add3A_574 : memref<6400xi32, #tpu.memory_space<vmem>>[vector<16xi32>], vector<16xi32>,
      %add3A_578 = arith.addi %mul3A_197, %min3A_205 : vector<16xi32>
      %add3A_579 = arith.constant 46 : i32
      %add3A_580 = vector.broadcast %add3A_579 : i32 to vector<16xi32>
      %add3A_581 = arith.addi %mul3A_393, %add3A_580 : vector<16xi32>
      tpu.vector_store_idx %arg6[%add3A_581], %add3A_578 : memref<6400xi32, #tpu.memory_space<vmem>>[vector<16xi32>], vector<16xi32>,
      %add3A_582 = arith.addi %mul3A_197, %min3A_224 : vector<16xi32>
      %add3A_583 = arith.constant 47 : i32
      %add3A_584 = vector.broadcast %add3A_583 : i32 to vector<16xi32>
      %add3A_585 = arith.addi %mul3A_393, %add3A_584 : vector<16xi32>
      tpu.vector_store_idx %arg6[%add3A_585], %add3A_582 : memref<6400xi32, #tpu.memory_space<vmem>>[vector<16xi32>], vector<16xi32>,
      %add3A_586 = arith.addi %mul3A_197, %min3A_243 : vector<16xi32>
      %add3A_587 = arith.constant 48 : i32
      %add3A_588 = vector.broadcast %add3A_587 : i32 to vector<16xi32>
      %add3A_589 = arith.addi %mul3A_393, %add3A_588 : vector<16xi32>
      tpu.vector_store_idx %arg6[%add3A_589], %add3A_586 : memref<6400xi32, #tpu.memory_space<vmem>>[vector<16xi32>], vector<16xi32>,
      %add3A_590 = arith.addi %mul3A_197, %min3A_262 : vector<16xi32>
      %add3A_591 = arith.constant 49 : i32
      %add3A_592 = vector.broadcast %add3A_591 : i32 to vector<16xi32>
      %add3A_593 = arith.addi %mul3A_393, %add3A_592 : vector<16xi32>
      tpu.vector_store_idx %arg6[%add3A_593], %add3A_590 : memref<6400xi32, #tpu.memory_space<vmem>>[vector<16xi32>], vector<16xi32>,
      %add3A_594 = arith.addi %mul3A_197, %min3A_281 : vector<16xi32>
      %add3A_595 = arith.constant 50 : i32
      %add3A_596 = vector.broadcast %add3A_595 : i32 to vector<16xi32>
      %add3A_597 = arith.addi %mul3A_393, %add3A_596 : vector<16xi32>
      tpu.vector_store_idx %arg6[%add3A_597], %add3A_594 : memref<6400xi32, #tpu.memory_space<vmem>>[vector<16xi32>], vector<16xi32>,
      %add3A_598 = arith.addi %mul3A_197, %min3A_300 : vector<16xi32>
      %add3A_599 = arith.constant 51 : i32
      %add3A_600 = vector.broadcast %add3A_599 : i32 to vector<16xi32>
      %add3A_601 = arith.addi %mul3A_393, %add3A_600 : vector<16xi32>
      tpu.vector_store_idx %arg6[%add3A_601], %add3A_598 : memref<6400xi32, #tpu.memory_space<vmem>>[vector<16xi32>], vector<16xi32>,
      %add3A_602 = arith.addi %mul3A_197, %min3A_319 : vector<16xi32>
      %add3A_603 = arith.constant 52 : i32
      %add3A_604 = vector.broadcast %add3A_603 : i32 to vector<16xi32>
      %add3A_605 = arith.addi %mul3A_393, %add3A_604 : vector<16xi32>
      tpu.vector_store_idx %arg6[%add3A_605], %add3A_602 : memref<6400xi32, #tpu.memory_space<vmem>>[vector<16xi32>], vector<16xi32>,
      %add3A_606 = arith.addi %mul3A_197, %min3A_338 : vector<16xi32>
      %add3A_607 = arith.constant 53 : i32
      %add3A_608 = vector.broadcast %add3A_607 : i32 to vector<16xi32>
      %add3A_609 = arith.addi %mul3A_393, %add3A_608 : vector<16xi32>
      tpu.vector_store_idx %arg6[%add3A_609], %add3A_606 : memref<6400xi32, #tpu.memory_space<vmem>>[vector<16xi32>], vector<16xi32>,
      %add3A_610 = arith.addi %mul3A_197, %min3A_357 : vector<16xi32>
      %add3A_611 = arith.constant 54 : i32
      %add3A_612 = vector.broadcast %add3A_611 : i32 to vector<16xi32>
      %add3A_613 = arith.addi %mul3A_393, %add3A_612 : vector<16xi32>
      tpu.vector_store_idx %arg6[%add3A_613], %add3A_610 : memref<6400xi32, #tpu.memory_space<vmem>>[vector<16xi32>], vector<16xi32>,
      %add3A_614 = arith.addi %mul3A_197, %min3A_376 : vector<16xi32>
      %add3A_615 = arith.constant 55 : i32
      %add3A_616 = vector.broadcast %add3A_615 : i32 to vector<16xi32>
      %add3A_617 = arith.addi %mul3A_393, %add3A_616 : vector<16xi32>
      tpu.vector_store_idx %arg6[%add3A_617], %add3A_614 : memref<6400xi32, #tpu.memory_space<vmem>>[vector<16xi32>], vector<16xi32>,
      %add3A_618 = arith.addi %mul3A_216, %min3A_129 : vector<16xi32>
      %add3A_619 = arith.constant 56 : i32
      %add3A_620 = vector.broadcast %add3A_619 : i32 to vector<16xi32>
      %add3A_621 = arith.addi %mul3A_393, %add3A_620 : vector<16xi32>
      tpu.vector_store_idx %arg6[%add3A_621], %add3A_618 : memref<6400xi32, #tpu.memory_space<vmem>>[vector<16xi32>], vector<16xi32>,
      %add3A_622 = arith.addi %mul3A_216, %min3A_148 : vector<16xi32>
      %add3A_623 = arith.constant 57 : i32
      %add3A_624 = vector.broadcast %add3A_623 : i32 to vector<16xi32>
      %add3A_625 = arith.addi %mul3A_393, %add3A_624 : vector<16xi32>
      tpu.vector_store_idx %arg6[%add3A_625], %add3A_622 : memref<6400xi32, #tpu.memory_space<vmem>>[vector<16xi32>], vector<16xi32>,
      %add3A_626 = arith.addi %mul3A_216, %min3A_167 : vector<16xi32>
      %add3A_627 = arith.constant 58 : i32
      %add3A_628 = vector.broadcast %add3A_627 : i32 to vector<16xi32>
      %add3A_629 = arith.addi %mul3A_393, %add3A_628 : vector<16xi32>
      tpu.vector_store_idx %arg6[%add3A_629], %add3A_626 : memref<6400xi32, #tpu.memory_space<vmem>>[vector<16xi32>], vector<16xi32>,
      %add3A_630 = arith.addi %mul3A_216, %min3A_186 : vector<16xi32>
      %add3A_631 = arith.constant 59 : i32
      %add3A_632 = vector.broadcast %add3A_631 : i32 to vector<16xi32>
      %add3A_633 = arith.addi %mul3A_393, %add3A_632 : vector<16xi32>
      tpu.vector_store_idx %arg6[%add3A_633], %add3A_630 : memref<6400xi32, #tpu.memory_space<vmem>>[vector<16xi32>], vector<16xi32>,
      %add3A_634 = arith.addi %mul3A_216, %min3A_205 : vector<16xi32>
      %add3A_635 = arith.constant 60 : i32
      %add3A_636 = vector.broadcast %add3A_635 : i32 to vector<16xi32>
      %add3A_637 = arith.addi %mul3A_393, %add3A_636 : vector<16xi32>
      tpu.vector_store_idx %arg6[%add3A_637], %add3A_634 : memref<6400xi32, #tpu.memory_space<vmem>>[vector<16xi32>], vector<16xi32>,
      %add3A_638 = arith.addi %mul3A_216, %min3A_224 : vector<16xi32>
      %add3A_639 = arith.constant 61 : i32
      %add3A_640 = vector.broadcast %add3A_639 : i32 to vector<16xi32>
      %add3A_641 = arith.addi %mul3A_393, %add3A_640 : vector<16xi32>
      tpu.vector_store_idx %arg6[%add3A_641], %add3A_638 : memref<6400xi32, #tpu.memory_space<vmem>>[vector<16xi32>], vector<16xi32>,
      %add3A_642 = arith.addi %mul3A_216, %min3A_243 : vector<16xi32>
      %add3A_643 = arith.constant 62 : i32
      %add3A_644 = vector.broadcast %add3A_643 : i32 to vector<16xi32>
      %add3A_645 = arith.addi %mul3A_393, %add3A_644 : vector<16xi32>
      tpu.vector_store_idx %arg6[%add3A_645], %add3A_642 : memref<6400xi32, #tpu.memory_space<vmem>>[vector<16xi32>], vector<16xi32>,
      %add3A_646 = arith.addi %mul3A_216, %min3A_262 : vector<16xi32>
      %add3A_647 = arith.constant 63 : i32
      %add3A_648 = vector.broadcast %add3A_647 : i32 to vector<16xi32>
      %add3A_649 = arith.addi %mul3A_393, %add3A_648 : vector<16xi32>
      tpu.vector_store_idx %arg6[%add3A_649], %add3A_646 : memref<6400xi32, #tpu.memory_space<vmem>>[vector<16xi32>], vector<16xi32>,
      %add3A_650 = arith.addi %mul3A_216, %min3A_281 : vector<16xi32>
      %add3A_651 = arith.constant 64 : i32
      %add3A_652 = vector.broadcast %add3A_651 : i32 to vector<16xi32>
      %add3A_653 = arith.addi %mul3A_393, %add3A_652 : vector<16xi32>
      tpu.vector_store_idx %arg6[%add3A_653], %add3A_650 : memref<6400xi32, #tpu.memory_space<vmem>>[vector<16xi32>], vector<16xi32>,
      %add3A_654 = arith.addi %mul3A_216, %min3A_300 : vector<16xi32>
      %add3A_655 = arith.constant 65 : i32
      %add3A_656 = vector.broadcast %add3A_655 : i32 to vector<16xi32>
      %add3A_657 = arith.addi %mul3A_393, %add3A_656 : vector<16xi32>
      tpu.vector_store_idx %arg6[%add3A_657], %add3A_654 : memref<6400xi32, #tpu.memory_space<vmem>>[vector<16xi32>], vector<16xi32>,
      %add3A_658 = arith.addi %mul3A_216, %min3A_319 : vector<16xi32>
      %add3A_659 = arith.constant 66 : i32
      %add3A_660 = vector.broadcast %add3A_659 : i32 to vector<16xi32>
      %add3A_661 = arith.addi %mul3A_393, %add3A_660 : vector<16xi32>
      tpu.vector_store_idx %arg6[%add3A_661], %add3A_658 : memref<6400xi32, #tpu.memory_space<vmem>>[vector<16xi32>], vector<16xi32>,
      %add3A_662 = arith.addi %mul3A_216, %min3A_338 : vector<16xi32>
      %add3A_663 = arith.constant 67 : i32
      %add3A_664 = vector.broadcast %add3A_663 : i32 to vector<16xi32>
      %add3A_665 = arith.addi %mul3A_393, %add3A_664 : vector<16xi32>
      tpu.vector_store_idx %arg6[%add3A_665], %add3A_662 : memref<6400xi32, #tpu.memory_space<vmem>>[vector<16xi32>], vector<16xi32>,
      %add3A_666 = arith.addi %mul3A_216, %min3A_357 : vector<16xi32>
      %add3A_667 = arith.constant 68 : i32
      %add3A_668 = vector.broadcast %add3A_667 : i32 to vector<16xi32>
      %add3A_669 = arith.addi %mul3A_393, %add3A_668 : vector<16xi32>
      tpu.vector_store_idx %arg6[%add3A_669], %add3A_666 : memref<6400xi32, #tpu.memory_space<vmem>>[vector<16xi32>], vector<16xi32>,
      %add3A_670 = arith.addi %mul3A_216, %min3A_376 : vector<16xi32>
      %add3A_671 = arith.constant 69 : i32
      %add3A_672 = vector.broadcast %add3A_671 : i32 to vector<16xi32>
      %add3A_673 = arith.addi %mul3A_393, %add3A_672 : vector<16xi32>
      tpu.vector_store_idx %arg6[%add3A_673], %add3A_670 : memref<6400xi32, #tpu.memory_space<vmem>>[vector<16xi32>], vector<16xi32>,
      %add3A_674 = arith.addi %mul3A_235, %min3A_129 : vector<16xi32>
      %add3A_675 = arith.constant 70 : i32
      %add3A_676 = vector.broadcast %add3A_675 : i32 to vector<16xi32>
      %add3A_677 = arith.addi %mul3A_393, %add3A_676 : vector<16xi32>
      tpu.vector_store_idx %arg6[%add3A_677], %add3A_674 : memref<6400xi32, #tpu.memory_space<vmem>>[vector<16xi32>], vector<16xi32>,
      %add3A_678 = arith.addi %mul3A_235, %min3A_148 : vector<16xi32>
      %add3A_679 = arith.constant 71 : i32
      %add3A_680 = vector.broadcast %add3A_679 : i32 to vector<16xi32>
      %add3A_681 = arith.addi %mul3A_393, %add3A_680 : vector<16xi32>
      tpu.vector_store_idx %arg6[%add3A_681], %add3A_678 : memref<6400xi32, #tpu.memory_space<vmem>>[vector<16xi32>], vector<16xi32>,
      %add3A_682 = arith.addi %mul3A_235, %min3A_167 : vector<16xi32>
      %add3A_683 = arith.constant 72 : i32
      %add3A_684 = vector.broadcast %add3A_683 : i32 to vector<16xi32>
      %add3A_685 = arith.addi %mul3A_393, %add3A_684 : vector<16xi32>
      tpu.vector_store_idx %arg6[%add3A_685], %add3A_682 : memref<6400xi32, #tpu.memory_space<vmem>>[vector<16xi32>], vector<16xi32>,
      %add3A_686 = arith.addi %mul3A_235, %min3A_186 : vector<16xi32>
      %add3A_687 = arith.constant 73 : i32
      %add3A_688 = vector.broadcast %add3A_687 : i32 to vector<16xi32>
      %add3A_689 = arith.addi %mul3A_393, %add3A_688 : vector<16xi32>
      tpu.vector_store_idx %arg6[%add3A_689], %add3A_686 : memref<6400xi32, #tpu.memory_space<vmem>>[vector<16xi32>], vector<16xi32>,
      %add3A_690 = arith.addi %mul3A_235, %min3A_205 : vector<16xi32>
      %add3A_691 = arith.constant 74 : i32
      %add3A_692 = vector.broadcast %add3A_691 : i32 to vector<16xi32>
      %add3A_693 = arith.addi %mul3A_393, %add3A_692 : vector<16xi32>
      tpu.vector_store_idx %arg6[%add3A_693], %add3A_690 : memref<6400xi32, #tpu.memory_space<vmem>>[vector<16xi32>], vector<16xi32>,
      %add3A_694 = arith.addi %mul3A_235, %min3A_224 : vector<16xi32>
      %add3A_695 = arith.constant 75 : i32
      %add3A_696 = vector.broadcast %add3A_695 : i32 to vector<16xi32>
      %add3A_697 = arith.addi %mul3A_393, %add3A_696 : vector<16xi32>
      tpu.vector_store_idx %arg6[%add3A_697], %add3A_694 : memref<6400xi32, #tpu.memory_space<vmem>>[vector<16xi32>], vector<16xi32>,
      %add3A_698 = arith.addi %mul3A_235, %min3A_243 : vector<16xi32>
      %add3A_699 = arith.constant 76 : i32
      %add3A_700 = vector.broadcast %add3A_699 : i32 to vector<16xi32>
      %add3A_701 = arith.addi %mul3A_393, %add3A_700 : vector<16xi32>
      tpu.vector_store_idx %arg6[%add3A_701], %add3A_698 : memref<6400xi32, #tpu.memory_space<vmem>>[vector<16xi32>], vector<16xi32>,
      %add3A_702 = arith.addi %mul3A_235, %min3A_262 : vector<16xi32>
      %add3A_703 = arith.constant 77 : i32
      %add3A_704 = vector.broadcast %add3A_703 : i32 to vector<16xi32>
      %add3A_705 = arith.addi %mul3A_393, %add3A_704 : vector<16xi32>
      tpu.vector_store_idx %arg6[%add3A_705], %add3A_702 : memref<6400xi32, #tpu.memory_space<vmem>>[vector<16xi32>], vector<16xi32>,
      %add3A_706 = arith.addi %mul3A_235, %min3A_281 : vector<16xi32>
      %add3A_707 = arith.constant 78 : i32
      %add3A_708 = vector.broadcast %add3A_707 : i32 to vector<16xi32>
      %add3A_709 = arith.addi %mul3A_393, %add3A_708 : vector<16xi32>
      tpu.vector_store_idx %arg6[%add3A_709], %add3A_706 : memref<6400xi32, #tpu.memory_space<vmem>>[vector<16xi32>], vector<16xi32>,
      %add3A_710 = arith.addi %mul3A_235, %min3A_300 : vector<16xi32>
      %add3A_711 = arith.constant 79 : i32
      %add3A_712 = vector.broadcast %add3A_711 : i32 to vector<16xi32>
      %add3A_713 = arith.addi %mul3A_393, %add3A_712 : vector<16xi32>
      tpu.vector_store_idx %arg6[%add3A_713], %add3A_710 : memref<6400xi32, #tpu.memory_space<vmem>>[vector<16xi32>], vector<16xi32>,
      %add3A_714 = arith.addi %mul3A_235, %min3A_319 : vector<16xi32>
      %add3A_715 = arith.constant 80 : i32
      %add3A_716 = vector.broadcast %add3A_715 : i32 to vector<16xi32>
      %add3A_717 = arith.addi %mul3A_393, %add3A_716 : vector<16xi32>
      tpu.vector_store_idx %arg6[%add3A_717], %add3A_714 : memref<6400xi32, #tpu.memory_space<vmem>>[vector<16xi32>], vector<16xi32>,
      %add3A_718 = arith.addi %mul3A_235, %min3A_338 : vector<16xi32>
      %add3A_719 = arith.constant 81 : i32
      %add3A_720 = vector.broadcast %add3A_719 : i32 to vector<16xi32>
      %add3A_721 = arith.addi %mul3A_393, %add3A_720 : vector<16xi32>
      tpu.vector_store_idx %arg6[%add3A_721], %add3A_718 : memref<6400xi32, #tpu.memory_space<vmem>>[vector<16xi32>], vector<16xi32>,
      %add3A_722 = arith.addi %mul3A_235, %min3A_357 : vector<16xi32>
      %add3A_723 = arith.constant 82 : i32
      %add3A_724 = vector.broadcast %add3A_723 : i32 to vector<16xi32>
      %add3A_725 = arith.addi %mul3A_393, %add3A_724 : vector<16xi32>
      tpu.vector_store_idx %arg6[%add3A_725], %add3A_722 : memref<6400xi32, #tpu.memory_space<vmem>>[vector<16xi32>], vector<16xi32>,
      %add3A_726 = arith.addi %mul3A_235, %min3A_376 : vector<16xi32>
      %add3A_727 = arith.constant 83 : i32
      %add3A_728 = vector.broadcast %add3A_727 : i32 to vector<16xi32>
      %add3A_729 = arith.addi %mul3A_393, %add3A_728 : vector<16xi32>
      tpu.vector_store_idx %arg6[%add3A_729], %add3A_726 : memref<6400xi32, #tpu.memory_space<vmem>>[vector<16xi32>], vector<16xi32>,
      %add3A_730 = arith.addi %mul3A_254, %min3A_129 : vector<16xi32>
      %add3A_731 = arith.constant 84 : i32
      %add3A_732 = vector.broadcast %add3A_731 : i32 to vector<16xi32>
      %add3A_733 = arith.addi %mul3A_393, %add3A_732 : vector<16xi32>
      tpu.vector_store_idx %arg6[%add3A_733], %add3A_730 : memref<6400xi32, #tpu.memory_space<vmem>>[vector<16xi32>], vector<16xi32>,
      %add3A_734 = arith.addi %mul3A_254, %min3A_148 : vector<16xi32>
      %add3A_735 = arith.constant 85 : i32
      %add3A_736 = vector.broadcast %add3A_735 : i32 to vector<16xi32>
      %add3A_737 = arith.addi %mul3A_393, %add3A_736 : vector<16xi32>
      tpu.vector_store_idx %arg6[%add3A_737], %add3A_734 : memref<6400xi32, #tpu.memory_space<vmem>>[vector<16xi32>], vector<16xi32>,
      %add3A_738 = arith.addi %mul3A_254, %min3A_167 : vector<16xi32>
      %add3A_739 = arith.constant 86 : i32
      %add3A_740 = vector.broadcast %add3A_739 : i32 to vector<16xi32>
      %add3A_741 = arith.addi %mul3A_393, %add3A_740 : vector<16xi32>
      tpu.vector_store_idx %arg6[%add3A_741], %add3A_738 : memref<6400xi32, #tpu.memory_space<vmem>>[vector<16xi32>], vector<16xi32>,
      %add3A_742 = arith.addi %mul3A_254, %min3A_186 : vector<16xi32>
      %add3A_743 = arith.constant 87 : i32
      %add3A_744 = vector.broadcast %add3A_743 : i32 to vector<16xi32>
      %add3A_745 = arith.addi %mul3A_393, %add3A_744 : vector<16xi32>
      tpu.vector_store_idx %arg6[%add3A_745], %add3A_742 : memref<6400xi32, #tpu.memory_space<vmem>>[vector<16xi32>], vector<16xi32>,
      %add3A_746 = arith.addi %mul3A_254, %min3A_205 : vector<16xi32>
      %add3A_747 = arith.constant 88 : i32
      %add3A_748 = vector.broadcast %add3A_747 : i32 to vector<16xi32>
      %add3A_749 = arith.addi %mul3A_393, %add3A_748 : vector<16xi32>
      tpu.vector_store_idx %arg6[%add3A_749], %add3A_746 : memref<6400xi32, #tpu.memory_space<vmem>>[vector<16xi32>], vector<16xi32>,
      %add3A_750 = arith.addi %mul3A_254, %min3A_224 : vector<16xi32>
      %add3A_751 = arith.constant 89 : i32
      %add3A_752 = vector.broadcast %add3A_751 : i32 to vector<16xi32>
      %add3A_753 = arith.addi %mul3A_393, %add3A_752 : vector<16xi32>
      tpu.vector_store_idx %arg6[%add3A_753], %add3A_750 : memref<6400xi32, #tpu.memory_space<vmem>>[vector<16xi32>], vector<16xi32>,
      %add3A_754 = arith.addi %mul3A_254, %min3A_243 : vector<16xi32>
      %add3A_755 = arith.constant 90 : i32
      %add3A_756 = vector.broadcast %add3A_755 : i32 to vector<16xi32>
      %add3A_757 = arith.addi %mul3A_393, %add3A_756 : vector<16xi32>
      tpu.vector_store_idx %arg6[%add3A_757], %add3A_754 : memref<6400xi32, #tpu.memory_space<vmem>>[vector<16xi32>], vector<16xi32>,
      %add3A_758 = arith.addi %mul3A_254, %min3A_262 : vector<16xi32>
      %add3A_759 = arith.constant 91 : i32
      %add3A_760 = vector.broadcast %add3A_759 : i32 to vector<16xi32>
      %add3A_761 = arith.addi %mul3A_393, %add3A_760 : vector<16xi32>
      tpu.vector_store_idx %arg6[%add3A_761], %add3A_758 : memref<6400xi32, #tpu.memory_space<vmem>>[vector<16xi32>], vector<16xi32>,
      %add3A_762 = arith.addi %mul3A_254, %min3A_281 : vector<16xi32>
      %add3A_763 = arith.constant 92 : i32
      %add3A_764 = vector.broadcast %add3A_763 : i32 to vector<16xi32>
      %add3A_765 = arith.addi %mul3A_393, %add3A_764 : vector<16xi32>
      tpu.vector_store_idx %arg6[%add3A_765], %add3A_762 : memref<6400xi32, #tpu.memory_space<vmem>>[vector<16xi32>], vector<16xi32>,
      %add3A_766 = arith.addi %mul3A_254, %min3A_300 : vector<16xi32>
      %add3A_767 = arith.constant 93 : i32
      %add3A_768 = vector.broadcast %add3A_767 : i32 to vector<16xi32>
      %add3A_769 = arith.addi %mul3A_393, %add3A_768 : vector<16xi32>
      tpu.vector_store_idx %arg6[%add3A_769], %add3A_766 : memref<6400xi32, #tpu.memory_space<vmem>>[vector<16xi32>], vector<16xi32>,
      %add3A_770 = arith.addi %mul3A_254, %min3A_319 : vector<16xi32>
      %add3A_771 = arith.constant 94 : i32
      %add3A_772 = vector.broadcast %add3A_771 : i32 to vector<16xi32>
      %add3A_773 = arith.addi %mul3A_393, %add3A_772 : vector<16xi32>
      tpu.vector_store_idx %arg6[%add3A_773], %add3A_770 : memref<6400xi32, #tpu.memory_space<vmem>>[vector<16xi32>], vector<16xi32>,
      %add3A_774 = arith.addi %mul3A_254, %min3A_338 : vector<16xi32>
      %add3A_775 = arith.constant 95 : i32
      %add3A_776 = vector.broadcast %add3A_775 : i32 to vector<16xi32>
      %add3A_777 = arith.addi %mul3A_393, %add3A_776 : vector<16xi32>
      tpu.vector_store_idx %arg6[%add3A_777], %add3A_774 : memref<6400xi32, #tpu.memory_space<vmem>>[vector<16xi32>], vector<16xi32>,
      %add3A_778 = arith.addi %mul3A_254, %min3A_357 : vector<16xi32>
      %add3A_779 = arith.constant 96 : i32
      %add3A_780 = vector.broadcast %add3A_779 : i32 to vector<16xi32>
      %add3A_781 = arith.addi %mul3A_393, %add3A_780 : vector<16xi32>
      tpu.vector_store_idx %arg6[%add3A_781], %add3A_778 : memref<6400xi32, #tpu.memory_space<vmem>>[vector<16xi32>], vector<16xi32>,
      %add3A_782 = arith.addi %mul3A_254, %min3A_376 : vector<16xi32>
      %add3A_783 = arith.constant 97 : i32
      %add3A_784 = vector.broadcast %add3A_783 : i32 to vector<16xi32>
      %add3A_785 = arith.addi %mul3A_393, %add3A_784 : vector<16xi32>
      tpu.vector_store_idx %arg6[%add3A_785], %add3A_782 : memref<6400xi32, #tpu.memory_space<vmem>>[vector<16xi32>], vector<16xi32>,
      %add3A_786 = arith.addi %mul3A_273, %min3A_129 : vector<16xi32>
      %add3A_787 = arith.constant 98 : i32
      %add3A_788 = vector.broadcast %add3A_787 : i32 to vector<16xi32>
      %add3A_789 = arith.addi %mul3A_393, %add3A_788 : vector<16xi32>
      tpu.vector_store_idx %arg6[%add3A_789], %add3A_786 : memref<6400xi32, #tpu.memory_space<vmem>>[vector<16xi32>], vector<16xi32>,
      %add3A_790 = arith.addi %mul3A_273, %min3A_148 : vector<16xi32>
      %add3A_791 = arith.constant 99 : i32
      %add3A_792 = vector.broadcast %add3A_791 : i32 to vector<16xi32>
      %add3A_793 = arith.addi %mul3A_393, %add3A_792 : vector<16xi32>
      tpu.vector_store_idx %arg6[%add3A_793], %add3A_790 : memref<6400xi32, #tpu.memory_space<vmem>>[vector<16xi32>], vector<16xi32>,
      %add3A_794 = arith.addi %mul3A_273, %min3A_167 : vector<16xi32>
      %add3A_795 = arith.constant 100 : i32
      %add3A_796 = vector.broadcast %add3A_795 : i32 to vector<16xi32>
      %add3A_797 = arith.addi %mul3A_393, %add3A_796 : vector<16xi32>
      tpu.vector_store_idx %arg6[%add3A_797], %add3A_794 : memref<6400xi32, #tpu.memory_space<vmem>>[vector<16xi32>], vector<16xi32>,
      %add3A_798 = arith.addi %mul3A_273, %min3A_186 : vector<16xi32>
      %add3A_799 = arith.constant 101 : i32
      %add3A_800 = vector.broadcast %add3A_799 : i32 to vector<16xi32>
      %add3A_801 = arith.addi %mul3A_393, %add3A_800 : vector<16xi32>
      tpu.vector_store_idx %arg6[%add3A_801], %add3A_798 : memref<6400xi32, #tpu.memory_space<vmem>>[vector<16xi32>], vector<16xi32>,
      %add3A_802 = arith.addi %mul3A_273, %min3A_205 : vector<16xi32>
      %add3A_803 = arith.constant 102 : i32
      %add3A_804 = vector.broadcast %add3A_803 : i32 to vector<16xi32>
      %add3A_805 = arith.addi %mul3A_393, %add3A_804 : vector<16xi32>
      tpu.vector_store_idx %arg6[%add3A_805], %add3A_802 : memref<6400xi32, #tpu.memory_space<vmem>>[vector<16xi32>], vector<16xi32>,
      %add3A_806 = arith.addi %mul3A_273, %min3A_224 : vector<16xi32>
      %add3A_807 = arith.constant 103 : i32
      %add3A_808 = vector.broadcast %add3A_807 : i32 to vector<16xi32>
      %add3A_809 = arith.addi %mul3A_393, %add3A_808 : vector<16xi32>
      tpu.vector_store_idx %arg6[%add3A_809], %add3A_806 : memref<6400xi32, #tpu.memory_space<vmem>>[vector<16xi32>], vector<16xi32>,
      %add3A_810 = arith.addi %mul3A_273, %min3A_243 : vector<16xi32>
      %add3A_811 = arith.constant 104 : i32
      %add3A_812 = vector.broadcast %add3A_811 : i32 to vector<16xi32>
      %add3A_813 = arith.addi %mul3A_393, %add3A_812 : vector<16xi32>
      tpu.vector_store_idx %arg6[%add3A_813], %add3A_810 : memref<6400xi32, #tpu.memory_space<vmem>>[vector<16xi32>], vector<16xi32>,
      %add3A_814 = arith.addi %mul3A_273, %min3A_262 : vector<16xi32>
      %add3A_815 = arith.constant 105 : i32
      %add3A_816 = vector.broadcast %add3A_815 : i32 to vector<16xi32>
      %add3A_817 = arith.addi %mul3A_393, %add3A_816 : vector<16xi32>
      tpu.vector_store_idx %arg6[%add3A_817], %add3A_814 : memref<6400xi32, #tpu.memory_space<vmem>>[vector<16xi32>], vector<16xi32>,
      %add3A_818 = arith.addi %mul3A_273, %min3A_281 : vector<16xi32>
      %add3A_819 = arith.constant 106 : i32
      %add3A_820 = vector.broadcast %add3A_819 : i32 to vector<16xi32>
      %add3A_821 = arith.addi %mul3A_393, %add3A_820 : vector<16xi32>
      tpu.vector_store_idx %arg6[%add3A_821], %add3A_818 : memref<6400xi32, #tpu.memory_space<vmem>>[vector<16xi32>], vector<16xi32>,
      %add3A_822 = arith.addi %mul3A_273, %min3A_300 : vector<16xi32>
      %add3A_823 = arith.constant 107 : i32
      %add3A_824 = vector.broadcast %add3A_823 : i32 to vector<16xi32>
      %add3A_825 = arith.addi %mul3A_393, %add3A_824 : vector<16xi32>
      tpu.vector_store_idx %arg6[%add3A_825], %add3A_822 : memref<6400xi32, #tpu.memory_space<vmem>>[vector<16xi32>], vector<16xi32>,
      %add3A_826 = arith.addi %mul3A_273, %min3A_319 : vector<16xi32>
      %add3A_827 = arith.constant 108 : i32
      %add3A_828 = vector.broadcast %add3A_827 : i32 to vector<16xi32>
      %add3A_829 = arith.addi %mul3A_393, %add3A_828 : vector<16xi32>
      tpu.vector_store_idx %arg6[%add3A_829], %add3A_826 : memref<6400xi32, #tpu.memory_space<vmem>>[vector<16xi32>], vector<16xi32>,
      %add3A_830 = arith.addi %mul3A_273, %min3A_338 : vector<16xi32>
      %add3A_831 = arith.constant 109 : i32
      %add3A_832 = vector.broadcast %add3A_831 : i32 to vector<16xi32>
      %add3A_833 = arith.addi %mul3A_393, %add3A_832 : vector<16xi32>
      tpu.vector_store_idx %arg6[%add3A_833], %add3A_830 : memref<6400xi32, #tpu.memory_space<vmem>>[vector<16xi32>], vector<16xi32>,
      %add3A_834 = arith.addi %mul3A_273, %min3A_357 : vector<16xi32>
      %add3A_835 = arith.constant 110 : i32
      %add3A_836 = vector.broadcast %add3A_835 : i32 to vector<16xi32>
      %add3A_837 = arith.addi %mul3A_393, %add3A_836 : vector<16xi32>
      tpu.vector_store_idx %arg6[%add3A_837], %add3A_834 : memref<6400xi32, #tpu.memory_space<vmem>>[vector<16xi32>], vector<16xi32>,
      %add3A_838 = arith.addi %mul3A_273, %min3A_376 : vector<16xi32>
      %add3A_839 = arith.constant 111 : i32
      %add3A_840 = vector.broadcast %add3A_839 : i32 to vector<16xi32>
      %add3A_841 = arith.addi %mul3A_393, %add3A_840 : vector<16xi32>
      tpu.vector_store_idx %arg6[%add3A_841], %add3A_838 : memref<6400xi32, #tpu.memory_space<vmem>>[vector<16xi32>], vector<16xi32>,
      %add3A_842 = arith.addi %mul3A_292, %min3A_129 : vector<16xi32>
      %add3A_843 = arith.constant 112 : i32
      %add3A_844 = vector.broadcast %add3A_843 : i32 to vector<16xi32>
      %add3A_845 = arith.addi %mul3A_393, %add3A_844 : vector<16xi32>
      tpu.vector_store_idx %arg6[%add3A_845], %add3A_842 : memref<6400xi32, #tpu.memory_space<vmem>>[vector<16xi32>], vector<16xi32>,
      %add3A_846 = arith.addi %mul3A_292, %min3A_148 : vector<16xi32>
      %add3A_847 = arith.constant 113 : i32
      %add3A_848 = vector.broadcast %add3A_847 : i32 to vector<16xi32>
      %add3A_849 = arith.addi %mul3A_393, %add3A_848 : vector<16xi32>
      tpu.vector_store_idx %arg6[%add3A_849], %add3A_846 : memref<6400xi32, #tpu.memory_space<vmem>>[vector<16xi32>], vector<16xi32>,
      %add3A_850 = arith.addi %mul3A_292, %min3A_167 : vector<16xi32>
      %add3A_851 = arith.constant 114 : i32
      %add3A_852 = vector.broadcast %add3A_851 : i32 to vector<16xi32>
      %add3A_853 = arith.addi %mul3A_393, %add3A_852 : vector<16xi32>
      tpu.vector_store_idx %arg6[%add3A_853], %add3A_850 : memref<6400xi32, #tpu.memory_space<vmem>>[vector<16xi32>], vector<16xi32>,
      %add3A_854 = arith.addi %mul3A_292, %min3A_186 : vector<16xi32>
      %add3A_855 = arith.constant 115 : i32
      %add3A_856 = vector.broadcast %add3A_855 : i32 to vector<16xi32>
      %add3A_857 = arith.addi %mul3A_393, %add3A_856 : vector<16xi32>
      tpu.vector_store_idx %arg6[%add3A_857], %add3A_854 : memref<6400xi32, #tpu.memory_space<vmem>>[vector<16xi32>], vector<16xi32>,
      %add3A_858 = arith.addi %mul3A_292, %min3A_205 : vector<16xi32>
      %add3A_859 = arith.constant 116 : i32
      %add3A_860 = vector.broadcast %add3A_859 : i32 to vector<16xi32>
      %add3A_861 = arith.addi %mul3A_393, %add3A_860 : vector<16xi32>
      tpu.vector_store_idx %arg6[%add3A_861], %add3A_858 : memref<6400xi32, #tpu.memory_space<vmem>>[vector<16xi32>], vector<16xi32>,
      %add3A_862 = arith.addi %mul3A_292, %min3A_224 : vector<16xi32>
      %add3A_863 = arith.constant 117 : i32
      %add3A_864 = vector.broadcast %add3A_863 : i32 to vector<16xi32>
      %add3A_865 = arith.addi %mul3A_393, %add3A_864 : vector<16xi32>
      tpu.vector_store_idx %arg6[%add3A_865], %add3A_862 : memref<6400xi32, #tpu.memory_space<vmem>>[vector<16xi32>], vector<16xi32>,
      %add3A_866 = arith.addi %mul3A_292, %min3A_243 : vector<16xi32>
      %add3A_867 = arith.constant 118 : i32
      %add3A_868 = vector.broadcast %add3A_867 : i32 to vector<16xi32>
      %add3A_869 = arith.addi %mul3A_393, %add3A_868 : vector<16xi32>
      tpu.vector_store_idx %arg6[%add3A_869], %add3A_866 : memref<6400xi32, #tpu.memory_space<vmem>>[vector<16xi32>], vector<16xi32>,
      %add3A_870 = arith.addi %mul3A_292, %min3A_262 : vector<16xi32>
      %add3A_871 = arith.constant 119 : i32
      %add3A_872 = vector.broadcast %add3A_871 : i32 to vector<16xi32>
      %add3A_873 = arith.addi %mul3A_393, %add3A_872 : vector<16xi32>
      tpu.vector_store_idx %arg6[%add3A_873], %add3A_870 : memref<6400xi32, #tpu.memory_space<vmem>>[vector<16xi32>], vector<16xi32>,
      %add3A_874 = arith.addi %mul3A_292, %min3A_281 : vector<16xi32>
      %add3A_875 = arith.constant 120 : i32
      %add3A_876 = vector.broadcast %add3A_875 : i32 to vector<16xi32>
      %add3A_877 = arith.addi %mul3A_393, %add3A_876 : vector<16xi32>
      tpu.vector_store_idx %arg6[%add3A_877], %add3A_874 : memref<6400xi32, #tpu.memory_space<vmem>>[vector<16xi32>], vector<16xi32>,
      %add3A_878 = arith.addi %mul3A_292, %min3A_300 : vector<16xi32>
      %add3A_879 = arith.constant 121 : i32
      %add3A_880 = vector.broadcast %add3A_879 : i32 to vector<16xi32>
      %add3A_881 = arith.addi %mul3A_393, %add3A_880 : vector<16xi32>
      tpu.vector_store_idx %arg6[%add3A_881], %add3A_878 : memref<6400xi32, #tpu.memory_space<vmem>>[vector<16xi32>], vector<16xi32>,
      %add3A_882 = arith.addi %mul3A_292, %min3A_319 : vector<16xi32>
      %add3A_883 = arith.constant 122 : i32
      %add3A_884 = vector.broadcast %add3A_883 : i32 to vector<16xi32>
      %add3A_885 = arith.addi %mul3A_393, %add3A_884 : vector<16xi32>
      tpu.vector_store_idx %arg6[%add3A_885], %add3A_882 : memref<6400xi32, #tpu.memory_space<vmem>>[vector<16xi32>], vector<16xi32>,
      %add3A_886 = arith.addi %mul3A_292, %min3A_338 : vector<16xi32>
      %add3A_887 = arith.constant 123 : i32
      %add3A_888 = vector.broadcast %add3A_887 : i32 to vector<16xi32>
      %add3A_889 = arith.addi %mul3A_393, %add3A_888 : vector<16xi32>
      tpu.vector_store_idx %arg6[%add3A_889], %add3A_886 : memref<6400xi32, #tpu.memory_space<vmem>>[vector<16xi32>], vector<16xi32>,
      %add3A_890 = arith.addi %mul3A_292, %min3A_357 : vector<16xi32>
      %add3A_891 = arith.constant 124 : i32
      %add3A_892 = vector.broadcast %add3A_891 : i32 to vector<16xi32>
      %add3A_893 = arith.addi %mul3A_393, %add3A_892 : vector<16xi32>
      tpu.vector_store_idx %arg6[%add3A_893], %add3A_890 : memref<6400xi32, #tpu.memory_space<vmem>>[vector<16xi32>], vector<16xi32>,
      %add3A_894 = arith.addi %mul3A_292, %min3A_376 : vector<16xi32>
      %add3A_895 = arith.constant 125 : i32
      %add3A_896 = vector.broadcast %add3A_895 : i32 to vector<16xi32>
      %add3A_897 = arith.addi %mul3A_393, %add3A_896 : vector<16xi32>
      tpu.vector_store_idx %arg6[%add3A_897], %add3A_894 : memref<6400xi32, #tpu.memory_space<vmem>>[vector<16xi32>], vector<16xi32>,
      %add3A_898 = arith.addi %mul3A_311, %min3A_129 : vector<16xi32>
      %add3A_899 = arith.constant 126 : i32
      %add3A_900 = vector.broadcast %add3A_899 : i32 to vector<16xi32>
      %add3A_901 = arith.addi %mul3A_393, %add3A_900 : vector<16xi32>
      tpu.vector_store_idx %arg6[%add3A_901], %add3A_898 : memref<6400xi32, #tpu.memory_space<vmem>>[vector<16xi32>], vector<16xi32>,
      %add3A_902 = arith.addi %mul3A_311, %min3A_148 : vector<16xi32>
      %add3A_903 = arith.constant 127 : i32
      %add3A_904 = vector.broadcast %add3A_903 : i32 to vector<16xi32>
      %add3A_905 = arith.addi %mul3A_393, %add3A_904 : vector<16xi32>
      tpu.vector_store_idx %arg6[%add3A_905], %add3A_902 : memref<6400xi32, #tpu.memory_space<vmem>>[vector<16xi32>], vector<16xi32>,
      %add3A_906 = arith.addi %mul3A_311, %min3A_167 : vector<16xi32>
      %add3A_907 = arith.constant 128 : i32
      %add3A_908 = vector.broadcast %add3A_907 : i32 to vector<16xi32>
      %add3A_909 = arith.addi %mul3A_393, %add3A_908 : vector<16xi32>
      tpu.vector_store_idx %arg6[%add3A_909], %add3A_906 : memref<6400xi32, #tpu.memory_space<vmem>>[vector<16xi32>], vector<16xi32>,
      %add3A_910 = arith.addi %mul3A_311, %min3A_186 : vector<16xi32>
      %add3A_911 = arith.constant 129 : i32
      %add3A_912 = vector.broadcast %add3A_911 : i32 to vector<16xi32>
      %add3A_913 = arith.addi %mul3A_393, %add3A_912 : vector<16xi32>
      tpu.vector_store_idx %arg6[%add3A_913], %add3A_910 : memref<6400xi32, #tpu.memory_space<vmem>>[vector<16xi32>], vector<16xi32>,
      %add3A_914 = arith.addi %mul3A_311, %min3A_205 : vector<16xi32>
      %add3A_915 = arith.constant 130 : i32
      %add3A_916 = vector.broadcast %add3A_915 : i32 to vector<16xi32>
      %add3A_917 = arith.addi %mul3A_393, %add3A_916 : vector<16xi32>
      tpu.vector_store_idx %arg6[%add3A_917], %add3A_914 : memref<6400xi32, #tpu.memory_space<vmem>>[vector<16xi32>], vector<16xi32>,
      %add3A_918 = arith.addi %mul3A_311, %min3A_224 : vector<16xi32>
      %add3A_919 = arith.constant 131 : i32
      %add3A_920 = vector.broadcast %add3A_919 : i32 to vector<16xi32>
      %add3A_921 = arith.addi %mul3A_393, %add3A_920 : vector<16xi32>
      tpu.vector_store_idx %arg6[%add3A_921], %add3A_918 : memref<6400xi32, #tpu.memory_space<vmem>>[vector<16xi32>], vector<16xi32>,
      %add3A_922 = arith.addi %mul3A_311, %min3A_243 : vector<16xi32>
      %add3A_923 = arith.constant 132 : i32
      %add3A_924 = vector.broadcast %add3A_923 : i32 to vector<16xi32>
      %add3A_925 = arith.addi %mul3A_393, %add3A_924 : vector<16xi32>
      tpu.vector_store_idx %arg6[%add3A_925], %add3A_922 : memref<6400xi32, #tpu.memory_space<vmem>>[vector<16xi32>], vector<16xi32>,
      %add3A_926 = arith.addi %mul3A_311, %min3A_262 : vector<16xi32>
      %add3A_927 = arith.constant 133 : i32
      %add3A_928 = vector.broadcast %add3A_927 : i32 to vector<16xi32>
      %add3A_929 = arith.addi %mul3A_393, %add3A_928 : vector<16xi32>
      tpu.vector_store_idx %arg6[%add3A_929], %add3A_926 : memref<6400xi32, #tpu.memory_space<vmem>>[vector<16xi32>], vector<16xi32>,
      %add3A_930 = arith.addi %mul3A_311, %min3A_281 : vector<16xi32>
      %add3A_931 = arith.constant 134 : i32
      %add3A_932 = vector.broadcast %add3A_931 : i32 to vector<16xi32>
      %add3A_933 = arith.addi %mul3A_393, %add3A_932 : vector<16xi32>
      tpu.vector_store_idx %arg6[%add3A_933], %add3A_930 : memref<6400xi32, #tpu.memory_space<vmem>>[vector<16xi32>], vector<16xi32>,
      %add3A_934 = arith.addi %mul3A_311, %min3A_300 : vector<16xi32>
      %add3A_935 = arith.constant 135 : i32
      %add3A_936 = vector.broadcast %add3A_935 : i32 to vector<16xi32>
      %add3A_937 = arith.addi %mul3A_393, %add3A_936 : vector<16xi32>
      tpu.vector_store_idx %arg6[%add3A_937], %add3A_934 : memref<6400xi32, #tpu.memory_space<vmem>>[vector<16xi32>], vector<16xi32>,
      %add3A_938 = arith.addi %mul3A_311, %min3A_319 : vector<16xi32>
      %add3A_939 = arith.constant 136 : i32
      %add3A_940 = vector.broadcast %add3A_939 : i32 to vector<16xi32>
      %add3A_941 = arith.addi %mul3A_393, %add3A_940 : vector<16xi32>
      tpu.vector_store_idx %arg6[%add3A_941], %add3A_938 : memref<6400xi32, #tpu.memory_space<vmem>>[vector<16xi32>], vector<16xi32>,
      %add3A_942 = arith.addi %mul3A_311, %min3A_338 : vector<16xi32>
      %add3A_943 = arith.constant 137 : i32
      %add3A_944 = vector.broadcast %add3A_943 : i32 to vector<16xi32>
      %add3A_945 = arith.addi %mul3A_393, %add3A_944 : vector<16xi32>
      tpu.vector_store_idx %arg6[%add3A_945], %add3A_942 : memref<6400xi32, #tpu.memory_space<vmem>>[vector<16xi32>], vector<16xi32>,
      %add3A_946 = arith.addi %mul3A_311, %min3A_357 : vector<16xi32>
      %add3A_947 = arith.constant 138 : i32
      %add3A_948 = vector.broadcast %add3A_947 : i32 to vector<16xi32>
      %add3A_949 = arith.addi %mul3A_393, %add3A_948 : vector<16xi32>
      tpu.vector_store_idx %arg6[%add3A_949], %add3A_946 : memref<6400xi32, #tpu.memory_space<vmem>>[vector<16xi32>], vector<16xi32>,
      %add3A_950 = arith.addi %mul3A_311, %min3A_376 : vector<16xi32>
      %add3A_951 = arith.constant 139 : i32
      %add3A_952 = vector.broadcast %add3A_951 : i32 to vector<16xi32>
      %add3A_953 = arith.addi %mul3A_393, %add3A_952 : vector<16xi32>
      tpu.vector_store_idx %arg6[%add3A_953], %add3A_950 : memref<6400xi32, #tpu.memory_space<vmem>>[vector<16xi32>], vector<16xi32>,
      %add3A_954 = arith.addi %mul3A_330, %min3A_129 : vector<16xi32>
      %add3A_955 = arith.constant 140 : i32
      %add3A_956 = vector.broadcast %add3A_955 : i32 to vector<16xi32>
      %add3A_957 = arith.addi %mul3A_393, %add3A_956 : vector<16xi32>
      tpu.vector_store_idx %arg6[%add3A_957], %add3A_954 : memref<6400xi32, #tpu.memory_space<vmem>>[vector<16xi32>], vector<16xi32>,
      %add3A_958 = arith.addi %mul3A_330, %min3A_148 : vector<16xi32>
      %add3A_959 = arith.constant 141 : i32
      %add3A_960 = vector.broadcast %add3A_959 : i32 to vector<16xi32>
      %add3A_961 = arith.addi %mul3A_393, %add3A_960 : vector<16xi32>
      tpu.vector_store_idx %arg6[%add3A_961], %add3A_958 : memref<6400xi32, #tpu.memory_space<vmem>>[vector<16xi32>], vector<16xi32>,
      %add3A_962 = arith.addi %mul3A_330, %min3A_167 : vector<16xi32>
      %add3A_963 = arith.constant 142 : i32
      %add3A_964 = vector.broadcast %add3A_963 : i32 to vector<16xi32>
      %add3A_965 = arith.addi %mul3A_393, %add3A_964 : vector<16xi32>
      tpu.vector_store_idx %arg6[%add3A_965], %add3A_962 : memref<6400xi32, #tpu.memory_space<vmem>>[vector<16xi32>], vector<16xi32>,
      %add3A_966 = arith.addi %mul3A_330, %min3A_186 : vector<16xi32>
      %add3A_967 = arith.constant 143 : i32
      %add3A_968 = vector.broadcast %add3A_967 : i32 to vector<16xi32>
      %add3A_969 = arith.addi %mul3A_393, %add3A_968 : vector<16xi32>
      tpu.vector_store_idx %arg6[%add3A_969], %add3A_966 : memref<6400xi32, #tpu.memory_space<vmem>>[vector<16xi32>], vector<16xi32>,
      %add3A_970 = arith.addi %mul3A_330, %min3A_205 : vector<16xi32>
      %add3A_971 = arith.constant 144 : i32
      %add3A_972 = vector.broadcast %add3A_971 : i32 to vector<16xi32>
      %add3A_973 = arith.addi %mul3A_393, %add3A_972 : vector<16xi32>
      tpu.vector_store_idx %arg6[%add3A_973], %add3A_970 : memref<6400xi32, #tpu.memory_space<vmem>>[vector<16xi32>], vector<16xi32>,
      %add3A_974 = arith.addi %mul3A_330, %min3A_224 : vector<16xi32>
      %add3A_975 = arith.constant 145 : i32
      %add3A_976 = vector.broadcast %add3A_975 : i32 to vector<16xi32>
      %add3A_977 = arith.addi %mul3A_393, %add3A_976 : vector<16xi32>
      tpu.vector_store_idx %arg6[%add3A_977], %add3A_974 : memref<6400xi32, #tpu.memory_space<vmem>>[vector<16xi32>], vector<16xi32>,
      %add3A_978 = arith.addi %mul3A_330, %min3A_243 : vector<16xi32>
      %add3A_979 = arith.constant 146 : i32
      %add3A_980 = vector.broadcast %add3A_979 : i32 to vector<16xi32>
      %add3A_981 = arith.addi %mul3A_393, %add3A_980 : vector<16xi32>
      tpu.vector_store_idx %arg6[%add3A_981], %add3A_978 : memref<6400xi32, #tpu.memory_space<vmem>>[vector<16xi32>], vector<16xi32>,
      %add3A_982 = arith.addi %mul3A_330, %min3A_262 : vector<16xi32>
      %add3A_983 = arith.constant 147 : i32
      %add3A_984 = vector.broadcast %add3A_983 : i32 to vector<16xi32>
      %add3A_985 = arith.addi %mul3A_393, %add3A_984 : vector<16xi32>
      tpu.vector_store_idx %arg6[%add3A_985], %add3A_982 : memref<6400xi32, #tpu.memory_space<vmem>>[vector<16xi32>], vector<16xi32>,
      %add3A_986 = arith.addi %mul3A_330, %min3A_281 : vector<16xi32>
      %add3A_987 = arith.constant 148 : i32
      %add3A_988 = vector.broadcast %add3A_987 : i32 to vector<16xi32>
      %add3A_989 = arith.addi %mul3A_393, %add3A_988 : vector<16xi32>
      tpu.vector_store_idx %arg6[%add3A_989], %add3A_986 : memref<6400xi32, #tpu.memory_space<vmem>>[vector<16xi32>], vector<16xi32>,
      %add3A_990 = arith.addi %mul3A_330, %min3A_300 : vector<16xi32>
      %add3A_991 = arith.constant 149 : i32
      %add3A_992 = vector.broadcast %add3A_991 : i32 to vector<16xi32>
      %add3A_993 = arith.addi %mul3A_393, %add3A_992 : vector<16xi32>
      tpu.vector_store_idx %arg6[%add3A_993], %add3A_990 : memref<6400xi32, #tpu.memory_space<vmem>>[vector<16xi32>], vector<16xi32>,
      %add3A_994 = arith.addi %mul3A_330, %min3A_319 : vector<16xi32>
      %add3A_995 = arith.constant 150 : i32
      %add3A_996 = vector.broadcast %add3A_995 : i32 to vector<16xi32>
      %add3A_997 = arith.addi %mul3A_393, %add3A_996 : vector<16xi32>
      tpu.vector_store_idx %arg6[%add3A_997], %add3A_994 : memref<6400xi32, #tpu.memory_space<vmem>>[vector<16xi32>], vector<16xi32>,
      %add3A_998 = arith.addi %mul3A_330, %min3A_338 : vector<16xi32>
      %add3A_999 = arith.constant 151 : i32
      %add3A_1000 = vector.broadcast %add3A_999 : i32 to vector<16xi32>
      %add3A_1001 = arith.addi %mul3A_393, %add3A_1000 : vector<16xi32>
      tpu.vector_store_idx %arg6[%add3A_1001], %add3A_998 : memref<6400xi32, #tpu.memory_space<vmem>>[vector<16xi32>], vector<16xi32>,
      %add3A_1002 = arith.addi %mul3A_330, %min3A_357 : vector<16xi32>
      %add3A_1003 = arith.constant 152 : i32
      %add3A_1004 = vector.broadcast %add3A_1003 : i32 to vector<16xi32>
      %add3A_1005 = arith.addi %mul3A_393, %add3A_1004 : vector<16xi32>
      tpu.vector_store_idx %arg6[%add3A_1005], %add3A_1002 : memref<6400xi32, #tpu.memory_space<vmem>>[vector<16xi32>], vector<16xi32>,
      %add3A_1006 = arith.addi %mul3A_330, %min3A_376 : vector<16xi32>
      %add3A_1007 = arith.constant 153 : i32
      %add3A_1008 = vector.broadcast %add3A_1007 : i32 to vector<16xi32>
      %add3A_1009 = arith.addi %mul3A_393, %add3A_1008 : vector<16xi32>
      tpu.vector_store_idx %arg6[%add3A_1009], %add3A_1006 : memref<6400xi32, #tpu.memory_space<vmem>>[vector<16xi32>], vector<16xi32>,
      %add3A_1010 = arith.addi %mul3A_349, %min3A_129 : vector<16xi32>
      %add3A_1011 = arith.constant 154 : i32
      %add3A_1012 = vector.broadcast %add3A_1011 : i32 to vector<16xi32>
      %add3A_1013 = arith.addi %mul3A_393, %add3A_1012 : vector<16xi32>
      tpu.vector_store_idx %arg6[%add3A_1013], %add3A_1010 : memref<6400xi32, #tpu.memory_space<vmem>>[vector<16xi32>], vector<16xi32>,
      %add3A_1014 = arith.addi %mul3A_349, %min3A_148 : vector<16xi32>
      %add3A_1015 = arith.constant 155 : i32
      %add3A_1016 = vector.broadcast %add3A_1015 : i32 to vector<16xi32>
      %add3A_1017 = arith.addi %mul3A_393, %add3A_1016 : vector<16xi32>
      tpu.vector_store_idx %arg6[%add3A_1017], %add3A_1014 : memref<6400xi32, #tpu.memory_space<vmem>>[vector<16xi32>], vector<16xi32>,
      %add3A_1018 = arith.addi %mul3A_349, %min3A_167 : vector<16xi32>
      %add3A_1019 = arith.constant 156 : i32
      %add3A_1020 = vector.broadcast %add3A_1019 : i32 to vector<16xi32>
      %add3A_1021 = arith.addi %mul3A_393, %add3A_1020 : vector<16xi32>
      tpu.vector_store_idx %arg6[%add3A_1021], %add3A_1018 : memref<6400xi32, #tpu.memory_space<vmem>>[vector<16xi32>], vector<16xi32>,
      %add3A_1022 = arith.addi %mul3A_349, %min3A_186 : vector<16xi32>
      %add3A_1023 = arith.constant 157 : i32
      %add3A_1024 = vector.broadcast %add3A_1023 : i32 to vector<16xi32>
      %add3A_1025 = arith.addi %mul3A_393, %add3A_1024 : vector<16xi32>
      tpu.vector_store_idx %arg6[%add3A_1025], %add3A_1022 : memref<6400xi32, #tpu.memory_space<vmem>>[vector<16xi32>], vector<16xi32>,
      %add3A_1026 = arith.addi %mul3A_349, %min3A_205 : vector<16xi32>
      %add3A_1027 = arith.constant 158 : i32
      %add3A_1028 = vector.broadcast %add3A_1027 : i32 to vector<16xi32>
      %add3A_1029 = arith.addi %mul3A_393, %add3A_1028 : vector<16xi32>
      tpu.vector_store_idx %arg6[%add3A_1029], %add3A_1026 : memref<6400xi32, #tpu.memory_space<vmem>>[vector<16xi32>], vector<16xi32>,
      %add3A_1030 = arith.addi %mul3A_349, %min3A_224 : vector<16xi32>
      %add3A_1031 = arith.constant 159 : i32
      %add3A_1032 = vector.broadcast %add3A_1031 : i32 to vector<16xi32>
      %add3A_1033 = arith.addi %mul3A_393, %add3A_1032 : vector<16xi32>
      tpu.vector_store_idx %arg6[%add3A_1033], %add3A_1030 : memref<6400xi32, #tpu.memory_space<vmem>>[vector<16xi32>], vector<16xi32>,
      %add3A_1034 = arith.addi %mul3A_349, %min3A_243 : vector<16xi32>
      %add3A_1035 = arith.constant 160 : i32
      %add3A_1036 = vector.broadcast %add3A_1035 : i32 to vector<16xi32>
      %add3A_1037 = arith.addi %mul3A_393, %add3A_1036 : vector<16xi32>
      tpu.vector_store_idx %arg6[%add3A_1037], %add3A_1034 : memref<6400xi32, #tpu.memory_space<vmem>>[vector<16xi32>], vector<16xi32>,
      %add3A_1038 = arith.addi %mul3A_349, %min3A_262 : vector<16xi32>
      %add3A_1039 = arith.constant 161 : i32
      %add3A_1040 = vector.broadcast %add3A_1039 : i32 to vector<16xi32>
      %add3A_1041 = arith.addi %mul3A_393, %add3A_1040 : vector<16xi32>
      tpu.vector_store_idx %arg6[%add3A_1041], %add3A_1038 : memref<6400xi32, #tpu.memory_space<vmem>>[vector<16xi32>], vector<16xi32>,
      %add3A_1042 = arith.addi %mul3A_349, %min3A_281 : vector<16xi32>
      %add3A_1043 = arith.constant 162 : i32
      %add3A_1044 = vector.broadcast %add3A_1043 : i32 to vector<16xi32>
      %add3A_1045 = arith.addi %mul3A_393, %add3A_1044 : vector<16xi32>
      tpu.vector_store_idx %arg6[%add3A_1045], %add3A_1042 : memref<6400xi32, #tpu.memory_space<vmem>>[vector<16xi32>], vector<16xi32>,
      %add3A_1046 = arith.addi %mul3A_349, %min3A_300 : vector<16xi32>
      %add3A_1047 = arith.constant 163 : i32
      %add3A_1048 = vector.broadcast %add3A_1047 : i32 to vector<16xi32>
      %add3A_1049 = arith.addi %mul3A_393, %add3A_1048 : vector<16xi32>
      tpu.vector_store_idx %arg6[%add3A_1049], %add3A_1046 : memref<6400xi32, #tpu.memory_space<vmem>>[vector<16xi32>], vector<16xi32>,
      %add3A_1050 = arith.addi %mul3A_349, %min3A_319 : vector<16xi32>
      %add3A_1051 = arith.constant 164 : i32
      %add3A_1052 = vector.broadcast %add3A_1051 : i32 to vector<16xi32>
      %add3A_1053 = arith.addi %mul3A_393, %add3A_1052 : vector<16xi32>
      tpu.vector_store_idx %arg6[%add3A_1053], %add3A_1050 : memref<6400xi32, #tpu.memory_space<vmem>>[vector<16xi32>], vector<16xi32>,
      %add3A_1054 = arith.addi %mul3A_349, %min3A_338 : vector<16xi32>
      %add3A_1055 = arith.constant 165 : i32
      %add3A_1056 = vector.broadcast %add3A_1055 : i32 to vector<16xi32>
      %add3A_1057 = arith.addi %mul3A_393, %add3A_1056 : vector<16xi32>
      tpu.vector_store_idx %arg6[%add3A_1057], %add3A_1054 : memref<6400xi32, #tpu.memory_space<vmem>>[vector<16xi32>], vector<16xi32>,
      %add3A_1058 = arith.addi %mul3A_349, %min3A_357 : vector<16xi32>
      %add3A_1059 = arith.constant 166 : i32
      %add3A_1060 = vector.broadcast %add3A_1059 : i32 to vector<16xi32>
      %add3A_1061 = arith.addi %mul3A_393, %add3A_1060 : vector<16xi32>
      tpu.vector_store_idx %arg6[%add3A_1061], %add3A_1058 : memref<6400xi32, #tpu.memory_space<vmem>>[vector<16xi32>], vector<16xi32>,
      %add3A_1062 = arith.addi %mul3A_349, %min3A_376 : vector<16xi32>
      %add3A_1063 = arith.constant 167 : i32
      %add3A_1064 = vector.broadcast %add3A_1063 : i32 to vector<16xi32>
      %add3A_1065 = arith.addi %mul3A_393, %add3A_1064 : vector<16xi32>
      tpu.vector_store_idx %arg6[%add3A_1065], %add3A_1062 : memref<6400xi32, #tpu.memory_space<vmem>>[vector<16xi32>], vector<16xi32>,
      %add3A_1066 = arith.addi %mul3A_368, %min3A_129 : vector<16xi32>
      %add3A_1067 = arith.constant 168 : i32
      %add3A_1068 = vector.broadcast %add3A_1067 : i32 to vector<16xi32>
      %add3A_1069 = arith.addi %mul3A_393, %add3A_1068 : vector<16xi32>
      tpu.vector_store_idx %arg6[%add3A_1069], %add3A_1066 : memref<6400xi32, #tpu.memory_space<vmem>>[vector<16xi32>], vector<16xi32>,
      %add3A_1070 = arith.addi %mul3A_368, %min3A_148 : vector<16xi32>
      %add3A_1071 = arith.constant 169 : i32
      %add3A_1072 = vector.broadcast %add3A_1071 : i32 to vector<16xi32>
      %add3A_1073 = arith.addi %mul3A_393, %add3A_1072 : vector<16xi32>
      tpu.vector_store_idx %arg6[%add3A_1073], %add3A_1070 : memref<6400xi32, #tpu.memory_space<vmem>>[vector<16xi32>], vector<16xi32>,
      %add3A_1074 = arith.addi %mul3A_368, %min3A_167 : vector<16xi32>
      %add3A_1075 = arith.constant 170 : i32
      %add3A_1076 = vector.broadcast %add3A_1075 : i32 to vector<16xi32>
      %add3A_1077 = arith.addi %mul3A_393, %add3A_1076 : vector<16xi32>
      tpu.vector_store_idx %arg6[%add3A_1077], %add3A_1074 : memref<6400xi32, #tpu.memory_space<vmem>>[vector<16xi32>], vector<16xi32>,
      %add3A_1078 = arith.addi %mul3A_368, %min3A_186 : vector<16xi32>
      %add3A_1079 = arith.constant 171 : i32
      %add3A_1080 = vector.broadcast %add3A_1079 : i32 to vector<16xi32>
      %add3A_1081 = arith.addi %mul3A_393, %add3A_1080 : vector<16xi32>
      tpu.vector_store_idx %arg6[%add3A_1081], %add3A_1078 : memref<6400xi32, #tpu.memory_space<vmem>>[vector<16xi32>], vector<16xi32>,
      %add3A_1082 = arith.addi %mul3A_368, %min3A_205 : vector<16xi32>
      %add3A_1083 = arith.constant 172 : i32
      %add3A_1084 = vector.broadcast %add3A_1083 : i32 to vector<16xi32>
      %add3A_1085 = arith.addi %mul3A_393, %add3A_1084 : vector<16xi32>
      tpu.vector_store_idx %arg6[%add3A_1085], %add3A_1082 : memref<6400xi32, #tpu.memory_space<vmem>>[vector<16xi32>], vector<16xi32>,
      %add3A_1086 = arith.addi %mul3A_368, %min3A_224 : vector<16xi32>
      %add3A_1087 = arith.constant 173 : i32
      %add3A_1088 = vector.broadcast %add3A_1087 : i32 to vector<16xi32>
      %add3A_1089 = arith.addi %mul3A_393, %add3A_1088 : vector<16xi32>
      tpu.vector_store_idx %arg6[%add3A_1089], %add3A_1086 : memref<6400xi32, #tpu.memory_space<vmem>>[vector<16xi32>], vector<16xi32>,
      %add3A_1090 = arith.addi %mul3A_368, %min3A_243 : vector<16xi32>
      %add3A_1091 = arith.constant 174 : i32
      %add3A_1092 = vector.broadcast %add3A_1091 : i32 to vector<16xi32>
      %add3A_1093 = arith.addi %mul3A_393, %add3A_1092 : vector<16xi32>
      tpu.vector_store_idx %arg6[%add3A_1093], %add3A_1090 : memref<6400xi32, #tpu.memory_space<vmem>>[vector<16xi32>], vector<16xi32>,
      %add3A_1094 = arith.addi %mul3A_368, %min3A_262 : vector<16xi32>
      %add3A_1095 = arith.constant 175 : i32
      %add3A_1096 = vector.broadcast %add3A_1095 : i32 to vector<16xi32>
      %add3A_1097 = arith.addi %mul3A_393, %add3A_1096 : vector<16xi32>
      tpu.vector_store_idx %arg6[%add3A_1097], %add3A_1094 : memref<6400xi32, #tpu.memory_space<vmem>>[vector<16xi32>], vector<16xi32>,
      %add3A_1098 = arith.addi %mul3A_368, %min3A_281 : vector<16xi32>
      %add3A_1099 = arith.constant 176 : i32
      %add3A_1100 = vector.broadcast %add3A_1099 : i32 to vector<16xi32>
      %add3A_1101 = arith.addi %mul3A_393, %add3A_1100 : vector<16xi32>
      tpu.vector_store_idx %arg6[%add3A_1101], %add3A_1098 : memref<6400xi32, #tpu.memory_space<vmem>>[vector<16xi32>], vector<16xi32>,
      %add3A_1102 = arith.addi %mul3A_368, %min3A_300 : vector<16xi32>
      %add3A_1103 = arith.constant 177 : i32
      %add3A_1104 = vector.broadcast %add3A_1103 : i32 to vector<16xi32>
      %add3A_1105 = arith.addi %mul3A_393, %add3A_1104 : vector<16xi32>
      tpu.vector_store_idx %arg6[%add3A_1105], %add3A_1102 : memref<6400xi32, #tpu.memory_space<vmem>>[vector<16xi32>], vector<16xi32>,
      %add3A_1106 = arith.addi %mul3A_368, %min3A_319 : vector<16xi32>
      %add3A_1107 = arith.constant 178 : i32
      %add3A_1108 = vector.broadcast %add3A_1107 : i32 to vector<16xi32>
      %add3A_1109 = arith.addi %mul3A_393, %add3A_1108 : vector<16xi32>
      tpu.vector_store_idx %arg6[%add3A_1109], %add3A_1106 : memref<6400xi32, #tpu.memory_space<vmem>>[vector<16xi32>], vector<16xi32>,
      %add3A_1110 = arith.addi %mul3A_368, %min3A_338 : vector<16xi32>
      %add3A_1111 = arith.constant 179 : i32
      %add3A_1112 = vector.broadcast %add3A_1111 : i32 to vector<16xi32>
      %add3A_1113 = arith.addi %mul3A_393, %add3A_1112 : vector<16xi32>
      tpu.vector_store_idx %arg6[%add3A_1113], %add3A_1110 : memref<6400xi32, #tpu.memory_space<vmem>>[vector<16xi32>], vector<16xi32>,
      %add3A_1114 = arith.addi %mul3A_368, %min3A_357 : vector<16xi32>
      %add3A_1115 = arith.constant 180 : i32
      %add3A_1116 = vector.broadcast %add3A_1115 : i32 to vector<16xi32>
      %add3A_1117 = arith.addi %mul3A_393, %add3A_1116 : vector<16xi32>
      tpu.vector_store_idx %arg6[%add3A_1117], %add3A_1114 : memref<6400xi32, #tpu.memory_space<vmem>>[vector<16xi32>], vector<16xi32>,
      %add3A_1118 = arith.addi %mul3A_368, %min3A_376 : vector<16xi32>
      %add3A_1119 = arith.constant 181 : i32
      %add3A_1120 = vector.broadcast %add3A_1119 : i32 to vector<16xi32>
      %add3A_1121 = arith.addi %mul3A_393, %add3A_1120 : vector<16xi32>
      tpu.vector_store_idx %arg6[%add3A_1121], %add3A_1118 : memref<6400xi32, #tpu.memory_space<vmem>>[vector<16xi32>], vector<16xi32>,
      %add3A_1122 = arith.addi %mul3A_387, %min3A_129 : vector<16xi32>
      %add3A_1123 = arith.constant 182 : i32
      %add3A_1124 = vector.broadcast %add3A_1123 : i32 to vector<16xi32>
      %add3A_1125 = arith.addi %mul3A_393, %add3A_1124 : vector<16xi32>
      tpu.vector_store_idx %arg6[%add3A_1125], %add3A_1122 : memref<6400xi32, #tpu.memory_space<vmem>>[vector<16xi32>], vector<16xi32>,
      %add3A_1126 = arith.addi %mul3A_387, %min3A_148 : vector<16xi32>
      %add3A_1127 = arith.constant 183 : i32
      %add3A_1128 = vector.broadcast %add3A_1127 : i32 to vector<16xi32>
      %add3A_1129 = arith.addi %mul3A_393, %add3A_1128 : vector<16xi32>
      tpu.vector_store_idx %arg6[%add3A_1129], %add3A_1126 : memref<6400xi32, #tpu.memory_space<vmem>>[vector<16xi32>], vector<16xi32>,
      %add3A_1130 = arith.addi %mul3A_387, %min3A_167 : vector<16xi32>
      %add3A_1131 = arith.constant 184 : i32
      %add3A_1132 = vector.broadcast %add3A_1131 : i32 to vector<16xi32>
      %add3A_1133 = arith.addi %mul3A_393, %add3A_1132 : vector<16xi32>
      tpu.vector_store_idx %arg6[%add3A_1133], %add3A_1130 : memref<6400xi32, #tpu.memory_space<vmem>>[vector<16xi32>], vector<16xi32>,
      %add3A_1134 = arith.addi %mul3A_387, %min3A_186 : vector<16xi32>
      %add3A_1135 = arith.constant 185 : i32
      %add3A_1136 = vector.broadcast %add3A_1135 : i32 to vector<16xi32>
      %add3A_1137 = arith.addi %mul3A_393, %add3A_1136 : vector<16xi32>
      tpu.vector_store_idx %arg6[%add3A_1137], %add3A_1134 : memref<6400xi32, #tpu.memory_space<vmem>>[vector<16xi32>], vector<16xi32>,
      %add3A_1138 = arith.addi %mul3A_387, %min3A_205 : vector<16xi32>
      %add3A_1139 = arith.constant 186 : i32
      %add3A_1140 = vector.broadcast %add3A_1139 : i32 to vector<16xi32>
      %add3A_1141 = arith.addi %mul3A_393, %add3A_1140 : vector<16xi32>
      tpu.vector_store_idx %arg6[%add3A_1141], %add3A_1138 : memref<6400xi32, #tpu.memory_space<vmem>>[vector<16xi32>], vector<16xi32>,
      %add3A_1142 = arith.addi %mul3A_387, %min3A_224 : vector<16xi32>
      %add3A_1143 = arith.constant 187 : i32
      %add3A_1144 = vector.broadcast %add3A_1143 : i32 to vector<16xi32>
      %add3A_1145 = arith.addi %mul3A_393, %add3A_1144 : vector<16xi32>
      tpu.vector_store_idx %arg6[%add3A_1145], %add3A_1142 : memref<6400xi32, #tpu.memory_space<vmem>>[vector<16xi32>], vector<16xi32>,
      %add3A_1146 = arith.addi %mul3A_387, %min3A_243 : vector<16xi32>
      %add3A_1147 = arith.constant 188 : i32
      %add3A_1148 = vector.broadcast %add3A_1147 : i32 to vector<16xi32>
      %add3A_1149 = arith.addi %mul3A_393, %add3A_1148 : vector<16xi32>
      tpu.vector_store_idx %arg6[%add3A_1149], %add3A_1146 : memref<6400xi32, #tpu.memory_space<vmem>>[vector<16xi32>], vector<16xi32>,
      %add3A_1150 = arith.addi %mul3A_387, %min3A_262 : vector<16xi32>
      %add3A_1151 = arith.constant 189 : i32
      %add3A_1152 = vector.broadcast %add3A_1151 : i32 to vector<16xi32>
      %add3A_1153 = arith.addi %mul3A_393, %add3A_1152 : vector<16xi32>
      tpu.vector_store_idx %arg6[%add3A_1153], %add3A_1150 : memref<6400xi32, #tpu.memory_space<vmem>>[vector<16xi32>], vector<16xi32>,
      %add3A_1154 = arith.addi %mul3A_387, %min3A_281 : vector<16xi32>
      %add3A_1155 = arith.constant 190 : i32
      %add3A_1156 = vector.broadcast %add3A_1155 : i32 to vector<16xi32>
      %add3A_1157 = arith.addi %mul3A_393, %add3A_1156 : vector<16xi32>
      tpu.vector_store_idx %arg6[%add3A_1157], %add3A_1154 : memref<6400xi32, #tpu.memory_space<vmem>>[vector<16xi32>], vector<16xi32>,
      %add3A_1158 = arith.addi %mul3A_387, %min3A_300 : vector<16xi32>
      %add3A_1159 = arith.constant 191 : i32
      %add3A_1160 = vector.broadcast %add3A_1159 : i32 to vector<16xi32>
      %add3A_1161 = arith.addi %mul3A_393, %add3A_1160 : vector<16xi32>
      tpu.vector_store_idx %arg6[%add3A_1161], %add3A_1158 : memref<6400xi32, #tpu.memory_space<vmem>>[vector<16xi32>], vector<16xi32>,
      %add3A_1162 = arith.addi %mul3A_387, %min3A_319 : vector<16xi32>
      %add3A_1163 = arith.constant 192 : i32
      %add3A_1164 = vector.broadcast %add3A_1163 : i32 to vector<16xi32>
      %add3A_1165 = arith.addi %mul3A_393, %add3A_1164 : vector<16xi32>
      tpu.vector_store_idx %arg6[%add3A_1165], %add3A_1162 : memref<6400xi32, #tpu.memory_space<vmem>>[vector<16xi32>], vector<16xi32>,
      %add3A_1166 = arith.addi %mul3A_387, %min3A_338 : vector<16xi32>
      %add3A_1167 = arith.constant 193 : i32
      %add3A_1168 = vector.broadcast %add3A_1167 : i32 to vector<16xi32>
      %add3A_1169 = arith.addi %mul3A_393, %add3A_1168 : vector<16xi32>
      tpu.vector_store_idx %arg6[%add3A_1169], %add3A_1166 : memref<6400xi32, #tpu.memory_space<vmem>>[vector<16xi32>], vector<16xi32>,
      %add3A_1170 = arith.addi %mul3A_387, %min3A_357 : vector<16xi32>
      %add3A_1171 = arith.constant 194 : i32
      %add3A_1172 = vector.broadcast %add3A_1171 : i32 to vector<16xi32>
      %add3A_1173 = arith.addi %mul3A_393, %add3A_1172 : vector<16xi32>
      tpu.vector_store_idx %arg6[%add3A_1173], %add3A_1170 : memref<6400xi32, #tpu.memory_space<vmem>>[vector<16xi32>], vector<16xi32>,
      %add3A_1174 = arith.addi %mul3A_387, %min3A_376 : vector<16xi32>
      %add3A_1175 = arith.constant 195 : i32
      %add3A_1176 = vector.broadcast %add3A_1175 : i32 to vector<16xi32>
      %add3A_1177 = arith.addi %mul3A_393, %add3A_1176 : vector<16xi32>
      tpu.vector_store_idx %arg6[%add3A_1177], %add3A_1174 : memref<6400xi32, #tpu.memory_space<vmem>>[vector<16xi32>], vector<16xi32>,
      %add3A_1178 = arith.addi %mul3A_387, %min3A_376 : vector<16xi32>
      %add3A_1179 = arith.constant 196 : i32
      %add3A_1180 = vector.broadcast %add3A_1179 : i32 to vector<16xi32>
      %add3A_1181 = arith.addi %mul3A_393, %add3A_1180 : vector<16xi32>
      tpu.vector_store_idx %arg6[%add3A_1181], %add3A_1178 : memref<6400xi32, #tpu.memory_space<vmem>>[vector<16xi32>], vector<16xi32>,
      %add3A_1182 = arith.constant 197 : i32
      %add3A_1183 = vector.broadcast %add3A_1182 : i32 to vector<16xi32>
      %add3A_1184 = arith.addi %mul3A_393, %add3A_1183 : vector<16xi32>
      tpu.vector_store_idx %arg6[%add3A_1184], %add3A_1178 : memref<6400xi32, #tpu.memory_space<vmem>>[vector<16xi32>], vector<16xi32>,
      %add3A_1185 = arith.constant 198 : i32
      %add3A_1186 = vector.broadcast %add3A_1185 : i32 to vector<16xi32>
      %add3A_1187 = arith.addi %mul3A_393, %add3A_1186 : vector<16xi32>
      tpu.vector_store_idx %arg6[%add3A_1187], %add3A_1178 : memref<6400xi32, #tpu.memory_space<vmem>>[vector<16xi32>], vector<16xi32>,
      %add3A_1188 = arith.constant 199 : i32
      %add3A_1189 = vector.broadcast %add3A_1188 : i32 to vector<16xi32>
      %add3A_1190 = arith.addi %mul3A_393, %add3A_1189 : vector<16xi32>
      tpu.vector_store_idx %arg6[%add3A_1190], %add3A_1178 : memref<6400xi32, #tpu.memory_space<vmem>>[vector<16xi32>], vector<16xi32>,
    } else {
    }
    %gt3A_21 = arith.constant 0 : i32
    %gt3A_22 = arith.cmpi sgt, %select_n3A_13, %gt3A_21 : i32
    %convert_element_type3A_23 = arith.extui %gt3A_22 : i1 to i32
    %cond3A_24 = arith.constant 0 : i32
    %cond3A_25 = arith.cmpi ne, %convert_element_type3A_23, %cond3A_24 : i32
    scf.if %cond3A_25 {
      %multiple_of3A_43 = arith.constant 0 : i32
      %multiple_of3A_44 = tpu.assume_multiple %multiple_of3A_43, 8 : i32
      %dma_start3A = arith.constant 0 : i32
      %dma_start3A_45 = arith.constant 0 : i32
      %dma_start3A_46 = tpu.memref_slice %arg7[%dma_start3A, %dma_start3A_45] : memref<200x128xi32, #tpu.memory_space<vmem>> -> memref<96x128xi32, #tpu.memory_space<vmem>>
      %dma_start3A_47 = tpu.memref_slice %arg6[%multiple_of3A_44] : memref<6400xi32, #tpu.memory_space<vmem>> -> memref<96xi32, #tpu.memory_space<vmem>>
      %dma_start3A_48 = arith.constant 0 : i32
      %dma_start3A_49 = arith.constant 0 : i32
      %dma_start3A_50 = tpu.memref_slice %arg2[%dma_start3A_48, %dma_start3A_49] : memref<4096x128xi32, #tpu.memory_space<hbm>> -> memref<4096x128xi32, #tpu.memory_space<hbm>>
      tpu.enqueue_indirect_dma source(%dma_start3A_50 : memref<4096x128xi32, #tpu.memory_space<hbm>>) target(%dma_start3A_46 : memref<96x128xi32, #tpu.memory_space<vmem>>) offsets(%dma_start3A_47 : memref<96xi32, #tpu.memory_space<vmem>>) semaphore(%arg11 : memref<!tpu.dma_semaphore, #tpu.memory_space<semaphore_mem>>)
      %multiple_of3A_51 = arith.constant 96 : i32
      %multiple_of3A_52 = tpu.assume_multiple %multiple_of3A_51, 8 : i32
      %dma_start3A_53 = arith.constant 96 : i32
      %dma_start3A_54 = arith.constant 0 : i32
      %dma_start3A_55 = tpu.memref_slice %arg7[%dma_start3A_53, %dma_start3A_54] : memref<200x128xi32, #tpu.memory_space<vmem>> -> memref<104x128xi32, #tpu.memory_space<vmem>>
      %dma_start3A_56 = tpu.memref_slice %arg6[%multiple_of3A_52] : memref<6400xi32, #tpu.memory_space<vmem>> -> memref<104xi32, #tpu.memory_space<vmem>>
      %dma_start3A_57 = arith.constant 0 : i32
      %dma_start3A_58 = arith.constant 0 : i32
      %dma_start3A_59 = tpu.memref_slice %arg2[%dma_start3A_57, %dma_start3A_58] : memref<4096x128xi32, #tpu.memory_space<hbm>> -> memref<4096x128xi32, #tpu.memory_space<hbm>>
      tpu.enqueue_indirect_dma source(%dma_start3A_59 : memref<4096x128xi32, #tpu.memory_space<hbm>>) target(%dma_start3A_55 : memref<104x128xi32, #tpu.memory_space<vmem>>) offsets(%dma_start3A_56 : memref<104xi32, #tpu.memory_space<vmem>>) semaphore(%arg11 : memref<!tpu.dma_semaphore, #tpu.memory_space<semaphore_mem>>)
      %multiple_of3A_60 = arith.constant 200 : i32
      %multiple_of3A_61 = tpu.assume_multiple %multiple_of3A_60, 8 : i32
      %dma_start3A_62 = arith.constant 0 : i32
      %dma_start3A_63 = arith.constant 0 : i32
      %dma_start3A_64 = tpu.memref_slice %arg8[%dma_start3A_62, %dma_start3A_63] : memref<200x128xi32, #tpu.memory_space<vmem>> -> memref<96x128xi32, #tpu.memory_space<vmem>>
      %dma_start3A_65 = tpu.memref_slice %arg6[%multiple_of3A_61] : memref<6400xi32, #tpu.memory_space<vmem>> -> memref<96xi32, #tpu.memory_space<vmem>>
      %dma_start3A_66 = arith.constant 0 : i32
      %dma_start3A_67 = arith.constant 0 : i32
      %dma_start3A_68 = tpu.memref_slice %arg2[%dma_start3A_66, %dma_start3A_67] : memref<4096x128xi32, #tpu.memory_space<hbm>> -> memref<4096x128xi32, #tpu.memory_space<hbm>>
      tpu.enqueue_indirect_dma source(%dma_start3A_68 : memref<4096x128xi32, #tpu.memory_space<hbm>>) target(%dma_start3A_64 : memref<96x128xi32, #tpu.memory_space<vmem>>) offsets(%dma_start3A_65 : memref<96xi32, #tpu.memory_space<vmem>>) semaphore(%arg12 : memref<!tpu.dma_semaphore, #tpu.memory_space<semaphore_mem>>)
      %multiple_of3A_69 = arith.constant 296 : i32
      %multiple_of3A_70 = tpu.assume_multiple %multiple_of3A_69, 8 : i32
      %dma_start3A_71 = arith.constant 96 : i32
      %dma_start3A_72 = arith.constant 0 : i32
      %dma_start3A_73 = tpu.memref_slice %arg8[%dma_start3A_71, %dma_start3A_72] : memref<200x128xi32, #tpu.memory_space<vmem>> -> memref<104x128xi32, #tpu.memory_space<vmem>>
      %dma_start3A_74 = tpu.memref_slice %arg6[%multiple_of3A_70] : memref<6400xi32, #tpu.memory_space<vmem>> -> memref<104xi32, #tpu.memory_space<vmem>>
      %dma_start3A_75 = arith.constant 0 : i32
      %dma_start3A_76 = arith.constant 0 : i32
      %dma_start3A_77 = tpu.memref_slice %arg2[%dma_start3A_75, %dma_start3A_76] : memref<4096x128xi32, #tpu.memory_space<hbm>> -> memref<4096x128xi32, #tpu.memory_space<hbm>>
      tpu.enqueue_indirect_dma source(%dma_start3A_77 : memref<4096x128xi32, #tpu.memory_space<hbm>>) target(%dma_start3A_73 : memref<104x128xi32, #tpu.memory_space<vmem>>) offsets(%dma_start3A_74 : memref<104xi32, #tpu.memory_space<vmem>>) semaphore(%arg12 : memref<!tpu.dma_semaphore, #tpu.memory_space<semaphore_mem>>)
    } else {
    }
    %jit3A_26 = arith.constant 16 : i32
    %jit3A_27 = arith.constant 16 : i32
    %select_n3A_28 = arith.select %eq3A_0, %jit3A_26, %jit3A_27 : i32
    %while3A = arith.constant 0 : i32
    %while3A_29 = arith.constant 0 : i32
    %while3A_30 = arith.subi %select_n3A_28, %while3A_29 : i32
    %while3A_31 = arith.addi %while3A_29, %while3A_30 : i32
    %while3A_32 = arith.constant 1 : i32
    %while3A_33 = arith.divsi %while3A_30, %while3A_32 : i32
    %while3A_34 = arith.muli %while3A_33, %while3A_32 : i32
    %while3A_35 = arith.addi %while3A_29, %while3A_34 : i32
    %while3A_36 = arith.constant 1 : i32
    scf.for %while3A_43 = %while3A_29 to %while3A_35 step %while3A_36  : i32 {
      %mul3A_44 = arith.constant 2 : i32
      %mul3A_45 = arith.muli %mul3A_44, %while3A_43 : i32
      %add3A_46 = arith.constant 0 : i32
      %add3A_47 = arith.addi %mul3A_45, %add3A_46 : i32
      %dma_wait3A = arith.constant 0 : i32
      %dma_wait3A_48 = arith.constant 0 : i32
      %dma_wait3A_49 = tpu.memref_slice %arg2[%dma_wait3A, %dma_wait3A_48] : memref<4096x128xi32, #tpu.memory_space<hbm>> -> memref<200x128xi32, #tpu.memory_space<hbm>>
      %dma_wait3A_50 = arith.constant 0 : i32
      %dma_wait3A_51 = arith.constant 0 : i32
      %dma_wait3A_52 = tpu.memref_slice %arg2[%dma_wait3A_50, %dma_wait3A_51] : memref<4096x128xi32, #tpu.memory_space<hbm>> -> memref<200x128xi32, #tpu.memory_space<hbm>>
      tpu.wait_dma2 semaphore(%arg11 : memref<!tpu.dma_semaphore, #tpu.memory_space<semaphore_mem>>) src(%dma_wait3A_52 : memref<200x128xi32, #tpu.memory_space<hbm>>) dst(%arg7 : memref<200x128xi32, #tpu.memory_space<vmem>>)
      %gt3A_53 = arith.constant 0 : i32
      %gt3A_54 = arith.cmpi sgt, %while3A_43, %gt3A_53 : i32
      %convert_element_type3A_55 = arith.extui %gt3A_54 : i1 to i32
      %cond3A_56 = arith.constant 0 : i32
      %cond3A_57 = arith.cmpi ne, %convert_element_type3A_55, %cond3A_56 : i32
      scf.if %cond3A_57 {
        %dma_wait3A_116 = arith.constant 0 : i32
        %dma_wait3A_117 = arith.constant 0 : i32
        %dma_wait3A_118 = arith.constant 0 : i32
        %dma_wait3A_119 = arith.constant 0 : i32
        %dma_wait3A_120 = tpu.memref_slice %arg4[%dma_wait3A_116, %dma_wait3A_117, %dma_wait3A_118, %dma_wait3A_119] : memref<1024x49x1x128xi32, #tpu.memory_space<hbm>> -> memref<1x49x1x128xi32, #tpu.memory_space<hbm>>
        %dma_wait3A_121 = tpu.memref_squeeze %dma_wait3A_120 : memref<1x49x1x128xi32, #tpu.memory_space<hbm>> -> memref<49x1x128xi32, #tpu.memory_space<hbm>>
        %dma_wait3A_122 = arith.constant 0 : i32
        %dma_wait3A_123 = arith.constant 0 : i32
        %dma_wait3A_124 = arith.constant 0 : i32
        %dma_wait3A_125 = tpu.memref_slice %arg4[%dma_wait3A_116, %dma_wait3A_122, %dma_wait3A_123, %dma_wait3A_124] : memref<1024x49x1x128xi32, #tpu.memory_space<hbm>> -> memref<1x49x1x128xi32, #tpu.memory_space<hbm>>
        %dma_wait3A_126 = tpu.memref_squeeze %dma_wait3A_125 : memref<1x49x1x128xi32, #tpu.memory_space<hbm>> -> memref<49x1x128xi32, #tpu.memory_space<hbm>>
        tpu.wait_dma2 semaphore(%arg13 : memref<!tpu.dma_semaphore, #tpu.memory_space<semaphore_mem>>) src(%arg9 : memref<49x1x128xi32, #tpu.memory_space<vmem>>) dst(%dma_wait3A_126 : memref<49x1x128xi32, #tpu.memory_space<hbm>>)
      } else {
      }
      %scan3A = arith.constant 0 : i32
      %scan3A_58 = arith.constant 0 : i32
      %scan3A_59 = arith.constant 49 : i32
      %scan3A_60 = arith.addi %scan3A_58, %scan3A_59 : i32
      %scan3A_61 = arith.constant 1 : i32
      scf.for %scan3A_116 = %scan3A_58 to %scan3A_60 step %scan3A_61  : i32 {
        %jit3A_117 = arith.constant 7 : i32
        %div3A = arith.divsi %scan3A_116, %jit3A_117 : i32
        %sign3A = arith.constant 0 : i32
        %sign3A_118 = arith.cmpi sgt, %scan3A_116, %sign3A : i32
        %sign3A_119 = arith.extui %sign3A_118 : i1 to i32
        %sign3A_120 = arith.constant 0 : i32
        %sign3A_121 = arith.cmpi slt, %scan3A_116, %sign3A_120 : i32
        %sign3A_122 = arith.extui %sign3A_121 : i1 to i32
        %sign3A_123 = arith.subi %sign3A_119, %sign3A_122 : i32
        %sign3A_124 = arith.constant 0 : i32
        %sign3A_125 = arith.cmpi sgt, %jit3A_117, %sign3A_124 : i32
        %sign3A_126 = arith.extui %sign3A_125 : i1 to i32
        %sign3A_127 = arith.constant 0 : i32
        %sign3A_128 = arith.cmpi slt, %jit3A_117, %sign3A_127 : i32
        %sign3A_129 = arith.extui %sign3A_128 : i1 to i32
        %sign3A_130 = arith.subi %sign3A_126, %sign3A_129 : i32
        %ne3A = arith.cmpi ne, %sign3A_123, %sign3A_130 : i32
        %rem3A = arith.remsi %scan3A_116, %jit3A_117 : i32
        %ne3A_131 = arith.constant 0 : i32
        %ne3A_132 = arith.cmpi ne, %rem3A, %ne3A_131 : i32
        %and3A = arith.andi %ne3A, %ne3A_132 : i1
        %sub3A = arith.constant 1 : i32
        %sub3A_133 = arith.subi %div3A, %sub3A : i32
        %select_n3A_134 = arith.select %and3A, %sub3A_133, %div3A : i32
        %jit3A_135 = arith.constant 7 : i32
        %eq3A_136 = arith.constant 0 : i32
        %eq3A_137 = arith.cmpi eq, %jit3A_135, %eq3A_136 : i32
        %jit3A_138 = arith.constant 1 : i32
        %select_n3A_139 = arith.select %eq3A_137, %jit3A_138, %jit3A_135 : i32
        %rem3A_140 = arith.remsi %scan3A_116, %select_n3A_139 : i32
        %ne3A_141 = arith.constant 0 : i32
        %ne3A_142 = arith.cmpi ne, %rem3A_140, %ne3A_141 : i32
        %lt3A_143 = arith.constant 0 : i32
        %lt3A_144 = arith.cmpi slt, %rem3A_140, %lt3A_143 : i32
        %lt3A_145 = arith.constant 0 : i32
        %lt3A_146 = arith.cmpi slt, %select_n3A_139, %lt3A_145 : i32
        %ne3A_147 = arith.xori %lt3A_144, %lt3A_146 : i1
        %and3A_148 = arith.andi %ne3A_147, %ne3A_142 : i1
        %add3A_149 = arith.addi %rem3A_140, %select_n3A_139 : i32
        %select_n3A_150 = arith.select %and3A_148, %add3A_149, %rem3A_140 : i32
        %mul3A_151 = arith.constant 28 : i32
        %mul3A_152 = arith.muli %select_n3A_134, %mul3A_151 : i32
        %mul3A_153 = arith.constant 2 : i32
        %mul3A_154 = arith.muli %select_n3A_150, %mul3A_153 : i32
        %add3A_155 = arith.addi %mul3A_152, %mul3A_154 : i32
        %get3A = arith.index_cast %add3A_155 : i32 to index
        %get3A_156 = arith.constant 0 : index
        %get3A_157 = tpu.vector_load %arg7[%get3A, %get3A_156] {strides = array<i32>} : memref<200x128xi32, #tpu.memory_space<vmem>>, vector<16xi32>,
        %bitcast3A = vector.bitcast %get3A_157 : vector<16xi32> to vector<32xbf16>
        %add3A_158 = arith.constant 1 : i32
        %add3A_159 = arith.addi %add3A_155, %add3A_158 : i32
        %get3A_160 = arith.index_cast %add3A_159 : i32 to index
        %get3A_161 = arith.constant 0 : index
        %get3A_162 = tpu.vector_load %arg7[%get3A_160, %get3A_161] {strides = array<i32>} : memref<200x128xi32, #tpu.memory_space<vmem>>, vector<16xi32>,
        %bitcast3A_163 = vector.bitcast %get3A_162 : vector<16xi32> to vector<32xbf16>
        %add3A_164 = arith.constant 14 : i32
        %add3A_165 = arith.addi %add3A_155, %add3A_164 : i32
        %get3A_166 = arith.index_cast %add3A_165 : i32 to index
        %get3A_167 = arith.constant 0 : index
        %get3A_168 = tpu.vector_load %arg7[%get3A_166, %get3A_167] {strides = array<i32>} : memref<200x128xi32, #tpu.memory_space<vmem>>, vector<16xi32>,
        %bitcast3A_169 = vector.bitcast %get3A_168 : vector<16xi32> to vector<32xbf16>
        %add3A_170 = arith.constant 14 : i32
        %add3A_171 = arith.addi %add3A_155, %add3A_170 : i32
        %add3A_172 = arith.constant 1 : i32
        %add3A_173 = arith.addi %add3A_171, %add3A_172 : i32
        %get3A_174 = arith.index_cast %add3A_173 : i32 to index
        %get3A_175 = arith.constant 0 : index
        %get3A_176 = tpu.vector_load %arg7[%get3A_174, %get3A_175] {strides = array<i32>} : memref<200x128xi32, #tpu.memory_space<vmem>>, vector<16xi32>,
        %bitcast3A_177 = vector.bitcast %get3A_176 : vector<16xi32> to vector<32xbf16>
        %max3A = arith.maximumf %bitcast3A, %bitcast3A_163 : vector<32xbf16>
        %max3A_178 = arith.maximumf %bitcast3A_169, %bitcast3A_177 : vector<32xbf16>
        %max3A_179 = arith.maximumf %max3A, %max3A_178 : vector<32xbf16>
        %bitcast3A_180 = vector.bitcast %max3A_179 : vector<32xbf16> to vector<16xi32>
        %swap3A = arith.constant 0 : i32
        %swap3A_181 = arith.index_cast %scan3A_116 : i32 to index
        %swap3A_182 = arith.index_cast %swap3A : i32 to index
        %swap3A_183 = arith.constant 0 : index
        %swap3A_184 = tpu.vector_load %arg9[%swap3A_181, %swap3A_182, %swap3A_183] {strides = array<i32>} : memref<49x1x128xi32, #tpu.memory_space<vmem>>, vector<16xi32>,
        tpu.vector_store %arg9[%swap3A_181, %swap3A_182, %swap3A_183], %bitcast3A_180 {strides = array<i32>} : memref<49x1x128xi32, #tpu.memory_space<vmem>>, vector<16xi32>,
        %get3A_185 = arith.index_cast %add3A_155 : i32 to index
        %get3A_186 = arith.constant 16 : index
        %get3A_187 = tpu.vector_load %arg7[%get3A_185, %get3A_186] {strides = array<i32>} : memref<200x128xi32, #tpu.memory_space<vmem>>, vector<16xi32>,
        %bitcast3A_188 = vector.bitcast %get3A_187 : vector<16xi32> to vector<32xbf16>
        %add3A_189 = arith.constant 1 : i32
        %add3A_190 = arith.addi %add3A_155, %add3A_189 : i32
        %get3A_191 = arith.index_cast %add3A_190 : i32 to index
        %get3A_192 = arith.constant 16 : index
        %get3A_193 = tpu.vector_load %arg7[%get3A_191, %get3A_192] {strides = array<i32>} : memref<200x128xi32, #tpu.memory_space<vmem>>, vector<16xi32>,
        %bitcast3A_194 = vector.bitcast %get3A_193 : vector<16xi32> to vector<32xbf16>
        %add3A_195 = arith.constant 14 : i32
        %add3A_196 = arith.addi %add3A_155, %add3A_195 : i32
        %get3A_197 = arith.index_cast %add3A_196 : i32 to index
        %get3A_198 = arith.constant 16 : index
        %get3A_199 = tpu.vector_load %arg7[%get3A_197, %get3A_198] {strides = array<i32>} : memref<200x128xi32, #tpu.memory_space<vmem>>, vector<16xi32>,
        %bitcast3A_200 = vector.bitcast %get3A_199 : vector<16xi32> to vector<32xbf16>
        %add3A_201 = arith.constant 14 : i32
        %add3A_202 = arith.addi %add3A_155, %add3A_201 : i32
        %add3A_203 = arith.constant 1 : i32
        %add3A_204 = arith.addi %add3A_202, %add3A_203 : i32
        %get3A_205 = arith.index_cast %add3A_204 : i32 to index
        %get3A_206 = arith.constant 16 : index
        %get3A_207 = tpu.vector_load %arg7[%get3A_205, %get3A_206] {strides = array<i32>} : memref<200x128xi32, #tpu.memory_space<vmem>>, vector<16xi32>,
        %bitcast3A_208 = vector.bitcast %get3A_207 : vector<16xi32> to vector<32xbf16>
        %max3A_209 = arith.maximumf %bitcast3A_188, %bitcast3A_194 : vector<32xbf16>
        %max3A_210 = arith.maximumf %bitcast3A_200, %bitcast3A_208 : vector<32xbf16>
        %max3A_211 = arith.maximumf %max3A_209, %max3A_210 : vector<32xbf16>
        %bitcast3A_212 = vector.bitcast %max3A_211 : vector<32xbf16> to vector<16xi32>
        %swap3A_213 = arith.constant 0 : i32
        %swap3A_214 = arith.index_cast %scan3A_116 : i32 to index
        %swap3A_215 = arith.index_cast %swap3A_213 : i32 to index
        %swap3A_216 = arith.constant 16 : index
        %swap3A_217 = tpu.vector_load %arg9[%swap3A_214, %swap3A_215, %swap3A_216] {strides = array<i32>} : memref<49x1x128xi32, #tpu.memory_space<vmem>>, vector<16xi32>,
        tpu.vector_store %arg9[%swap3A_214, %swap3A_215, %swap3A_216], %bitcast3A_212 {strides = array<i32>} : memref<49x1x128xi32, #tpu.memory_space<vmem>>, vector<16xi32>,
        %get3A_218 = arith.index_cast %add3A_155 : i32 to index
        %get3A_219 = arith.constant 32 : index
        %get3A_220 = tpu.vector_load %arg7[%get3A_218, %get3A_219] {strides = array<i32>} : memref<200x128xi32, #tpu.memory_space<vmem>>, vector<16xi32>,
        %bitcast3A_221 = vector.bitcast %get3A_220 : vector<16xi32> to vector<32xbf16>
        %add3A_222 = arith.constant 1 : i32
        %add3A_223 = arith.addi %add3A_155, %add3A_222 : i32
        %get3A_224 = arith.index_cast %add3A_223 : i32 to index
        %get3A_225 = arith.constant 32 : index
        %get3A_226 = tpu.vector_load %arg7[%get3A_224, %get3A_225] {strides = array<i32>} : memref<200x128xi32, #tpu.memory_space<vmem>>, vector<16xi32>,
        %bitcast3A_227 = vector.bitcast %get3A_226 : vector<16xi32> to vector<32xbf16>
        %add3A_228 = arith.constant 14 : i32
        %add3A_229 = arith.addi %add3A_155, %add3A_228 : i32
        %get3A_230 = arith.index_cast %add3A_229 : i32 to index
        %get3A_231 = arith.constant 32 : index
        %get3A_232 = tpu.vector_load %arg7[%get3A_230, %get3A_231] {strides = array<i32>} : memref<200x128xi32, #tpu.memory_space<vmem>>, vector<16xi32>,
        %bitcast3A_233 = vector.bitcast %get3A_232 : vector<16xi32> to vector<32xbf16>
        %add3A_234 = arith.constant 14 : i32
        %add3A_235 = arith.addi %add3A_155, %add3A_234 : i32
        %add3A_236 = arith.constant 1 : i32
        %add3A_237 = arith.addi %add3A_235, %add3A_236 : i32
        %get3A_238 = arith.index_cast %add3A_237 : i32 to index
        %get3A_239 = arith.constant 32 : index
        %get3A_240 = tpu.vector_load %arg7[%get3A_238, %get3A_239] {strides = array<i32>} : memref<200x128xi32, #tpu.memory_space<vmem>>, vector<16xi32>,
        %bitcast3A_241 = vector.bitcast %get3A_240 : vector<16xi32> to vector<32xbf16>
        %max3A_242 = arith.maximumf %bitcast3A_221, %bitcast3A_227 : vector<32xbf16>
        %max3A_243 = arith.maximumf %bitcast3A_233, %bitcast3A_241 : vector<32xbf16>
        %max3A_244 = arith.maximumf %max3A_242, %max3A_243 : vector<32xbf16>
        %bitcast3A_245 = vector.bitcast %max3A_244 : vector<32xbf16> to vector<16xi32>
        %swap3A_246 = arith.constant 0 : i32
        %swap3A_247 = arith.index_cast %scan3A_116 : i32 to index
        %swap3A_248 = arith.index_cast %swap3A_246 : i32 to index
        %swap3A_249 = arith.constant 32 : index
        %swap3A_250 = tpu.vector_load %arg9[%swap3A_247, %swap3A_248, %swap3A_249] {strides = array<i32>} : memref<49x1x128xi32, #tpu.memory_space<vmem>>, vector<16xi32>,
        tpu.vector_store %arg9[%swap3A_247, %swap3A_248, %swap3A_249], %bitcast3A_245 {strides = array<i32>} : memref<49x1x128xi32, #tpu.memory_space<vmem>>, vector<16xi32>,
        %get3A_251 = arith.index_cast %add3A_155 : i32 to index
        %get3A_252 = arith.constant 48 : index
        %get3A_253 = tpu.vector_load %arg7[%get3A_251, %get3A_252] {strides = array<i32>} : memref<200x128xi32, #tpu.memory_space<vmem>>, vector<16xi32>,
        %bitcast3A_254 = vector.bitcast %get3A_253 : vector<16xi32> to vector<32xbf16>
        %add3A_255 = arith.constant 1 : i32
        %add3A_256 = arith.addi %add3A_155, %add3A_255 : i32
        %get3A_257 = arith.index_cast %add3A_256 : i32 to index
        %get3A_258 = arith.constant 48 : index
        %get3A_259 = tpu.vector_load %arg7[%get3A_257, %get3A_258] {strides = array<i32>} : memref<200x128xi32, #tpu.memory_space<vmem>>, vector<16xi32>,
        %bitcast3A_260 = vector.bitcast %get3A_259 : vector<16xi32> to vector<32xbf16>
        %add3A_261 = arith.constant 14 : i32
        %add3A_262 = arith.addi %add3A_155, %add3A_261 : i32
        %get3A_263 = arith.index_cast %add3A_262 : i32 to index
        %get3A_264 = arith.constant 48 : index
        %get3A_265 = tpu.vector_load %arg7[%get3A_263, %get3A_264] {strides = array<i32>} : memref<200x128xi32, #tpu.memory_space<vmem>>, vector<16xi32>,
        %bitcast3A_266 = vector.bitcast %get3A_265 : vector<16xi32> to vector<32xbf16>
        %add3A_267 = arith.constant 14 : i32
        %add3A_268 = arith.addi %add3A_155, %add3A_267 : i32
        %add3A_269 = arith.constant 1 : i32
        %add3A_270 = arith.addi %add3A_268, %add3A_269 : i32
        %get3A_271 = arith.index_cast %add3A_270 : i32 to index
        %get3A_272 = arith.constant 48 : index
        %get3A_273 = tpu.vector_load %arg7[%get3A_271, %get3A_272] {strides = array<i32>} : memref<200x128xi32, #tpu.memory_space<vmem>>, vector<16xi32>,
        %bitcast3A_274 = vector.bitcast %get3A_273 : vector<16xi32> to vector<32xbf16>
        %max3A_275 = arith.maximumf %bitcast3A_254, %bitcast3A_260 : vector<32xbf16>
        %max3A_276 = arith.maximumf %bitcast3A_266, %bitcast3A_274 : vector<32xbf16>
        %max3A_277 = arith.maximumf %max3A_275, %max3A_276 : vector<32xbf16>
        %bitcast3A_278 = vector.bitcast %max3A_277 : vector<32xbf16> to vector<16xi32>
        %swap3A_279 = arith.constant 0 : i32
        %swap3A_280 = arith.index_cast %scan3A_116 : i32 to index
        %swap3A_281 = arith.index_cast %swap3A_279 : i32 to index
        %swap3A_282 = arith.constant 48 : index
        %swap3A_283 = tpu.vector_load %arg9[%swap3A_280, %swap3A_281, %swap3A_282] {strides = array<i32>} : memref<49x1x128xi32, #tpu.memory_space<vmem>>, vector<16xi32>,
        tpu.vector_store %arg9[%swap3A_280, %swap3A_281, %swap3A_282], %bitcast3A_278 {strides = array<i32>} : memref<49x1x128xi32, #tpu.memory_space<vmem>>, vector<16xi32>,
        %get3A_284 = arith.index_cast %add3A_155 : i32 to index
        %get3A_285 = arith.constant 64 : index
        %get3A_286 = tpu.vector_load %arg7[%get3A_284, %get3A_285] {strides = array<i32>} : memref<200x128xi32, #tpu.memory_space<vmem>>, vector<16xi32>,
        %bitcast3A_287 = vector.bitcast %get3A_286 : vector<16xi32> to vector<32xbf16>
        %add3A_288 = arith.constant 1 : i32
        %add3A_289 = arith.addi %add3A_155, %add3A_288 : i32
        %get3A_290 = arith.index_cast %add3A_289 : i32 to index
        %get3A_291 = arith.constant 64 : index
        %get3A_292 = tpu.vector_load %arg7[%get3A_290, %get3A_291] {strides = array<i32>} : memref<200x128xi32, #tpu.memory_space<vmem>>, vector<16xi32>,
        %bitcast3A_293 = vector.bitcast %get3A_292 : vector<16xi32> to vector<32xbf16>
        %add3A_294 = arith.constant 14 : i32
        %add3A_295 = arith.addi %add3A_155, %add3A_294 : i32
        %get3A_296 = arith.index_cast %add3A_295 : i32 to index
        %get3A_297 = arith.constant 64 : index
        %get3A_298 = tpu.vector_load %arg7[%get3A_296, %get3A_297] {strides = array<i32>} : memref<200x128xi32, #tpu.memory_space<vmem>>, vector<16xi32>,
        %bitcast3A_299 = vector.bitcast %get3A_298 : vector<16xi32> to vector<32xbf16>
        %add3A_300 = arith.constant 14 : i32
        %add3A_301 = arith.addi %add3A_155, %add3A_300 : i32
        %add3A_302 = arith.constant 1 : i32
        %add3A_303 = arith.addi %add3A_301, %add3A_302 : i32
        %get3A_304 = arith.index_cast %add3A_303 : i32 to index
        %get3A_305 = arith.constant 64 : index
        %get3A_306 = tpu.vector_load %arg7[%get3A_304, %get3A_305] {strides = array<i32>} : memref<200x128xi32, #tpu.memory_space<vmem>>, vector<16xi32>,
        %bitcast3A_307 = vector.bitcast %get3A_306 : vector<16xi32> to vector<32xbf16>
        %max3A_308 = arith.maximumf %bitcast3A_287, %bitcast3A_293 : vector<32xbf16>
        %max3A_309 = arith.maximumf %bitcast3A_299, %bitcast3A_307 : vector<32xbf16>
        %max3A_310 = arith.maximumf %max3A_308, %max3A_309 : vector<32xbf16>
        %bitcast3A_311 = vector.bitcast %max3A_310 : vector<32xbf16> to vector<16xi32>
        %swap3A_312 = arith.constant 0 : i32
        %swap3A_313 = arith.index_cast %scan3A_116 : i32 to index
        %swap3A_314 = arith.index_cast %swap3A_312 : i32 to index
        %swap3A_315 = arith.constant 64 : index
        %swap3A_316 = tpu.vector_load %arg9[%swap3A_313, %swap3A_314, %swap3A_315] {strides = array<i32>} : memref<49x1x128xi32, #tpu.memory_space<vmem>>, vector<16xi32>,
        tpu.vector_store %arg9[%swap3A_313, %swap3A_314, %swap3A_315], %bitcast3A_311 {strides = array<i32>} : memref<49x1x128xi32, #tpu.memory_space<vmem>>, vector<16xi32>,
        %get3A_317 = arith.index_cast %add3A_155 : i32 to index
        %get3A_318 = arith.constant 80 : index
        %get3A_319 = tpu.vector_load %arg7[%get3A_317, %get3A_318] {strides = array<i32>} : memref<200x128xi32, #tpu.memory_space<vmem>>, vector<16xi32>,
        %bitcast3A_320 = vector.bitcast %get3A_319 : vector<16xi32> to vector<32xbf16>
        %add3A_321 = arith.constant 1 : i32
        %add3A_322 = arith.addi %add3A_155, %add3A_321 : i32
        %get3A_323 = arith.index_cast %add3A_322 : i32 to index
        %get3A_324 = arith.constant 80 : index
        %get3A_325 = tpu.vector_load %arg7[%get3A_323, %get3A_324] {strides = array<i32>} : memref<200x128xi32, #tpu.memory_space<vmem>>, vector<16xi32>,
        %bitcast3A_326 = vector.bitcast %get3A_325 : vector<16xi32> to vector<32xbf16>
        %add3A_327 = arith.constant 14 : i32
        %add3A_328 = arith.addi %add3A_155, %add3A_327 : i32
        %get3A_329 = arith.index_cast %add3A_328 : i32 to index
        %get3A_330 = arith.constant 80 : index
        %get3A_331 = tpu.vector_load %arg7[%get3A_329, %get3A_330] {strides = array<i32>} : memref<200x128xi32, #tpu.memory_space<vmem>>, vector<16xi32>,
        %bitcast3A_332 = vector.bitcast %get3A_331 : vector<16xi32> to vector<32xbf16>
        %add3A_333 = arith.constant 14 : i32
        %add3A_334 = arith.addi %add3A_155, %add3A_333 : i32
        %add3A_335 = arith.constant 1 : i32
        %add3A_336 = arith.addi %add3A_334, %add3A_335 : i32
        %get3A_337 = arith.index_cast %add3A_336 : i32 to index
        %get3A_338 = arith.constant 80 : index
        %get3A_339 = tpu.vector_load %arg7[%get3A_337, %get3A_338] {strides = array<i32>} : memref<200x128xi32, #tpu.memory_space<vmem>>, vector<16xi32>,
        %bitcast3A_340 = vector.bitcast %get3A_339 : vector<16xi32> to vector<32xbf16>
        %max3A_341 = arith.maximumf %bitcast3A_320, %bitcast3A_326 : vector<32xbf16>
        %max3A_342 = arith.maximumf %bitcast3A_332, %bitcast3A_340 : vector<32xbf16>
        %max3A_343 = arith.maximumf %max3A_341, %max3A_342 : vector<32xbf16>
        %bitcast3A_344 = vector.bitcast %max3A_343 : vector<32xbf16> to vector<16xi32>
        %swap3A_345 = arith.constant 0 : i32
        %swap3A_346 = arith.index_cast %scan3A_116 : i32 to index
        %swap3A_347 = arith.index_cast %swap3A_345 : i32 to index
        %swap3A_348 = arith.constant 80 : index
        %swap3A_349 = tpu.vector_load %arg9[%swap3A_346, %swap3A_347, %swap3A_348] {strides = array<i32>} : memref<49x1x128xi32, #tpu.memory_space<vmem>>, vector<16xi32>,
        tpu.vector_store %arg9[%swap3A_346, %swap3A_347, %swap3A_348], %bitcast3A_344 {strides = array<i32>} : memref<49x1x128xi32, #tpu.memory_space<vmem>>, vector<16xi32>,
        %get3A_350 = arith.index_cast %add3A_155 : i32 to index
        %get3A_351 = arith.constant 96 : index
        %get3A_352 = tpu.vector_load %arg7[%get3A_350, %get3A_351] {strides = array<i32>} : memref<200x128xi32, #tpu.memory_space<vmem>>, vector<16xi32>,
        %bitcast3A_353 = vector.bitcast %get3A_352 : vector<16xi32> to vector<32xbf16>
        %add3A_354 = arith.constant 1 : i32
        %add3A_355 = arith.addi %add3A_155, %add3A_354 : i32
        %get3A_356 = arith.index_cast %add3A_355 : i32 to index
        %get3A_357 = arith.constant 96 : index
        %get3A_358 = tpu.vector_load %arg7[%get3A_356, %get3A_357] {strides = array<i32>} : memref<200x128xi32, #tpu.memory_space<vmem>>, vector<16xi32>,
        %bitcast3A_359 = vector.bitcast %get3A_358 : vector<16xi32> to vector<32xbf16>
        %add3A_360 = arith.constant 14 : i32
        %add3A_361 = arith.addi %add3A_155, %add3A_360 : i32
        %get3A_362 = arith.index_cast %add3A_361 : i32 to index
        %get3A_363 = arith.constant 96 : index
        %get3A_364 = tpu.vector_load %arg7[%get3A_362, %get3A_363] {strides = array<i32>} : memref<200x128xi32, #tpu.memory_space<vmem>>, vector<16xi32>,
        %bitcast3A_365 = vector.bitcast %get3A_364 : vector<16xi32> to vector<32xbf16>
        %add3A_366 = arith.constant 14 : i32
        %add3A_367 = arith.addi %add3A_155, %add3A_366 : i32
        %add3A_368 = arith.constant 1 : i32
        %add3A_369 = arith.addi %add3A_367, %add3A_368 : i32
        %get3A_370 = arith.index_cast %add3A_369 : i32 to index
        %get3A_371 = arith.constant 96 : index
        %get3A_372 = tpu.vector_load %arg7[%get3A_370, %get3A_371] {strides = array<i32>} : memref<200x128xi32, #tpu.memory_space<vmem>>, vector<16xi32>,
        %bitcast3A_373 = vector.bitcast %get3A_372 : vector<16xi32> to vector<32xbf16>
        %max3A_374 = arith.maximumf %bitcast3A_353, %bitcast3A_359 : vector<32xbf16>
        %max3A_375 = arith.maximumf %bitcast3A_365, %bitcast3A_373 : vector<32xbf16>
        %max3A_376 = arith.maximumf %max3A_374, %max3A_375 : vector<32xbf16>
        %bitcast3A_377 = vector.bitcast %max3A_376 : vector<32xbf16> to vector<16xi32>
        %swap3A_378 = arith.constant 0 : i32
        %swap3A_379 = arith.index_cast %scan3A_116 : i32 to index
        %swap3A_380 = arith.index_cast %swap3A_378 : i32 to index
        %swap3A_381 = arith.constant 96 : index
        %swap3A_382 = tpu.vector_load %arg9[%swap3A_379, %swap3A_380, %swap3A_381] {strides = array<i32>} : memref<49x1x128xi32, #tpu.memory_space<vmem>>, vector<16xi32>,
        tpu.vector_store %arg9[%swap3A_379, %swap3A_380, %swap3A_381], %bitcast3A_377 {strides = array<i32>} : memref<49x1x128xi32, #tpu.memory_space<vmem>>, vector<16xi32>,
        %get3A_383 = arith.index_cast %add3A_155 : i32 to index
        %get3A_384 = arith.constant 112 : index
        %get3A_385 = tpu.vector_load %arg7[%get3A_383, %get3A_384] {strides = array<i32>} : memref<200x128xi32, #tpu.memory_space<vmem>>, vector<16xi32>,
        %bitcast3A_386 = vector.bitcast %get3A_385 : vector<16xi32> to vector<32xbf16>
        %add3A_387 = arith.constant 1 : i32
        %add3A_388 = arith.addi %add3A_155, %add3A_387 : i32
        %get3A_389 = arith.index_cast %add3A_388 : i32 to index
        %get3A_390 = arith.constant 112 : index
        %get3A_391 = tpu.vector_load %arg7[%get3A_389, %get3A_390] {strides = array<i32>} : memref<200x128xi32, #tpu.memory_space<vmem>>, vector<16xi32>,
        %bitcast3A_392 = vector.bitcast %get3A_391 : vector<16xi32> to vector<32xbf16>
        %add3A_393 = arith.constant 14 : i32
        %add3A_394 = arith.addi %add3A_155, %add3A_393 : i32
        %get3A_395 = arith.index_cast %add3A_394 : i32 to index
        %get3A_396 = arith.constant 112 : index
        %get3A_397 = tpu.vector_load %arg7[%get3A_395, %get3A_396] {strides = array<i32>} : memref<200x128xi32, #tpu.memory_space<vmem>>, vector<16xi32>,
        %bitcast3A_398 = vector.bitcast %get3A_397 : vector<16xi32> to vector<32xbf16>
        %add3A_399 = arith.constant 14 : i32
        %add3A_400 = arith.addi %add3A_155, %add3A_399 : i32
        %add3A_401 = arith.constant 1 : i32
        %add3A_402 = arith.addi %add3A_400, %add3A_401 : i32
        %get3A_403 = arith.index_cast %add3A_402 : i32 to index
        %get3A_404 = arith.constant 112 : index
        %get3A_405 = tpu.vector_load %arg7[%get3A_403, %get3A_404] {strides = array<i32>} : memref<200x128xi32, #tpu.memory_space<vmem>>, vector<16xi32>,
        %bitcast3A_406 = vector.bitcast %get3A_405 : vector<16xi32> to vector<32xbf16>
        %max3A_407 = arith.maximumf %bitcast3A_386, %bitcast3A_392 : vector<32xbf16>
        %max3A_408 = arith.maximumf %bitcast3A_398, %bitcast3A_406 : vector<32xbf16>
        %max3A_409 = arith.maximumf %max3A_407, %max3A_408 : vector<32xbf16>
        %bitcast3A_410 = vector.bitcast %max3A_409 : vector<32xbf16> to vector<16xi32>
        %swap3A_411 = arith.constant 0 : i32
        %swap3A_412 = arith.index_cast %scan3A_116 : i32 to index
        %swap3A_413 = arith.index_cast %swap3A_411 : i32 to index
        %swap3A_414 = arith.constant 112 : index
        %swap3A_415 = tpu.vector_load %arg9[%swap3A_412, %swap3A_413, %swap3A_414] {strides = array<i32>} : memref<49x1x128xi32, #tpu.memory_space<vmem>>, vector<16xi32>,
        tpu.vector_store %arg9[%swap3A_412, %swap3A_413, %swap3A_414], %bitcast3A_410 {strides = array<i32>} : memref<49x1x128xi32, #tpu.memory_space<vmem>>, vector<16xi32>,
      }
      %scan3A_62 = arith.constant 49 : i32
      %add3A_63 = arith.addi %select_n3A, %add3A_47 : i32
      %dma_start3A = arith.constant 0 : i32
      %dma_start3A_64 = arith.constant 0 : i32
      %dma_start3A_65 = arith.constant 0 : i32
      %dma_start3A_66 = tpu.memref_slice %arg4[%add3A_63, %dma_start3A, %dma_start3A_64, %dma_start3A_65] : memref<1024x49x1x128xi32, #tpu.memory_space<hbm>> -> memref<1x49x1x128xi32, #tpu.memory_space<hbm>>
      %dma_start3A_67 = tpu.memref_squeeze %dma_start3A_66 : memref<1x49x1x128xi32, #tpu.memory_space<hbm>> -> memref<49x1x128xi32, #tpu.memory_space<hbm>>
      %dma_start3A_68 = arith.constant 0 : i32
      %dma_start3A_69 = arith.constant 0 : i32
      %dma_start3A_70 = arith.constant 0 : i32
      %dma_start3A_71 = tpu.memref_slice %arg4[%add3A_63, %dma_start3A_68, %dma_start3A_69, %dma_start3A_70] : memref<1024x49x1x128xi32, #tpu.memory_space<hbm>> -> memref<1x49x1x128xi32, #tpu.memory_space<hbm>>
      %dma_start3A_72 = tpu.memref_squeeze %dma_start3A_71 : memref<1x49x1x128xi32, #tpu.memory_space<hbm>> -> memref<49x1x128xi32, #tpu.memory_space<hbm>>
      tpu.enqueue_dma source(%arg9 : memref<49x1x128xi32, #tpu.memory_space<vmem>>) target(%dma_start3A_72 : memref<49x1x128xi32, #tpu.memory_space<hbm>>) target_semaphore(%arg13 : memref<!tpu.dma_semaphore, #tpu.memory_space<semaphore_mem>>)
      %add3A_73 = arith.constant 2 : i32
      %add3A_74 = arith.addi %add3A_47, %add3A_73 : i32
      %lt3A = arith.cmpi slt, %add3A_74, %select_n3A_13 : i32
      %convert_element_type3A_75 = arith.extui %lt3A : i1 to i32
      %cond3A_76 = arith.constant 0 : i32
      %cond3A_77 = arith.cmpi ne, %convert_element_type3A_75, %cond3A_76 : i32
      scf.if %cond3A_77 {
        %add3A_116 = arith.constant 2 : i32
        %add3A_117 = arith.addi %add3A_47, %add3A_116 : i32
        %mul3A_118 = arith.constant 200 : i32
        %mul3A_119 = arith.muli %add3A_117, %mul3A_118 : i32
        %multiple_of3A_120 = tpu.assume_multiple %mul3A_119, 8 : i32
        %dma_start3A_121 = arith.constant 0 : i32
        %dma_start3A_122 = arith.constant 0 : i32
        %dma_start3A_123 = tpu.memref_slice %arg7[%dma_start3A_121, %dma_start3A_122] : memref<200x128xi32, #tpu.memory_space<vmem>> -> memref<96x128xi32, #tpu.memory_space<vmem>>
        %dma_start3A_124 = tpu.memref_slice %arg6[%multiple_of3A_120] : memref<6400xi32, #tpu.memory_space<vmem>> -> memref<96xi32, #tpu.memory_space<vmem>>
        %dma_start3A_125 = arith.constant 0 : i32
        %dma_start3A_126 = arith.constant 0 : i32
        %dma_start3A_127 = tpu.memref_slice %arg2[%dma_start3A_125, %dma_start3A_126] : memref<4096x128xi32, #tpu.memory_space<hbm>> -> memref<4096x128xi32, #tpu.memory_space<hbm>>
        tpu.enqueue_indirect_dma source(%dma_start3A_127 : memref<4096x128xi32, #tpu.memory_space<hbm>>) target(%dma_start3A_123 : memref<96x128xi32, #tpu.memory_space<vmem>>) offsets(%dma_start3A_124 : memref<96xi32, #tpu.memory_space<vmem>>) semaphore(%arg11 : memref<!tpu.dma_semaphore, #tpu.memory_space<semaphore_mem>>)
        %mul3A_128 = arith.constant 200 : i32
        %mul3A_129 = arith.muli %add3A_117, %mul3A_128 : i32
        %add3A_130 = arith.constant 96 : i32
        %add3A_131 = arith.addi %mul3A_129, %add3A_130 : i32
        %multiple_of3A_132 = tpu.assume_multiple %add3A_131, 8 : i32
        %dma_start3A_133 = arith.constant 96 : i32
        %dma_start3A_134 = arith.constant 0 : i32
        %dma_start3A_135 = tpu.memref_slice %arg7[%dma_start3A_133, %dma_start3A_134] : memref<200x128xi32, #tpu.memory_space<vmem>> -> memref<104x128xi32, #tpu.memory_space<vmem>>
        %dma_start3A_136 = tpu.memref_slice %arg6[%multiple_of3A_132] : memref<6400xi32, #tpu.memory_space<vmem>> -> memref<104xi32, #tpu.memory_space<vmem>>
        %dma_start3A_137 = arith.constant 0 : i32
        %dma_start3A_138 = arith.constant 0 : i32
        %dma_start3A_139 = tpu.memref_slice %arg2[%dma_start3A_137, %dma_start3A_138] : memref<4096x128xi32, #tpu.memory_space<hbm>> -> memref<4096x128xi32, #tpu.memory_space<hbm>>
        tpu.enqueue_indirect_dma source(%dma_start3A_139 : memref<4096x128xi32, #tpu.memory_space<hbm>>) target(%dma_start3A_135 : memref<104x128xi32, #tpu.memory_space<vmem>>) offsets(%dma_start3A_136 : memref<104xi32, #tpu.memory_space<vmem>>) semaphore(%arg11 : memref<!tpu.dma_semaphore, #tpu.memory_space<semaphore_mem>>)
      } else {
      }
      %mul3A_78 = arith.constant 2 : i32
      %mul3A_79 = arith.muli %mul3A_78, %while3A_43 : i32
      %add3A_80 = arith.constant 1 : i32
      %add3A_81 = arith.addi %mul3A_79, %add3A_80 : i32
      %dma_wait3A_82 = arith.constant 0 : i32
      %dma_wait3A_83 = arith.constant 0 : i32
      %dma_wait3A_84 = tpu.memref_slice %arg2[%dma_wait3A_82, %dma_wait3A_83] : memref<4096x128xi32, #tpu.memory_space<hbm>> -> memref<200x128xi32, #tpu.memory_space<hbm>>
      %dma_wait3A_85 = arith.constant 0 : i32
      %dma_wait3A_86 = arith.constant 0 : i32
      %dma_wait3A_87 = tpu.memref_slice %arg2[%dma_wait3A_85, %dma_wait3A_86] : memref<4096x128xi32, #tpu.memory_space<hbm>> -> memref<200x128xi32, #tpu.memory_space<hbm>>
      tpu.wait_dma2 semaphore(%arg12 : memref<!tpu.dma_semaphore, #tpu.memory_space<semaphore_mem>>) src(%dma_wait3A_87 : memref<200x128xi32, #tpu.memory_space<hbm>>) dst(%arg8 : memref<200x128xi32, #tpu.memory_space<vmem>>)
      %gt3A_88 = arith.constant 0 : i32
      %gt3A_89 = arith.cmpi sgt, %while3A_43, %gt3A_88 : i32
      %convert_element_type3A_90 = arith.extui %gt3A_89 : i1 to i32
      %cond3A_91 = arith.constant 0 : i32
      %cond3A_92 = arith.cmpi ne, %convert_element_type3A_90, %cond3A_91 : i32
      scf.if %cond3A_92 {
        %dma_wait3A_116 = arith.constant 0 : i32
        %dma_wait3A_117 = arith.constant 0 : i32
        %dma_wait3A_118 = arith.constant 0 : i32
        %dma_wait3A_119 = arith.constant 0 : i32
        %dma_wait3A_120 = tpu.memref_slice %arg4[%dma_wait3A_116, %dma_wait3A_117, %dma_wait3A_118, %dma_wait3A_119] : memref<1024x49x1x128xi32, #tpu.memory_space<hbm>> -> memref<1x49x1x128xi32, #tpu.memory_space<hbm>>
        %dma_wait3A_121 = tpu.memref_squeeze %dma_wait3A_120 : memref<1x49x1x128xi32, #tpu.memory_space<hbm>> -> memref<49x1x128xi32, #tpu.memory_space<hbm>>
        %dma_wait3A_122 = arith.constant 0 : i32
        %dma_wait3A_123 = arith.constant 0 : i32
        %dma_wait3A_124 = arith.constant 0 : i32
        %dma_wait3A_125 = tpu.memref_slice %arg4[%dma_wait3A_116, %dma_wait3A_122, %dma_wait3A_123, %dma_wait3A_124] : memref<1024x49x1x128xi32, #tpu.memory_space<hbm>> -> memref<1x49x1x128xi32, #tpu.memory_space<hbm>>
        %dma_wait3A_126 = tpu.memref_squeeze %dma_wait3A_125 : memref<1x49x1x128xi32, #tpu.memory_space<hbm>> -> memref<49x1x128xi32, #tpu.memory_space<hbm>>
        tpu.wait_dma2 semaphore(%arg14 : memref<!tpu.dma_semaphore, #tpu.memory_space<semaphore_mem>>) src(%arg10 : memref<49x1x128xi32, #tpu.memory_space<vmem>>) dst(%dma_wait3A_126 : memref<49x1x128xi32, #tpu.memory_space<hbm>>)
      } else {
      }
      %scan3A_93 = arith.constant 0 : i32
      %scan3A_94 = arith.constant 0 : i32
      %scan3A_95 = arith.constant 49 : i32
      %scan3A_96 = arith.addi %scan3A_94, %scan3A_95 : i32
      %scan3A_97 = arith.constant 1 : i32
      scf.for %scan3A_116 = %scan3A_94 to %scan3A_96 step %scan3A_97  : i32 {
        %jit3A_117 = arith.constant 7 : i32
        %div3A = arith.divsi %scan3A_116, %jit3A_117 : i32
        %sign3A = arith.constant 0 : i32
        %sign3A_118 = arith.cmpi sgt, %scan3A_116, %sign3A : i32
        %sign3A_119 = arith.extui %sign3A_118 : i1 to i32
        %sign3A_120 = arith.constant 0 : i32
        %sign3A_121 = arith.cmpi slt, %scan3A_116, %sign3A_120 : i32
        %sign3A_122 = arith.extui %sign3A_121 : i1 to i32
        %sign3A_123 = arith.subi %sign3A_119, %sign3A_122 : i32
        %sign3A_124 = arith.constant 0 : i32
        %sign3A_125 = arith.cmpi sgt, %jit3A_117, %sign3A_124 : i32
        %sign3A_126 = arith.extui %sign3A_125 : i1 to i32
        %sign3A_127 = arith.constant 0 : i32
        %sign3A_128 = arith.cmpi slt, %jit3A_117, %sign3A_127 : i32
        %sign3A_129 = arith.extui %sign3A_128 : i1 to i32
        %sign3A_130 = arith.subi %sign3A_126, %sign3A_129 : i32
        %ne3A = arith.cmpi ne, %sign3A_123, %sign3A_130 : i32
        %rem3A = arith.remsi %scan3A_116, %jit3A_117 : i32
        %ne3A_131 = arith.constant 0 : i32
        %ne3A_132 = arith.cmpi ne, %rem3A, %ne3A_131 : i32
        %and3A = arith.andi %ne3A, %ne3A_132 : i1
        %sub3A = arith.constant 1 : i32
        %sub3A_133 = arith.subi %div3A, %sub3A : i32
        %select_n3A_134 = arith.select %and3A, %sub3A_133, %div3A : i32
        %jit3A_135 = arith.constant 7 : i32
        %eq3A_136 = arith.constant 0 : i32
        %eq3A_137 = arith.cmpi eq, %jit3A_135, %eq3A_136 : i32
        %jit3A_138 = arith.constant 1 : i32
        %select_n3A_139 = arith.select %eq3A_137, %jit3A_138, %jit3A_135 : i32
        %rem3A_140 = arith.remsi %scan3A_116, %select_n3A_139 : i32
        %ne3A_141 = arith.constant 0 : i32
        %ne3A_142 = arith.cmpi ne, %rem3A_140, %ne3A_141 : i32
        %lt3A_143 = arith.constant 0 : i32
        %lt3A_144 = arith.cmpi slt, %rem3A_140, %lt3A_143 : i32
        %lt3A_145 = arith.constant 0 : i32
        %lt3A_146 = arith.cmpi slt, %select_n3A_139, %lt3A_145 : i32
        %ne3A_147 = arith.xori %lt3A_144, %lt3A_146 : i1
        %and3A_148 = arith.andi %ne3A_147, %ne3A_142 : i1
        %add3A_149 = arith.addi %rem3A_140, %select_n3A_139 : i32
        %select_n3A_150 = arith.select %and3A_148, %add3A_149, %rem3A_140 : i32
        %mul3A_151 = arith.constant 28 : i32
        %mul3A_152 = arith.muli %select_n3A_134, %mul3A_151 : i32
        %mul3A_153 = arith.constant 2 : i32
        %mul3A_154 = arith.muli %select_n3A_150, %mul3A_153 : i32
        %add3A_155 = arith.addi %mul3A_152, %mul3A_154 : i32
        %get3A = arith.index_cast %add3A_155 : i32 to index
        %get3A_156 = arith.constant 0 : index
        %get3A_157 = tpu.vector_load %arg8[%get3A, %get3A_156] {strides = array<i32>} : memref<200x128xi32, #tpu.memory_space<vmem>>, vector<16xi32>,
        %bitcast3A = vector.bitcast %get3A_157 : vector<16xi32> to vector<32xbf16>
        %add3A_158 = arith.constant 1 : i32
        %add3A_159 = arith.addi %add3A_155, %add3A_158 : i32
        %get3A_160 = arith.index_cast %add3A_159 : i32 to index
        %get3A_161 = arith.constant 0 : index
        %get3A_162 = tpu.vector_load %arg8[%get3A_160, %get3A_161] {strides = array<i32>} : memref<200x128xi32, #tpu.memory_space<vmem>>, vector<16xi32>,
        %bitcast3A_163 = vector.bitcast %get3A_162 : vector<16xi32> to vector<32xbf16>
        %add3A_164 = arith.constant 14 : i32
        %add3A_165 = arith.addi %add3A_155, %add3A_164 : i32
        %get3A_166 = arith.index_cast %add3A_165 : i32 to index
        %get3A_167 = arith.constant 0 : index
        %get3A_168 = tpu.vector_load %arg8[%get3A_166, %get3A_167] {strides = array<i32>} : memref<200x128xi32, #tpu.memory_space<vmem>>, vector<16xi32>,
        %bitcast3A_169 = vector.bitcast %get3A_168 : vector<16xi32> to vector<32xbf16>
        %add3A_170 = arith.constant 14 : i32
        %add3A_171 = arith.addi %add3A_155, %add3A_170 : i32
        %add3A_172 = arith.constant 1 : i32
        %add3A_173 = arith.addi %add3A_171, %add3A_172 : i32
        %get3A_174 = arith.index_cast %add3A_173 : i32 to index
        %get3A_175 = arith.constant 0 : index
        %get3A_176 = tpu.vector_load %arg8[%get3A_174, %get3A_175] {strides = array<i32>} : memref<200x128xi32, #tpu.memory_space<vmem>>, vector<16xi32>,
        %bitcast3A_177 = vector.bitcast %get3A_176 : vector<16xi32> to vector<32xbf16>
        %max3A = arith.maximumf %bitcast3A, %bitcast3A_163 : vector<32xbf16>
        %max3A_178 = arith.maximumf %bitcast3A_169, %bitcast3A_177 : vector<32xbf16>
        %max3A_179 = arith.maximumf %max3A, %max3A_178 : vector<32xbf16>
        %bitcast3A_180 = vector.bitcast %max3A_179 : vector<32xbf16> to vector<16xi32>
        %swap3A = arith.constant 0 : i32
        %swap3A_181 = arith.index_cast %scan3A_116 : i32 to index
        %swap3A_182 = arith.index_cast %swap3A : i32 to index
        %swap3A_183 = arith.constant 0 : index
        %swap3A_184 = tpu.vector_load %arg10[%swap3A_181, %swap3A_182, %swap3A_183] {strides = array<i32>} : memref<49x1x128xi32, #tpu.memory_space<vmem>>, vector<16xi32>,
        tpu.vector_store %arg10[%swap3A_181, %swap3A_182, %swap3A_183], %bitcast3A_180 {strides = array<i32>} : memref<49x1x128xi32, #tpu.memory_space<vmem>>, vector<16xi32>,
        %get3A_185 = arith.index_cast %add3A_155 : i32 to index
        %get3A_186 = arith.constant 16 : index
        %get3A_187 = tpu.vector_load %arg8[%get3A_185, %get3A_186] {strides = array<i32>} : memref<200x128xi32, #tpu.memory_space<vmem>>, vector<16xi32>,
        %bitcast3A_188 = vector.bitcast %get3A_187 : vector<16xi32> to vector<32xbf16>
        %add3A_189 = arith.constant 1 : i32
        %add3A_190 = arith.addi %add3A_155, %add3A_189 : i32
        %get3A_191 = arith.index_cast %add3A_190 : i32 to index
        %get3A_192 = arith.constant 16 : index
        %get3A_193 = tpu.vector_load %arg8[%get3A_191, %get3A_192] {strides = array<i32>} : memref<200x128xi32, #tpu.memory_space<vmem>>, vector<16xi32>,
        %bitcast3A_194 = vector.bitcast %get3A_193 : vector<16xi32> to vector<32xbf16>
        %add3A_195 = arith.constant 14 : i32
        %add3A_196 = arith.addi %add3A_155, %add3A_195 : i32
        %get3A_197 = arith.index_cast %add3A_196 : i32 to index
        %get3A_198 = arith.constant 16 : index
        %get3A_199 = tpu.vector_load %arg8[%get3A_197, %get3A_198] {strides = array<i32>} : memref<200x128xi32, #tpu.memory_space<vmem>>, vector<16xi32>,
        %bitcast3A_200 = vector.bitcast %get3A_199 : vector<16xi32> to vector<32xbf16>
        %add3A_201 = arith.constant 14 : i32
        %add3A_202 = arith.addi %add3A_155, %add3A_201 : i32
        %add3A_203 = arith.constant 1 : i32
        %add3A_204 = arith.addi %add3A_202, %add3A_203 : i32
        %get3A_205 = arith.index_cast %add3A_204 : i32 to index
        %get3A_206 = arith.constant 16 : index
        %get3A_207 = tpu.vector_load %arg8[%get3A_205, %get3A_206] {strides = array<i32>} : memref<200x128xi32, #tpu.memory_space<vmem>>, vector<16xi32>,
        %bitcast3A_208 = vector.bitcast %get3A_207 : vector<16xi32> to vector<32xbf16>
        %max3A_209 = arith.maximumf %bitcast3A_188, %bitcast3A_194 : vector<32xbf16>
        %max3A_210 = arith.maximumf %bitcast3A_200, %bitcast3A_208 : vector<32xbf16>
        %max3A_211 = arith.maximumf %max3A_209, %max3A_210 : vector<32xbf16>
        %bitcast3A_212 = vector.bitcast %max3A_211 : vector<32xbf16> to vector<16xi32>
        %swap3A_213 = arith.constant 0 : i32
        %swap3A_214 = arith.index_cast %scan3A_116 : i32 to index
        %swap3A_215 = arith.index_cast %swap3A_213 : i32 to index
        %swap3A_216 = arith.constant 16 : index
        %swap3A_217 = tpu.vector_load %arg10[%swap3A_214, %swap3A_215, %swap3A_216] {strides = array<i32>} : memref<49x1x128xi32, #tpu.memory_space<vmem>>, vector<16xi32>,
        tpu.vector_store %arg10[%swap3A_214, %swap3A_215, %swap3A_216], %bitcast3A_212 {strides = array<i32>} : memref<49x1x128xi32, #tpu.memory_space<vmem>>, vector<16xi32>,
        %get3A_218 = arith.index_cast %add3A_155 : i32 to index
        %get3A_219 = arith.constant 32 : index
        %get3A_220 = tpu.vector_load %arg8[%get3A_218, %get3A_219] {strides = array<i32>} : memref<200x128xi32, #tpu.memory_space<vmem>>, vector<16xi32>,
        %bitcast3A_221 = vector.bitcast %get3A_220 : vector<16xi32> to vector<32xbf16>
        %add3A_222 = arith.constant 1 : i32
        %add3A_223 = arith.addi %add3A_155, %add3A_222 : i32
        %get3A_224 = arith.index_cast %add3A_223 : i32 to index
        %get3A_225 = arith.constant 32 : index
        %get3A_226 = tpu.vector_load %arg8[%get3A_224, %get3A_225] {strides = array<i32>} : memref<200x128xi32, #tpu.memory_space<vmem>>, vector<16xi32>,
        %bitcast3A_227 = vector.bitcast %get3A_226 : vector<16xi32> to vector<32xbf16>
        %add3A_228 = arith.constant 14 : i32
        %add3A_229 = arith.addi %add3A_155, %add3A_228 : i32
        %get3A_230 = arith.index_cast %add3A_229 : i32 to index
        %get3A_231 = arith.constant 32 : index
        %get3A_232 = tpu.vector_load %arg8[%get3A_230, %get3A_231] {strides = array<i32>} : memref<200x128xi32, #tpu.memory_space<vmem>>, vector<16xi32>,
        %bitcast3A_233 = vector.bitcast %get3A_232 : vector<16xi32> to vector<32xbf16>
        %add3A_234 = arith.constant 14 : i32
        %add3A_235 = arith.addi %add3A_155, %add3A_234 : i32
        %add3A_236 = arith.constant 1 : i32
        %add3A_237 = arith.addi %add3A_235, %add3A_236 : i32
        %get3A_238 = arith.index_cast %add3A_237 : i32 to index
        %get3A_239 = arith.constant 32 : index
        %get3A_240 = tpu.vector_load %arg8[%get3A_238, %get3A_239] {strides = array<i32>} : memref<200x128xi32, #tpu.memory_space<vmem>>, vector<16xi32>,
        %bitcast3A_241 = vector.bitcast %get3A_240 : vector<16xi32> to vector<32xbf16>
        %max3A_242 = arith.maximumf %bitcast3A_221, %bitcast3A_227 : vector<32xbf16>
        %max3A_243 = arith.maximumf %bitcast3A_233, %bitcast3A_241 : vector<32xbf16>
        %max3A_244 = arith.maximumf %max3A_242, %max3A_243 : vector<32xbf16>
        %bitcast3A_245 = vector.bitcast %max3A_244 : vector<32xbf16> to vector<16xi32>
        %swap3A_246 = arith.constant 0 : i32
        %swap3A_247 = arith.index_cast %scan3A_116 : i32 to index
        %swap3A_248 = arith.index_cast %swap3A_246 : i32 to index
        %swap3A_249 = arith.constant 32 : index
        %swap3A_250 = tpu.vector_load %arg10[%swap3A_247, %swap3A_248, %swap3A_249] {strides = array<i32>} : memref<49x1x128xi32, #tpu.memory_space<vmem>>, vector<16xi32>,
        tpu.vector_store %arg10[%swap3A_247, %swap3A_248, %swap3A_249], %bitcast3A_245 {strides = array<i32>} : memref<49x1x128xi32, #tpu.memory_space<vmem>>, vector<16xi32>,
        %get3A_251 = arith.index_cast %add3A_155 : i32 to index
        %get3A_252 = arith.constant 48 : index
        %get3A_253 = tpu.vector_load %arg8[%get3A_251, %get3A_252] {strides = array<i32>} : memref<200x128xi32, #tpu.memory_space<vmem>>, vector<16xi32>,
        %bitcast3A_254 = vector.bitcast %get3A_253 : vector<16xi32> to vector<32xbf16>
        %add3A_255 = arith.constant 1 : i32
        %add3A_256 = arith.addi %add3A_155, %add3A_255 : i32
        %get3A_257 = arith.index_cast %add3A_256 : i32 to index
        %get3A_258 = arith.constant 48 : index
        %get3A_259 = tpu.vector_load %arg8[%get3A_257, %get3A_258] {strides = array<i32>} : memref<200x128xi32, #tpu.memory_space<vmem>>, vector<16xi32>,
        %bitcast3A_260 = vector.bitcast %get3A_259 : vector<16xi32> to vector<32xbf16>
        %add3A_261 = arith.constant 14 : i32
        %add3A_262 = arith.addi %add3A_155, %add3A_261 : i32
        %get3A_263 = arith.index_cast %add3A_262 : i32 to index
        %get3A_264 = arith.constant 48 : index
        %get3A_265 = tpu.vector_load %arg8[%get3A_263, %get3A_264] {strides = array<i32>} : memref<200x128xi32, #tpu.memory_space<vmem>>, vector<16xi32>,
        %bitcast3A_266 = vector.bitcast %get3A_265 : vector<16xi32> to vector<32xbf16>
        %add3A_267 = arith.constant 14 : i32
        %add3A_268 = arith.addi %add3A_155, %add3A_267 : i32
        %add3A_269 = arith.constant 1 : i32
        %add3A_270 = arith.addi %add3A_268, %add3A_269 : i32
        %get3A_271 = arith.index_cast %add3A_270 : i32 to index
        %get3A_272 = arith.constant 48 : index
        %get3A_273 = tpu.vector_load %arg8[%get3A_271, %get3A_272] {strides = array<i32>} : memref<200x128xi32, #tpu.memory_space<vmem>>, vector<16xi32>,
        %bitcast3A_274 = vector.bitcast %get3A_273 : vector<16xi32> to vector<32xbf16>
        %max3A_275 = arith.maximumf %bitcast3A_254, %bitcast3A_260 : vector<32xbf16>
        %max3A_276 = arith.maximumf %bitcast3A_266, %bitcast3A_274 : vector<32xbf16>
        %max3A_277 = arith.maximumf %max3A_275, %max3A_276 : vector<32xbf16>
        %bitcast3A_278 = vector.bitcast %max3A_277 : vector<32xbf16> to vector<16xi32>
        %swap3A_279 = arith.constant 0 : i32
        %swap3A_280 = arith.index_cast %scan3A_116 : i32 to index
        %swap3A_281 = arith.index_cast %swap3A_279 : i32 to index
        %swap3A_282 = arith.constant 48 : index
        %swap3A_283 = tpu.vector_load %arg10[%swap3A_280, %swap3A_281, %swap3A_282] {strides = array<i32>} : memref<49x1x128xi32, #tpu.memory_space<vmem>>, vector<16xi32>,
        tpu.vector_store %arg10[%swap3A_280, %swap3A_281, %swap3A_282], %bitcast3A_278 {strides = array<i32>} : memref<49x1x128xi32, #tpu.memory_space<vmem>>, vector<16xi32>,
        %get3A_284 = arith.index_cast %add3A_155 : i32 to index
        %get3A_285 = arith.constant 64 : index
        %get3A_286 = tpu.vector_load %arg8[%get3A_284, %get3A_285] {strides = array<i32>} : memref<200x128xi32, #tpu.memory_space<vmem>>, vector<16xi32>,
        %bitcast3A_287 = vector.bitcast %get3A_286 : vector<16xi32> to vector<32xbf16>
        %add3A_288 = arith.constant 1 : i32
        %add3A_289 = arith.addi %add3A_155, %add3A_288 : i32
        %get3A_290 = arith.index_cast %add3A_289 : i32 to index
        %get3A_291 = arith.constant 64 : index
        %get3A_292 = tpu.vector_load %arg8[%get3A_290, %get3A_291] {strides = array<i32>} : memref<200x128xi32, #tpu.memory_space<vmem>>, vector<16xi32>,
        %bitcast3A_293 = vector.bitcast %get3A_292 : vector<16xi32> to vector<32xbf16>
        %add3A_294 = arith.constant 14 : i32
        %add3A_295 = arith.addi %add3A_155, %add3A_294 : i32
        %get3A_296 = arith.index_cast %add3A_295 : i32 to index
        %get3A_297 = arith.constant 64 : index
        %get3A_298 = tpu.vector_load %arg8[%get3A_296, %get3A_297] {strides = array<i32>} : memref<200x128xi32, #tpu.memory_space<vmem>>, vector<16xi32>,
        %bitcast3A_299 = vector.bitcast %get3A_298 : vector<16xi32> to vector<32xbf16>
        %add3A_300 = arith.constant 14 : i32
        %add3A_301 = arith.addi %add3A_155, %add3A_300 : i32
        %add3A_302 = arith.constant 1 : i32
        %add3A_303 = arith.addi %add3A_301, %add3A_302 : i32
        %get3A_304 = arith.index_cast %add3A_303 : i32 to index
        %get3A_305 = arith.constant 64 : index
        %get3A_306 = tpu.vector_load %arg8[%get3A_304, %get3A_305] {strides = array<i32>} : memref<200x128xi32, #tpu.memory_space<vmem>>, vector<16xi32>,
        %bitcast3A_307 = vector.bitcast %get3A_306 : vector<16xi32> to vector<32xbf16>
        %max3A_308 = arith.maximumf %bitcast3A_287, %bitcast3A_293 : vector<32xbf16>
        %max3A_309 = arith.maximumf %bitcast3A_299, %bitcast3A_307 : vector<32xbf16>
        %max3A_310 = arith.maximumf %max3A_308, %max3A_309 : vector<32xbf16>
        %bitcast3A_311 = vector.bitcast %max3A_310 : vector<32xbf16> to vector<16xi32>
        %swap3A_312 = arith.constant 0 : i32
        %swap3A_313 = arith.index_cast %scan3A_116 : i32 to index
        %swap3A_314 = arith.index_cast %swap3A_312 : i32 to index
        %swap3A_315 = arith.constant 64 : index
        %swap3A_316 = tpu.vector_load %arg10[%swap3A_313, %swap3A_314, %swap3A_315] {strides = array<i32>} : memref<49x1x128xi32, #tpu.memory_space<vmem>>, vector<16xi32>,
        tpu.vector_store %arg10[%swap3A_313, %swap3A_314, %swap3A_315], %bitcast3A_311 {strides = array<i32>} : memref<49x1x128xi32, #tpu.memory_space<vmem>>, vector<16xi32>,
        %get3A_317 = arith.index_cast %add3A_155 : i32 to index
        %get3A_318 = arith.constant 80 : index
        %get3A_319 = tpu.vector_load %arg8[%get3A_317, %get3A_318] {strides = array<i32>} : memref<200x128xi32, #tpu.memory_space<vmem>>, vector<16xi32>,
        %bitcast3A_320 = vector.bitcast %get3A_319 : vector<16xi32> to vector<32xbf16>
        %add3A_321 = arith.constant 1 : i32
        %add3A_322 = arith.addi %add3A_155, %add3A_321 : i32
        %get3A_323 = arith.index_cast %add3A_322 : i32 to index
        %get3A_324 = arith.constant 80 : index
        %get3A_325 = tpu.vector_load %arg8[%get3A_323, %get3A_324] {strides = array<i32>} : memref<200x128xi32, #tpu.memory_space<vmem>>, vector<16xi32>,
        %bitcast3A_326 = vector.bitcast %get3A_325 : vector<16xi32> to vector<32xbf16>
        %add3A_327 = arith.constant 14 : i32
        %add3A_328 = arith.addi %add3A_155, %add3A_327 : i32
        %get3A_329 = arith.index_cast %add3A_328 : i32 to index
        %get3A_330 = arith.constant 80 : index
        %get3A_331 = tpu.vector_load %arg8[%get3A_329, %get3A_330] {strides = array<i32>} : memref<200x128xi32, #tpu.memory_space<vmem>>, vector<16xi32>,
        %bitcast3A_332 = vector.bitcast %get3A_331 : vector<16xi32> to vector<32xbf16>
        %add3A_333 = arith.constant 14 : i32
        %add3A_334 = arith.addi %add3A_155, %add3A_333 : i32
        %add3A_335 = arith.constant 1 : i32
        %add3A_336 = arith.addi %add3A_334, %add3A_335 : i32
        %get3A_337 = arith.index_cast %add3A_336 : i32 to index
        %get3A_338 = arith.constant 80 : index
        %get3A_339 = tpu.vector_load %arg8[%get3A_337, %get3A_338] {strides = array<i32>} : memref<200x128xi32, #tpu.memory_space<vmem>>, vector<16xi32>,
        %bitcast3A_340 = vector.bitcast %get3A_339 : vector<16xi32> to vector<32xbf16>
        %max3A_341 = arith.maximumf %bitcast3A_320, %bitcast3A_326 : vector<32xbf16>
        %max3A_342 = arith.maximumf %bitcast3A_332, %bitcast3A_340 : vector<32xbf16>
        %max3A_343 = arith.maximumf %max3A_341, %max3A_342 : vector<32xbf16>
        %bitcast3A_344 = vector.bitcast %max3A_343 : vector<32xbf16> to vector<16xi32>
        %swap3A_345 = arith.constant 0 : i32
        %swap3A_346 = arith.index_cast %scan3A_116 : i32 to index
        %swap3A_347 = arith.index_cast %swap3A_345 : i32 to index
        %swap3A_348 = arith.constant 80 : index
        %swap3A_349 = tpu.vector_load %arg10[%swap3A_346, %swap3A_347, %swap3A_348] {strides = array<i32>} : memref<49x1x128xi32, #tpu.memory_space<vmem>>, vector<16xi32>,
        tpu.vector_store %arg10[%swap3A_346, %swap3A_347, %swap3A_348], %bitcast3A_344 {strides = array<i32>} : memref<49x1x128xi32, #tpu.memory_space<vmem>>, vector<16xi32>,
        %get3A_350 = arith.index_cast %add3A_155 : i32 to index
        %get3A_351 = arith.constant 96 : index
        %get3A_352 = tpu.vector_load %arg8[%get3A_350, %get3A_351] {strides = array<i32>} : memref<200x128xi32, #tpu.memory_space<vmem>>, vector<16xi32>,
        %bitcast3A_353 = vector.bitcast %get3A_352 : vector<16xi32> to vector<32xbf16>
        %add3A_354 = arith.constant 1 : i32
        %add3A_355 = arith.addi %add3A_155, %add3A_354 : i32
        %get3A_356 = arith.index_cast %add3A_355 : i32 to index
        %get3A_357 = arith.constant 96 : index
        %get3A_358 = tpu.vector_load %arg8[%get3A_356, %get3A_357] {strides = array<i32>} : memref<200x128xi32, #tpu.memory_space<vmem>>, vector<16xi32>,
        %bitcast3A_359 = vector.bitcast %get3A_358 : vector<16xi32> to vector<32xbf16>
        %add3A_360 = arith.constant 14 : i32
        %add3A_361 = arith.addi %add3A_155, %add3A_360 : i32
        %get3A_362 = arith.index_cast %add3A_361 : i32 to index
        %get3A_363 = arith.constant 96 : index
        %get3A_364 = tpu.vector_load %arg8[%get3A_362, %get3A_363] {strides = array<i32>} : memref<200x128xi32, #tpu.memory_space<vmem>>, vector<16xi32>,
        %bitcast3A_365 = vector.bitcast %get3A_364 : vector<16xi32> to vector<32xbf16>
        %add3A_366 = arith.constant 14 : i32
        %add3A_367 = arith.addi %add3A_155, %add3A_366 : i32
        %add3A_368 = arith.constant 1 : i32
        %add3A_369 = arith.addi %add3A_367, %add3A_368 : i32
        %get3A_370 = arith.index_cast %add3A_369 : i32 to index
        %get3A_371 = arith.constant 96 : index
        %get3A_372 = tpu.vector_load %arg8[%get3A_370, %get3A_371] {strides = array<i32>} : memref<200x128xi32, #tpu.memory_space<vmem>>, vector<16xi32>,
        %bitcast3A_373 = vector.bitcast %get3A_372 : vector<16xi32> to vector<32xbf16>
        %max3A_374 = arith.maximumf %bitcast3A_353, %bitcast3A_359 : vector<32xbf16>
        %max3A_375 = arith.maximumf %bitcast3A_365, %bitcast3A_373 : vector<32xbf16>
        %max3A_376 = arith.maximumf %max3A_374, %max3A_375 : vector<32xbf16>
        %bitcast3A_377 = vector.bitcast %max3A_376 : vector<32xbf16> to vector<16xi32>
        %swap3A_378 = arith.constant 0 : i32
        %swap3A_379 = arith.index_cast %scan3A_116 : i32 to index
        %swap3A_380 = arith.index_cast %swap3A_378 : i32 to index
        %swap3A_381 = arith.constant 96 : index
        %swap3A_382 = tpu.vector_load %arg10[%swap3A_379, %swap3A_380, %swap3A_381] {strides = array<i32>} : memref<49x1x128xi32, #tpu.memory_space<vmem>>, vector<16xi32>,
        tpu.vector_store %arg10[%swap3A_379, %swap3A_380, %swap3A_381], %bitcast3A_377 {strides = array<i32>} : memref<49x1x128xi32, #tpu.memory_space<vmem>>, vector<16xi32>,
        %get3A_383 = arith.index_cast %add3A_155 : i32 to index
        %get3A_384 = arith.constant 112 : index
        %get3A_385 = tpu.vector_load %arg8[%get3A_383, %get3A_384] {strides = array<i32>} : memref<200x128xi32, #tpu.memory_space<vmem>>, vector<16xi32>,
        %bitcast3A_386 = vector.bitcast %get3A_385 : vector<16xi32> to vector<32xbf16>
        %add3A_387 = arith.constant 1 : i32
        %add3A_388 = arith.addi %add3A_155, %add3A_387 : i32
        %get3A_389 = arith.index_cast %add3A_388 : i32 to index
        %get3A_390 = arith.constant 112 : index
        %get3A_391 = tpu.vector_load %arg8[%get3A_389, %get3A_390] {strides = array<i32>} : memref<200x128xi32, #tpu.memory_space<vmem>>, vector<16xi32>,
        %bitcast3A_392 = vector.bitcast %get3A_391 : vector<16xi32> to vector<32xbf16>
        %add3A_393 = arith.constant 14 : i32
        %add3A_394 = arith.addi %add3A_155, %add3A_393 : i32
        %get3A_395 = arith.index_cast %add3A_394 : i32 to index
        %get3A_396 = arith.constant 112 : index
        %get3A_397 = tpu.vector_load %arg8[%get3A_395, %get3A_396] {strides = array<i32>} : memref<200x128xi32, #tpu.memory_space<vmem>>, vector<16xi32>,
        %bitcast3A_398 = vector.bitcast %get3A_397 : vector<16xi32> to vector<32xbf16>
        %add3A_399 = arith.constant 14 : i32
        %add3A_400 = arith.addi %add3A_155, %add3A_399 : i32
        %add3A_401 = arith.constant 1 : i32
        %add3A_402 = arith.addi %add3A_400, %add3A_401 : i32
        %get3A_403 = arith.index_cast %add3A_402 : i32 to index
        %get3A_404 = arith.constant 112 : index
        %get3A_405 = tpu.vector_load %arg8[%get3A_403, %get3A_404] {strides = array<i32>} : memref<200x128xi32, #tpu.memory_space<vmem>>, vector<16xi32>,
        %bitcast3A_406 = vector.bitcast %get3A_405 : vector<16xi32> to vector<32xbf16>
        %max3A_407 = arith.maximumf %bitcast3A_386, %bitcast3A_392 : vector<32xbf16>
        %max3A_408 = arith.maximumf %bitcast3A_398, %bitcast3A_406 : vector<32xbf16>
        %max3A_409 = arith.maximumf %max3A_407, %max3A_408 : vector<32xbf16>
        %bitcast3A_410 = vector.bitcast %max3A_409 : vector<32xbf16> to vector<16xi32>
        %swap3A_411 = arith.constant 0 : i32
        %swap3A_412 = arith.index_cast %scan3A_116 : i32 to index
        %swap3A_413 = arith.index_cast %swap3A_411 : i32 to index
        %swap3A_414 = arith.constant 112 : index
        %swap3A_415 = tpu.vector_load %arg10[%swap3A_412, %swap3A_413, %swap3A_414] {strides = array<i32>} : memref<49x1x128xi32, #tpu.memory_space<vmem>>, vector<16xi32>,
        tpu.vector_store %arg10[%swap3A_412, %swap3A_413, %swap3A_414], %bitcast3A_410 {strides = array<i32>} : memref<49x1x128xi32, #tpu.memory_space<vmem>>, vector<16xi32>,
      }
      %scan3A_98 = arith.constant 49 : i32
      %add3A_99 = arith.addi %select_n3A, %add3A_81 : i32
      %dma_start3A_100 = arith.constant 0 : i32
      %dma_start3A_101 = arith.constant 0 : i32
      %dma_start3A_102 = arith.constant 0 : i32
      %dma_start3A_103 = tpu.memref_slice %arg4[%add3A_99, %dma_start3A_100, %dma_start3A_101, %dma_start3A_102] : memref<1024x49x1x128xi32, #tpu.memory_space<hbm>> -> memref<1x49x1x128xi32, #tpu.memory_space<hbm>>
      %dma_start3A_104 = tpu.memref_squeeze %dma_start3A_103 : memref<1x49x1x128xi32, #tpu.memory_space<hbm>> -> memref<49x1x128xi32, #tpu.memory_space<hbm>>
      %dma_start3A_105 = arith.constant 0 : i32
      %dma_start3A_106 = arith.constant 0 : i32
      %dma_start3A_107 = arith.constant 0 : i32
      %dma_start3A_108 = tpu.memref_slice %arg4[%add3A_99, %dma_start3A_105, %dma_start3A_106, %dma_start3A_107] : memref<1024x49x1x128xi32, #tpu.memory_space<hbm>> -> memref<1x49x1x128xi32, #tpu.memory_space<hbm>>
      %dma_start3A_109 = tpu.memref_squeeze %dma_start3A_108 : memref<1x49x1x128xi32, #tpu.memory_space<hbm>> -> memref<49x1x128xi32, #tpu.memory_space<hbm>>
      tpu.enqueue_dma source(%arg10 : memref<49x1x128xi32, #tpu.memory_space<vmem>>) target(%dma_start3A_109 : memref<49x1x128xi32, #tpu.memory_space<hbm>>) target_semaphore(%arg14 : memref<!tpu.dma_semaphore, #tpu.memory_space<semaphore_mem>>)
      %add3A_110 = arith.constant 2 : i32
      %add3A_111 = arith.addi %add3A_81, %add3A_110 : i32
      %lt3A_112 = arith.cmpi slt, %add3A_111, %select_n3A_13 : i32
      %convert_element_type3A_113 = arith.extui %lt3A_112 : i1 to i32
      %cond3A_114 = arith.constant 0 : i32
      %cond3A_115 = arith.cmpi ne, %convert_element_type3A_113, %cond3A_114 : i32
      scf.if %cond3A_115 {
        %add3A_116 = arith.constant 2 : i32
        %add3A_117 = arith.addi %add3A_81, %add3A_116 : i32
        %mul3A_118 = arith.constant 200 : i32
        %mul3A_119 = arith.muli %add3A_117, %mul3A_118 : i32
        %multiple_of3A_120 = tpu.assume_multiple %mul3A_119, 8 : i32
        %dma_start3A_121 = arith.constant 0 : i32
        %dma_start3A_122 = arith.constant 0 : i32
        %dma_start3A_123 = tpu.memref_slice %arg8[%dma_start3A_121, %dma_start3A_122] : memref<200x128xi32, #tpu.memory_space<vmem>> -> memref<96x128xi32, #tpu.memory_space<vmem>>
        %dma_start3A_124 = tpu.memref_slice %arg6[%multiple_of3A_120] : memref<6400xi32, #tpu.memory_space<vmem>> -> memref<96xi32, #tpu.memory_space<vmem>>
        %dma_start3A_125 = arith.constant 0 : i32
        %dma_start3A_126 = arith.constant 0 : i32
        %dma_start3A_127 = tpu.memref_slice %arg2[%dma_start3A_125, %dma_start3A_126] : memref<4096x128xi32, #tpu.memory_space<hbm>> -> memref<4096x128xi32, #tpu.memory_space<hbm>>
        tpu.enqueue_indirect_dma source(%dma_start3A_127 : memref<4096x128xi32, #tpu.memory_space<hbm>>) target(%dma_start3A_123 : memref<96x128xi32, #tpu.memory_space<vmem>>) offsets(%dma_start3A_124 : memref<96xi32, #tpu.memory_space<vmem>>) semaphore(%arg12 : memref<!tpu.dma_semaphore, #tpu.memory_space<semaphore_mem>>)
        %mul3A_128 = arith.constant 200 : i32
        %mul3A_129 = arith.muli %add3A_117, %mul3A_128 : i32
        %add3A_130 = arith.constant 96 : i32
        %add3A_131 = arith.addi %mul3A_129, %add3A_130 : i32
        %multiple_of3A_132 = tpu.assume_multiple %add3A_131, 8 : i32
        %dma_start3A_133 = arith.constant 96 : i32
        %dma_start3A_134 = arith.constant 0 : i32
        %dma_start3A_135 = tpu.memref_slice %arg8[%dma_start3A_133, %dma_start3A_134] : memref<200x128xi32, #tpu.memory_space<vmem>> -> memref<104x128xi32, #tpu.memory_space<vmem>>
        %dma_start3A_136 = tpu.memref_slice %arg6[%multiple_of3A_132] : memref<6400xi32, #tpu.memory_space<vmem>> -> memref<104xi32, #tpu.memory_space<vmem>>
        %dma_start3A_137 = arith.constant 0 : i32
        %dma_start3A_138 = arith.constant 0 : i32
        %dma_start3A_139 = tpu.memref_slice %arg2[%dma_start3A_137, %dma_start3A_138] : memref<4096x128xi32, #tpu.memory_space<hbm>> -> memref<4096x128xi32, #tpu.memory_space<hbm>>
        tpu.enqueue_indirect_dma source(%dma_start3A_139 : memref<4096x128xi32, #tpu.memory_space<hbm>>) target(%dma_start3A_135 : memref<104x128xi32, #tpu.memory_space<vmem>>) offsets(%dma_start3A_136 : memref<104xi32, #tpu.memory_space<vmem>>) semaphore(%arg12 : memref<!tpu.dma_semaphore, #tpu.memory_space<semaphore_mem>>)
      } else {
      }
    }
    %while3A_37 = arith.constant 1 : i32
    scf.for %while3A_43 = %while3A_35 to %while3A_31 step %while3A_37  : i32 {
      %mul3A_44 = arith.constant 2 : i32
      %mul3A_45 = arith.muli %mul3A_44, %while3A_43 : i32
      %add3A_46 = arith.constant 0 : i32
      %add3A_47 = arith.addi %mul3A_45, %add3A_46 : i32
      %dma_wait3A = arith.constant 0 : i32
      %dma_wait3A_48 = arith.constant 0 : i32
      %dma_wait3A_49 = tpu.memref_slice %arg2[%dma_wait3A, %dma_wait3A_48] : memref<4096x128xi32, #tpu.memory_space<hbm>> -> memref<200x128xi32, #tpu.memory_space<hbm>>
      %dma_wait3A_50 = arith.constant 0 : i32
      %dma_wait3A_51 = arith.constant 0 : i32
      %dma_wait3A_52 = tpu.memref_slice %arg2[%dma_wait3A_50, %dma_wait3A_51] : memref<4096x128xi32, #tpu.memory_space<hbm>> -> memref<200x128xi32, #tpu.memory_space<hbm>>
      tpu.wait_dma2 semaphore(%arg11 : memref<!tpu.dma_semaphore, #tpu.memory_space<semaphore_mem>>) src(%dma_wait3A_52 : memref<200x128xi32, #tpu.memory_space<hbm>>) dst(%arg7 : memref<200x128xi32, #tpu.memory_space<vmem>>)
      %gt3A_53 = arith.constant 0 : i32
      %gt3A_54 = arith.cmpi sgt, %while3A_43, %gt3A_53 : i32
      %convert_element_type3A_55 = arith.extui %gt3A_54 : i1 to i32
      %cond3A_56 = arith.constant 0 : i32
      %cond3A_57 = arith.cmpi ne, %convert_element_type3A_55, %cond3A_56 : i32
      scf.if %cond3A_57 {
        %dma_wait3A_116 = arith.constant 0 : i32
        %dma_wait3A_117 = arith.constant 0 : i32
        %dma_wait3A_118 = arith.constant 0 : i32
        %dma_wait3A_119 = arith.constant 0 : i32
        %dma_wait3A_120 = tpu.memref_slice %arg4[%dma_wait3A_116, %dma_wait3A_117, %dma_wait3A_118, %dma_wait3A_119] : memref<1024x49x1x128xi32, #tpu.memory_space<hbm>> -> memref<1x49x1x128xi32, #tpu.memory_space<hbm>>
        %dma_wait3A_121 = tpu.memref_squeeze %dma_wait3A_120 : memref<1x49x1x128xi32, #tpu.memory_space<hbm>> -> memref<49x1x128xi32, #tpu.memory_space<hbm>>
        %dma_wait3A_122 = arith.constant 0 : i32
        %dma_wait3A_123 = arith.constant 0 : i32
        %dma_wait3A_124 = arith.constant 0 : i32
        %dma_wait3A_125 = tpu.memref_slice %arg4[%dma_wait3A_116, %dma_wait3A_122, %dma_wait3A_123, %dma_wait3A_124] : memref<1024x49x1x128xi32, #tpu.memory_space<hbm>> -> memref<1x49x1x128xi32, #tpu.memory_space<hbm>>
        %dma_wait3A_126 = tpu.memref_squeeze %dma_wait3A_125 : memref<1x49x1x128xi32, #tpu.memory_space<hbm>> -> memref<49x1x128xi32, #tpu.memory_space<hbm>>
        tpu.wait_dma2 semaphore(%arg13 : memref<!tpu.dma_semaphore, #tpu.memory_space<semaphore_mem>>) src(%arg9 : memref<49x1x128xi32, #tpu.memory_space<vmem>>) dst(%dma_wait3A_126 : memref<49x1x128xi32, #tpu.memory_space<hbm>>)
      } else {
      }
      %scan3A = arith.constant 0 : i32
      %scan3A_58 = arith.constant 0 : i32
      %scan3A_59 = arith.constant 49 : i32
      %scan3A_60 = arith.addi %scan3A_58, %scan3A_59 : i32
      %scan3A_61 = arith.constant 1 : i32
      scf.for %scan3A_116 = %scan3A_58 to %scan3A_60 step %scan3A_61  : i32 {
        %jit3A_117 = arith.constant 7 : i32
        %div3A = arith.divsi %scan3A_116, %jit3A_117 : i32
        %sign3A = arith.constant 0 : i32
        %sign3A_118 = arith.cmpi sgt, %scan3A_116, %sign3A : i32
        %sign3A_119 = arith.extui %sign3A_118 : i1 to i32
        %sign3A_120 = arith.constant 0 : i32
        %sign3A_121 = arith.cmpi slt, %scan3A_116, %sign3A_120 : i32
        %sign3A_122 = arith.extui %sign3A_121 : i1 to i32
        %sign3A_123 = arith.subi %sign3A_119, %sign3A_122 : i32
        %sign3A_124 = arith.constant 0 : i32
        %sign3A_125 = arith.cmpi sgt, %jit3A_117, %sign3A_124 : i32
        %sign3A_126 = arith.extui %sign3A_125 : i1 to i32
        %sign3A_127 = arith.constant 0 : i32
        %sign3A_128 = arith.cmpi slt, %jit3A_117, %sign3A_127 : i32
        %sign3A_129 = arith.extui %sign3A_128 : i1 to i32
        %sign3A_130 = arith.subi %sign3A_126, %sign3A_129 : i32
        %ne3A = arith.cmpi ne, %sign3A_123, %sign3A_130 : i32
        %rem3A = arith.remsi %scan3A_116, %jit3A_117 : i32
        %ne3A_131 = arith.constant 0 : i32
        %ne3A_132 = arith.cmpi ne, %rem3A, %ne3A_131 : i32
        %and3A = arith.andi %ne3A, %ne3A_132 : i1
        %sub3A = arith.constant 1 : i32
        %sub3A_133 = arith.subi %div3A, %sub3A : i32
        %select_n3A_134 = arith.select %and3A, %sub3A_133, %div3A : i32
        %jit3A_135 = arith.constant 7 : i32
        %eq3A_136 = arith.constant 0 : i32
        %eq3A_137 = arith.cmpi eq, %jit3A_135, %eq3A_136 : i32
        %jit3A_138 = arith.constant 1 : i32
        %select_n3A_139 = arith.select %eq3A_137, %jit3A_138, %jit3A_135 : i32
        %rem3A_140 = arith.remsi %scan3A_116, %select_n3A_139 : i32
        %ne3A_141 = arith.constant 0 : i32
        %ne3A_142 = arith.cmpi ne, %rem3A_140, %ne3A_141 : i32
        %lt3A_143 = arith.constant 0 : i32
        %lt3A_144 = arith.cmpi slt, %rem3A_140, %lt3A_143 : i32
        %lt3A_145 = arith.constant 0 : i32
        %lt3A_146 = arith.cmpi slt, %select_n3A_139, %lt3A_145 : i32
        %ne3A_147 = arith.xori %lt3A_144, %lt3A_146 : i1
        %and3A_148 = arith.andi %ne3A_147, %ne3A_142 : i1
        %add3A_149 = arith.addi %rem3A_140, %select_n3A_139 : i32
        %select_n3A_150 = arith.select %and3A_148, %add3A_149, %rem3A_140 : i32
        %mul3A_151 = arith.constant 28 : i32
        %mul3A_152 = arith.muli %select_n3A_134, %mul3A_151 : i32
        %mul3A_153 = arith.constant 2 : i32
        %mul3A_154 = arith.muli %select_n3A_150, %mul3A_153 : i32
        %add3A_155 = arith.addi %mul3A_152, %mul3A_154 : i32
        %get3A = arith.index_cast %add3A_155 : i32 to index
        %get3A_156 = arith.constant 0 : index
        %get3A_157 = tpu.vector_load %arg7[%get3A, %get3A_156] {strides = array<i32>} : memref<200x128xi32, #tpu.memory_space<vmem>>, vector<16xi32>,
        %bitcast3A = vector.bitcast %get3A_157 : vector<16xi32> to vector<32xbf16>
        %add3A_158 = arith.constant 1 : i32
        %add3A_159 = arith.addi %add3A_155, %add3A_158 : i32
        %get3A_160 = arith.index_cast %add3A_159 : i32 to index
        %get3A_161 = arith.constant 0 : index
        %get3A_162 = tpu.vector_load %arg7[%get3A_160, %get3A_161] {strides = array<i32>} : memref<200x128xi32, #tpu.memory_space<vmem>>, vector<16xi32>,
        %bitcast3A_163 = vector.bitcast %get3A_162 : vector<16xi32> to vector<32xbf16>
        %add3A_164 = arith.constant 14 : i32
        %add3A_165 = arith.addi %add3A_155, %add3A_164 : i32
        %get3A_166 = arith.index_cast %add3A_165 : i32 to index
        %get3A_167 = arith.constant 0 : index
        %get3A_168 = tpu.vector_load %arg7[%get3A_166, %get3A_167] {strides = array<i32>} : memref<200x128xi32, #tpu.memory_space<vmem>>, vector<16xi32>,
        %bitcast3A_169 = vector.bitcast %get3A_168 : vector<16xi32> to vector<32xbf16>
        %add3A_170 = arith.constant 14 : i32
        %add3A_171 = arith.addi %add3A_155, %add3A_170 : i32
        %add3A_172 = arith.constant 1 : i32
        %add3A_173 = arith.addi %add3A_171, %add3A_172 : i32
        %get3A_174 = arith.index_cast %add3A_173 : i32 to index
        %get3A_175 = arith.constant 0 : index
        %get3A_176 = tpu.vector_load %arg7[%get3A_174, %get3A_175] {strides = array<i32>} : memref<200x128xi32, #tpu.memory_space<vmem>>, vector<16xi32>,
        %bitcast3A_177 = vector.bitcast %get3A_176 : vector<16xi32> to vector<32xbf16>
        %max3A = arith.maximumf %bitcast3A, %bitcast3A_163 : vector<32xbf16>
        %max3A_178 = arith.maximumf %bitcast3A_169, %bitcast3A_177 : vector<32xbf16>
        %max3A_179 = arith.maximumf %max3A, %max3A_178 : vector<32xbf16>
        %bitcast3A_180 = vector.bitcast %max3A_179 : vector<32xbf16> to vector<16xi32>
        %swap3A = arith.constant 0 : i32
        %swap3A_181 = arith.index_cast %scan3A_116 : i32 to index
        %swap3A_182 = arith.index_cast %swap3A : i32 to index
        %swap3A_183 = arith.constant 0 : index
        %swap3A_184 = tpu.vector_load %arg9[%swap3A_181, %swap3A_182, %swap3A_183] {strides = array<i32>} : memref<49x1x128xi32, #tpu.memory_space<vmem>>, vector<16xi32>,
        tpu.vector_store %arg9[%swap3A_181, %swap3A_182, %swap3A_183], %bitcast3A_180 {strides = array<i32>} : memref<49x1x128xi32, #tpu.memory_space<vmem>>, vector<16xi32>,
        %get3A_185 = arith.index_cast %add3A_155 : i32 to index
        %get3A_186 = arith.constant 16 : index
        %get3A_187 = tpu.vector_load %arg7[%get3A_185, %get3A_186] {strides = array<i32>} : memref<200x128xi32, #tpu.memory_space<vmem>>, vector<16xi32>,
        %bitcast3A_188 = vector.bitcast %get3A_187 : vector<16xi32> to vector<32xbf16>
        %add3A_189 = arith.constant 1 : i32
        %add3A_190 = arith.addi %add3A_155, %add3A_189 : i32
        %get3A_191 = arith.index_cast %add3A_190 : i32 to index
        %get3A_192 = arith.constant 16 : index
        %get3A_193 = tpu.vector_load %arg7[%get3A_191, %get3A_192] {strides = array<i32>} : memref<200x128xi32, #tpu.memory_space<vmem>>, vector<16xi32>,
        %bitcast3A_194 = vector.bitcast %get3A_193 : vector<16xi32> to vector<32xbf16>
        %add3A_195 = arith.constant 14 : i32
        %add3A_196 = arith.addi %add3A_155, %add3A_195 : i32
        %get3A_197 = arith.index_cast %add3A_196 : i32 to index
        %get3A_198 = arith.constant 16 : index
        %get3A_199 = tpu.vector_load %arg7[%get3A_197, %get3A_198] {strides = array<i32>} : memref<200x128xi32, #tpu.memory_space<vmem>>, vector<16xi32>,
        %bitcast3A_200 = vector.bitcast %get3A_199 : vector<16xi32> to vector<32xbf16>
        %add3A_201 = arith.constant 14 : i32
        %add3A_202 = arith.addi %add3A_155, %add3A_201 : i32
        %add3A_203 = arith.constant 1 : i32
        %add3A_204 = arith.addi %add3A_202, %add3A_203 : i32
        %get3A_205 = arith.index_cast %add3A_204 : i32 to index
        %get3A_206 = arith.constant 16 : index
        %get3A_207 = tpu.vector_load %arg7[%get3A_205, %get3A_206] {strides = array<i32>} : memref<200x128xi32, #tpu.memory_space<vmem>>, vector<16xi32>,
        %bitcast3A_208 = vector.bitcast %get3A_207 : vector<16xi32> to vector<32xbf16>
        %max3A_209 = arith.maximumf %bitcast3A_188, %bitcast3A_194 : vector<32xbf16>
        %max3A_210 = arith.maximumf %bitcast3A_200, %bitcast3A_208 : vector<32xbf16>
        %max3A_211 = arith.maximumf %max3A_209, %max3A_210 : vector<32xbf16>
        %bitcast3A_212 = vector.bitcast %max3A_211 : vector<32xbf16> to vector<16xi32>
        %swap3A_213 = arith.constant 0 : i32
        %swap3A_214 = arith.index_cast %scan3A_116 : i32 to index
        %swap3A_215 = arith.index_cast %swap3A_213 : i32 to index
        %swap3A_216 = arith.constant 16 : index
        %swap3A_217 = tpu.vector_load %arg9[%swap3A_214, %swap3A_215, %swap3A_216] {strides = array<i32>} : memref<49x1x128xi32, #tpu.memory_space<vmem>>, vector<16xi32>,
        tpu.vector_store %arg9[%swap3A_214, %swap3A_215, %swap3A_216], %bitcast3A_212 {strides = array<i32>} : memref<49x1x128xi32, #tpu.memory_space<vmem>>, vector<16xi32>,
        %get3A_218 = arith.index_cast %add3A_155 : i32 to index
        %get3A_219 = arith.constant 32 : index
        %get3A_220 = tpu.vector_load %arg7[%get3A_218, %get3A_219] {strides = array<i32>} : memref<200x128xi32, #tpu.memory_space<vmem>>, vector<16xi32>,
        %bitcast3A_221 = vector.bitcast %get3A_220 : vector<16xi32> to vector<32xbf16>
        %add3A_222 = arith.constant 1 : i32
        %add3A_223 = arith.addi %add3A_155, %add3A_222 : i32
        %get3A_224 = arith.index_cast %add3A_223 : i32 to index
        %get3A_225 = arith.constant 32 : index
        %get3A_226 = tpu.vector_load %arg7[%get3A_224, %get3A_225] {strides = array<i32>} : memref<200x128xi32, #tpu.memory_space<vmem>>, vector<16xi32>,
        %bitcast3A_227 = vector.bitcast %get3A_226 : vector<16xi32> to vector<32xbf16>
        %add3A_228 = arith.constant 14 : i32
        %add3A_229 = arith.addi %add3A_155, %add3A_228 : i32
        %get3A_230 = arith.index_cast %add3A_229 : i32 to index
        %get3A_231 = arith.constant 32 : index
        %get3A_232 = tpu.vector_load %arg7[%get3A_230, %get3A_231] {strides = array<i32>} : memref<200x128xi32, #tpu.memory_space<vmem>>, vector<16xi32>,
        %bitcast3A_233 = vector.bitcast %get3A_232 : vector<16xi32> to vector<32xbf16>
        %add3A_234 = arith.constant 14 : i32
        %add3A_235 = arith.addi %add3A_155, %add3A_234 : i32
        %add3A_236 = arith.constant 1 : i32
        %add3A_237 = arith.addi %add3A_235, %add3A_236 : i32
        %get3A_238 = arith.index_cast %add3A_237 : i32 to index
        %get3A_239 = arith.constant 32 : index
        %get3A_240 = tpu.vector_load %arg7[%get3A_238, %get3A_239] {strides = array<i32>} : memref<200x128xi32, #tpu.memory_space<vmem>>, vector<16xi32>,
        %bitcast3A_241 = vector.bitcast %get3A_240 : vector<16xi32> to vector<32xbf16>
        %max3A_242 = arith.maximumf %bitcast3A_221, %bitcast3A_227 : vector<32xbf16>
        %max3A_243 = arith.maximumf %bitcast3A_233, %bitcast3A_241 : vector<32xbf16>
        %max3A_244 = arith.maximumf %max3A_242, %max3A_243 : vector<32xbf16>
        %bitcast3A_245 = vector.bitcast %max3A_244 : vector<32xbf16> to vector<16xi32>
        %swap3A_246 = arith.constant 0 : i32
        %swap3A_247 = arith.index_cast %scan3A_116 : i32 to index
        %swap3A_248 = arith.index_cast %swap3A_246 : i32 to index
        %swap3A_249 = arith.constant 32 : index
        %swap3A_250 = tpu.vector_load %arg9[%swap3A_247, %swap3A_248, %swap3A_249] {strides = array<i32>} : memref<49x1x128xi32, #tpu.memory_space<vmem>>, vector<16xi32>,
        tpu.vector_store %arg9[%swap3A_247, %swap3A_248, %swap3A_249], %bitcast3A_245 {strides = array<i32>} : memref<49x1x128xi32, #tpu.memory_space<vmem>>, vector<16xi32>,
        %get3A_251 = arith.index_cast %add3A_155 : i32 to index
        %get3A_252 = arith.constant 48 : index
        %get3A_253 = tpu.vector_load %arg7[%get3A_251, %get3A_252] {strides = array<i32>} : memref<200x128xi32, #tpu.memory_space<vmem>>, vector<16xi32>,
        %bitcast3A_254 = vector.bitcast %get3A_253 : vector<16xi32> to vector<32xbf16>
        %add3A_255 = arith.constant 1 : i32
        %add3A_256 = arith.addi %add3A_155, %add3A_255 : i32
        %get3A_257 = arith.index_cast %add3A_256 : i32 to index
        %get3A_258 = arith.constant 48 : index
        %get3A_259 = tpu.vector_load %arg7[%get3A_257, %get3A_258] {strides = array<i32>} : memref<200x128xi32, #tpu.memory_space<vmem>>, vector<16xi32>,
        %bitcast3A_260 = vector.bitcast %get3A_259 : vector<16xi32> to vector<32xbf16>
        %add3A_261 = arith.constant 14 : i32
        %add3A_262 = arith.addi %add3A_155, %add3A_261 : i32
        %get3A_263 = arith.index_cast %add3A_262 : i32 to index
        %get3A_264 = arith.constant 48 : index
        %get3A_265 = tpu.vector_load %arg7[%get3A_263, %get3A_264] {strides = array<i32>} : memref<200x128xi32, #tpu.memory_space<vmem>>, vector<16xi32>,
        %bitcast3A_266 = vector.bitcast %get3A_265 : vector<16xi32> to vector<32xbf16>
        %add3A_267 = arith.constant 14 : i32
        %add3A_268 = arith.addi %add3A_155, %add3A_267 : i32
        %add3A_269 = arith.constant 1 : i32
        %add3A_270 = arith.addi %add3A_268, %add3A_269 : i32
        %get3A_271 = arith.index_cast %add3A_270 : i32 to index
        %get3A_272 = arith.constant 48 : index
        %get3A_273 = tpu.vector_load %arg7[%get3A_271, %get3A_272] {strides = array<i32>} : memref<200x128xi32, #tpu.memory_space<vmem>>, vector<16xi32>,
        %bitcast3A_274 = vector.bitcast %get3A_273 : vector<16xi32> to vector<32xbf16>
        %max3A_275 = arith.maximumf %bitcast3A_254, %bitcast3A_260 : vector<32xbf16>
        %max3A_276 = arith.maximumf %bitcast3A_266, %bitcast3A_274 : vector<32xbf16>
        %max3A_277 = arith.maximumf %max3A_275, %max3A_276 : vector<32xbf16>
        %bitcast3A_278 = vector.bitcast %max3A_277 : vector<32xbf16> to vector<16xi32>
        %swap3A_279 = arith.constant 0 : i32
        %swap3A_280 = arith.index_cast %scan3A_116 : i32 to index
        %swap3A_281 = arith.index_cast %swap3A_279 : i32 to index
        %swap3A_282 = arith.constant 48 : index
        %swap3A_283 = tpu.vector_load %arg9[%swap3A_280, %swap3A_281, %swap3A_282] {strides = array<i32>} : memref<49x1x128xi32, #tpu.memory_space<vmem>>, vector<16xi32>,
        tpu.vector_store %arg9[%swap3A_280, %swap3A_281, %swap3A_282], %bitcast3A_278 {strides = array<i32>} : memref<49x1x128xi32, #tpu.memory_space<vmem>>, vector<16xi32>,
        %get3A_284 = arith.index_cast %add3A_155 : i32 to index
        %get3A_285 = arith.constant 64 : index
        %get3A_286 = tpu.vector_load %arg7[%get3A_284, %get3A_285] {strides = array<i32>} : memref<200x128xi32, #tpu.memory_space<vmem>>, vector<16xi32>,
        %bitcast3A_287 = vector.bitcast %get3A_286 : vector<16xi32> to vector<32xbf16>
        %add3A_288 = arith.constant 1 : i32
        %add3A_289 = arith.addi %add3A_155, %add3A_288 : i32
        %get3A_290 = arith.index_cast %add3A_289 : i32 to index
        %get3A_291 = arith.constant 64 : index
        %get3A_292 = tpu.vector_load %arg7[%get3A_290, %get3A_291] {strides = array<i32>} : memref<200x128xi32, #tpu.memory_space<vmem>>, vector<16xi32>,
        %bitcast3A_293 = vector.bitcast %get3A_292 : vector<16xi32> to vector<32xbf16>
        %add3A_294 = arith.constant 14 : i32
        %add3A_295 = arith.addi %add3A_155, %add3A_294 : i32
        %get3A_296 = arith.index_cast %add3A_295 : i32 to index
        %get3A_297 = arith.constant 64 : index
        %get3A_298 = tpu.vector_load %arg7[%get3A_296, %get3A_297] {strides = array<i32>} : memref<200x128xi32, #tpu.memory_space<vmem>>, vector<16xi32>,
        %bitcast3A_299 = vector.bitcast %get3A_298 : vector<16xi32> to vector<32xbf16>
        %add3A_300 = arith.constant 14 : i32
        %add3A_301 = arith.addi %add3A_155, %add3A_300 : i32
        %add3A_302 = arith.constant 1 : i32
        %add3A_303 = arith.addi %add3A_301, %add3A_302 : i32
        %get3A_304 = arith.index_cast %add3A_303 : i32 to index
        %get3A_305 = arith.constant 64 : index
        %get3A_306 = tpu.vector_load %arg7[%get3A_304, %get3A_305] {strides = array<i32>} : memref<200x128xi32, #tpu.memory_space<vmem>>, vector<16xi32>,
        %bitcast3A_307 = vector.bitcast %get3A_306 : vector<16xi32> to vector<32xbf16>
        %max3A_308 = arith.maximumf %bitcast3A_287, %bitcast3A_293 : vector<32xbf16>
        %max3A_309 = arith.maximumf %bitcast3A_299, %bitcast3A_307 : vector<32xbf16>
        %max3A_310 = arith.maximumf %max3A_308, %max3A_309 : vector<32xbf16>
        %bitcast3A_311 = vector.bitcast %max3A_310 : vector<32xbf16> to vector<16xi32>
        %swap3A_312 = arith.constant 0 : i32
        %swap3A_313 = arith.index_cast %scan3A_116 : i32 to index
        %swap3A_314 = arith.index_cast %swap3A_312 : i32 to index
        %swap3A_315 = arith.constant 64 : index
        %swap3A_316 = tpu.vector_load %arg9[%swap3A_313, %swap3A_314, %swap3A_315] {strides = array<i32>} : memref<49x1x128xi32, #tpu.memory_space<vmem>>, vector<16xi32>,
        tpu.vector_store %arg9[%swap3A_313, %swap3A_314, %swap3A_315], %bitcast3A_311 {strides = array<i32>} : memref<49x1x128xi32, #tpu.memory_space<vmem>>, vector<16xi32>,
        %get3A_317 = arith.index_cast %add3A_155 : i32 to index
        %get3A_318 = arith.constant 80 : index
        %get3A_319 = tpu.vector_load %arg7[%get3A_317, %get3A_318] {strides = array<i32>} : memref<200x128xi32, #tpu.memory_space<vmem>>, vector<16xi32>,
        %bitcast3A_320 = vector.bitcast %get3A_319 : vector<16xi32> to vector<32xbf16>
        %add3A_321 = arith.constant 1 : i32
        %add3A_322 = arith.addi %add3A_155, %add3A_321 : i32
        %get3A_323 = arith.index_cast %add3A_322 : i32 to index
        %get3A_324 = arith.constant 80 : index
        %get3A_325 = tpu.vector_load %arg7[%get3A_323, %get3A_324] {strides = array<i32>} : memref<200x128xi32, #tpu.memory_space<vmem>>, vector<16xi32>,
        %bitcast3A_326 = vector.bitcast %get3A_325 : vector<16xi32> to vector<32xbf16>
        %add3A_327 = arith.constant 14 : i32
        %add3A_328 = arith.addi %add3A_155, %add3A_327 : i32
        %get3A_329 = arith.index_cast %add3A_328 : i32 to index
        %get3A_330 = arith.constant 80 : index
        %get3A_331 = tpu.vector_load %arg7[%get3A_329, %get3A_330] {strides = array<i32>} : memref<200x128xi32, #tpu.memory_space<vmem>>, vector<16xi32>,
        %bitcast3A_332 = vector.bitcast %get3A_331 : vector<16xi32> to vector<32xbf16>
        %add3A_333 = arith.constant 14 : i32
        %add3A_334 = arith.addi %add3A_155, %add3A_333 : i32
        %add3A_335 = arith.constant 1 : i32
        %add3A_336 = arith.addi %add3A_334, %add3A_335 : i32
        %get3A_337 = arith.index_cast %add3A_336 : i32 to index
        %get3A_338 = arith.constant 80 : index
        %get3A_339 = tpu.vector_load %arg7[%get3A_337, %get3A_338] {strides = array<i32>} : memref<200x128xi32, #tpu.memory_space<vmem>>, vector<16xi32>,
        %bitcast3A_340 = vector.bitcast %get3A_339 : vector<16xi32> to vector<32xbf16>
        %max3A_341 = arith.maximumf %bitcast3A_320, %bitcast3A_326 : vector<32xbf16>
        %max3A_342 = arith.maximumf %bitcast3A_332, %bitcast3A_340 : vector<32xbf16>
        %max3A_343 = arith.maximumf %max3A_341, %max3A_342 : vector<32xbf16>
        %bitcast3A_344 = vector.bitcast %max3A_343 : vector<32xbf16> to vector<16xi32>
        %swap3A_345 = arith.constant 0 : i32
        %swap3A_346 = arith.index_cast %scan3A_116 : i32 to index
        %swap3A_347 = arith.index_cast %swap3A_345 : i32 to index
        %swap3A_348 = arith.constant 80 : index
        %swap3A_349 = tpu.vector_load %arg9[%swap3A_346, %swap3A_347, %swap3A_348] {strides = array<i32>} : memref<49x1x128xi32, #tpu.memory_space<vmem>>, vector<16xi32>,
        tpu.vector_store %arg9[%swap3A_346, %swap3A_347, %swap3A_348], %bitcast3A_344 {strides = array<i32>} : memref<49x1x128xi32, #tpu.memory_space<vmem>>, vector<16xi32>,
        %get3A_350 = arith.index_cast %add3A_155 : i32 to index
        %get3A_351 = arith.constant 96 : index
        %get3A_352 = tpu.vector_load %arg7[%get3A_350, %get3A_351] {strides = array<i32>} : memref<200x128xi32, #tpu.memory_space<vmem>>, vector<16xi32>,
        %bitcast3A_353 = vector.bitcast %get3A_352 : vector<16xi32> to vector<32xbf16>
        %add3A_354 = arith.constant 1 : i32
        %add3A_355 = arith.addi %add3A_155, %add3A_354 : i32
        %get3A_356 = arith.index_cast %add3A_355 : i32 to index
        %get3A_357 = arith.constant 96 : index
        %get3A_358 = tpu.vector_load %arg7[%get3A_356, %get3A_357] {strides = array<i32>} : memref<200x128xi32, #tpu.memory_space<vmem>>, vector<16xi32>,
        %bitcast3A_359 = vector.bitcast %get3A_358 : vector<16xi32> to vector<32xbf16>
        %add3A_360 = arith.constant 14 : i32
        %add3A_361 = arith.addi %add3A_155, %add3A_360 : i32
        %get3A_362 = arith.index_cast %add3A_361 : i32 to index
        %get3A_363 = arith.constant 96 : index
        %get3A_364 = tpu.vector_load %arg7[%get3A_362, %get3A_363] {strides = array<i32>} : memref<200x128xi32, #tpu.memory_space<vmem>>, vector<16xi32>,
        %bitcast3A_365 = vector.bitcast %get3A_364 : vector<16xi32> to vector<32xbf16>
        %add3A_366 = arith.constant 14 : i32
        %add3A_367 = arith.addi %add3A_155, %add3A_366 : i32
        %add3A_368 = arith.constant 1 : i32
        %add3A_369 = arith.addi %add3A_367, %add3A_368 : i32
        %get3A_370 = arith.index_cast %add3A_369 : i32 to index
        %get3A_371 = arith.constant 96 : index
        %get3A_372 = tpu.vector_load %arg7[%get3A_370, %get3A_371] {strides = array<i32>} : memref<200x128xi32, #tpu.memory_space<vmem>>, vector<16xi32>,
        %bitcast3A_373 = vector.bitcast %get3A_372 : vector<16xi32> to vector<32xbf16>
        %max3A_374 = arith.maximumf %bitcast3A_353, %bitcast3A_359 : vector<32xbf16>
        %max3A_375 = arith.maximumf %bitcast3A_365, %bitcast3A_373 : vector<32xbf16>
        %max3A_376 = arith.maximumf %max3A_374, %max3A_375 : vector<32xbf16>
        %bitcast3A_377 = vector.bitcast %max3A_376 : vector<32xbf16> to vector<16xi32>
        %swap3A_378 = arith.constant 0 : i32
        %swap3A_379 = arith.index_cast %scan3A_116 : i32 to index
        %swap3A_380 = arith.index_cast %swap3A_378 : i32 to index
        %swap3A_381 = arith.constant 96 : index
        %swap3A_382 = tpu.vector_load %arg9[%swap3A_379, %swap3A_380, %swap3A_381] {strides = array<i32>} : memref<49x1x128xi32, #tpu.memory_space<vmem>>, vector<16xi32>,
        tpu.vector_store %arg9[%swap3A_379, %swap3A_380, %swap3A_381], %bitcast3A_377 {strides = array<i32>} : memref<49x1x128xi32, #tpu.memory_space<vmem>>, vector<16xi32>,
        %get3A_383 = arith.index_cast %add3A_155 : i32 to index
        %get3A_384 = arith.constant 112 : index
        %get3A_385 = tpu.vector_load %arg7[%get3A_383, %get3A_384] {strides = array<i32>} : memref<200x128xi32, #tpu.memory_space<vmem>>, vector<16xi32>,
        %bitcast3A_386 = vector.bitcast %get3A_385 : vector<16xi32> to vector<32xbf16>
        %add3A_387 = arith.constant 1 : i32
        %add3A_388 = arith.addi %add3A_155, %add3A_387 : i32
        %get3A_389 = arith.index_cast %add3A_388 : i32 to index
        %get3A_390 = arith.constant 112 : index
        %get3A_391 = tpu.vector_load %arg7[%get3A_389, %get3A_390] {strides = array<i32>} : memref<200x128xi32, #tpu.memory_space<vmem>>, vector<16xi32>,
        %bitcast3A_392 = vector.bitcast %get3A_391 : vector<16xi32> to vector<32xbf16>
        %add3A_393 = arith.constant 14 : i32
        %add3A_394 = arith.addi %add3A_155, %add3A_393 : i32
        %get3A_395 = arith.index_cast %add3A_394 : i32 to index
        %get3A_396 = arith.constant 112 : index
        %get3A_397 = tpu.vector_load %arg7[%get3A_395, %get3A_396] {strides = array<i32>} : memref<200x128xi32, #tpu.memory_space<vmem>>, vector<16xi32>,
        %bitcast3A_398 = vector.bitcast %get3A_397 : vector<16xi32> to vector<32xbf16>
        %add3A_399 = arith.constant 14 : i32
        %add3A_400 = arith.addi %add3A_155, %add3A_399 : i32
        %add3A_401 = arith.constant 1 : i32
        %add3A_402 = arith.addi %add3A_400, %add3A_401 : i32
        %get3A_403 = arith.index_cast %add3A_402 : i32 to index
        %get3A_404 = arith.constant 112 : index
        %get3A_405 = tpu.vector_load %arg7[%get3A_403, %get3A_404] {strides = array<i32>} : memref<200x128xi32, #tpu.memory_space<vmem>>, vector<16xi32>,
        %bitcast3A_406 = vector.bitcast %get3A_405 : vector<16xi32> to vector<32xbf16>
        %max3A_407 = arith.maximumf %bitcast3A_386, %bitcast3A_392 : vector<32xbf16>
        %max3A_408 = arith.maximumf %bitcast3A_398, %bitcast3A_406 : vector<32xbf16>
        %max3A_409 = arith.maximumf %max3A_407, %max3A_408 : vector<32xbf16>
        %bitcast3A_410 = vector.bitcast %max3A_409 : vector<32xbf16> to vector<16xi32>
        %swap3A_411 = arith.constant 0 : i32
        %swap3A_412 = arith.index_cast %scan3A_116 : i32 to index
        %swap3A_413 = arith.index_cast %swap3A_411 : i32 to index
        %swap3A_414 = arith.constant 112 : index
        %swap3A_415 = tpu.vector_load %arg9[%swap3A_412, %swap3A_413, %swap3A_414] {strides = array<i32>} : memref<49x1x128xi32, #tpu.memory_space<vmem>>, vector<16xi32>,
        tpu.vector_store %arg9[%swap3A_412, %swap3A_413, %swap3A_414], %bitcast3A_410 {strides = array<i32>} : memref<49x1x128xi32, #tpu.memory_space<vmem>>, vector<16xi32>,
      }
      %scan3A_62 = arith.constant 49 : i32
      %add3A_63 = arith.addi %select_n3A, %add3A_47 : i32
      %dma_start3A = arith.constant 0 : i32
      %dma_start3A_64 = arith.constant 0 : i32
      %dma_start3A_65 = arith.constant 0 : i32
      %dma_start3A_66 = tpu.memref_slice %arg4[%add3A_63, %dma_start3A, %dma_start3A_64, %dma_start3A_65] : memref<1024x49x1x128xi32, #tpu.memory_space<hbm>> -> memref<1x49x1x128xi32, #tpu.memory_space<hbm>>
      %dma_start3A_67 = tpu.memref_squeeze %dma_start3A_66 : memref<1x49x1x128xi32, #tpu.memory_space<hbm>> -> memref<49x1x128xi32, #tpu.memory_space<hbm>>
      %dma_start3A_68 = arith.constant 0 : i32
      %dma_start3A_69 = arith.constant 0 : i32
      %dma_start3A_70 = arith.constant 0 : i32
      %dma_start3A_71 = tpu.memref_slice %arg4[%add3A_63, %dma_start3A_68, %dma_start3A_69, %dma_start3A_70] : memref<1024x49x1x128xi32, #tpu.memory_space<hbm>> -> memref<1x49x1x128xi32, #tpu.memory_space<hbm>>
      %dma_start3A_72 = tpu.memref_squeeze %dma_start3A_71 : memref<1x49x1x128xi32, #tpu.memory_space<hbm>> -> memref<49x1x128xi32, #tpu.memory_space<hbm>>
      tpu.enqueue_dma source(%arg9 : memref<49x1x128xi32, #tpu.memory_space<vmem>>) target(%dma_start3A_72 : memref<49x1x128xi32, #tpu.memory_space<hbm>>) target_semaphore(%arg13 : memref<!tpu.dma_semaphore, #tpu.memory_space<semaphore_mem>>)
      %add3A_73 = arith.constant 2 : i32
      %add3A_74 = arith.addi %add3A_47, %add3A_73 : i32
      %lt3A = arith.cmpi slt, %add3A_74, %select_n3A_13 : i32
      %convert_element_type3A_75 = arith.extui %lt3A : i1 to i32
      %cond3A_76 = arith.constant 0 : i32
      %cond3A_77 = arith.cmpi ne, %convert_element_type3A_75, %cond3A_76 : i32
      scf.if %cond3A_77 {
        %add3A_116 = arith.constant 2 : i32
        %add3A_117 = arith.addi %add3A_47, %add3A_116 : i32
        %mul3A_118 = arith.constant 200 : i32
        %mul3A_119 = arith.muli %add3A_117, %mul3A_118 : i32
        %multiple_of3A_120 = tpu.assume_multiple %mul3A_119, 8 : i32
        %dma_start3A_121 = arith.constant 0 : i32
        %dma_start3A_122 = arith.constant 0 : i32
        %dma_start3A_123 = tpu.memref_slice %arg7[%dma_start3A_121, %dma_start3A_122] : memref<200x128xi32, #tpu.memory_space<vmem>> -> memref<96x128xi32, #tpu.memory_space<vmem>>
        %dma_start3A_124 = tpu.memref_slice %arg6[%multiple_of3A_120] : memref<6400xi32, #tpu.memory_space<vmem>> -> memref<96xi32, #tpu.memory_space<vmem>>
        %dma_start3A_125 = arith.constant 0 : i32
        %dma_start3A_126 = arith.constant 0 : i32
        %dma_start3A_127 = tpu.memref_slice %arg2[%dma_start3A_125, %dma_start3A_126] : memref<4096x128xi32, #tpu.memory_space<hbm>> -> memref<4096x128xi32, #tpu.memory_space<hbm>>
        tpu.enqueue_indirect_dma source(%dma_start3A_127 : memref<4096x128xi32, #tpu.memory_space<hbm>>) target(%dma_start3A_123 : memref<96x128xi32, #tpu.memory_space<vmem>>) offsets(%dma_start3A_124 : memref<96xi32, #tpu.memory_space<vmem>>) semaphore(%arg11 : memref<!tpu.dma_semaphore, #tpu.memory_space<semaphore_mem>>)
        %mul3A_128 = arith.constant 200 : i32
        %mul3A_129 = arith.muli %add3A_117, %mul3A_128 : i32
        %add3A_130 = arith.constant 96 : i32
        %add3A_131 = arith.addi %mul3A_129, %add3A_130 : i32
        %multiple_of3A_132 = tpu.assume_multiple %add3A_131, 8 : i32
        %dma_start3A_133 = arith.constant 96 : i32
        %dma_start3A_134 = arith.constant 0 : i32
        %dma_start3A_135 = tpu.memref_slice %arg7[%dma_start3A_133, %dma_start3A_134] : memref<200x128xi32, #tpu.memory_space<vmem>> -> memref<104x128xi32, #tpu.memory_space<vmem>>
        %dma_start3A_136 = tpu.memref_slice %arg6[%multiple_of3A_132] : memref<6400xi32, #tpu.memory_space<vmem>> -> memref<104xi32, #tpu.memory_space<vmem>>
        %dma_start3A_137 = arith.constant 0 : i32
        %dma_start3A_138 = arith.constant 0 : i32
        %dma_start3A_139 = tpu.memref_slice %arg2[%dma_start3A_137, %dma_start3A_138] : memref<4096x128xi32, #tpu.memory_space<hbm>> -> memref<4096x128xi32, #tpu.memory_space<hbm>>
        tpu.enqueue_indirect_dma source(%dma_start3A_139 : memref<4096x128xi32, #tpu.memory_space<hbm>>) target(%dma_start3A_135 : memref<104x128xi32, #tpu.memory_space<vmem>>) offsets(%dma_start3A_136 : memref<104xi32, #tpu.memory_space<vmem>>) semaphore(%arg11 : memref<!tpu.dma_semaphore, #tpu.memory_space<semaphore_mem>>)
      } else {
      }
      %mul3A_78 = arith.constant 2 : i32
      %mul3A_79 = arith.muli %mul3A_78, %while3A_43 : i32
      %add3A_80 = arith.constant 1 : i32
      %add3A_81 = arith.addi %mul3A_79, %add3A_80 : i32
      %dma_wait3A_82 = arith.constant 0 : i32
      %dma_wait3A_83 = arith.constant 0 : i32
      %dma_wait3A_84 = tpu.memref_slice %arg2[%dma_wait3A_82, %dma_wait3A_83] : memref<4096x128xi32, #tpu.memory_space<hbm>> -> memref<200x128xi32, #tpu.memory_space<hbm>>
      %dma_wait3A_85 = arith.constant 0 : i32
      %dma_wait3A_86 = arith.constant 0 : i32
      %dma_wait3A_87 = tpu.memref_slice %arg2[%dma_wait3A_85, %dma_wait3A_86] : memref<4096x128xi32, #tpu.memory_space<hbm>> -> memref<200x128xi32, #tpu.memory_space<hbm>>
      tpu.wait_dma2 semaphore(%arg12 : memref<!tpu.dma_semaphore, #tpu.memory_space<semaphore_mem>>) src(%dma_wait3A_87 : memref<200x128xi32, #tpu.memory_space<hbm>>) dst(%arg8 : memref<200x128xi32, #tpu.memory_space<vmem>>)
      %gt3A_88 = arith.constant 0 : i32
      %gt3A_89 = arith.cmpi sgt, %while3A_43, %gt3A_88 : i32
      %convert_element_type3A_90 = arith.extui %gt3A_89 : i1 to i32
      %cond3A_91 = arith.constant 0 : i32
      %cond3A_92 = arith.cmpi ne, %convert_element_type3A_90, %cond3A_91 : i32
      scf.if %cond3A_92 {
        %dma_wait3A_116 = arith.constant 0 : i32
        %dma_wait3A_117 = arith.constant 0 : i32
        %dma_wait3A_118 = arith.constant 0 : i32
        %dma_wait3A_119 = arith.constant 0 : i32
        %dma_wait3A_120 = tpu.memref_slice %arg4[%dma_wait3A_116, %dma_wait3A_117, %dma_wait3A_118, %dma_wait3A_119] : memref<1024x49x1x128xi32, #tpu.memory_space<hbm>> -> memref<1x49x1x128xi32, #tpu.memory_space<hbm>>
        %dma_wait3A_121 = tpu.memref_squeeze %dma_wait3A_120 : memref<1x49x1x128xi32, #tpu.memory_space<hbm>> -> memref<49x1x128xi32, #tpu.memory_space<hbm>>
        %dma_wait3A_122 = arith.constant 0 : i32
        %dma_wait3A_123 = arith.constant 0 : i32
        %dma_wait3A_124 = arith.constant 0 : i32
        %dma_wait3A_125 = tpu.memref_slice %arg4[%dma_wait3A_116, %dma_wait3A_122, %dma_wait3A_123, %dma_wait3A_124] : memref<1024x49x1x128xi32, #tpu.memory_space<hbm>> -> memref<1x49x1x128xi32, #tpu.memory_space<hbm>>
        %dma_wait3A_126 = tpu.memref_squeeze %dma_wait3A_125 : memref<1x49x1x128xi32, #tpu.memory_space<hbm>> -> memref<49x1x128xi32, #tpu.memory_space<hbm>>
        tpu.wait_dma2 semaphore(%arg14 : memref<!tpu.dma_semaphore, #tpu.memory_space<semaphore_mem>>) src(%arg10 : memref<49x1x128xi32, #tpu.memory_space<vmem>>) dst(%dma_wait3A_126 : memref<49x1x128xi32, #tpu.memory_space<hbm>>)
      } else {
      }
      %scan3A_93 = arith.constant 0 : i32
      %scan3A_94 = arith.constant 0 : i32
      %scan3A_95 = arith.constant 49 : i32
      %scan3A_96 = arith.addi %scan3A_94, %scan3A_95 : i32
      %scan3A_97 = arith.constant 1 : i32
      scf.for %scan3A_116 = %scan3A_94 to %scan3A_96 step %scan3A_97  : i32 {
        %jit3A_117 = arith.constant 7 : i32
        %div3A = arith.divsi %scan3A_116, %jit3A_117 : i32
        %sign3A = arith.constant 0 : i32
        %sign3A_118 = arith.cmpi sgt, %scan3A_116, %sign3A : i32
        %sign3A_119 = arith.extui %sign3A_118 : i1 to i32
        %sign3A_120 = arith.constant 0 : i32
        %sign3A_121 = arith.cmpi slt, %scan3A_116, %sign3A_120 : i32
        %sign3A_122 = arith.extui %sign3A_121 : i1 to i32
        %sign3A_123 = arith.subi %sign3A_119, %sign3A_122 : i32
        %sign3A_124 = arith.constant 0 : i32
        %sign3A_125 = arith.cmpi sgt, %jit3A_117, %sign3A_124 : i32
        %sign3A_126 = arith.extui %sign3A_125 : i1 to i32
        %sign3A_127 = arith.constant 0 : i32
        %sign3A_128 = arith.cmpi slt, %jit3A_117, %sign3A_127 : i32
        %sign3A_129 = arith.extui %sign3A_128 : i1 to i32
        %sign3A_130 = arith.subi %sign3A_126, %sign3A_129 : i32
        %ne3A = arith.cmpi ne, %sign3A_123, %sign3A_130 : i32
        %rem3A = arith.remsi %scan3A_116, %jit3A_117 : i32
        %ne3A_131 = arith.constant 0 : i32
        %ne3A_132 = arith.cmpi ne, %rem3A, %ne3A_131 : i32
        %and3A = arith.andi %ne3A, %ne3A_132 : i1
        %sub3A = arith.constant 1 : i32
        %sub3A_133 = arith.subi %div3A, %sub3A : i32
        %select_n3A_134 = arith.select %and3A, %sub3A_133, %div3A : i32
        %jit3A_135 = arith.constant 7 : i32
        %eq3A_136 = arith.constant 0 : i32
        %eq3A_137 = arith.cmpi eq, %jit3A_135, %eq3A_136 : i32
        %jit3A_138 = arith.constant 1 : i32
        %select_n3A_139 = arith.select %eq3A_137, %jit3A_138, %jit3A_135 : i32
        %rem3A_140 = arith.remsi %scan3A_116, %select_n3A_139 : i32
        %ne3A_141 = arith.constant 0 : i32
        %ne3A_142 = arith.cmpi ne, %rem3A_140, %ne3A_141 : i32
        %lt3A_143 = arith.constant 0 : i32
        %lt3A_144 = arith.cmpi slt, %rem3A_140, %lt3A_143 : i32
        %lt3A_145 = arith.constant 0 : i32
        %lt3A_146 = arith.cmpi slt, %select_n3A_139, %lt3A_145 : i32
        %ne3A_147 = arith.xori %lt3A_144, %lt3A_146 : i1
        %and3A_148 = arith.andi %ne3A_147, %ne3A_142 : i1
        %add3A_149 = arith.addi %rem3A_140, %select_n3A_139 : i32
        %select_n3A_150 = arith.select %and3A_148, %add3A_149, %rem3A_140 : i32
        %mul3A_151 = arith.constant 28 : i32
        %mul3A_152 = arith.muli %select_n3A_134, %mul3A_151 : i32
        %mul3A_153 = arith.constant 2 : i32
        %mul3A_154 = arith.muli %select_n3A_150, %mul3A_153 : i32
        %add3A_155 = arith.addi %mul3A_152, %mul3A_154 : i32
        %get3A = arith.index_cast %add3A_155 : i32 to index
        %get3A_156 = arith.constant 0 : index
        %get3A_157 = tpu.vector_load %arg8[%get3A, %get3A_156] {strides = array<i32>} : memref<200x128xi32, #tpu.memory_space<vmem>>, vector<16xi32>,
        %bitcast3A = vector.bitcast %get3A_157 : vector<16xi32> to vector<32xbf16>
        %add3A_158 = arith.constant 1 : i32
        %add3A_159 = arith.addi %add3A_155, %add3A_158 : i32
        %get3A_160 = arith.index_cast %add3A_159 : i32 to index
        %get3A_161 = arith.constant 0 : index
        %get3A_162 = tpu.vector_load %arg8[%get3A_160, %get3A_161] {strides = array<i32>} : memref<200x128xi32, #tpu.memory_space<vmem>>, vector<16xi32>,
        %bitcast3A_163 = vector.bitcast %get3A_162 : vector<16xi32> to vector<32xbf16>
        %add3A_164 = arith.constant 14 : i32
        %add3A_165 = arith.addi %add3A_155, %add3A_164 : i32
        %get3A_166 = arith.index_cast %add3A_165 : i32 to index
        %get3A_167 = arith.constant 0 : index
        %get3A_168 = tpu.vector_load %arg8[%get3A_166, %get3A_167] {strides = array<i32>} : memref<200x128xi32, #tpu.memory_space<vmem>>, vector<16xi32>,
        %bitcast3A_169 = vector.bitcast %get3A_168 : vector<16xi32> to vector<32xbf16>
        %add3A_170 = arith.constant 14 : i32
        %add3A_171 = arith.addi %add3A_155, %add3A_170 : i32
        %add3A_172 = arith.constant 1 : i32
        %add3A_173 = arith.addi %add3A_171, %add3A_172 : i32
        %get3A_174 = arith.index_cast %add3A_173 : i32 to index
        %get3A_175 = arith.constant 0 : index
        %get3A_176 = tpu.vector_load %arg8[%get3A_174, %get3A_175] {strides = array<i32>} : memref<200x128xi32, #tpu.memory_space<vmem>>, vector<16xi32>,
        %bitcast3A_177 = vector.bitcast %get3A_176 : vector<16xi32> to vector<32xbf16>
        %max3A = arith.maximumf %bitcast3A, %bitcast3A_163 : vector<32xbf16>
        %max3A_178 = arith.maximumf %bitcast3A_169, %bitcast3A_177 : vector<32xbf16>
        %max3A_179 = arith.maximumf %max3A, %max3A_178 : vector<32xbf16>
        %bitcast3A_180 = vector.bitcast %max3A_179 : vector<32xbf16> to vector<16xi32>
        %swap3A = arith.constant 0 : i32
        %swap3A_181 = arith.index_cast %scan3A_116 : i32 to index
        %swap3A_182 = arith.index_cast %swap3A : i32 to index
        %swap3A_183 = arith.constant 0 : index
        %swap3A_184 = tpu.vector_load %arg10[%swap3A_181, %swap3A_182, %swap3A_183] {strides = array<i32>} : memref<49x1x128xi32, #tpu.memory_space<vmem>>, vector<16xi32>,
        tpu.vector_store %arg10[%swap3A_181, %swap3A_182, %swap3A_183], %bitcast3A_180 {strides = array<i32>} : memref<49x1x128xi32, #tpu.memory_space<vmem>>, vector<16xi32>,
        %get3A_185 = arith.index_cast %add3A_155 : i32 to index
        %get3A_186 = arith.constant 16 : index
        %get3A_187 = tpu.vector_load %arg8[%get3A_185, %get3A_186] {strides = array<i32>} : memref<200x128xi32, #tpu.memory_space<vmem>>, vector<16xi32>,
        %bitcast3A_188 = vector.bitcast %get3A_187 : vector<16xi32> to vector<32xbf16>
        %add3A_189 = arith.constant 1 : i32
        %add3A_190 = arith.addi %add3A_155, %add3A_189 : i32
        %get3A_191 = arith.index_cast %add3A_190 : i32 to index
        %get3A_192 = arith.constant 16 : index
        %get3A_193 = tpu.vector_load %arg8[%get3A_191, %get3A_192] {strides = array<i32>} : memref<200x128xi32, #tpu.memory_space<vmem>>, vector<16xi32>,
        %bitcast3A_194 = vector.bitcast %get3A_193 : vector<16xi32> to vector<32xbf16>
        %add3A_195 = arith.constant 14 : i32
        %add3A_196 = arith.addi %add3A_155, %add3A_195 : i32
        %get3A_197 = arith.index_cast %add3A_196 : i32 to index
        %get3A_198 = arith.constant 16 : index
        %get3A_199 = tpu.vector_load %arg8[%get3A_197, %get3A_198] {strides = array<i32>} : memref<200x128xi32, #tpu.memory_space<vmem>>, vector<16xi32>,
        %bitcast3A_200 = vector.bitcast %get3A_199 : vector<16xi32> to vector<32xbf16>
        %add3A_201 = arith.constant 14 : i32
        %add3A_202 = arith.addi %add3A_155, %add3A_201 : i32
        %add3A_203 = arith.constant 1 : i32
        %add3A_204 = arith.addi %add3A_202, %add3A_203 : i32
        %get3A_205 = arith.index_cast %add3A_204 : i32 to index
        %get3A_206 = arith.constant 16 : index
        %get3A_207 = tpu.vector_load %arg8[%get3A_205, %get3A_206] {strides = array<i32>} : memref<200x128xi32, #tpu.memory_space<vmem>>, vector<16xi32>,
        %bitcast3A_208 = vector.bitcast %get3A_207 : vector<16xi32> to vector<32xbf16>
        %max3A_209 = arith.maximumf %bitcast3A_188, %bitcast3A_194 : vector<32xbf16>
        %max3A_210 = arith.maximumf %bitcast3A_200, %bitcast3A_208 : vector<32xbf16>
        %max3A_211 = arith.maximumf %max3A_209, %max3A_210 : vector<32xbf16>
        %bitcast3A_212 = vector.bitcast %max3A_211 : vector<32xbf16> to vector<16xi32>
        %swap3A_213 = arith.constant 0 : i32
        %swap3A_214 = arith.index_cast %scan3A_116 : i32 to index
        %swap3A_215 = arith.index_cast %swap3A_213 : i32 to index
        %swap3A_216 = arith.constant 16 : index
        %swap3A_217 = tpu.vector_load %arg10[%swap3A_214, %swap3A_215, %swap3A_216] {strides = array<i32>} : memref<49x1x128xi32, #tpu.memory_space<vmem>>, vector<16xi32>,
        tpu.vector_store %arg10[%swap3A_214, %swap3A_215, %swap3A_216], %bitcast3A_212 {strides = array<i32>} : memref<49x1x128xi32, #tpu.memory_space<vmem>>, vector<16xi32>,
        %get3A_218 = arith.index_cast %add3A_155 : i32 to index
        %get3A_219 = arith.constant 32 : index
        %get3A_220 = tpu.vector_load %arg8[%get3A_218, %get3A_219] {strides = array<i32>} : memref<200x128xi32, #tpu.memory_space<vmem>>, vector<16xi32>,
        %bitcast3A_221 = vector.bitcast %get3A_220 : vector<16xi32> to vector<32xbf16>
        %add3A_222 = arith.constant 1 : i32
        %add3A_223 = arith.addi %add3A_155, %add3A_222 : i32
        %get3A_224 = arith.index_cast %add3A_223 : i32 to index
        %get3A_225 = arith.constant 32 : index
        %get3A_226 = tpu.vector_load %arg8[%get3A_224, %get3A_225] {strides = array<i32>} : memref<200x128xi32, #tpu.memory_space<vmem>>, vector<16xi32>,
        %bitcast3A_227 = vector.bitcast %get3A_226 : vector<16xi32> to vector<32xbf16>
        %add3A_228 = arith.constant 14 : i32
        %add3A_229 = arith.addi %add3A_155, %add3A_228 : i32
        %get3A_230 = arith.index_cast %add3A_229 : i32 to index
        %get3A_231 = arith.constant 32 : index
        %get3A_232 = tpu.vector_load %arg8[%get3A_230, %get3A_231] {strides = array<i32>} : memref<200x128xi32, #tpu.memory_space<vmem>>, vector<16xi32>,
        %bitcast3A_233 = vector.bitcast %get3A_232 : vector<16xi32> to vector<32xbf16>
        %add3A_234 = arith.constant 14 : i32
        %add3A_235 = arith.addi %add3A_155, %add3A_234 : i32
        %add3A_236 = arith.constant 1 : i32
        %add3A_237 = arith.addi %add3A_235, %add3A_236 : i32
        %get3A_238 = arith.index_cast %add3A_237 : i32 to index
        %get3A_239 = arith.constant 32 : index
        %get3A_240 = tpu.vector_load %arg8[%get3A_238, %get3A_239] {strides = array<i32>} : memref<200x128xi32, #tpu.memory_space<vmem>>, vector<16xi32>,
        %bitcast3A_241 = vector.bitcast %get3A_240 : vector<16xi32> to vector<32xbf16>
        %max3A_242 = arith.maximumf %bitcast3A_221, %bitcast3A_227 : vector<32xbf16>
        %max3A_243 = arith.maximumf %bitcast3A_233, %bitcast3A_241 : vector<32xbf16>
        %max3A_244 = arith.maximumf %max3A_242, %max3A_243 : vector<32xbf16>
        %bitcast3A_245 = vector.bitcast %max3A_244 : vector<32xbf16> to vector<16xi32>
        %swap3A_246 = arith.constant 0 : i32
        %swap3A_247 = arith.index_cast %scan3A_116 : i32 to index
        %swap3A_248 = arith.index_cast %swap3A_246 : i32 to index
        %swap3A_249 = arith.constant 32 : index
        %swap3A_250 = tpu.vector_load %arg10[%swap3A_247, %swap3A_248, %swap3A_249] {strides = array<i32>} : memref<49x1x128xi32, #tpu.memory_space<vmem>>, vector<16xi32>,
        tpu.vector_store %arg10[%swap3A_247, %swap3A_248, %swap3A_249], %bitcast3A_245 {strides = array<i32>} : memref<49x1x128xi32, #tpu.memory_space<vmem>>, vector<16xi32>,
        %get3A_251 = arith.index_cast %add3A_155 : i32 to index
        %get3A_252 = arith.constant 48 : index
        %get3A_253 = tpu.vector_load %arg8[%get3A_251, %get3A_252] {strides = array<i32>} : memref<200x128xi32, #tpu.memory_space<vmem>>, vector<16xi32>,
        %bitcast3A_254 = vector.bitcast %get3A_253 : vector<16xi32> to vector<32xbf16>
        %add3A_255 = arith.constant 1 : i32
        %add3A_256 = arith.addi %add3A_155, %add3A_255 : i32
        %get3A_257 = arith.index_cast %add3A_256 : i32 to index
        %get3A_258 = arith.constant 48 : index
        %get3A_259 = tpu.vector_load %arg8[%get3A_257, %get3A_258] {strides = array<i32>} : memref<200x128xi32, #tpu.memory_space<vmem>>, vector<16xi32>,
        %bitcast3A_260 = vector.bitcast %get3A_259 : vector<16xi32> to vector<32xbf16>
        %add3A_261 = arith.constant 14 : i32
        %add3A_262 = arith.addi %add3A_155, %add3A_261 : i32
        %get3A_263 = arith.index_cast %add3A_262 : i32 to index
        %get3A_264 = arith.constant 48 : index
        %get3A_265 = tpu.vector_load %arg8[%get3A_263, %get3A_264] {strides = array<i32>} : memref<200x128xi32, #tpu.memory_space<vmem>>, vector<16xi32>,
        %bitcast3A_266 = vector.bitcast %get3A_265 : vector<16xi32> to vector<32xbf16>
        %add3A_267 = arith.constant 14 : i32
        %add3A_268 = arith.addi %add3A_155, %add3A_267 : i32
        %add3A_269 = arith.constant 1 : i32
        %add3A_270 = arith.addi %add3A_268, %add3A_269 : i32
        %get3A_271 = arith.index_cast %add3A_270 : i32 to index
        %get3A_272 = arith.constant 48 : index
        %get3A_273 = tpu.vector_load %arg8[%get3A_271, %get3A_272] {strides = array<i32>} : memref<200x128xi32, #tpu.memory_space<vmem>>, vector<16xi32>,
        %bitcast3A_274 = vector.bitcast %get3A_273 : vector<16xi32> to vector<32xbf16>
        %max3A_275 = arith.maximumf %bitcast3A_254, %bitcast3A_260 : vector<32xbf16>
        %max3A_276 = arith.maximumf %bitcast3A_266, %bitcast3A_274 : vector<32xbf16>
        %max3A_277 = arith.maximumf %max3A_275, %max3A_276 : vector<32xbf16>
        %bitcast3A_278 = vector.bitcast %max3A_277 : vector<32xbf16> to vector<16xi32>
        %swap3A_279 = arith.constant 0 : i32
        %swap3A_280 = arith.index_cast %scan3A_116 : i32 to index
        %swap3A_281 = arith.index_cast %swap3A_279 : i32 to index
        %swap3A_282 = arith.constant 48 : index
        %swap3A_283 = tpu.vector_load %arg10[%swap3A_280, %swap3A_281, %swap3A_282] {strides = array<i32>} : memref<49x1x128xi32, #tpu.memory_space<vmem>>, vector<16xi32>,
        tpu.vector_store %arg10[%swap3A_280, %swap3A_281, %swap3A_282], %bitcast3A_278 {strides = array<i32>} : memref<49x1x128xi32, #tpu.memory_space<vmem>>, vector<16xi32>,
        %get3A_284 = arith.index_cast %add3A_155 : i32 to index
        %get3A_285 = arith.constant 64 : index
        %get3A_286 = tpu.vector_load %arg8[%get3A_284, %get3A_285] {strides = array<i32>} : memref<200x128xi32, #tpu.memory_space<vmem>>, vector<16xi32>,
        %bitcast3A_287 = vector.bitcast %get3A_286 : vector<16xi32> to vector<32xbf16>
        %add3A_288 = arith.constant 1 : i32
        %add3A_289 = arith.addi %add3A_155, %add3A_288 : i32
        %get3A_290 = arith.index_cast %add3A_289 : i32 to index
        %get3A_291 = arith.constant 64 : index
        %get3A_292 = tpu.vector_load %arg8[%get3A_290, %get3A_291] {strides = array<i32>} : memref<200x128xi32, #tpu.memory_space<vmem>>, vector<16xi32>,
        %bitcast3A_293 = vector.bitcast %get3A_292 : vector<16xi32> to vector<32xbf16>
        %add3A_294 = arith.constant 14 : i32
        %add3A_295 = arith.addi %add3A_155, %add3A_294 : i32
        %get3A_296 = arith.index_cast %add3A_295 : i32 to index
        %get3A_297 = arith.constant 64 : index
        %get3A_298 = tpu.vector_load %arg8[%get3A_296, %get3A_297] {strides = array<i32>} : memref<200x128xi32, #tpu.memory_space<vmem>>, vector<16xi32>,
        %bitcast3A_299 = vector.bitcast %get3A_298 : vector<16xi32> to vector<32xbf16>
        %add3A_300 = arith.constant 14 : i32
        %add3A_301 = arith.addi %add3A_155, %add3A_300 : i32
        %add3A_302 = arith.constant 1 : i32
        %add3A_303 = arith.addi %add3A_301, %add3A_302 : i32
        %get3A_304 = arith.index_cast %add3A_303 : i32 to index
        %get3A_305 = arith.constant 64 : index
        %get3A_306 = tpu.vector_load %arg8[%get3A_304, %get3A_305] {strides = array<i32>} : memref<200x128xi32, #tpu.memory_space<vmem>>, vector<16xi32>,
        %bitcast3A_307 = vector.bitcast %get3A_306 : vector<16xi32> to vector<32xbf16>
        %max3A_308 = arith.maximumf %bitcast3A_287, %bitcast3A_293 : vector<32xbf16>
        %max3A_309 = arith.maximumf %bitcast3A_299, %bitcast3A_307 : vector<32xbf16>
        %max3A_310 = arith.maximumf %max3A_308, %max3A_309 : vector<32xbf16>
        %bitcast3A_311 = vector.bitcast %max3A_310 : vector<32xbf16> to vector<16xi32>
        %swap3A_312 = arith.constant 0 : i32
        %swap3A_313 = arith.index_cast %scan3A_116 : i32 to index
        %swap3A_314 = arith.index_cast %swap3A_312 : i32 to index
        %swap3A_315 = arith.constant 64 : index
        %swap3A_316 = tpu.vector_load %arg10[%swap3A_313, %swap3A_314, %swap3A_315] {strides = array<i32>} : memref<49x1x128xi32, #tpu.memory_space<vmem>>, vector<16xi32>,
        tpu.vector_store %arg10[%swap3A_313, %swap3A_314, %swap3A_315], %bitcast3A_311 {strides = array<i32>} : memref<49x1x128xi32, #tpu.memory_space<vmem>>, vector<16xi32>,
        %get3A_317 = arith.index_cast %add3A_155 : i32 to index
        %get3A_318 = arith.constant 80 : index
        %get3A_319 = tpu.vector_load %arg8[%get3A_317, %get3A_318] {strides = array<i32>} : memref<200x128xi32, #tpu.memory_space<vmem>>, vector<16xi32>,
        %bitcast3A_320 = vector.bitcast %get3A_319 : vector<16xi32> to vector<32xbf16>
        %add3A_321 = arith.constant 1 : i32
        %add3A_322 = arith.addi %add3A_155, %add3A_321 : i32
        %get3A_323 = arith.index_cast %add3A_322 : i32 to index
        %get3A_324 = arith.constant 80 : index
        %get3A_325 = tpu.vector_load %arg8[%get3A_323, %get3A_324] {strides = array<i32>} : memref<200x128xi32, #tpu.memory_space<vmem>>, vector<16xi32>,
        %bitcast3A_326 = vector.bitcast %get3A_325 : vector<16xi32> to vector<32xbf16>
        %add3A_327 = arith.constant 14 : i32
        %add3A_328 = arith.addi %add3A_155, %add3A_327 : i32
        %get3A_329 = arith.index_cast %add3A_328 : i32 to index
        %get3A_330 = arith.constant 80 : index
        %get3A_331 = tpu.vector_load %arg8[%get3A_329, %get3A_330] {strides = array<i32>} : memref<200x128xi32, #tpu.memory_space<vmem>>, vector<16xi32>,
        %bitcast3A_332 = vector.bitcast %get3A_331 : vector<16xi32> to vector<32xbf16>
        %add3A_333 = arith.constant 14 : i32
        %add3A_334 = arith.addi %add3A_155, %add3A_333 : i32
        %add3A_335 = arith.constant 1 : i32
        %add3A_336 = arith.addi %add3A_334, %add3A_335 : i32
        %get3A_337 = arith.index_cast %add3A_336 : i32 to index
        %get3A_338 = arith.constant 80 : index
        %get3A_339 = tpu.vector_load %arg8[%get3A_337, %get3A_338] {strides = array<i32>} : memref<200x128xi32, #tpu.memory_space<vmem>>, vector<16xi32>,
        %bitcast3A_340 = vector.bitcast %get3A_339 : vector<16xi32> to vector<32xbf16>
        %max3A_341 = arith.maximumf %bitcast3A_320, %bitcast3A_326 : vector<32xbf16>
        %max3A_342 = arith.maximumf %bitcast3A_332, %bitcast3A_340 : vector<32xbf16>
        %max3A_343 = arith.maximumf %max3A_341, %max3A_342 : vector<32xbf16>
        %bitcast3A_344 = vector.bitcast %max3A_343 : vector<32xbf16> to vector<16xi32>
        %swap3A_345 = arith.constant 0 : i32
        %swap3A_346 = arith.index_cast %scan3A_116 : i32 to index
        %swap3A_347 = arith.index_cast %swap3A_345 : i32 to index
        %swap3A_348 = arith.constant 80 : index
        %swap3A_349 = tpu.vector_load %arg10[%swap3A_346, %swap3A_347, %swap3A_348] {strides = array<i32>} : memref<49x1x128xi32, #tpu.memory_space<vmem>>, vector<16xi32>,
        tpu.vector_store %arg10[%swap3A_346, %swap3A_347, %swap3A_348], %bitcast3A_344 {strides = array<i32>} : memref<49x1x128xi32, #tpu.memory_space<vmem>>, vector<16xi32>,
        %get3A_350 = arith.index_cast %add3A_155 : i32 to index
        %get3A_351 = arith.constant 96 : index
        %get3A_352 = tpu.vector_load %arg8[%get3A_350, %get3A_351] {strides = array<i32>} : memref<200x128xi32, #tpu.memory_space<vmem>>, vector<16xi32>,
        %bitcast3A_353 = vector.bitcast %get3A_352 : vector<16xi32> to vector<32xbf16>
        %add3A_354 = arith.constant 1 : i32
        %add3A_355 = arith.addi %add3A_155, %add3A_354 : i32
        %get3A_356 = arith.index_cast %add3A_355 : i32 to index
        %get3A_357 = arith.constant 96 : index
        %get3A_358 = tpu.vector_load %arg8[%get3A_356, %get3A_357] {strides = array<i32>} : memref<200x128xi32, #tpu.memory_space<vmem>>, vector<16xi32>,
        %bitcast3A_359 = vector.bitcast %get3A_358 : vector<16xi32> to vector<32xbf16>
        %add3A_360 = arith.constant 14 : i32
        %add3A_361 = arith.addi %add3A_155, %add3A_360 : i32
        %get3A_362 = arith.index_cast %add3A_361 : i32 to index
        %get3A_363 = arith.constant 96 : index
        %get3A_364 = tpu.vector_load %arg8[%get3A_362, %get3A_363] {strides = array<i32>} : memref<200x128xi32, #tpu.memory_space<vmem>>, vector<16xi32>,
        %bitcast3A_365 = vector.bitcast %get3A_364 : vector<16xi32> to vector<32xbf16>
        %add3A_366 = arith.constant 14 : i32
        %add3A_367 = arith.addi %add3A_155, %add3A_366 : i32
        %add3A_368 = arith.constant 1 : i32
        %add3A_369 = arith.addi %add3A_367, %add3A_368 : i32
        %get3A_370 = arith.index_cast %add3A_369 : i32 to index
        %get3A_371 = arith.constant 96 : index
        %get3A_372 = tpu.vector_load %arg8[%get3A_370, %get3A_371] {strides = array<i32>} : memref<200x128xi32, #tpu.memory_space<vmem>>, vector<16xi32>,
        %bitcast3A_373 = vector.bitcast %get3A_372 : vector<16xi32> to vector<32xbf16>
        %max3A_374 = arith.maximumf %bitcast3A_353, %bitcast3A_359 : vector<32xbf16>
        %max3A_375 = arith.maximumf %bitcast3A_365, %bitcast3A_373 : vector<32xbf16>
        %max3A_376 = arith.maximumf %max3A_374, %max3A_375 : vector<32xbf16>
        %bitcast3A_377 = vector.bitcast %max3A_376 : vector<32xbf16> to vector<16xi32>
        %swap3A_378 = arith.constant 0 : i32
        %swap3A_379 = arith.index_cast %scan3A_116 : i32 to index
        %swap3A_380 = arith.index_cast %swap3A_378 : i32 to index
        %swap3A_381 = arith.constant 96 : index
        %swap3A_382 = tpu.vector_load %arg10[%swap3A_379, %swap3A_380, %swap3A_381] {strides = array<i32>} : memref<49x1x128xi32, #tpu.memory_space<vmem>>, vector<16xi32>,
        tpu.vector_store %arg10[%swap3A_379, %swap3A_380, %swap3A_381], %bitcast3A_377 {strides = array<i32>} : memref<49x1x128xi32, #tpu.memory_space<vmem>>, vector<16xi32>,
        %get3A_383 = arith.index_cast %add3A_155 : i32 to index
        %get3A_384 = arith.constant 112 : index
        %get3A_385 = tpu.vector_load %arg8[%get3A_383, %get3A_384] {strides = array<i32>} : memref<200x128xi32, #tpu.memory_space<vmem>>, vector<16xi32>,
        %bitcast3A_386 = vector.bitcast %get3A_385 : vector<16xi32> to vector<32xbf16>
        %add3A_387 = arith.constant 1 : i32
        %add3A_388 = arith.addi %add3A_155, %add3A_387 : i32
        %get3A_389 = arith.index_cast %add3A_388 : i32 to index
        %get3A_390 = arith.constant 112 : index
        %get3A_391 = tpu.vector_load %arg8[%get3A_389, %get3A_390] {strides = array<i32>} : memref<200x128xi32, #tpu.memory_space<vmem>>, vector<16xi32>,
        %bitcast3A_392 = vector.bitcast %get3A_391 : vector<16xi32> to vector<32xbf16>
        %add3A_393 = arith.constant 14 : i32
        %add3A_394 = arith.addi %add3A_155, %add3A_393 : i32
        %get3A_395 = arith.index_cast %add3A_394 : i32 to index
        %get3A_396 = arith.constant 112 : index
        %get3A_397 = tpu.vector_load %arg8[%get3A_395, %get3A_396] {strides = array<i32>} : memref<200x128xi32, #tpu.memory_space<vmem>>, vector<16xi32>,
        %bitcast3A_398 = vector.bitcast %get3A_397 : vector<16xi32> to vector<32xbf16>
        %add3A_399 = arith.constant 14 : i32
        %add3A_400 = arith.addi %add3A_155, %add3A_399 : i32
        %add3A_401 = arith.constant 1 : i32
        %add3A_402 = arith.addi %add3A_400, %add3A_401 : i32
        %get3A_403 = arith.index_cast %add3A_402 : i32 to index
        %get3A_404 = arith.constant 112 : index
        %get3A_405 = tpu.vector_load %arg8[%get3A_403, %get3A_404] {strides = array<i32>} : memref<200x128xi32, #tpu.memory_space<vmem>>, vector<16xi32>,
        %bitcast3A_406 = vector.bitcast %get3A_405 : vector<16xi32> to vector<32xbf16>
        %max3A_407 = arith.maximumf %bitcast3A_386, %bitcast3A_392 : vector<32xbf16>
        %max3A_408 = arith.maximumf %bitcast3A_398, %bitcast3A_406 : vector<32xbf16>
        %max3A_409 = arith.maximumf %max3A_407, %max3A_408 : vector<32xbf16>
        %bitcast3A_410 = vector.bitcast %max3A_409 : vector<32xbf16> to vector<16xi32>
        %swap3A_411 = arith.constant 0 : i32
        %swap3A_412 = arith.index_cast %scan3A_116 : i32 to index
        %swap3A_413 = arith.index_cast %swap3A_411 : i32 to index
        %swap3A_414 = arith.constant 112 : index
        %swap3A_415 = tpu.vector_load %arg10[%swap3A_412, %swap3A_413, %swap3A_414] {strides = array<i32>} : memref<49x1x128xi32, #tpu.memory_space<vmem>>, vector<16xi32>,
        tpu.vector_store %arg10[%swap3A_412, %swap3A_413, %swap3A_414], %bitcast3A_410 {strides = array<i32>} : memref<49x1x128xi32, #tpu.memory_space<vmem>>, vector<16xi32>,
      }
      %scan3A_98 = arith.constant 49 : i32
      %add3A_99 = arith.addi %select_n3A, %add3A_81 : i32
      %dma_start3A_100 = arith.constant 0 : i32
      %dma_start3A_101 = arith.constant 0 : i32
      %dma_start3A_102 = arith.constant 0 : i32
      %dma_start3A_103 = tpu.memref_slice %arg4[%add3A_99, %dma_start3A_100, %dma_start3A_101, %dma_start3A_102] : memref<1024x49x1x128xi32, #tpu.memory_space<hbm>> -> memref<1x49x1x128xi32, #tpu.memory_space<hbm>>
      %dma_start3A_104 = tpu.memref_squeeze %dma_start3A_103 : memref<1x49x1x128xi32, #tpu.memory_space<hbm>> -> memref<49x1x128xi32, #tpu.memory_space<hbm>>
      %dma_start3A_105 = arith.constant 0 : i32
      %dma_start3A_106 = arith.constant 0 : i32
      %dma_start3A_107 = arith.constant 0 : i32
      %dma_start3A_108 = tpu.memref_slice %arg4[%add3A_99, %dma_start3A_105, %dma_start3A_106, %dma_start3A_107] : memref<1024x49x1x128xi32, #tpu.memory_space<hbm>> -> memref<1x49x1x128xi32, #tpu.memory_space<hbm>>
      %dma_start3A_109 = tpu.memref_squeeze %dma_start3A_108 : memref<1x49x1x128xi32, #tpu.memory_space<hbm>> -> memref<49x1x128xi32, #tpu.memory_space<hbm>>
      tpu.enqueue_dma source(%arg10 : memref<49x1x128xi32, #tpu.memory_space<vmem>>) target(%dma_start3A_109 : memref<49x1x128xi32, #tpu.memory_space<hbm>>) target_semaphore(%arg14 : memref<!tpu.dma_semaphore, #tpu.memory_space<semaphore_mem>>)
      %add3A_110 = arith.constant 2 : i32
      %add3A_111 = arith.addi %add3A_81, %add3A_110 : i32
      %lt3A_112 = arith.cmpi slt, %add3A_111, %select_n3A_13 : i32
      %convert_element_type3A_113 = arith.extui %lt3A_112 : i1 to i32
      %cond3A_114 = arith.constant 0 : i32
      %cond3A_115 = arith.cmpi ne, %convert_element_type3A_113, %cond3A_114 : i32
      scf.if %cond3A_115 {
        %add3A_116 = arith.constant 2 : i32
        %add3A_117 = arith.addi %add3A_81, %add3A_116 : i32
        %mul3A_118 = arith.constant 200 : i32
        %mul3A_119 = arith.muli %add3A_117, %mul3A_118 : i32
        %multiple_of3A_120 = tpu.assume_multiple %mul3A_119, 8 : i32
        %dma_start3A_121 = arith.constant 0 : i32
        %dma_start3A_122 = arith.constant 0 : i32
        %dma_start3A_123 = tpu.memref_slice %arg8[%dma_start3A_121, %dma_start3A_122] : memref<200x128xi32, #tpu.memory_space<vmem>> -> memref<96x128xi32, #tpu.memory_space<vmem>>
        %dma_start3A_124 = tpu.memref_slice %arg6[%multiple_of3A_120] : memref<6400xi32, #tpu.memory_space<vmem>> -> memref<96xi32, #tpu.memory_space<vmem>>
        %dma_start3A_125 = arith.constant 0 : i32
        %dma_start3A_126 = arith.constant 0 : i32
        %dma_start3A_127 = tpu.memref_slice %arg2[%dma_start3A_125, %dma_start3A_126] : memref<4096x128xi32, #tpu.memory_space<hbm>> -> memref<4096x128xi32, #tpu.memory_space<hbm>>
        tpu.enqueue_indirect_dma source(%dma_start3A_127 : memref<4096x128xi32, #tpu.memory_space<hbm>>) target(%dma_start3A_123 : memref<96x128xi32, #tpu.memory_space<vmem>>) offsets(%dma_start3A_124 : memref<96xi32, #tpu.memory_space<vmem>>) semaphore(%arg12 : memref<!tpu.dma_semaphore, #tpu.memory_space<semaphore_mem>>)
        %mul3A_128 = arith.constant 200 : i32
        %mul3A_129 = arith.muli %add3A_117, %mul3A_128 : i32
        %add3A_130 = arith.constant 96 : i32
        %add3A_131 = arith.addi %mul3A_129, %add3A_130 : i32
        %multiple_of3A_132 = tpu.assume_multiple %add3A_131, 8 : i32
        %dma_start3A_133 = arith.constant 96 : i32
        %dma_start3A_134 = arith.constant 0 : i32
        %dma_start3A_135 = tpu.memref_slice %arg8[%dma_start3A_133, %dma_start3A_134] : memref<200x128xi32, #tpu.memory_space<vmem>> -> memref<104x128xi32, #tpu.memory_space<vmem>>
        %dma_start3A_136 = tpu.memref_slice %arg6[%multiple_of3A_132] : memref<6400xi32, #tpu.memory_space<vmem>> -> memref<104xi32, #tpu.memory_space<vmem>>
        %dma_start3A_137 = arith.constant 0 : i32
        %dma_start3A_138 = arith.constant 0 : i32
        %dma_start3A_139 = tpu.memref_slice %arg2[%dma_start3A_137, %dma_start3A_138] : memref<4096x128xi32, #tpu.memory_space<hbm>> -> memref<4096x128xi32, #tpu.memory_space<hbm>>
        tpu.enqueue_indirect_dma source(%dma_start3A_139 : memref<4096x128xi32, #tpu.memory_space<hbm>>) target(%dma_start3A_135 : memref<104x128xi32, #tpu.memory_space<vmem>>) offsets(%dma_start3A_136 : memref<104xi32, #tpu.memory_space<vmem>>) semaphore(%arg12 : memref<!tpu.dma_semaphore, #tpu.memory_space<semaphore_mem>>)
      } else {
      }
    }
    %gt3A_38 = arith.constant 0 : i32
    %gt3A_39 = arith.cmpi sgt, %select_n3A_13, %gt3A_38 : i32
    %convert_element_type3A_40 = arith.extui %gt3A_39 : i1 to i32
    %cond3A_41 = arith.constant 0 : i32
    %cond3A_42 = arith.cmpi ne, %convert_element_type3A_40, %cond3A_41 : i32
    scf.if %cond3A_42 {
      %dma_wait3A = arith.constant 0 : i32
      %dma_wait3A_43 = arith.constant 0 : i32
      %dma_wait3A_44 = arith.constant 0 : i32
      %dma_wait3A_45 = arith.constant 0 : i32
      %dma_wait3A_46 = tpu.memref_slice %arg4[%dma_wait3A, %dma_wait3A_43, %dma_wait3A_44, %dma_wait3A_45] : memref<1024x49x1x128xi32, #tpu.memory_space<hbm>> -> memref<1x49x1x128xi32, #tpu.memory_space<hbm>>
      %dma_wait3A_47 = tpu.memref_squeeze %dma_wait3A_46 : memref<1x49x1x128xi32, #tpu.memory_space<hbm>> -> memref<49x1x128xi32, #tpu.memory_space<hbm>>
      %dma_wait3A_48 = arith.constant 0 : i32
      %dma_wait3A_49 = arith.constant 0 : i32
      %dma_wait3A_50 = arith.constant 0 : i32
      %dma_wait3A_51 = tpu.memref_slice %arg4[%dma_wait3A, %dma_wait3A_48, %dma_wait3A_49, %dma_wait3A_50] : memref<1024x49x1x128xi32, #tpu.memory_space<hbm>> -> memref<1x49x1x128xi32, #tpu.memory_space<hbm>>
      %dma_wait3A_52 = tpu.memref_squeeze %dma_wait3A_51 : memref<1x49x1x128xi32, #tpu.memory_space<hbm>> -> memref<49x1x128xi32, #tpu.memory_space<hbm>>
      tpu.wait_dma2 semaphore(%arg13 : memref<!tpu.dma_semaphore, #tpu.memory_space<semaphore_mem>>) src(%arg9 : memref<49x1x128xi32, #tpu.memory_space<vmem>>) dst(%dma_wait3A_52 : memref<49x1x128xi32, #tpu.memory_space<hbm>>)
      %dma_wait3A_53 = arith.constant 0 : i32
      %dma_wait3A_54 = arith.constant 0 : i32
      %dma_wait3A_55 = arith.constant 0 : i32
      %dma_wait3A_56 = arith.constant 0 : i32
      %dma_wait3A_57 = tpu.memref_slice %arg4[%dma_wait3A_53, %dma_wait3A_54, %dma_wait3A_55, %dma_wait3A_56] : memref<1024x49x1x128xi32, #tpu.memory_space<hbm>> -> memref<1x49x1x128xi32, #tpu.memory_space<hbm>>
      %dma_wait3A_58 = tpu.memref_squeeze %dma_wait3A_57 : memref<1x49x1x128xi32, #tpu.memory_space<hbm>> -> memref<49x1x128xi32, #tpu.memory_space<hbm>>
      %dma_wait3A_59 = arith.constant 0 : i32
      %dma_wait3A_60 = arith.constant 0 : i32
      %dma_wait3A_61 = arith.constant 0 : i32
      %dma_wait3A_62 = tpu.memref_slice %arg4[%dma_wait3A_53, %dma_wait3A_59, %dma_wait3A_60, %dma_wait3A_61] : memref<1024x49x1x128xi32, #tpu.memory_space<hbm>> -> memref<1x49x1x128xi32, #tpu.memory_space<hbm>>
      %dma_wait3A_63 = tpu.memref_squeeze %dma_wait3A_62 : memref<1x49x1x128xi32, #tpu.memory_space<hbm>> -> memref<49x1x128xi32, #tpu.memory_space<hbm>>
      tpu.wait_dma2 semaphore(%arg14 : memref<!tpu.dma_semaphore, #tpu.memory_space<semaphore_mem>>) src(%arg10 : memref<49x1x128xi32, #tpu.memory_space<vmem>>) dst(%dma_wait3A_63 : memref<49x1x128xi32, #tpu.memory_space<hbm>>)
    } else {
    }
    return
  }
}

</mosaic_0001>

<sc_bundles>
// kernel: _sc_pool.3.cloned.1.call-start
scs
__scs_entry_jumppad:
0x0: {  	(pc) =	sbr.rel $0x88, $3  }
0x1: {  	(tag) =	ssettag $0x0;
	lr =	simm.s32 $0x1  }
0x2: {  	[smem:$0x3F9F] =	sst lr;
	_ =	strace $0xD0000000  }
0x3: {  	_ = 	snop  }
0x4: {  	_ = 	snop  }
0x5: {  	_ = 	snop  }
0x6: {  	_ = 	snop  }
0x7: {  	_ = 	snop  }
__scs_overlays_trampoline_lowered:
0x8: {  	[smem:$0x3FAE] =	sst s0  }
0x9: {  	[smem:$0x3FAF] =	sst s1  }
0xa: {  	[smem:$0x3FB0] =	sst s2  }
0xb: {  	[smem:$0x3FB1] =	sst s3  }
0xc: {  	[smem:$0x3FB2] =	sst s4  }
0xd: {  	[smem:$0x3FB3] =	sst s5  }
0xe: {  	[smem:$0x3FB4] =	sst s6  }
0xf: {  	[smem:$0x3FB5] =	sst s7  }
0x10: {  	[smem:$0x3FB6] =	sst s8  }
0x11: {  	[smem:$0x3FB7] =	sst s9;
	s0 =	simm.s32 @!p0 $0x0  }
0x12: {  	s1 =	sld [smem:$0x3F9D];
	s0 =	simm.s32 @p0 $0x1  }
0x13: {  	[smem:$0x3FB8] =	sst s0;
	s0 =	simm.s32 @!p1 $0x0  }
0x14: {  	s2 =	sld [smem:$0x3F9C];
	s0 =	simm.s32 @p1 $0x1  }
0x15: {  	[smem:$0x3FB9] =	sst s0;
	s0 =	simm.s32 @!p2 $0x0  }
0x16: {  	s3 =	sld [smem:$0x3FDB];
	s0 =	simm.s32 @p2 $0x1  }
0x17: {  	s4 =	simm.s32 $0x1BF5;
	[smem:$0x3FBB] =	sst s0  }
0x18: {  	s0 =	sld [smem:$0x3F9E];
	_ =	swait.ge [sflag:s4], $0x0  }
0x19: {  	s7 =	sld [smem:$0x3F9F]  }
0x1a: {  	s8 =	sadd.s32 $0xFFFFE003, lr  }
0x1b: {  	s9 =	sadd.s32 $0xFFFFFEF7, lr;
	s5 =	simm.s32 $0xFFFFFFFF;
	p2 =	slt.u32 s8, $0xFFFFF086  }
0x1c: {  	p1 =	slt.u32 s9, $0xF7A;
	s5 =	simm.s32 @!p2 $0x0  }
0x1d: {  	s5 =	simm.s32 @p1 $0x1;
	p0 =	seq.s32 s7, s2  }
0x1e: {  	s7 =	smul.u32 @!p0 $0xF7A, s2;
	p2 =	seq.s32 @!p0 s5, $0x0  }
0x1f: {  	s9 =	smul.u32 $0xF7A, s1;
	s8 =	simm.s32 @!p0 $0x1BF5;
	p2 =	por !p2, p0  }
0x20: {  	[sflag:s8] =	ssyncset.s32 @!p0 $0xFFFFF086;
	s6 =	sadd.s32 @!p0 s3, s7;
	s7 =	simm.s32 @!p0 $0x108  }
0x21: {  	s3 =	sadd.s32 s3, s9;
	s6 =	sadd.s32 @!p0 $0x88, s6;
	s7 =	simm.s32 @p2 $0x1082  }
0x22: {  	[simem:s7], [sflag:s8] =	dma.local @!p0 [hbm:s6], $0xF7A  }
0x23: {  	s9 =	sor.u32 $0xD0000000, s2;
	s6 =	simm.s32 $0x108;
	_ =	swait.ge @!p0 [sflag:s8], $0x0  }
0x24: {  	s3 =	sadd.s32 $0x88, s3;
	s6 =	simm.s32 @!p1 $0x1082;
	[sflag:s4] =	ssyncset.s32 $0xFFFFF086  }
0x25: {  	[simem:s6], [sflag:s4] =	dma.local [hbm:s3], $0xF7A  }
0x26: {  	[smem:$0x3F9F] =	sst s1;
	(tag) =	ssettag s2;
	_ =	strace s9  }
0x27: {  	s1 =	sld [smem:$0x3FAF]  }
0x28: {  	s2 =	sld [smem:$0x3FB0]  }
0x29: {  	s4 =	sld [smem:$0x3FB2]  }
0x2a: {  	p0 =	seq.s32 s5, $0x0;
	s5 =	sld [smem:$0x3FB3]  }
0x2b: {  	s6 =	sld [smem:$0x3FB4]  }
0x2c: {  	s7 =	sld [smem:$0x3FB5]  }
0x2d: {  	s3 =	simm.s32 $0x108;
	s8 =	sld [smem:$0x3FB6]  }
0x2e: {  	s3 =	simm.s32 @!p0 $0x1082;
	s9 =	sld [smem:$0x3FB7]  }
0x2f: {  	lr =	sadd.s32 s0, s3;
	s0 =	sld [smem:$0x3FAE]  }
0x30: {  	s3 =	sld [smem:$0x3FB1]  }
0x31: {  	[smem:$0x3FBA] =	sst s10  }
0x32: {  	s10 =	sld [smem:$0x3FB8];
	_ =	sdelay $0x3  }
0x33: {  	p0 =	seq.s32 s10, $0x1;
	s10 =	sld [smem:$0x3FBA];
	_ =	sdelay $0x3  }
0x34: {  	[smem:$0x3FBA] =	sst s10  }
0x35: {  	s10 =	sld [smem:$0x3FB9];
	_ =	sdelay $0x3  }
0x36: {  	p1 =	seq.s32 s10, $0x1;
	s10 =	sld [smem:$0x3FBA];
	_ =	sdelay $0x3  }
0x37: {  	[smem:$0x3FBA] =	sst s10  }
0x38: {  	s10 =	sld [smem:$0x3FBB]  }
0x39: {  	_ = 	snop;
	(pc) =	sbr.ind lr, $3  }
0x3a: {  	_ = 	snop  }
0x3b: {  	_ = 	snop  }
0x3c: {  	p2 =	seq.s32 s10, $0x1;
	s10 =	sld [smem:$0x3FBA]  }
0x3d: {  	_ =	shalt  }
0x3e: {  	_ =	shalt  }
0x3f: {  	_ =	shalt  }
0x40: {  	_ =	shalt  }
0x41: {  	_ =	shalt  }
0x42: {  	_ =	shalt  }
0x43: {  	_ =	shalt  }
0x44: {  	_ =	shalt  }
0x45: {  	_ =	shalt  }
0x46: {  	_ =	shalt  }
0x47: {  	_ =	shalt  }
0x48: {  	_ =	shalt  }
0x49: {  	_ =	shalt  }
0x4a: {  	_ =	shalt  }
0x4b: {  	_ =	shalt  }
0x4c: {  	_ =	shalt  }
0x4d: {  	_ =	shalt  }
0x4e: {  	_ =	shalt  }
0x4f: {  	_ =	shalt  }
0x50: {  	_ =	shalt  }
0x51: {  	_ =	shalt  }
0x52: {  	_ =	shalt  }
0x53: {  	_ =	shalt  }
0x54: {  	_ =	shalt  }
0x55: {  	_ =	shalt  }
0x56: {  	_ =	shalt  }
0x57: {  	_ =	shalt  }
0x58: {  	_ =	shalt  }
0x59: {  	_ =	shalt  }
0x5a: {  	_ =	shalt  }
0x5b: {  	_ =	shalt  }
0x5c: {  	_ =	shalt  }
0x5d: {  	_ =	shalt  }
0x5e: {  	_ =	shalt  }
0x5f: {  	_ =	shalt  }
0x60: {  	_ =	shalt  }
0x61: {  	_ =	shalt  }
0x62: {  	_ =	shalt  }
0x63: {  	_ =	shalt  }
0x64: {  	_ =	shalt  }
0x65: {  	_ =	shalt  }
0x66: {  	_ =	shalt  }
0x67: {  	_ =	shalt  }
0x68: {  	_ =	shalt  }
0x69: {  	_ =	shalt  }
0x6a: {  	_ =	shalt  }
0x6b: {  	_ =	shalt  }
0x6c: {  	_ =	shalt  }
0x6d: {  	_ =	shalt  }
0x6e: {  	_ =	shalt  }
0x6f: {  	_ =	shalt  }
0x70: {  	_ =	shalt  }
0x71: {  	_ =	shalt  }
0x72: {  	_ =	shalt  }
0x73: {  	_ =	shalt  }
0x74: {  	_ =	shalt  }
0x75: {  	_ =	shalt  }
0x76: {  	_ =	shalt  }
0x77: {  	_ =	shalt  }
0x78: {  	_ =	shalt  }
0x79: {  	_ =	shalt  }
0x7a: {  	_ =	shalt  }
0x7b: {  	_ =	shalt  }
0x7c: {  	_ =	shalt  }
0x7d: {  	_ =	shalt  }
0x7e: {  	_ =	shalt  }
0x7f: {  	_ =	shalt  }
0x80: {  	_ =	shalt  }
0x81: {  	_ =	shalt  }
0x82: {  	_ =	shalt  }
0x83: {  	_ =	shalt  }
0x84: {  	_ =	shalt  }
0x85: {  	_ =	shalt  }
0x86: {  	_ =	shalt  }
0x87: {  	_ =	shalt  }
.Lfunc_end0:
.L_simem_size_0:
called_computation_lowered:
.L_overlay_start_0:
0x88: {  	s2 =	sld [smem:$0x3FD9]  }
0x89: {  	s3 =	sld [smem:$0x3FFE];
	_ =	sdelay $0x1  }
0x8a: {  	s1 =	srdreg.scid  }
0x8b: {  	s0 =	sand.u32 $0x1, s1  }
0x8c: {  	s18 =	sshll.u32 s0, $0xA;
	s2 =	sadd.s32 s3, s2  }
0x8d: {  	s2 =	sadd.s32 s2, s18  }
0x8e: {  	[smem:$0x3FC6] =	sst s2  }
0x8f: {  	_ = 	snop  }
0x90: {  	s2 =	sld [smem:$0x3FC9]  }
0x91: {  	s19 =	sld [smem:$0x3FC8]  }
0x92: {  	s4 =	sld [smem:$0x3FD0];
	(tm) =	ssettm $0x1  }
0x93: {  	s5 =	sld [smem:$0x3FFB];
	_ =	sdelay $0x3  }
0x94: {  	_ =	strace s5  }
0x95: {  	s5 =	sld [smem:$0x3FFC];
	_ =	sdelay $0x3  }
0x96: {  	_ =	strace s5  }
0x97: {  	s5 =	sld [smem:$0x3FFD];
	_ =	sdelay $0x3  }
0x98: {  	_ =	strace s5  }
0x99: {  	_ =	strace $0x8FFFFFFF  }
0x9a: {  	s20 =	sld [smem:$0x3FDB];
	_ =	sdelay $0x1  }
0x9b: {  	s6 =	simm.s32 $_scs_section_size  }
0x9c: {  	s7 =	simm.s32 $_size__tile_overlayer_lowered;
	s8 =	simm.s32 $_tile_overlayer_lowered  }
0x9d: {  	s23 =	simm.s32 $0x1BFF;
	s22 =	sshll.u32 s8, $0x1;
	s5 =	sadd.s32 s6, s20  }
0x9e: {  	s9 =	simm.s32 $0x0;
	s21 =	sshll.u32 s7, $0x1;
	s7 =	sadd.s32 s22, s5  }
0x9f: {  	[timem:s9], [sflag:s23] =	dma.local [hbm:s7], s21  }
0xa0: {  	_ =	swait.ge [sflag:s23], s21  }
0xa1: {  	s6 =	ssub.s32 $0x0, s21;
	[sflag:s23] =	ssyncset.done $0x0  }
0xa2: {  	[sflag:s23] =	ssyncadd.s32 s6;
	_ =	sdelay $0x1  }
0xa3: {  	s24 =	simm.s32 $0x1B8B  }
0xa4: {  	_ =	swait.ge [sflag:s24], $0x1  }
0xa5: {  	[sflag:s24] =	ssyncset.done $0x0  }
0xa6: {  	s25 =	simm.s32 $0x1B8E;
	[sflag:s24] =	ssyncadd.s32 $0xFFFFFFFF  }
0xa7: {  	s26 =	simm.s32 $execute0_lowered;
	[smem:$0x3FD2] =	sst s25  }
0xa8: {  	s6 =	sshll.u32 s26, $0x1;
	_ =	strace $0x80000046;
	[dreg:$0x1] =	wrdreg $0xFFFFFFFF  }
0xa9: {  	s28 =	simm.s32 $_size_execute0_lowered;
	s5 =	sadd.s32 s5, s6;
	[dreg:$0x0] =	wrdreg $0x0  }
0xaa: {  	s6 =	sshll.u32 s28, $0x1;
	[dreg:$0x2] =	wrdreg s5  }
0xab: {  	[dreg:$0x3] =	wrdreg s6  }
0xac: {  	[dreg:$0x4] =	wrdreg $0xC0  }
0xad: {  	_ =	task [dreg:s9], $0x5FFFF  }
0xae: {  	[dreg:$0x1] =	wrdreg $0xFFFFFFFF  }
0xaf: {  	[dreg:$0x0] =	wrdreg $0x60  }
0xb0: {  	[dreg:$0x2] =	wrdreg s2  }
0xb1: {  	[dreg:$0x3] =	wrdreg s19  }
0xb2: {  	[dreg:$0x4] =	wrdreg s4  }
0xb3: {  	[dreg:$0x5] =	wrdreg $0x9  }
0xb4: {  	_ =	task.clear_ibuf [dreg:s9], $0x6FFFF;
	_ =	strace $0x90000046  }
0xb5: {  	s29 =	simm.s32 $0x9;
	_ =	strace $0x80000048  }
0xb6: {  	_ =	swait.ge [sflag:s29], $0x1  }
0xb7: {  	[sflag:s29] =	ssyncadd.s32 $0xFFFFFFFF  }
0xb8: {  	_ =	strace $0x90000048  }
0xb9: {  	_ =	sfence  }
0xba: {  	s30 =	sld [smem:$0x0];
	_ =	sdelay $0x2  }
0xbb: {  	s31 =	sshll.u32 s1, $0xD;
	s1 =	sshrl.u32 s1, $0x2  }
0xbc: {  	s3 =	sand.u32 $0x4000, s31;
	s1 =	sadd.s32 s1, s30  }
0xbd: {  	s0 =	sor.u32 s3, s0;
	s1 =	sshll.u32 s1, $0x11  }
0xbe: {  	s0 =	sor.u32 s1, s0  }
0xbf: {  	s0 =	sadd.s32 $0x8F2B, s0  }
0xc0: {  	[sflag:s0] =	ssyncadd.remote.s32 $0x1  }
0xc1: {  	_ =	sfence.sel $0xFFFF  }
0xc2: {  	[dreg:$0x0] =	wrdreg $0xFFFFFFFF;
	(pc) =	sbr.abs _section_cstart, $3  }
0xc3: {  	[dreg:$0x1] =	wrdreg $0xFFFFFFFF  }
0xc4: {  	_ =	task.clear_ibuf [dreg:s9], $0x2FFFF;
	_ =	strace $0x9FFFFFFF  }
0xc5: {  	(tm) =	ssettm $0x7FFFFFFF  }
tec
execute0_lowered:
.L_overlay_start_1:
0x0: {  	(tag) =	ssettag $0x1  }
0x1: {  	s1 =	rddreg [dreg:$0x0]  }
0x2: {  	s0 =	rddreg [dreg:$0x1];
	s3 =	simm.s32 $0x0;
	v0 =	vlaneseq.u32  }
0x3: {  	[smem:$0x7FF] =	sst s3;
	v0 =	vmul.u32 $0xC8, v0  }
0x4: {  	s2 =	rddreg [dreg:$0x2];
	v1 =	vimm.f32 $7.000000000e+00;
	_ =	strace $0x80000047  }
0x5: {  	(erf) = vrcp.f32 v1;
	v1 =	vor.u32 $0x1, v0  }
0x6: {  	[tilespmem:$0x1FE70] =	vst v1;
	v1 =	vor.u32 $0x2, v0  }
0x7: {  	[tilespmem:$0x1FE80] =	vst v1;
	v1 =	vor.u32 $0x3, v0  }
0x8: {  	[tilespmem:$0x1FE90] =	vst v1;
	v1 =	vor.u32 $0x4, v0  }
0x9: {  	[tilespmem:$0x1FEA0] =	vst v1;
	v1 =	vor.u32 $0x5, v0  }
0xa: {  	[tilespmem:$0x1FEB0] =	vst v1;
	v1 =	vor.u32 $0x6, v0  }
0xb: {  	[tilespmem:$0x1FEC0] =	vst v1;
	v1 =	vor.u32 $0x7, v0  }
0xc: {  	[tilespmem:$0x1FED0] =	vst v1;
	v1 =	vadd.s32 $0x8, v0  }
0xd: {  	v26 =	vadd.s32 $0x1A, v0;
	v27 =	vadd.s32 $0x1B, v0;
	[tilespmem:$0x1FEE0] =	vst v1;
	v1 =	vadd.s32 $0x9, v0  }
0xe: {  	v28 =	vadd.s32 $0x1C, v0;
	v29 =	vadd.s32 $0x1D, v0;
	[tilespmem:$0x1FEF0] =	vst v1;
	v1 =	vadd.s32 $0xA, v0  }
0xf: {  	v30 =	vadd.s32 $0x1E, v0;
	v31 =	vadd.s32 $0x1F, v0;
	[tilespmem:$0x1FF00] =	vst v1;
	v1 =	vadd.s32 $0xB, v0  }
0x10: {  	v32 =	vadd.s32 $0x20, v0;
	v33 =	vadd.s32 $0x21, v0;
	[tilespmem:$0x1FF10] =	vst v1;
	v1 =	vadd.s32 $0xC, v0  }
0x11: {  	v34 =	vadd.s32 $0x22, v0;
	v35 =	vadd.s32 $0x23, v0;
	[tilespmem:$0x1FF20] =	vst v1;
	v1 =	vadd.s32 $0xD, v0  }
0x12: {  	v36 =	vadd.s32 $0x24, v0;
	v37 =	vadd.s32 $0x25, v0;
	[tilespmem:$0x1FF30] =	vst v1;
	v1 =	vadd.s32 $0xE, v0  }
0x13: {  	v38 =	vadd.s32 $0x26, v0;
	v39 =	vadd.s32 $0x27, v0;
	[tilespmem:$0x1FF40] =	vst v1;
	v1 =	vadd.s32 $0xF, v0  }
0x14: {  	s4 =	srdreg.scid;
	v40 =	vadd.s32 $0x28, v0;
	v41 =	vadd.s32 $0x29, v0;
	[tilespmem:$0x1FF50] =	vst v1;
	v1 =	vadd.s32 $0x10, v0  }
0x15: {  	s30 =	stileid.u32;
	s12 =	simm.s32 $0x68;
	s14 =	simm.s32 $0x4980;
	v42 =	vadd.s32 $0x2A, v0;
	v43 =	vadd.s32 $0x2B, v0;
	[tilespmem:$0x1FF60] =	vst v1;
	v1 =	vadd.s32 $0x11, v0  }
0x16: {  	s10 =	simm.s32 $0x60;
	s15 =	simm.s32 $0x148;
	s16 =	simm.s32 $0x7D80;
	v44 =	vadd.s32 $0x2C, v0;
	v45 =	vadd.s32 $0x2D, v0;
	[tilespmem:$0x1FF70] =	vst v1;
	v1 =	vadd.s32 $0x12, v0  }
0x17: {  	s17 =	simm.s32 $0x1A8;
	s18 =	simm.s32 $0xAD80;
	s19 =	simm.s32 $0x1;
	v46 =	vadd.s32 $0x2E, v0;
	v47 =	vadd.s32 $0x2F, v0;
	[tilespmem:$0x1FF80] =	vst v1;
	v1 =	vadd.s32 $0x13, v0  }
0x18: {  	s20 =	simm.s32 $0xE180;
	s21 =	simm.s32 $0x2;
	s22 =	simm.s32 $0xFA00;
	v48 =	vadd.s32 $0x30, v0;
	v49 =	vadd.s32 $0x31, v0;
	[tilespmem:$0x1FF90] =	vst v1;
	v1 =	vadd.s32 $0x14, v0  }
0x19: {  	s23 =	simm.s32 $0x3;
	s24 =	simm.s32 $0x4;
	s25 =	simm.s32 $0x0;
	v50 =	vadd.s32 $0x32, v0;
	v51 =	vadd.s32 $0x33, v0;
	[tilespmem:$0x1FFA0] =	vst v1;
	v1 =	vadd.s32 $0x15, v0  }
.Ltmp0:
0x1a: {  	s5 =	sand.u32 $0x1, s4;
	s31 =	sshll.u32 s30, $0x5;
	v52 =	vadd.s32 $0x34, v0;
	v53 =	vadd.s32 $0x35, v0;
	[tilespmem:$0x1FFB0] =	vst v1;
	v1 =	vadd.s32 $0x16, v0;
	(pc) =	sbr.rel .LBB2_1-.Ltmp0, $4  }
0x1b: {  	s9 =	sshll.u32 s30, $0x4;
	s6 =	ssub.s32 $0x2, s5;
	s8 =	sshll.u32 s5, $0x8;
	v54 =	vadd.s32 $0x36, v0;
	v55 =	vadd.s32 $0x37, v0;
	[tilespmem:$0x1FFC0] =	vst v1;
	v1 =	vadd.s32 $0x17, v0  }
0x1c: {  	s5 =	sshll.u32 s5, $0x9;
	s7 =	sshrl.u32 s6, $0x1;
	s0 =	sadd.s32 s0, s8;
	v56 =	vadd.s32 $0x38, v0;
	v57 =	vadd.s32 $0x39, v0;
	[tilespmem:$0x1FFD0] =	vst v1;
	v1 =	vadd.s32 $0x18, v0  }
0x1d: {  	s5 =	sor.u32 s5, s31;
	s8 =	simm.s32 $0x5;
	v58 =	vadd.s32 $0x3A, v0;
	v59 =	vadd.s32 $0x3B, v0;
	s7 =	ssub.s32 s6, s7;
	[tilespmem:$0x1FFE0] =	vst v1;
	v1 =	vadd.s32 $0x19, v0  }
0x1e: {  	v61 =	vadd.s32 $0x3C, v0;
	v62 =	vadd.s32 $0x3D, v0;
	v63 =	vadd.s32 $0x3E, v0;
	s6 =	sadd.s32 s9, s0;
	s9 =	simm.s32 $0x80;
	s7 =	smax.u32 s7, $0x1;
	v60 =	vpop (erf);
	[tilespmem:$0x1FFF0] =	vst v1  }
.LBB2_8:
0x1f: {  	s25 =	sadd.s32 $0x1, s25  }
0x20: {  	_ =	swait.ge [sflag:s23], $0x1880;
	p0 =	sne.s32 s25, s7  }
.Ltmp1:
0x21: {  	[sflag:s23] =	ssyncset.done $0x0;
	(pc) =	sbr.rel @!p0 .LBB2_9-.Ltmp1, $4  }
0x22: {  	[sflag:s23] =	ssyncadd.s32 $0xFFFFE780  }
0x23: {  	_ =	swait.ge [sflag:s24], $0x1880  }
0x24: {  	[sflag:s24] =	ssyncset.done $0x0  }
0x25: {  	[sflag:s24] =	ssyncadd.s32 $0xFFFFE780  }
.LBB2_1:
0x26: {  	[tilespmem:s3], [sflag:$0x5] =	stream.linear.gather [hbm4b:s6+s3], $0x80, $0x38;
	[tilespmem:$0x11280] =	vst v63  }
0x27: {  	_ =	swait.ge [sflag:s8], $0x80  }
0x28: {  	[sflag:s8] =	ssyncset.done $0x0  }
0x29: {  	[sflag:s8] =	ssyncadd.s32 $0xFFFFFF80  }
0x2a: {  	v1 =	vld [tilespmem:$0x0]  }
0x2b: {  	v2 =	vld [tilespmem:$0x40]  }
0x2c: {  	v4 =	vld [tilespmem:$0x60]  }
0x2d: {  	v3 =	vld [tilespmem:$0x20];
	_ =	sdelay $0x2  }
0x2e: {  	v1 =	vmul.f32 $6.250000000e-02, v1  }
0x2f: {  	v2 =	vmul.f32 $6.250000000e-02, v2;
	v4 =	vmul.f32 $6.250000000e-02, v4  }
0x30: {  	v3 =	vmul.f32 $6.250000000e-02, v3;
	v1 =	vadd.f32 $8.388608000e+06, v1  }
0x31: {  	v2 =	vadd.f32 $8.388608000e+06, v2;
	v4 =	vadd.f32 $8.388608000e+06, v4  }
0x32: {  	v14 =	vadd.f32 $-8.388608000e+06, v1;
	v1 =	vadd.f32 $8.388608000e+06, v3  }
0x33: {  	v3 =	vadd.f32 $-8.388608000e+06, v2  }
0x34: {  	v2 =	vadd.f32 $-8.388608000e+06, v1;
	v1 =	vadd.f32 $-8.388608000e+06, v4  }
0x35: {  	v3 =	vsub.f32 v3, v14  }
0x36: {  	v1 =	vsub.f32 v1, v2  }
0x37: {  	v3 =	vadd.f32 $1.000000000e+00, v3  }
0x38: {  	v1 =	vadd.f32 $1.000000000e+00, v1  }
0x39: {  	v3 =	vmax.f32 v3, $1.000000000e+00  }
0x3a: {  	v13 =	vmul.f32 v3, v60;
	v1 =	vmax.f32 v1, $1.000000000e+00  }
0x3b: {  	v6 =	vmul.f32 v1, v60  }
0x3c: {  	v1 =	vmul.f32 $2.500000000e-01, v13;
	v21 =	vmul.f32 $7.500000000e-01, v13  }
0x3d: {  	v5 =	vmul.f32 $1.250000000e+00, v13;
	v8 =	vmul.f32 $1.750000000e+00, v13  }
0x3e: {  	v9 =	vmul.f32 $2.250000000e+00, v13;
	v20 =	vmul.f32 $2.750000000e+00, v13  }
0x3f: {  	v10 =	vmul.f32 $3.250000000e+00, v13;
	v11 =	vmul.f32 $3.750000000e+00, v13  }
0x40: {  	v15 =	vmul.f32 $4.750000000e+00, v13;
	v18 =	vmul.f32 $5.250000000e+00, v13;
	v1 =	vadd.f32 v1, v14  }
0x41: {  	v3 =	vmul.f32 $2.500000000e-01, v6;
	v4 =	vadd.f32 v21, v14;
	v5 =	vadd.f32 v5, v14  }
0x42: {  	v7 =	vmul.f32 $7.500000000e-01, v6;
	v8 =	vadd.f32 v8, v14;
	v12 =	vadd.f32 v9, v14  }
0x43: {  	v9 =	vadd.f32 v20, v14;
	v10 =	vadd.f32 v10, v14;
	v1 =	vtrunc.f32 v1  }
0x44: {  	v11 =	vadd.f32 v11, v14;
	v4 =	vtrunc.f32 v4;
	v5 =	vtrunc.f32 v5  }
0x45: {  	v15 =	vadd.f32 v15, v14;
	v23 =	vtrunc.f32 v8;
	v8 =	vtrunc.f32 v12  }
0x46: {  	v18 =	vadd.f32 v18, v14;
	v9 =	vtrunc.f32 v9;
	v10 =	vtrunc.f32 v10  }
0x47: {  	v12 =	vmul.f32 $4.250000000e+00, v13;
	v11 =	vtrunc.f32 v11  }
0x48: {  	v15 =	vtrunc.f32 v15;
	v21 =	vtrunc.f32 v18  }
0x49: {  	v1 =	vcvt.f32.s32 v1;
	v4 =	vcvt.f32.s32 v4  }
0x4a: {  	v5 =	vcvt.f32.s32 v5;
	v8 =	vcvt.f32.s32 v8  }
0x4b: {  	v3 =	vadd.f32 v3, v2;
	v9 =	vcvt.f32.s32 v9;
	v10 =	vcvt.f32.s32 v10  }
0x4c: {  	v7 =	vadd.f32 v7, v2;
	v11 =	vcvt.f32.s32 v11;
	v15 =	vcvt.f32.s32 v15  }
0x4d: {  	v19 =	vcvt.f32.s32 v21;
	v3 =	vtrunc.f32 v3  }
0x4e: {  	v22 =	vtrunc.f32 v7;
	v7 =	vcvt.f32.s32 v23;
	v12 =	vadd.f32 v12, v14  }
0x4f: {  	vm0 =	vlt.s32 v1, $0x3F;
	v3 =	vcvt.f32.s32 v3;
	vm11 =	vlt.s32 v4, $0x3F  }
0x50: {  	v20 =	vld [tilespmem:$0x1FE70];
	v16 =	vcvt.f32.s32 v22;
	vm12 =	vlt.s32 v5, $0x3F;
	vm14 =	vlt.s32 v8, $0x3F  }
0x51: {  	vm15 =	vlt.s32 v9, $0x3F;
	vm1 =	vlt.s32 v10, $0x3F;
	vm5 =	vlt.s32 v11, $0x3F  }
0x52: {  	v21 =	vld [tilespmem:$0x1FE80];
	vm7 =	vlt.s32 v15, $0x3F;
	vm8 =	vlt.s32 v19, $0x3F;
	vm10 =	vlt.s32 v3, $0x3F  }
0x53: {  	v1 =	vnsel vm0, $0x3F, v1;
	v12 =	vtrunc.f32 v12;
	v3 =	vnsel vm10, $0x3F, v3  }
0x54: {  	vm13 =	vlt.s32 v7, $0x3F;
	v12 =	vcvt.f32.s32 v12;
	v17 =	vshll.u32 v3, $0x6  }
0x55: {  	v3 =	vnsel vm11, $0x3F, v4;
	v4 =	vnsel vm12, $0x3F, v5;
	v5 =	vnsel vm13, $0x3F, v7  }
0x56: {  	v7 =	vnsel vm14, $0x3F, v8;
	v8 =	vnsel vm15, $0x3F, v9;
	v22 =	vadd.s32 v1, v17  }
0x57: {  	v9 =	vnsel vm1, $0x3F, v10;
	vm6 =	vlt.s32 v12, $0x3F;
	v18 =	vadd.s32 v3, v17;
	[tilespmem:v0+s9+$0x0] =	vst.idx.msk $0xffff, v22  }
0x58: {  	v10 =	vnsel vm5, $0x3F, v11;
	v11 =	vnsel vm6, $0x3F, v12;
	[tilespmem:v20+s9+$0x0] =	vst.idx.msk $0xffff, v18;
	v20 =	vmul.f32 $6.250000000e+00, v13  }
0x59: {  	v23 =	vld [tilespmem:$0x1FE90];
	v12 =	vnsel vm7, $0x3F, v15;
	v15 =	vmul.f32 $5.750000000e+00, v13;
	v18 =	vadd.s32 v4, v17  }
0x5a: {  	[tilespmem:v21+s9+$0x0] =	vst.idx.msk $0xffff, v18;
	v21 =	vmul.f32 $6.750000000e+00, v13;
	v13 =	vnsel vm8, $0x3F, v19;
	v19 =	vadd.f32 v20, v14;
	v20 =	vld [tilespmem:$0x1FEA0];
	_ =	sdelay $0x5  }
0x5b: {  	v18 =	vadd.s32 v5, v17  }
0x5c: {  	[tilespmem:v23+s9+$0x0] =	vst.idx.msk $0xffff, v18;
	v18 =	vadd.s32 v7, v17  }
0x5d: {  	[tilespmem:v20+s9+$0x0] =	vst.idx.msk $0xffff, v18;
	v20 =	vld [tilespmem:$0x1FEB0];
	_ =	sdelay $0x6  }
0x5e: {  	v18 =	vadd.s32 v8, v17  }
0x5f: {  	[tilespmem:v20+s9+$0x0] =	vst.idx.msk $0xffff, v18;
	v20 =	vld [tilespmem:$0x1FEC0];
	_ =	sdelay $0x6  }
0x60: {  	v18 =	vadd.s32 v9, v17  }
0x61: {  	[tilespmem:v20+s9+$0x0] =	vst.idx.msk $0xffff, v18;
	v20 =	vld [tilespmem:$0x1FED0]  }
0x62: {  	v22 =	vld [tilespmem:$0x1FEE0]  }
0x63: {  	v15 =	vadd.f32 v15, v14;
	v14 =	vadd.f32 v21, v14;
	v21 =	vld [tilespmem:$0x1FEF0];
	_ =	sdelay $0x2  }
0x64: {  	v15 =	vtrunc.f32 v15  }
0x65: {  	v15 =	vcvt.f32.s32 v15  }
0x66: {  	v19 =	vtrunc.f32 v19;
	v14 =	vtrunc.f32 v14;
	v18 =	vadd.s32 v10, v17  }
0x67: {  	v19 =	vcvt.f32.s32 v19;
	[tilespmem:v20+s9+$0x0] =	vst.idx.msk $0xffff, v18;
	v18 =	vadd.s32 v11, v17;
	v20 =	vcvt.f32.s32 v14  }
0x68: {  	vm4 =	vlt.s32 v16, $0x3F;
	v23 =	vadd.s32 v12, v17;
	vm9 =	vlt.s32 v15, $0x3F;
	[tilespmem:v22+s9+$0x0] =	vst.idx.msk $0xffff, v18  }
0x69: {  	vm10 =	vlt.s32 v19, $0x3F;
	v14 =	vnsel vm9, $0x3F, v15;
	[tilespmem:v21+s9+$0x0] =	vst.idx.msk $0xffff, v23;
	vm11 =	vlt.s32 v20, $0x3F;
	v23 =	vld [tilespmem:$0x1FF00]  }
0x6a: {  	v15 =	vnsel vm10, $0x3F, v19;
	v19 =	vnsel vm4, $0x3F, v16;
	v16 =	vnsel vm11, $0x3F, v20;
	v20 =	vld [tilespmem:$0x1FF10];
	_ =	sdelay $0x5  }
0x6b: {  	v22 =	vadd.s32 v13, v17  }
0x6c: {  	v18 =	vadd.s32 v14, v17;
	[tilespmem:v23+s9+$0x0] =	vst.idx.msk $0xffff, v22  }
0x6d: {  	[tilespmem:v20+s9+$0x0] =	vst.idx.msk $0xffff, v18;
	v20 =	vld [tilespmem:$0x1FF20]  }
0x6e: {  	v21 =	vld [tilespmem:$0x1FF30]  }
0x6f: {  	v23 =	vld [tilespmem:$0x1FF40];
	_ =	sdelay $0x4  }
0x70: {  	v18 =	vadd.s32 v15, v17  }
0x71: {  	v19 =	vshll.u32 v19, $0x6;
	v17 =	vadd.s32 v16, v17;
	[tilespmem:v20+s9+$0x0] =	vst.idx.msk $0xffff, v18  }
0x72: {  	v22 =	vadd.s32 v1, v19;
	[tilespmem:v21+s9+$0x0] =	vst.idx.msk $0xffff, v17  }
0x73: {  	[tilespmem:v23+s9+$0x0] =	vst.idx.msk $0xffff, v22;
	v22 =	vld [tilespmem:$0x1FF50];
	_ =	sdelay $0x6  }
0x74: {  	v21 =	vadd.s32 v3, v19  }
0x75: {  	[tilespmem:v22+s9+$0x0] =	vst.idx.msk $0xffff, v21;
	v21 =	vld [tilespmem:$0x1FF60]  }
0x76: {  	v20 =	vld [tilespmem:$0x1FF70];
	_ =	sdelay $0x5  }
0x77: {  	v23 =	vadd.s32 v4, v19  }
0x78: {  	v17 =	vadd.s32 v5, v19;
	[tilespmem:v21+s9+$0x0] =	vst.idx.msk $0xffff, v23  }
0x79: {  	[tilespmem:v20+s9+$0x0] =	vst.idx.msk $0xffff, v17;
	v20 =	vld [tilespmem:$0x1FF80];
	_ =	sdelay $0x6  }
0x7a: {  	v17 =	vadd.s32 v7, v19  }
0x7b: {  	[tilespmem:v20+s9+$0x0] =	vst.idx.msk $0xffff, v17;
	v20 =	vld [tilespmem:$0x1FF90];
	_ =	sdelay $0x6  }
0x7c: {  	v17 =	vadd.s32 v8, v19  }
0x7d: {  	[tilespmem:v20+s9+$0x0] =	vst.idx.msk $0xffff, v17;
	v20 =	vld [tilespmem:$0x1FFA0];
	_ =	sdelay $0x6  }
0x7e: {  	v17 =	vadd.s32 v9, v19  }
0x7f: {  	[tilespmem:v20+s9+$0x0] =	vst.idx.msk $0xffff, v17;
	v20 =	vld [tilespmem:$0x1FFB0];
	_ =	sdelay $0x6  }
0x80: {  	v17 =	vadd.s32 v10, v19  }
0x81: {  	[tilespmem:v20+s9+$0x0] =	vst.idx.msk $0xffff, v17;
	v20 =	vld [tilespmem:$0x1FFC0];
	_ =	sdelay $0x6  }
0x82: {  	v17 =	vadd.s32 v11, v19  }
0x83: {  	[tilespmem:v20+s9+$0x0] =	vst.idx.msk $0xffff, v17;
	v20 =	vld [tilespmem:$0x1FFD0];
	_ =	sdelay $0x6  }
0x84: {  	v17 =	vadd.s32 v12, v19  }
0x85: {  	[tilespmem:v20+s9+$0x0] =	vst.idx.msk $0xffff, v17;
	v20 =	vld [tilespmem:$0x1FFE0];
	_ =	sdelay $0x6  }
0x86: {  	v17 =	vadd.s32 v13, v19  }
0x87: {  	v18 =	vmul.f32 $1.250000000e+00, v6;
	[tilespmem:v20+s9+$0x0] =	vst.idx.msk $0xffff, v17;
	v20 =	vld [tilespmem:$0x1FFF0];
	_ =	sdelay $0x1  }
0x88: {  	v18 =	vadd.f32 v18, v2;
	_ =	sdelay $0x1  }
0x89: {  	v18 =	vtrunc.f32 v18  }
0x8a: {  	v18 =	vcvt.f32.s32 v18;
	_ =	sdelay $0x1  }
0x8b: {  	vm12 =	vlt.s32 v18, $0x3F;
	v17 =	vadd.s32 v14, v19  }
0x8c: {  	v18 =	vnsel vm12, $0x3F, v18;
	v22 =	vadd.s32 v15, v19;
	[tilespmem:v20+s9+$0x0] =	vst.idx.msk $0xffff, v17  }
0x8d: {  	v18 =	vshll.u32 v18, $0x6;
	v23 =	vadd.s32 v16, v19;
	[tilespmem:v26+s9+$0x0] =	vst.idx.msk $0xffff, v22  }
0x8e: {  	v20 =	vadd.s32 v1, v18;
	[tilespmem:v27+s9+$0x0] =	vst.idx.msk $0xffff, v23  }
0x8f: {  	v21 =	vadd.s32 v3, v18;
	[tilespmem:v28+s9+$0x0] =	vst.idx.msk $0xffff, v20  }
0x90: {  	v22 =	vadd.s32 v4, v18;
	[tilespmem:v29+s9+$0x0] =	vst.idx.msk $0xffff, v21  }
0x91: {  	v23 =	vadd.s32 v5, v18;
	[tilespmem:v30+s9+$0x0] =	vst.idx.msk $0xffff, v22  }
0x92: {  	v21 =	vmul.f32 $1.750000000e+00, v6;
	v22 =	vadd.s32 v7, v18;
	[tilespmem:v31+s9+$0x0] =	vst.idx.msk $0xffff, v23  }
0x93: {  	v23 =	vadd.s32 v8, v18;
	[tilespmem:v32+s9+$0x0] =	vst.idx.msk $0xffff, v22  }
0x94: {  	v20 =	vadd.s32 v9, v18;
	v19 =	vadd.f32 v21, v2;
	[tilespmem:v33+s9+$0x0] =	vst.idx.msk $0xffff, v23  }
0x95: {  	v21 =	vadd.s32 v10, v18;
	[tilespmem:v34+s9+$0x0] =	vst.idx.msk $0xffff, v20  }
0x96: {  	v22 =	vadd.s32 v11, v18;
	v19 =	vtrunc.f32 v19;
	[tilespmem:v35+s9+$0x0] =	vst.idx.msk $0xffff, v21  }
0x97: {  	v23 =	vadd.s32 v12, v18;
	v19 =	vcvt.f32.s32 v19;
	[tilespmem:v36+s9+$0x0] =	vst.idx.msk $0xffff, v22  }
0x98: {  	v20 =	vadd.s32 v13, v18;
	[tilespmem:v37+s9+$0x0] =	vst.idx.msk $0xffff, v23  }
0x99: {  	v21 =	vadd.s32 v14, v18;
	vm13 =	vlt.s32 v19, $0x3F;
	[tilespmem:v38+s9+$0x0] =	vst.idx.msk $0xffff, v20  }
0x9a: {  	v22 =	vadd.s32 v15, v18;
	v19 =	vnsel vm13, $0x3F, v19;
	[tilespmem:v39+s9+$0x0] =	vst.idx.msk $0xffff, v21  }
0x9b: {  	v23 =	vadd.s32 v16, v18;
	v19 =	vshll.u32 v19, $0x6;
	[tilespmem:v40+s9+$0x0] =	vst.idx.msk $0xffff, v22  }
0x9c: {  	v20 =	vadd.s32 v1, v19;
	[tilespmem:v41+s9+$0x0] =	vst.idx.msk $0xffff, v23  }
0x9d: {  	v21 =	vadd.s32 v3, v19;
	[tilespmem:v42+s9+$0x0] =	vst.idx.msk $0xffff, v20  }
0x9e: {  	v22 =	vadd.s32 v4, v19;
	[tilespmem:v43+s9+$0x0] =	vst.idx.msk $0xffff, v21  }
0x9f: {  	v23 =	vadd.s32 v5, v19;
	[tilespmem:v44+s9+$0x0] =	vst.idx.msk $0xffff, v22  }
0xa0: {  	v21 =	vmul.f32 $2.250000000e+00, v6;
	v22 =	vadd.s32 v7, v19;
	[tilespmem:v45+s9+$0x0] =	vst.idx.msk $0xffff, v23  }
0xa1: {  	v23 =	vadd.s32 v8, v19;
	[tilespmem:v46+s9+$0x0] =	vst.idx.msk $0xffff, v22  }
0xa2: {  	v18 =	vadd.f32 v21, v2;
	v21 =	vadd.s32 v9, v19;
	[tilespmem:v47+s9+$0x0] =	vst.idx.msk $0xffff, v23  }
0xa3: {  	v22 =	vadd.s32 v10, v19;
	[tilespmem:v48+s9+$0x0] =	vst.idx.msk $0xffff, v21  }
0xa4: {  	v18 =	vtrunc.f32 v18;
	v23 =	vadd.s32 v11, v19;
	[tilespmem:v49+s9+$0x0] =	vst.idx.msk $0xffff, v22  }
0xa5: {  	v20 =	vadd.s32 v12, v19;
	v18 =	vcvt.f32.s32 v18;
	[tilespmem:v50+s9+$0x0] =	vst.idx.msk $0xffff, v23  }
0xa6: {  	v21 =	vadd.s32 v13, v19;
	[tilespmem:v51+s9+$0x0] =	vst.idx.msk $0xffff, v20  }
0xa7: {  	v22 =	vadd.s32 v14, v19;
	vm14 =	vlt.s32 v18, $0x3F;
	[tilespmem:v52+s9+$0x0] =	vst.idx.msk $0xffff, v21  }
0xa8: {  	v23 =	vadd.s32 v15, v19;
	v18 =	vnsel vm14, $0x3F, v18;
	[tilespmem:v53+s9+$0x0] =	vst.idx.msk $0xffff, v22  }
0xa9: {  	v18 =	vshll.u32 v18, $0x6;
	v21 =	vadd.s32 v16, v19;
	[tilespmem:v54+s9+$0x0] =	vst.idx.msk $0xffff, v23  }
0xaa: {  	v22 =	vadd.s32 v1, v18;
	[tilespmem:v55+s9+$0x0] =	vst.idx.msk $0xffff, v21  }
0xab: {  	v23 =	vadd.s32 v3, v18;
	[tilespmem:v56+s9+$0x0] =	vst.idx.msk $0xffff, v22  }
0xac: {  	v20 =	vadd.s32 v4, v18;
	[tilespmem:v57+s9+$0x0] =	vst.idx.msk $0xffff, v23  }
0xad: {  	v19 =	vadd.s32 $0x3F, v0;
	v17 =	vadd.s32 v5, v18;
	[tilespmem:v58+s9+$0x0] =	vst.idx.msk $0xffff, v20  }
0xae: {  	v21 =	vadd.s32 $0x40, v0;
	v20 =	vmul.f32 $2.750000000e+00, v6;
	[tilespmem:v59+s9+$0x0] =	vst.idx.msk $0xffff, v17;
	v17 =	vadd.s32 v7, v18  }
0xaf: {  	v22 =	vadd.s32 $0x41, v0;
	[tilespmem:v61+s9+$0x0] =	vst.idx.msk $0xffff, v17;
	v17 =	vadd.s32 v8, v18  }
0xb0: {  	v23 =	vadd.s32 $0x42, v0;
	v20 =	vadd.f32 v20, v2;
	[tilespmem:v62+s9+$0x0] =	vst.idx.msk $0xffff, v17;
	v17 =	vadd.s32 v9, v18  }
0xb1: {  	v24 =	vadd.s32 $0x43, v0;
	[tilespmem:v63+s9+$0x0] =	vst.idx.msk $0xffff, v17;
	v17 =	vadd.s32 v10, v18  }
0xb2: {  	v20 =	vtrunc.f32 v20;
	[tilespmem:v19+s9+$0x0] =	vst.idx.msk $0xffff, v17;
	v17 =	vadd.s32 v11, v18;
	v19 =	vadd.s32 $0x44, v0  }
0xb3: {  	v20 =	vcvt.f32.s32 v20;
	[tilespmem:v21+s9+$0x0] =	vst.idx.msk $0xffff, v17;
	v17 =	vadd.s32 v12, v18;
	v21 =	vadd.s32 $0x45, v0  }
0xb4: {  	[tilespmem:v22+s9+$0x0] =	vst.idx.msk $0xffff, v17;
	v17 =	vadd.s32 v13, v18;
	v22 =	vadd.s32 $0x46, v0  }
0xb5: {  	vm15 =	vlt.s32 v20, $0x3F;
	[tilespmem:v23+s9+$0x0] =	vst.idx.msk $0xffff, v17;
	v17 =	vadd.s32 v14, v18;
	v23 =	vadd.s32 $0x47, v0  }
0xb6: {  	v20 =	vnsel vm15, $0x3F, v20;
	[tilespmem:v24+s9+$0x0] =	vst.idx.msk $0xffff, v17;
	v17 =	vadd.s32 v15, v18;
	v24 =	vadd.s32 $0x48, v0  }
0xb7: {  	v20 =	vshll.u32 v20, $0x6;
	[tilespmem:v19+s9+$0x0] =	vst.idx.msk $0xffff, v17;
	v17 =	vadd.s32 v16, v18;
	v18 =	vadd.s32 $0x49, v0  }
0xb8: {  	v19 =	vadd.s32 $0x4A, v0;
	[tilespmem:v21+s9+$0x0] =	vst.idx.msk $0xffff, v17;
	v21 =	vadd.s32 v1, v20  }
0xb9: {  	v17 =	vadd.s32 v3, v20;
	[tilespmem:v22+s9+$0x0] =	vst.idx.msk $0xffff, v21;
	v21 =	vadd.s32 $0x4B, v0  }
0xba: {  	v22 =	vadd.s32 $0x4C, v0;
	[tilespmem:v23+s9+$0x0] =	vst.idx.msk $0xffff, v17;
	v17 =	vadd.s32 v4, v20  }
0xbb: {  	v23 =	vadd.s32 $0x4D, v0;
	[tilespmem:v24+s9+$0x0] =	vst.idx.msk $0xffff, v17;
	v17 =	vadd.s32 v5, v20  }
0xbc: {  	v24 =	vmul.f32 $3.250000000e+00, v6;
	[tilespmem:v18+s9+$0x0] =	vst.idx.msk $0xffff, v17;
	v17 =	vadd.s32 v7, v20;
	v18 =	vadd.s32 $0x4E, v0  }
0xbd: {  	[tilespmem:v19+s9+$0x0] =	vst.idx.msk $0xffff, v17;
	v17 =	vadd.s32 v8, v20;
	v19 =	vadd.s32 $0x4F, v0  }
0xbe: {  	v24 =	vadd.f32 v24, v2;
	[tilespmem:v21+s9+$0x0] =	vst.idx.msk $0xffff, v17;
	v17 =	vadd.s32 v9, v20;
	v21 =	vadd.s32 $0x50, v0  }
0xbf: {  	[tilespmem:v22+s9+$0x0] =	vst.idx.msk $0xffff, v17;
	v17 =	vadd.s32 v10, v20;
	v22 =	vadd.s32 $0x51, v0  }
0xc0: {  	v24 =	vtrunc.f32 v24;
	[tilespmem:v23+s9+$0x0] =	vst.idx.msk $0xffff, v17;
	v17 =	vadd.s32 v11, v20;
	v23 =	vadd.s32 $0x52, v0  }
0xc1: {  	v24 =	vcvt.f32.s32 v24;
	[tilespmem:v18+s9+$0x0] =	vst.idx.msk $0xffff, v17;
	v17 =	vadd.s32 v12, v20;
	v18 =	vadd.s32 $0x53, v0  }
0xc2: {  	[tilespmem:v19+s9+$0x0] =	vst.idx.msk $0xffff, v17;
	v17 =	vadd.s32 v13, v20;
	v19 =	vadd.s32 $0x54, v0  }
0xc3: {  	vm4 =	vlt.s32 v24, $0x3F;
	[tilespmem:v21+s9+$0x0] =	vst.idx.msk $0xffff, v17;
	v17 =	vadd.s32 v14, v20;
	v21 =	vadd.s32 $0x55, v0  }
0xc4: {  	v24 =	vnsel vm4, $0x3F, v24;
	[tilespmem:v22+s9+$0x0] =	vst.idx.msk $0xffff, v17;
	v17 =	vadd.s32 v15, v20;
	v22 =	vadd.s32 $0x56, v0  }
0xc5: {  	v24 =	vshll.u32 v24, $0x6;
	[tilespmem:v23+s9+$0x0] =	vst.idx.msk $0xffff, v17;
	v17 =	vadd.s32 v16, v20;
	v20 =	vadd.s32 $0x57, v0  }
0xc6: {  	v23 =	vadd.s32 v1, v24;
	[tilespmem:v18+s9+$0x0] =	vst.idx.msk $0xffff, v17;
	v18 =	vadd.s32 $0x58, v0  }
0xc7: {  	[tilespmem:v19+s9+$0x0] =	vst.idx.msk $0xffff, v23;
	v23 =	vadd.s32 v3, v24;
	v19 =	vadd.s32 $0x59, v0  }
0xc8: {  	v17 =	vadd.s32 v4, v24;
	[tilespmem:v21+s9+$0x0] =	vst.idx.msk $0xffff, v23;
	v21 =	vadd.s32 $0x5A, v0  }
0xc9: {  	[tilespmem:v22+s9+$0x0] =	vst.idx.msk $0xffff, v17;
	v17 =	vadd.s32 v5, v24;
	v22 =	vadd.s32 $0x5B, v0  }
0xca: {  	v23 =	vmul.f32 $3.750000000e+00, v6;
	[tilespmem:v20+s9+$0x0] =	vst.idx.msk $0xffff, v17;
	v17 =	vadd.s32 v7, v24;
	v20 =	vadd.s32 $0x5C, v0  }
0xcb: {  	[tilespmem:v18+s9+$0x0] =	vst.idx.msk $0xffff, v17;
	v17 =	vadd.s32 v8, v24;
	v18 =	vadd.s32 $0x5D, v0  }
0xcc: {  	v23 =	vadd.f32 v23, v2;
	[tilespmem:v19+s9+$0x0] =	vst.idx.msk $0xffff, v17;
	v17 =	vadd.s32 v9, v24;
	v19 =	vadd.s32 $0x5E, v0  }
0xcd: {  	[tilespmem:v21+s9+$0x0] =	vst.idx.msk $0xffff, v17;
	v17 =	vadd.s32 v10, v24;
	v21 =	vadd.s32 $0x5F, v0  }
0xce: {  	v23 =	vtrunc.f32 v23;
	[tilespmem:v22+s9+$0x0] =	vst.idx.msk $0xffff, v17;
	v17 =	vadd.s32 v11, v24;
	v22 =	vadd.s32 $0x60, v0  }
0xcf: {  	v23 =	vcvt.f32.s32 v23;
	[tilespmem:v20+s9+$0x0] =	vst.idx.msk $0xffff, v17;
	v17 =	vadd.s32 v12, v24;
	v20 =	vadd.s32 $0x61, v0  }
0xd0: {  	[tilespmem:v18+s9+$0x0] =	vst.idx.msk $0xffff, v17;
	v17 =	vadd.s32 v13, v24;
	v18 =	vadd.s32 $0x62, v0  }
0xd1: {  	vm5 =	vlt.s32 v23, $0x3F;
	[tilespmem:v19+s9+$0x0] =	vst.idx.msk $0xffff, v17;
	v17 =	vadd.s32 v14, v24;
	v19 =	vadd.s32 $0x63, v0  }
0xd2: {  	v23 =	vnsel vm5, $0x3F, v23;
	[tilespmem:v21+s9+$0x0] =	vst.idx.msk $0xffff, v17;
	v17 =	vadd.s32 v15, v24;
	v21 =	vadd.s32 $0x64, v0  }
0xd3: {  	v23 =	vshll.u32 v23, $0x6;
	[tilespmem:v22+s9+$0x0] =	vst.idx.msk $0xffff, v17;
	v17 =	vadd.s32 v16, v24;
	v22 =	vadd.s32 $0x65, v0  }
0xd4: {  	[tilespmem:v20+s9+$0x0] =	vst.idx.msk $0xffff, v17;
	v17 =	vadd.s32 v1, v23;
	v20 =	vadd.s32 $0x66, v0  }
0xd5: {  	[tilespmem:v18+s9+$0x0] =	vst.idx.msk $0xffff, v17;
	v17 =	vadd.s32 v3, v23;
	v18 =	vadd.s32 $0x67, v0  }
0xd6: {  	[tilespmem:v19+s9+$0x0] =	vst.idx.msk $0xffff, v17;
	v17 =	vadd.s32 v4, v23;
	v19 =	vadd.s32 $0x68, v0  }
0xd7: {  	[tilespmem:v21+s9+$0x0] =	vst.idx.msk $0xffff, v17;
	v17 =	vadd.s32 v5, v23;
	v21 =	vadd.s32 $0x69, v0  }
0xd8: {  	v24 =	vmul.f32 $4.250000000e+00, v6;
	[tilespmem:v22+s9+$0x0] =	vst.idx.msk $0xffff, v17;
	v17 =	vadd.s32 v7, v23;
	v22 =	vadd.s32 $0x6A, v0  }
0xd9: {  	[tilespmem:v20+s9+$0x0] =	vst.idx.msk $0xffff, v17;
	v17 =	vadd.s32 v8, v23;
	v20 =	vadd.s32 $0x6B, v0  }
0xda: {  	v24 =	vadd.f32 v24, v2;
	[tilespmem:v18+s9+$0x0] =	vst.idx.msk $0xffff, v17;
	v17 =	vadd.s32 v9, v23;
	v18 =	vadd.s32 $0x6C, v0  }
0xdb: {  	[tilespmem:v19+s9+$0x0] =	vst.idx.msk $0xffff, v17;
	v17 =	vadd.s32 v10, v23;
	v19 =	vadd.s32 $0x6D, v0  }
0xdc: {  	v24 =	vtrunc.f32 v24;
	[tilespmem:v21+s9+$0x0] =	vst.idx.msk $0xffff, v17;
	v17 =	vadd.s32 v11, v23;
	v21 =	vadd.s32 $0x6E, v0  }
0xdd: {  	v24 =	vcvt.f32.s32 v24;
	[tilespmem:v22+s9+$0x0] =	vst.idx.msk $0xffff, v17;
	v17 =	vadd.s32 v12, v23;
	v22 =	vadd.s32 $0x6F, v0  }
0xde: {  	[tilespmem:v20+s9+$0x0] =	vst.idx.msk $0xffff, v17;
	v17 =	vadd.s32 v13, v23;
	v20 =	vadd.s32 $0x70, v0  }
0xdf: {  	vm6 =	vlt.s32 v24, $0x3F;
	[tilespmem:v18+s9+$0x0] =	vst.idx.msk $0xffff, v17;
	v17 =	vadd.s32 v14, v23;
	v18 =	vadd.s32 $0x71, v0  }
0xe0: {  	v24 =	vnsel vm6, $0x3F, v24;
	[tilespmem:v19+s9+$0x0] =	vst.idx.msk $0xffff, v17;
	v17 =	vadd.s32 v15, v23;
	v19 =	vadd.s32 $0x72, v0  }
0xe1: {  	v24 =	vshll.u32 v24, $0x6;
	[tilespmem:v21+s9+$0x0] =	vst.idx.msk $0xffff, v17;
	v17 =	vadd.s32 v16, v23;
	v21 =	vadd.s32 $0x73, v0  }
0xe2: {  	[tilespmem:v22+s9+$0x0] =	vst.idx.msk $0xffff, v17;
	v17 =	vadd.s32 v1, v24;
	v22 =	vadd.s32 $0x74, v0  }
0xe3: {  	[tilespmem:v20+s9+$0x0] =	vst.idx.msk $0xffff, v17;
	v17 =	vadd.s32 v3, v24;
	v20 =	vadd.s32 $0x75, v0  }
0xe4: {  	v23 =	vadd.s32 v4, v24;
	[tilespmem:v18+s9+$0x0] =	vst.idx.msk $0xffff, v17;
	v18 =	vadd.s32 $0x76, v0  }
0xe5: {  	v17 =	vadd.s32 v5, v24;
	[tilespmem:v19+s9+$0x0] =	vst.idx.msk $0xffff, v23;
	v19 =	vadd.s32 $0x77, v0  }
0xe6: {  	v23 =	vmul.f32 $4.750000000e+00, v6;
	[tilespmem:v21+s9+$0x0] =	vst.idx.msk $0xffff, v17;
	v17 =	vadd.s32 v7, v24;
	v21 =	vadd.s32 $0x78, v0  }
0xe7: {  	[tilespmem:v22+s9+$0x0] =	vst.idx.msk $0xffff, v17;
	v17 =	vadd.s32 v8, v24;
	v22 =	vadd.s32 $0x79, v0  }
0xe8: {  	v23 =	vadd.f32 v23, v2;
	[tilespmem:v20+s9+$0x0] =	vst.idx.msk $0xffff, v17;
	v17 =	vadd.s32 v9, v24;
	v20 =	vadd.s32 $0x7A, v0  }
0xe9: {  	[tilespmem:v18+s9+$0x0] =	vst.idx.msk $0xffff, v17;
	v17 =	vadd.s32 v10, v24;
	v18 =	vadd.s32 $0x7B, v0  }
0xea: {  	v23 =	vtrunc.f32 v23;
	[tilespmem:v19+s9+$0x0] =	vst.idx.msk $0xffff, v17;
	v17 =	vadd.s32 v11, v24;
	v19 =	vadd.s32 $0x7C, v0  }
0xeb: {  	v23 =	vcvt.f32.s32 v23;
	[tilespmem:v21+s9+$0x0] =	vst.idx.msk $0xffff, v17;
	v17 =	vadd.s32 v12, v24;
	v21 =	vadd.s32 $0x7D, v0  }
0xec: {  	[tilespmem:v22+s9+$0x0] =	vst.idx.msk $0xffff, v17;
	v17 =	vadd.s32 v13, v24;
	v22 =	vadd.s32 $0x7E, v0  }
0xed: {  	vm7 =	vlt.s32 v23, $0x3F;
	[tilespmem:v20+s9+$0x0] =	vst.idx.msk $0xffff, v17;
	v17 =	vadd.s32 v14, v24;
	v20 =	vadd.s32 $0x7F, v0  }
0xee: {  	v23 =	vnsel vm7, $0x3F, v23;
	[tilespmem:v18+s9+$0x0] =	vst.idx.msk $0xffff, v17;
	v17 =	vadd.s32 v15, v24;
	v18 =	vadd.s32 $0x80, v0  }
0xef: {  	v23 =	vshll.u32 v23, $0x6;
	[tilespmem:v19+s9+$0x0] =	vst.idx.msk $0xffff, v17;
	v17 =	vadd.s32 v16, v24;
	v19 =	vadd.s32 $0x81, v0  }
0xf0: {  	[tilespmem:v21+s9+$0x0] =	vst.idx.msk $0xffff, v17;
	v17 =	vadd.s32 v1, v23;
	v21 =	vadd.s32 $0x82, v0  }
0xf1: {  	[tilespmem:v22+s9+$0x0] =	vst.idx.msk $0xffff, v17;
	v17 =	vadd.s32 v3, v23;
	v22 =	vadd.s32 $0x83, v0  }
0xf2: {  	[tilespmem:v20+s9+$0x0] =	vst.idx.msk $0xffff, v17;
	v17 =	vadd.s32 v4, v23;
	v20 =	vadd.s32 $0x84, v0  }
0xf3: {  	[tilespmem:v18+s9+$0x0] =	vst.idx.msk $0xffff, v17;
	v17 =	vadd.s32 v5, v23;
	v18 =	vadd.s32 $0x85, v0  }
0xf4: {  	v24 =	vmul.f32 $5.250000000e+00, v6;
	[tilespmem:v19+s9+$0x0] =	vst.idx.msk $0xffff, v17;
	v17 =	vadd.s32 v7, v23;
	v19 =	vadd.s32 $0x86, v0  }
0xf5: {  	[tilespmem:v21+s9+$0x0] =	vst.idx.msk $0xffff, v17;
	v17 =	vadd.s32 v8, v23;
	v21 =	vadd.s32 $0x87, v0  }
0xf6: {  	v24 =	vadd.f32 v24, v2;
	[tilespmem:v22+s9+$0x0] =	vst.idx.msk $0xffff, v17;
	v17 =	vadd.s32 v9, v23;
	v22 =	vadd.s32 $0x88, v0  }
0xf7: {  	[tilespmem:v20+s9+$0x0] =	vst.idx.msk $0xffff, v17;
	v17 =	vadd.s32 v10, v23;
	v20 =	vadd.s32 $0x89, v0  }
0xf8: {  	v24 =	vtrunc.f32 v24;
	[tilespmem:v18+s9+$0x0] =	vst.idx.msk $0xffff, v17;
	v17 =	vadd.s32 v11, v23;
	v18 =	vadd.s32 $0x8A, v0  }
0xf9: {  	v24 =	vcvt.f32.s32 v24;
	[tilespmem:v19+s9+$0x0] =	vst.idx.msk $0xffff, v17;
	v17 =	vadd.s32 v12, v23;
	v19 =	vadd.s32 $0x8B, v0  }
0xfa: {  	[tilespmem:v21+s9+$0x0] =	vst.idx.msk $0xffff, v17;
	v17 =	vadd.s32 v13, v23;
	v21 =	vadd.s32 $0x8C, v0  }
0xfb: {  	vm8 =	vlt.s32 v24, $0x3F;
	[tilespmem:v22+s9+$0x0] =	vst.idx.msk $0xffff, v17;
	v17 =	vadd.s32 v14, v23;
	v22 =	vadd.s32 $0x8D, v0  }
0xfc: {  	v24 =	vnsel vm8, $0x3F, v24;
	[tilespmem:v20+s9+$0x0] =	vst.idx.msk $0xffff, v17;
	v17 =	vadd.s32 v15, v23;
	v20 =	vadd.s32 $0x8E, v0  }
0xfd: {  	v24 =	vshll.u32 v24, $0x6;
	v23 =	vadd.s32 v16, v23;
	[tilespmem:v18+s9+$0x0] =	vst.idx.msk $0xffff, v17;
	v18 =	vadd.s32 $0x8F, v0  }
0xfe: {  	[tilespmem:v19+s9+$0x0] =	vst.idx.msk $0xffff, v23;
	v23 =	vadd.s32 v1, v24;
	v19 =	vadd.s32 $0x90, v0  }
0xff: {  	v17 =	vadd.s32 v3, v24;
	[tilespmem:v21+s9+$0x0] =	vst.idx.msk $0xffff, v23;
	v21 =	vadd.s32 $0x91, v0  }
0x100: {  	[tilespmem:v22+s9+$0x0] =	vst.idx.msk $0xffff, v17;
	v17 =	vadd.s32 v4, v24;
	v22 =	vadd.s32 $0x92, v0  }
0x101: {  	[tilespmem:v20+s9+$0x0] =	vst.idx.msk $0xffff, v17;
	v17 =	vadd.s32 v5, v24;
	v20 =	vadd.s32 $0x93, v0  }
0x102: {  	v23 =	vmul.f32 $5.750000000e+00, v6;
	[tilespmem:v18+s9+$0x0] =	vst.idx.msk $0xffff, v17;
	v17 =	vadd.s32 v7, v24;
	v18 =	vadd.s32 $0x94, v0  }
0x103: {  	[tilespmem:v19+s9+$0x0] =	vst.idx.msk $0xffff, v17;
	v17 =	vadd.s32 v8, v24;
	v19 =	vadd.s32 $0x95, v0  }
0x104: {  	v23 =	vadd.f32 v23, v2;
	[tilespmem:v21+s9+$0x0] =	vst.idx.msk $0xffff, v17;
	v17 =	vadd.s32 v9, v24;
	v21 =	vadd.s32 $0x96, v0  }
0x105: {  	[tilespmem:v22+s9+$0x0] =	vst.idx.msk $0xffff, v17;
	v17 =	vadd.s32 v10, v24;
	v22 =	vadd.s32 $0x97, v0  }
0x106: {  	v23 =	vtrunc.f32 v23;
	[tilespmem:v20+s9+$0x0] =	vst.idx.msk $0xffff, v17;
	v17 =	vadd.s32 v11, v24;
	v20 =	vadd.s32 $0x98, v0  }
0x107: {  	v23 =	vcvt.f32.s32 v23;
	[tilespmem:v18+s9+$0x0] =	vst.idx.msk $0xffff, v17;
	v17 =	vadd.s32 v12, v24;
	v18 =	vadd.s32 $0x99, v0  }
0x108: {  	[tilespmem:v19+s9+$0x0] =	vst.idx.msk $0xffff, v17;
	v17 =	vadd.s32 v13, v24;
	v19 =	vadd.s32 $0x9A, v0  }
0x109: {  	vm9 =	vlt.s32 v23, $0x3F;
	[tilespmem:v21+s9+$0x0] =	vst.idx.msk $0xffff, v17;
	v17 =	vadd.s32 v14, v24;
	v21 =	vadd.s32 $0x9B, v0  }
0x10a: {  	v23 =	vnsel vm9, $0x3F, v23;
	[tilespmem:v22+s9+$0x0] =	vst.idx.msk $0xffff, v17;
	v17 =	vadd.s32 v15, v24;
	v22 =	vadd.s32 $0x9C, v0  }
0x10b: {  	v23 =	vshll.u32 v23, $0x6;
	[tilespmem:v20+s9+$0x0] =	vst.idx.msk $0xffff, v17;
	v17 =	vadd.s32 v16, v24;
	v20 =	vadd.s32 $0x9D, v0  }
0x10c: {  	[tilespmem:v18+s9+$0x0] =	vst.idx.msk $0xffff, v17;
	v17 =	vadd.s32 v1, v23;
	v18 =	vadd.s32 $0x9E, v0  }
0x10d: {  	[tilespmem:v19+s9+$0x0] =	vst.idx.msk $0xffff, v17;
	v17 =	vadd.s32 v3, v23;
	v19 =	vadd.s32 $0x9F, v0  }
0x10e: {  	[tilespmem:v21+s9+$0x0] =	vst.idx.msk $0xffff, v17;
	v17 =	vadd.s32 v4, v23;
	v21 =	vadd.s32 $0xA0, v0  }
0x10f: {  	[tilespmem:v22+s9+$0x0] =	vst.idx.msk $0xffff, v17;
	v17 =	vadd.s32 v5, v23;
	v22 =	vadd.s32 $0xA1, v0  }
0x110: {  	v24 =	vmul.f32 $6.250000000e+00, v6;
	[tilespmem:v20+s9+$0x0] =	vst.idx.msk $0xffff, v17;
	v17 =	vadd.s32 v7, v23;
	v20 =	vadd.s32 $0xA2, v0  }
0x111: {  	[tilespmem:v18+s9+$0x0] =	vst.idx.msk $0xffff, v17;
	v17 =	vadd.s32 v8, v23;
	v18 =	vadd.s32 $0xA3, v0  }
0x112: {  	v24 =	vadd.f32 v24, v2;
	[tilespmem:v19+s9+$0x0] =	vst.idx.msk $0xffff, v17;
	v17 =	vadd.s32 v9, v23;
	v19 =	vadd.s32 $0xA4, v0  }
0x113: {  	[tilespmem:v21+s9+$0x0] =	vst.idx.msk $0xffff, v17;
	v17 =	vadd.s32 v10, v23;
	v21 =	vadd.s32 $0xA5, v0  }
0x114: {  	v24 =	vtrunc.f32 v24;
	[tilespmem:v22+s9+$0x0] =	vst.idx.msk $0xffff, v17;
	v17 =	vadd.s32 v11, v23;
	v22 =	vadd.s32 $0xA6, v0  }
0x115: {  	v24 =	vcvt.f32.s32 v24;
	[tilespmem:v20+s9+$0x0] =	vst.idx.msk $0xffff, v17;
	v17 =	vadd.s32 v12, v23;
	v20 =	vadd.s32 $0xA7, v0  }
0x116: {  	[tilespmem:v18+s9+$0x0] =	vst.idx.msk $0xffff, v17;
	v17 =	vadd.s32 v13, v23;
	v18 =	vadd.s32 $0xA8, v0  }
0x117: {  	vm10 =	vlt.s32 v24, $0x3F;
	[tilespmem:v19+s9+$0x0] =	vst.idx.msk $0xffff, v17;
	v17 =	vadd.s32 v14, v23;
	v19 =	vadd.s32 $0xA9, v0  }
0x118: {  	v24 =	vnsel vm10, $0x3F, v24;
	[tilespmem:v21+s9+$0x0] =	vst.idx.msk $0xffff, v17;
	v17 =	vadd.s32 v15, v23;
	v21 =	vadd.s32 $0xAA, v0  }
0x119: {  	v24 =	vshll.u32 v24, $0x6;
	[tilespmem:v22+s9+$0x0] =	vst.idx.msk $0xffff, v17;
	v17 =	vadd.s32 v16, v23;
	v22 =	vadd.s32 $0xAB, v0  }
0x11a: {  	[tilespmem:v20+s9+$0x0] =	vst.idx.msk $0xffff, v17;
	v17 =	vadd.s32 v1, v24;
	v20 =	vadd.s32 $0xAC, v0  }
0x11b: {  	v23 =	vadd.s32 v3, v24;
	[tilespmem:v18+s9+$0x0] =	vst.idx.msk $0xffff, v17;
	v18 =	vadd.s32 $0xAD, v0  }
0x11c: {  	[tilespmem:v19+s9+$0x0] =	vst.idx.msk $0xffff, v23;
	v23 =	vadd.s32 v4, v24;
	v19 =	vadd.s32 $0xAE, v0  }
0x11d: {  	v17 =	vadd.s32 v5, v24;
	[tilespmem:v21+s9+$0x0] =	vst.idx.msk $0xffff, v23;
	v21 =	vadd.s32 $0xAF, v0  }
0x11e: {  	v6 =	vmul.f32 $6.750000000e+00, v6;
	[tilespmem:v22+s9+$0x0] =	vst.idx.msk $0xffff, v17;
	v17 =	vadd.s32 v7, v24;
	v22 =	vadd.s32 $0xB0, v0  }
0x11f: {  	[tilespmem:v20+s9+$0x0] =	vst.idx.msk $0xffff, v17;
	v17 =	vadd.s32 v8, v24;
	v20 =	vadd.s32 $0xB1, v0  }
0x120: {  	v2 =	vadd.f32 v6, v2;
	v23 =	vadd.s32 v9, v24;
	[tilespmem:v18+s9+$0x0] =	vst.idx.msk $0xffff, v17;
	v17 =	vadd.s32 $0xB2, v0  }
0x121: {  	v18 =	vadd.s32 $0xB3, v0;
	[tilespmem:v19+s9+$0x0] =	vst.idx.msk $0xffff, v23;
	v23 =	vadd.s32 v10, v24  }
0x122: {  	v2 =	vtrunc.f32 v2;
	v19 =	vadd.s32 $0xB4, v0;
	[tilespmem:v21+s9+$0x0] =	vst.idx.msk $0xffff, v23;
	v21 =	vadd.s32 v11, v24  }
0x123: {  	v2 =	vcvt.f32.s32 v2;
	v6 =	vadd.s32 v12, v24;
	[tilespmem:v22+s9+$0x0] =	vst.idx.msk $0xffff, v21;
	v21 =	vadd.s32 $0xB5, v0  }
0x124: {  	[tilespmem:v20+s9+$0x0] =	vst.idx.msk $0xffff, v6;
	v6 =	vadd.s32 v13, v24;
	v20 =	vadd.s32 $0xB6, v0  }
0x125: {  	vm11 =	vlt.s32 v2, $0x3F;
	v23 =	vadd.s32 v14, v24;
	[tilespmem:v17+s9+$0x0] =	vst.idx.msk $0xffff, v6;
	v17 =	vadd.s32 $0xB7, v0  }
0x126: {  	v2 =	vnsel vm11, $0x3F, v2;
	v22 =	vadd.s32 v15, v24;
	[tilespmem:v18+s9+$0x0] =	vst.idx.msk $0xffff, v23;
	v18 =	vadd.s32 $0xB8, v0  }
0x127: {  	v2 =	vshll.u32 v2, $0x6;
	v23 =	vadd.s32 v16, v24;
	[tilespmem:v19+s9+$0x0] =	vst.idx.msk $0xffff, v22;
	v22 =	vadd.s32 $0xB9, v0  }
0x128: {  	v1 =	vadd.s32 v1, v2;
	[tilespmem:v21+s9+$0x0] =	vst.idx.msk $0xffff, v23;
	v23 =	vadd.s32 $0xBA, v0  }
0x129: {  	[tilespmem:v20+s9+$0x0] =	vst.idx.msk $0xffff, v1;
	v1 =	vadd.s32 v3, v2;
	v3 =	vadd.s32 $0xBB, v0  }
0x12a: {  	v20 =	vadd.s32 $0xBC, v0;
	[tilespmem:v17+s9+$0x0] =	vst.idx.msk $0xffff, v1;
	v1 =	vadd.s32 v4, v2  }
0x12b: {  	v21 =	vadd.s32 $0xBD, v0;
	[tilespmem:v18+s9+$0x0] =	vst.idx.msk $0xffff, v1;
	v1 =	vadd.s32 v5, v2  }
0x12c: {  	[tilespmem:v22+s9+$0x0] =	vst.idx.msk $0xffff, v1;
	v1 =	vadd.s32 v7, v2;
	v22 =	vadd.s32 $0xBE, v0  }
0x12d: {  	[tilespmem:v23+s9+$0x0] =	vst.idx.msk $0xffff, v1;
	v1 =	vadd.s32 v8, v2;
	v23 =	vadd.s32 $0xBF, v0  }
0x12e: {  	[tilespmem:v3+s9+$0x0] =	vst.idx.msk $0xffff, v1;
	v1 =	vadd.s32 v9, v2;
	v3 =	vadd.s32 $0xC0, v0  }
0x12f: {  	[tilespmem:v20+s9+$0x0] =	vst.idx.msk $0xffff, v1;
	v1 =	vadd.s32 v10, v2;
	v10 =	vadd.s32 $0xC1, v0  }
0x130: {  	[tilespmem:v21+s9+$0x0] =	vst.idx.msk $0xffff, v1;
	v1 =	vadd.s32 v11, v2;
	v11 =	vadd.s32 $0xC2, v0  }
0x131: {  	[tilespmem:v22+s9+$0x0] =	vst.idx.msk $0xffff, v1;
	v1 =	vadd.s32 v12, v2;
	v12 =	vadd.s32 $0xC3, v0  }
0x132: {  	[tilespmem:v23+s9+$0x0] =	vst.idx.msk $0xffff, v1;
	v1 =	vadd.s32 v13, v2;
	v13 =	vadd.s32 $0xC4, v0  }
0x133: {  	[tilespmem:v3+s9+$0x0] =	vst.idx.msk $0xffff, v1;
	v1 =	vadd.s32 v14, v2;
	v3 =	vadd.s32 $0xC5, v0  }
0x134: {  	[tilespmem:v10+s9+$0x0] =	vst.idx.msk $0xffff, v1;
	v1 =	vadd.s32 v15, v2;
	v15 =	vadd.s32 $0xC6, v0  }
0x135: {  	[tilespmem:v11+s9+$0x0] =	vst.idx.msk $0xffff, v1;
	v1 =	vadd.s32 v16, v2;
	v2 =	vadd.s32 $0xC7, v0  }
0x136: {  	[tilespmem:v12+s9+$0x0] =	vst.idx.msk $0xffff, v1  }
0x137: {  	[tilespmem:v13+s9+$0x0] =	vst.idx.msk $0xffff, v1  }
0x138: {  	[tilespmem:v3+s9+$0x0] =	vst.idx.msk $0xffff, v1  }
0x139: {  	[tilespmem:v15+s9+$0x0] =	vst.idx.msk $0xffff, v1  }
0x13a: {  	[tilespmem:v2+s9+$0x0] =	vst.idx.msk $0xffff, v1  }
0x13b: {  	v1 =	vld [tilespmem:$0x10]  }
0x13c: {  	v2 =	vld [tilespmem:$0x50]  }
0x13d: {  	v3 =	vld [tilespmem:$0x30]  }
0x13e: {  	v4 =	vld [tilespmem:$0x70];
	_ =	sdelay $0x1  }
0x13f: {  	v1 =	vmul.f32 $6.250000000e-02, v1  }
0x140: {  	v2 =	vmul.f32 $6.250000000e-02, v2  }
0x141: {  	v3 =	vmul.f32 $6.250000000e-02, v3;
	v1 =	vadd.f32 $8.388608000e+06, v1  }
0x142: {  	v4 =	vmul.f32 $6.250000000e-02, v4;
	v2 =	vadd.f32 $8.388608000e+06, v2  }
0x143: {  	v13 =	vadd.f32 $-8.388608000e+06, v1;
	v1 =	vadd.f32 $8.388608000e+06, v3  }
0x144: {  	v4 =	vadd.f32 $8.388608000e+06, v4;
	v3 =	vadd.f32 $-8.388608000e+06, v2  }
0x145: {  	v2 =	vadd.f32 $-8.388608000e+06, v1  }
0x146: {  	v1 =	vadd.f32 $-8.388608000e+06, v4;
	v3 =	vsub.f32 v3, v13;
	_ =	sdelay $0x1  }
0x147: {  	v3 =	vadd.f32 $1.000000000e+00, v3;
	v1 =	vsub.f32 v1, v2;
	_ =	sdelay $0x1  }
0x148: {  	v3 =	vmax.f32 v3, $1.000000000e+00;
	v1 =	vadd.f32 $1.000000000e+00, v1  }
0x149: {  	v14 =	vmul.f32 v3, v60  }
0x14a: {  	v1 =	vmax.f32 v1, $1.000000000e+00  }
0x14b: {  	v6 =	vmul.f32 v1, v60;
	v1 =	vmul.f32 $2.500000000e-01, v14  }
0x14c: {  	v16 =	vmul.f32 $7.500000000e-01, v14;
	v18 =	vmul.f32 $1.250000000e+00, v14  }
0x14d: {  	v19 =	vmul.f32 $1.750000000e+00, v14;
	v20 =	vmul.f32 $2.250000000e+00, v14  }
0x14e: {  	v23 =	vmul.f32 $2.750000000e+00, v14;
	v1 =	vadd.f32 v1, v13;
	v3 =	vmul.f32 $2.500000000e-01, v6  }
0x14f: {  	v4 =	vadd.f32 v16, v13;
	v17 =	vmul.f32 $7.500000000e-01, v6;
	v7 =	vadd.f32 v18, v13  }
0x150: {  	v22 =	vadd.f32 v20, v13;
	v18 =	vmul.f32 $3.250000000e+00, v14;
	v20 =	vmul.f32 $4.250000000e+00, v14  }
0x151: {  	v8 =	vadd.f32 v23, v13;
	v23 =	vmul.f32 $5.750000000e+00, v14;
	v1 =	vtrunc.f32 v1  }
0x152: {  	v4 =	vtrunc.f32 v4;
	v7 =	vtrunc.f32 v7  }
0x153: {  	v25 =	vadd.s32 $0xC85, v0;
	v12 =	vtrunc.f32 v22;
	v8 =	vtrunc.f32 v8  }
0x154: {  	v3 =	vadd.f32 v3, v2;
	v22 =	vmul.f32 $5.250000000e+00, v14;
	v1 =	vcvt.f32.s32 v1  }
0x155: {  	v5 =	vadd.f32 v17, v2;
	v4 =	vcvt.f32.s32 v4;
	v7 =	vcvt.f32.s32 v7  }
0x156: {  	v9 =	vadd.f32 v18, v13;
	v16 =	vcvt.f32.s32 v12;
	v3 =	vtrunc.f32 v3  }
0x157: {  	v8 =	vcvt.f32.s32 v8;
	v12 =	vadd.f32 v20, v13;
	v3 =	vcvt.f32.s32 v3  }
0x158: {  	v20 =	vmul.f32 $6.250000000e+00, v14;
	v9 =	vtrunc.f32 v9;
	vm12 =	vlt.s32 v1, $0x3F  }
0x159: {  	vm14 =	vlt.s32 v4, $0x3F;
	vm4 =	vlt.s32 v7, $0x3F;
	vm13 =	vlt.s32 v3, $0x3F  }
0x15a: {  	vm6 =	vlt.s32 v16, $0x3F;
	v10 =	vnsel vm13, $0x3F, v3;
	v3 =	vtrunc.f32 v5  }
0x15b: {  	vm7 =	vlt.s32 v8, $0x3F;
	v9 =	vcvt.f32.s32 v9;
	v21 =	vcvt.f32.s32 v3  }
0x15c: {  	v12 =	vtrunc.f32 v12;
	v20 =	vadd.f32 v20, v13;
	v1 =	vnsel vm12, $0x3F, v1  }
0x15d: {  	v8 =	vnsel vm7, $0x3F, v8;
	v12 =	vcvt.f32.s32 v12;
	vm15 =	vlt.s32 v21, $0x3F  }
0x15e: {  	vm8 =	vlt.s32 v9, $0x3F;
	v17 =	vnsel vm15, $0x3F, v21;
	v21 =	vmul.f32 $4.750000000e+00, v14  }
0x15f: {  	v20 =	vtrunc.f32 v20;
	v5 =	vadd.f32 v19, v13;
	v19 =	vmul.f32 $3.750000000e+00, v14  }
0x160: {  	v9 =	vnsel vm8, $0x3F, v9;
	vm10 =	vlt.s32 v12, $0x3F;
	v15 =	vadd.f32 v21, v13  }
0x161: {  	v20 =	vcvt.f32.s32 v20;
	v3 =	vnsel vm14, $0x3F, v4;
	v4 =	vnsel vm4, $0x3F, v7  }
0x162: {  	v7 =	vnsel vm6, $0x3F, v16;
	v16 =	vadd.f32 v22, v13;
	v15 =	vtrunc.f32 v15  }
0x163: {  	v18 =	vshll.u32 v10, $0x6;
	v10 =	vnsel vm10, $0x3F, v12;
	v15 =	vcvt.f32.s32 v15  }
0x164: {  	v22 =	vadd.s32 $0xC82, v0;
	v5 =	vtrunc.f32 v5;
	v11 =	vadd.f32 v19, v13  }
0x165: {  	v19 =	vadd.f32 v23, v13;
	v16 =	vtrunc.f32 v16;
	vm11 =	vlt.s32 v15, $0x3F  }
0x166: {  	v12 =	vnsel vm11, $0x3F, v15;
	v15 =	vcvt.f32.s32 v16;
	v16 =	vadd.s32 $0xC80, v0  }
0x167: {  	v5 =	vcvt.f32.s32 v5;
	v11 =	vtrunc.f32 v11;
	v21 =	vadd.s32 $0xC81, v0  }
0x168: {  	v23 =	vadd.s32 $0xC83, v0;
	v14 =	vmul.f32 $6.750000000e+00, v14;
	v19 =	vtrunc.f32 v19  }
0x169: {  	vm5 =	vlt.s32 v5, $0x3F;
	v11 =	vcvt.f32.s32 v11;
	v19 =	vcvt.f32.s32 v19  }
0x16a: {  	v24 =	vadd.f32 v14, v13;
	v13 =	vadd.s32 v1, v18;
	v14 =	vadd.s32 $0xC84, v0  }
0x16b: {  	v5 =	vnsel vm5, $0x3F, v5;
	vm9 =	vlt.s32 v11, $0x3F;
	[tilespmem:v16+s9+$0x0] =	vst.idx.msk $0xffff, v13;
	v16 =	vadd.s32 v3, v18  }
0x16c: {  	vm12 =	vlt.s32 v15, $0x3F;
	[tilespmem:v21+s9+$0x0] =	vst.idx.msk $0xffff, v16;
	v21 =	vadd.s32 v4, v18;
	v16 =	vadd.s32 $0xC86, v0  }
0x16d: {  	v13 =	vnsel vm12, $0x3F, v15;
	v15 =	vadd.s32 v5, v18;
	[tilespmem:v22+s9+$0x0] =	vst.idx.msk $0xffff, v21;
	v21 =	vadd.s32 $0xC87, v0  }
0x16e: {  	vm13 =	vlt.s32 v19, $0x3F;
	v22 =	vadd.s32 $0xC88, v0;
	[tilespmem:v23+s9+$0x0] =	vst.idx.msk $0xffff, v15;
	v15 =	vadd.s32 v7, v18  }
0x16f: {  	v11 =	vnsel vm9, $0x3F, v11;
	v23 =	vadd.s32 $0xC89, v0;
	[tilespmem:v14+s9+$0x0] =	vst.idx.msk $0xffff, v15;
	v15 =	vadd.s32 v8, v18  }
0x170: {  	v14 =	vnsel vm13, $0x3F, v19;
	v19 =	vadd.s32 $0xC8A, v0;
	[tilespmem:v25+s9+$0x0] =	vst.idx.msk $0xffff, v15;
	v15 =	vadd.s32 v9, v18  }
0x171: {  	vm14 =	vlt.s32 v20, $0x3F;
	v25 =	vadd.s32 $0xC8B, v0;
	[tilespmem:v16+s9+$0x0] =	vst.idx.msk $0xffff, v15;
	v15 =	vadd.s32 v11, v18  }
0x172: {  	v16 =	vtrunc.f32 v24;
	[tilespmem:v21+s9+$0x0] =	vst.idx.msk $0xffff, v15;
	v15 =	vadd.s32 v10, v18;
	v21 =	vadd.s32 $0xC8C, v0  }
0x173: {  	v24 =	vadd.s32 $0xC8D, v0;
	v16 =	vcvt.f32.s32 v16;
	[tilespmem:v22+s9+$0x0] =	vst.idx.msk $0xffff, v15;
	v22 =	vadd.s32 v12, v18  }
0x174: {  	v15 =	vnsel vm14, $0x3F, v20;
	v20 =	vadd.s32 v13, v18;
	[tilespmem:v23+s9+$0x0] =	vst.idx.msk $0xffff, v22;
	v22 =	vadd.s32 $0xC8E, v0  }
0x175: {  	vm15 =	vlt.s32 v16, $0x3F;
	[tilespmem:v19+s9+$0x0] =	vst.idx.msk $0xffff, v20;
	v19 =	vadd.s32 v14, v18;
	v20 =	vadd.s32 $0xC8F, v0  }
0x176: {  	v23 =	vadd.s32 $0xC90, v0;
	v16 =	vnsel vm15, $0x3F, v16;
	[tilespmem:v25+s9+$0x0] =	vst.idx.msk $0xffff, v19;
	v19 =	vadd.s32 v15, v18  }
0x177: {  	v17 =	vshll.u32 v17, $0x6;
	v18 =	vadd.s32 v16, v18;
	[tilespmem:v21+s9+$0x0] =	vst.idx.msk $0xffff, v19;
	v19 =	vadd.s32 $0xC91, v0  }
0x178: {  	v21 =	vadd.s32 $0xC92, v0;
	[tilespmem:v24+s9+$0x0] =	vst.idx.msk $0xffff, v18;
	v18 =	vadd.s32 v1, v17  }
0x179: {  	[tilespmem:v22+s9+$0x0] =	vst.idx.msk $0xffff, v18;
	v18 =	vadd.s32 v3, v17;
	v22 =	vadd.s32 $0xC93, v0  }
0x17a: {  	[tilespmem:v20+s9+$0x0] =	vst.idx.msk $0xffff, v18;
	v18 =	vadd.s32 v4, v17;
	v20 =	vadd.s32 $0xC94, v0  }
0x17b: {  	[tilespmem:v23+s9+$0x0] =	vst.idx.msk $0xffff, v18;
	v18 =	vadd.s32 v5, v17;
	v23 =	vadd.s32 $0xC95, v0  }
0x17c: {  	v24 =	vmul.f32 $1.250000000e+00, v6;
	[tilespmem:v19+s9+$0x0] =	vst.idx.msk $0xffff, v18;
	v18 =	vadd.s32 v7, v17;
	v19 =	vadd.s32 $0xC96, v0  }
0x17d: {  	[tilespmem:v21+s9+$0x0] =	vst.idx.msk $0xffff, v18;
	v18 =	vadd.s32 v8, v17;
	v21 =	vadd.s32 $0xC97, v0  }
0x17e: {  	v24 =	vadd.f32 v24, v2;
	[tilespmem:v22+s9+$0x0] =	vst.idx.msk $0xffff, v18;
	v18 =	vadd.s32 v9, v17;
	v22 =	vadd.s32 $0xC98, v0  }
0x17f: {  	[tilespmem:v20+s9+$0x0] =	vst.idx.msk $0xffff, v18;
	v18 =	vadd.s32 v11, v17;
	v20 =	vadd.s32 $0xC99, v0  }
0x180: {  	v24 =	vtrunc.f32 v24;
	[tilespmem:v23+s9+$0x0] =	vst.idx.msk $0xffff, v18;
	v18 =	vadd.s32 v10, v17;
	v23 =	vadd.s32 $0xC9A, v0  }
0x181: {  	v24 =	vcvt.f32.s32 v24;
	[tilespmem:v19+s9+$0x0] =	vst.idx.msk $0xffff, v18;
	v18 =	vadd.s32 v12, v17;
	v19 =	vadd.s32 $0xC9B, v0  }
0x182: {  	[tilespmem:v21+s9+$0x0] =	vst.idx.msk $0xffff, v18;
	v18 =	vadd.s32 v13, v17;
	v21 =	vadd.s32 $0xC9C, v0  }
0x183: {  	vm4 =	vlt.s32 v24, $0x3F;
	[tilespmem:v22+s9+$0x0] =	vst.idx.msk $0xffff, v18;
	v18 =	vadd.s32 v14, v17;
	v22 =	vadd.s32 $0xC9D, v0  }
0x184: {  	v24 =	vnsel vm4, $0x3F, v24;
	[tilespmem:v20+s9+$0x0] =	vst.idx.msk $0xffff, v18;
	v18 =	vadd.s32 v15, v17;
	v20 =	vadd.s32 $0xC9E, v0  }
0x185: {  	v24 =	vshll.u32 v24, $0x6;
	v17 =	vadd.s32 v16, v17;
	[tilespmem:v23+s9+$0x0] =	vst.idx.msk $0xffff, v18;
	v18 =	vadd.s32 $0xC9F, v0  }
0x186: {  	v23 =	vadd.s32 v1, v24;
	[tilespmem:v19+s9+$0x0] =	vst.idx.msk $0xffff, v17;
	v19 =	vadd.s32 $0xCA0, v0  }
0x187: {  	v17 =	vadd.s32 v3, v24;
	[tilespmem:v21+s9+$0x0] =	vst.idx.msk $0xffff, v23;
	v21 =	vadd.s32 $0xCA1, v0  }
0x188: {  	[tilespmem:v22+s9+$0x0] =	vst.idx.msk $0xffff, v17;
	v17 =	vadd.s32 v4, v24;
	v22 =	vadd.s32 $0xCA2, v0  }
0x189: {  	[tilespmem:v20+s9+$0x0] =	vst.idx.msk $0xffff, v17;
	v17 =	vadd.s32 v5, v24;
	v20 =	vadd.s32 $0xCA3, v0  }
0x18a: {  	v23 =	vmul.f32 $1.750000000e+00, v6;
	[tilespmem:v18+s9+$0x0] =	vst.idx.msk $0xffff, v17;
	v17 =	vadd.s32 v7, v24;
	v18 =	vadd.s32 $0xCA4, v0  }
0x18b: {  	[tilespmem:v19+s9+$0x0] =	vst.idx.msk $0xffff, v17;
	v17 =	vadd.s32 v8, v24;
	v19 =	vadd.s32 $0xCA5, v0  }
0x18c: {  	v23 =	vadd.f32 v23, v2;
	[tilespmem:v21+s9+$0x0] =	vst.idx.msk $0xffff, v17;
	v17 =	vadd.s32 v9, v24;
	v21 =	vadd.s32 $0xCA6, v0  }
0x18d: {  	[tilespmem:v22+s9+$0x0] =	vst.idx.msk $0xffff, v17;
	v17 =	vadd.s32 v11, v24;
	v22 =	vadd.s32 $0xCA7, v0  }
0x18e: {  	v23 =	vtrunc.f32 v23;
	[tilespmem:v20+s9+$0x0] =	vst.idx.msk $0xffff, v17;
	v17 =	vadd.s32 v10, v24;
	v20 =	vadd.s32 $0xCA8, v0  }
0x18f: {  	v23 =	vcvt.f32.s32 v23;
	[tilespmem:v18+s9+$0x0] =	vst.idx.msk $0xffff, v17;
	v17 =	vadd.s32 v12, v24;
	v18 =	vadd.s32 $0xCA9, v0  }
0x190: {  	[tilespmem:v19+s9+$0x0] =	vst.idx.msk $0xffff, v17;
	v17 =	vadd.s32 v13, v24;
	v19 =	vadd.s32 $0xCAA, v0  }
0x191: {  	vm5 =	vlt.s32 v23, $0x3F;
	[tilespmem:v21+s9+$0x0] =	vst.idx.msk $0xffff, v17;
	v17 =	vadd.s32 v14, v24;
	v21 =	vadd.s32 $0xCAB, v0  }
0x192: {  	v23 =	vnsel vm5, $0x3F, v23;
	[tilespmem:v22+s9+$0x0] =	vst.idx.msk $0xffff, v17;
	v17 =	vadd.s32 v15, v24;
	v22 =	vadd.s32 $0xCAC, v0  }
0x193: {  	v23 =	vshll.u32 v23, $0x6;
	[tilespmem:v20+s9+$0x0] =	vst.idx.msk $0xffff, v17;
	v17 =	vadd.s32 v16, v24;
	v20 =	vadd.s32 $0xCAD, v0  }
0x194: {  	[tilespmem:v18+s9+$0x0] =	vst.idx.msk $0xffff, v17;
	v17 =	vadd.s32 v1, v23;
	v18 =	vadd.s32 $0xCAE, v0  }
0x195: {  	[tilespmem:v19+s9+$0x0] =	vst.idx.msk $0xffff, v17;
	v17 =	vadd.s32 v3, v23;
	v19 =	vadd.s32 $0xCAF, v0  }
0x196: {  	[tilespmem:v21+s9+$0x0] =	vst.idx.msk $0xffff, v17;
	v17 =	vadd.s32 v4, v23;
	v21 =	vadd.s32 $0xCB0, v0  }
0x197: {  	[tilespmem:v22+s9+$0x0] =	vst.idx.msk $0xffff, v17;
	v17 =	vadd.s32 v5, v23;
	v22 =	vadd.s32 $0xCB1, v0  }
0x198: {  	v24 =	vmul.f32 $2.250000000e+00, v6;
	[tilespmem:v20+s9+$0x0] =	vst.idx.msk $0xffff, v17;
	v17 =	vadd.s32 v7, v23;
	v20 =	vadd.s32 $0xCB2, v0  }
0x199: {  	[tilespmem:v18+s9+$0x0] =	vst.idx.msk $0xffff, v17;
	v17 =	vadd.s32 v8, v23;
	v18 =	vadd.s32 $0xCB3, v0  }
0x19a: {  	v24 =	vadd.f32 v24, v2;
	[tilespmem:v19+s9+$0x0] =	vst.idx.msk $0xffff, v17;
	v17 =	vadd.s32 v9, v23;
	v19 =	vadd.s32 $0xCB4, v0  }
0x19b: {  	[tilespmem:v21+s9+$0x0] =	vst.idx.msk $0xffff, v17;
	v17 =	vadd.s32 v11, v23;
	v21 =	vadd.s32 $0xCB5, v0  }
0x19c: {  	v24 =	vtrunc.f32 v24;
	[tilespmem:v22+s9+$0x0] =	vst.idx.msk $0xffff, v17;
	v17 =	vadd.s32 v10, v23;
	v22 =	vadd.s32 $0xCB6, v0  }
0x19d: {  	v24 =	vcvt.f32.s32 v24;
	[tilespmem:v20+s9+$0x0] =	vst.idx.msk $0xffff, v17;
	v17 =	vadd.s32 v12, v23;
	v20 =	vadd.s32 $0xCB7, v0  }
0x19e: {  	[tilespmem:v18+s9+$0x0] =	vst.idx.msk $0xffff, v17;
	v17 =	vadd.s32 v13, v23;
	v18 =	vadd.s32 $0xCB8, v0  }
0x19f: {  	vm6 =	vlt.s32 v24, $0x3F;
	[tilespmem:v19+s9+$0x0] =	vst.idx.msk $0xffff, v17;
	v17 =	vadd.s32 v14, v23;
	v19 =	vadd.s32 $0xCB9, v0  }
0x1a0: {  	v24 =	vnsel vm6, $0x3F, v24;
	[tilespmem:v21+s9+$0x0] =	vst.idx.msk $0xffff, v17;
	v17 =	vadd.s32 v15, v23;
	v21 =	vadd.s32 $0xCBA, v0  }
0x1a1: {  	v24 =	vshll.u32 v24, $0x6;
	[tilespmem:v22+s9+$0x0] =	vst.idx.msk $0xffff, v17;
	v17 =	vadd.s32 v16, v23;
	v22 =	vadd.s32 $0xCBB, v0  }
0x1a2: {  	[tilespmem:v20+s9+$0x0] =	vst.idx.msk $0xffff, v17;
	v17 =	vadd.s32 v1, v24;
	v20 =	vadd.s32 $0xCBC, v0  }
0x1a3: {  	v23 =	vadd.s32 v3, v24;
	[tilespmem:v18+s9+$0x0] =	vst.idx.msk $0xffff, v17;
	v18 =	vadd.s32 $0xCBD, v0  }
0x1a4: {  	[tilespmem:v19+s9+$0x0] =	vst.idx.msk $0xffff, v23;
	v23 =	vadd.s32 v4, v24;
	v19 =	vadd.s32 $0xCBE, v0  }
0x1a5: {  	v17 =	vadd.s32 v5, v24;
	[tilespmem:v21+s9+$0x0] =	vst.idx.msk $0xffff, v23;
	v21 =	vadd.s32 $0xCBF, v0  }
0x1a6: {  	v23 =	vmul.f32 $2.750000000e+00, v6;
	[tilespmem:v22+s9+$0x0] =	vst.idx.msk $0xffff, v17;
	v17 =	vadd.s32 v7, v24;
	v22 =	vadd.s32 $0xCC0, v0  }
0x1a7: {  	[tilespmem:v20+s9+$0x0] =	vst.idx.msk $0xffff, v17;
	v17 =	vadd.s32 v8, v24;
	v20 =	vadd.s32 $0xCC1, v0  }
0x1a8: {  	v23 =	vadd.f32 v23, v2;
	[tilespmem:v18+s9+$0x0] =	vst.idx.msk $0xffff, v17;
	v17 =	vadd.s32 v9, v24;
	v18 =	vadd.s32 $0xCC2, v0  }
0x1a9: {  	[tilespmem:v19+s9+$0x0] =	vst.idx.msk $0xffff, v17;
	v17 =	vadd.s32 v11, v24;
	v19 =	vadd.s32 $0xCC3, v0  }
0x1aa: {  	v23 =	vtrunc.f32 v23;
	[tilespmem:v21+s9+$0x0] =	vst.idx.msk $0xffff, v17;
	v17 =	vadd.s32 v10, v24;
	v21 =	vadd.s32 $0xCC4, v0  }
0x1ab: {  	v23 =	vcvt.f32.s32 v23;
	[tilespmem:v22+s9+$0x0] =	vst.idx.msk $0xffff, v17;
	v17 =	vadd.s32 v12, v24;
	v22 =	vadd.s32 $0xCC5, v0  }
0x1ac: {  	[tilespmem:v20+s9+$0x0] =	vst.idx.msk $0xffff, v17;
	v17 =	vadd.s32 v13, v24;
	v20 =	vadd.s32 $0xCC6, v0  }
0x1ad: {  	vm7 =	vlt.s32 v23, $0x3F;
	[tilespmem:v18+s9+$0x0] =	vst.idx.msk $0xffff, v17;
	v17 =	vadd.s32 v14, v24;
	v18 =	vadd.s32 $0xCC7, v0  }
0x1ae: {  	v23 =	vnsel vm7, $0x3F, v23;
	[tilespmem:v19+s9+$0x0] =	vst.idx.msk $0xffff, v17;
	v17 =	vadd.s32 v15, v24;
	v19 =	vadd.s32 $0xCC8, v0  }
0x1af: {  	v23 =	vshll.u32 v23, $0x6;
	[tilespmem:v21+s9+$0x0] =	vst.idx.msk $0xffff, v17;
	v17 =	vadd.s32 v16, v24;
	v21 =	vadd.s32 $0xCC9, v0  }
0x1b0: {  	[tilespmem:v22+s9+$0x0] =	vst.idx.msk $0xffff, v17;
	v17 =	vadd.s32 v1, v23;
	v22 =	vadd.s32 $0xCCA, v0  }
0x1b1: {  	[tilespmem:v20+s9+$0x0] =	vst.idx.msk $0xffff, v17;
	v17 =	vadd.s32 v3, v23;
	v20 =	vadd.s32 $0xCCB, v0  }
0x1b2: {  	[tilespmem:v18+s9+$0x0] =	vst.idx.msk $0xffff, v17;
	v17 =	vadd.s32 v4, v23;
	v18 =	vadd.s32 $0xCCC, v0  }
0x1b3: {  	[tilespmem:v19+s9+$0x0] =	vst.idx.msk $0xffff, v17;
	v17 =	vadd.s32 v5, v23;
	v19 =	vadd.s32 $0xCCD, v0  }
0x1b4: {  	v24 =	vmul.f32 $3.250000000e+00, v6;
	[tilespmem:v21+s9+$0x0] =	vst.idx.msk $0xffff, v17;
	v17 =	vadd.s32 v7, v23;
	v21 =	vadd.s32 $0xCCE, v0  }
0x1b5: {  	[tilespmem:v22+s9+$0x0] =	vst.idx.msk $0xffff, v17;
	v17 =	vadd.s32 v8, v23;
	v22 =	vadd.s32 $0xCCF, v0  }
0x1b6: {  	v24 =	vadd.f32 v24, v2;
	[tilespmem:v20+s9+$0x0] =	vst.idx.msk $0xffff, v17;
	v17 =	vadd.s32 v9, v23;
	v20 =	vadd.s32 $0xCD0, v0  }
0x1b7: {  	[tilespmem:v18+s9+$0x0] =	vst.idx.msk $0xffff, v17;
	v17 =	vadd.s32 v11, v23;
	v18 =	vadd.s32 $0xCD1, v0  }
0x1b8: {  	v24 =	vtrunc.f32 v24;
	[tilespmem:v19+s9+$0x0] =	vst.idx.msk $0xffff, v17;
	v17 =	vadd.s32 v10, v23;
	v19 =	vadd.s32 $0xCD2, v0  }
0x1b9: {  	v24 =	vcvt.f32.s32 v24;
	[tilespmem:v21+s9+$0x0] =	vst.idx.msk $0xffff, v17;
	v17 =	vadd.s32 v12, v23;
	v21 =	vadd.s32 $0xCD3, v0  }
0x1ba: {  	[tilespmem:v22+s9+$0x0] =	vst.idx.msk $0xffff, v17;
	v17 =	vadd.s32 v13, v23;
	v22 =	vadd.s32 $0xCD4, v0  }
0x1bb: {  	vm8 =	vlt.s32 v24, $0x3F;
	[tilespmem:v20+s9+$0x0] =	vst.idx.msk $0xffff, v17;
	v17 =	vadd.s32 v14, v23;
	v20 =	vadd.s32 $0xCD5, v0  }
0x1bc: {  	v24 =	vnsel vm8, $0x3F, v24;
	[tilespmem:v18+s9+$0x0] =	vst.idx.msk $0xffff, v17;
	v17 =	vadd.s32 v15, v23;
	v18 =	vadd.s32 $0xCD6, v0  }
0x1bd: {  	v24 =	vshll.u32 v24, $0x6;
	v23 =	vadd.s32 v16, v23;
	[tilespmem:v19+s9+$0x0] =	vst.idx.msk $0xffff, v17;
	v19 =	vadd.s32 $0xCD7, v0  }
0x1be: {  	v17 =	vadd.s32 v1, v24;
	[tilespmem:v21+s9+$0x0] =	vst.idx.msk $0xffff, v23;
	v21 =	vadd.s32 $0xCD8, v0  }
0x1bf: {  	[tilespmem:v22+s9+$0x0] =	vst.idx.msk $0xffff, v17;
	v17 =	vadd.s32 v3, v24;
	v22 =	vadd.s32 $0xCD9, v0  }
0x1c0: {  	[tilespmem:v20+s9+$0x0] =	vst.idx.msk $0xffff, v17;
	v17 =	vadd.s32 v4, v24;
	v20 =	vadd.s32 $0xCDA, v0  }
0x1c1: {  	[tilespmem:v18+s9+$0x0] =	vst.idx.msk $0xffff, v17;
	v17 =	vadd.s32 v5, v24;
	v18 =	vadd.s32 $0xCDB, v0  }
0x1c2: {  	v23 =	vmul.f32 $3.750000000e+00, v6;
	[tilespmem:v19+s9+$0x0] =	vst.idx.msk $0xffff, v17;
	v17 =	vadd.s32 v7, v24;
	v19 =	vadd.s32 $0xCDC, v0  }
0x1c3: {  	[tilespmem:v21+s9+$0x0] =	vst.idx.msk $0xffff, v17;
	v17 =	vadd.s32 v8, v24;
	v21 =	vadd.s32 $0xCDD, v0  }
0x1c4: {  	v23 =	vadd.f32 v23, v2;
	[tilespmem:v22+s9+$0x0] =	vst.idx.msk $0xffff, v17;
	v17 =	vadd.s32 v9, v24;
	v22 =	vadd.s32 $0xCDE, v0  }
0x1c5: {  	[tilespmem:v20+s9+$0x0] =	vst.idx.msk $0xffff, v17;
	v17 =	vadd.s32 v11, v24;
	v20 =	vadd.s32 $0xCDF, v0  }
0x1c6: {  	v23 =	vtrunc.f32 v23;
	[tilespmem:v18+s9+$0x0] =	vst.idx.msk $0xffff, v17;
	v17 =	vadd.s32 v10, v24;
	v18 =	vadd.s32 $0xCE0, v0  }
0x1c7: {  	v23 =	vcvt.f32.s32 v23;
	[tilespmem:v19+s9+$0x0] =	vst.idx.msk $0xffff, v17;
	v17 =	vadd.s32 v12, v24;
	v19 =	vadd.s32 $0xCE1, v0  }
0x1c8: {  	[tilespmem:v21+s9+$0x0] =	vst.idx.msk $0xffff, v17;
	v17 =	vadd.s32 v13, v24;
	v21 =	vadd.s32 $0xCE2, v0  }
0x1c9: {  	vm9 =	vlt.s32 v23, $0x3F;
	[tilespmem:v22+s9+$0x0] =	vst.idx.msk $0xffff, v17;
	v17 =	vadd.s32 v14, v24;
	v22 =	vadd.s32 $0xCE3, v0  }
0x1ca: {  	v23 =	vnsel vm9, $0x3F, v23;
	[tilespmem:v20+s9+$0x0] =	vst.idx.msk $0xffff, v17;
	v17 =	vadd.s32 v15, v24;
	v20 =	vadd.s32 $0xCE4, v0  }
0x1cb: {  	v23 =	vshll.u32 v23, $0x6;
	[tilespmem:v18+s9+$0x0] =	vst.idx.msk $0xffff, v17;
	v17 =	vadd.s32 v16, v24;
	v18 =	vadd.s32 $0xCE5, v0  }
0x1cc: {  	[tilespmem:v19+s9+$0x0] =	vst.idx.msk $0xffff, v17;
	v17 =	vadd.s32 v1, v23;
	v19 =	vadd.s32 $0xCE6, v0  }
0x1cd: {  	[tilespmem:v21+s9+$0x0] =	vst.idx.msk $0xffff, v17;
	v17 =	vadd.s32 v3, v23;
	v21 =	vadd.s32 $0xCE7, v0  }
0x1ce: {  	[tilespmem:v22+s9+$0x0] =	vst.idx.msk $0xffff, v17;
	v17 =	vadd.s32 v4, v23;
	v22 =	vadd.s32 $0xCE8, v0  }
0x1cf: {  	[tilespmem:v20+s9+$0x0] =	vst.idx.msk $0xffff, v17;
	v17 =	vadd.s32 v5, v23;
	v20 =	vadd.s32 $0xCE9, v0  }
0x1d0: {  	v24 =	vmul.f32 $4.250000000e+00, v6;
	[tilespmem:v18+s9+$0x0] =	vst.idx.msk $0xffff, v17;
	v17 =	vadd.s32 v7, v23;
	v18 =	vadd.s32 $0xCEA, v0  }
0x1d1: {  	[tilespmem:v19+s9+$0x0] =	vst.idx.msk $0xffff, v17;
	v17 =	vadd.s32 v8, v23;
	v19 =	vadd.s32 $0xCEB, v0  }
0x1d2: {  	v24 =	vadd.f32 v24, v2;
	[tilespmem:v21+s9+$0x0] =	vst.idx.msk $0xffff, v17;
	v17 =	vadd.s32 v9, v23;
	v21 =	vadd.s32 $0xCEC, v0  }
0x1d3: {  	[tilespmem:v22+s9+$0x0] =	vst.idx.msk $0xffff, v17;
	v17 =	vadd.s32 v11, v23;
	v22 =	vadd.s32 $0xCED, v0  }
0x1d4: {  	v24 =	vtrunc.f32 v24;
	[tilespmem:v20+s9+$0x0] =	vst.idx.msk $0xffff, v17;
	v17 =	vadd.s32 v10, v23;
	v20 =	vadd.s32 $0xCEE, v0  }
0x1d5: {  	v24 =	vcvt.f32.s32 v24;
	[tilespmem:v18+s9+$0x0] =	vst.idx.msk $0xffff, v17;
	v17 =	vadd.s32 v12, v23;
	v18 =	vadd.s32 $0xCEF, v0  }
0x1d6: {  	[tilespmem:v19+s9+$0x0] =	vst.idx.msk $0xffff, v17;
	v17 =	vadd.s32 v13, v23;
	v19 =	vadd.s32 $0xCF0, v0  }
0x1d7: {  	vm10 =	vlt.s32 v24, $0x3F;
	[tilespmem:v21+s9+$0x0] =	vst.idx.msk $0xffff, v17;
	v17 =	vadd.s32 v14, v23;
	v21 =	vadd.s32 $0xCF1, v0  }
0x1d8: {  	v24 =	vnsel vm10, $0x3F, v24;
	[tilespmem:v22+s9+$0x0] =	vst.idx.msk $0xffff, v17;
	v17 =	vadd.s32 v15, v23;
	v22 =	vadd.s32 $0xCF2, v0  }
0x1d9: {  	v24 =	vshll.u32 v24, $0x6;
	[tilespmem:v20+s9+$0x0] =	vst.idx.msk $0xffff, v17;
	v17 =	vadd.s32 v16, v23;
	v20 =	vadd.s32 $0xCF3, v0  }
0x1da: {  	v23 =	vadd.s32 v1, v24;
	[tilespmem:v18+s9+$0x0] =	vst.idx.msk $0xffff, v17;
	v18 =	vadd.s32 $0xCF4, v0  }
0x1db: {  	[tilespmem:v19+s9+$0x0] =	vst.idx.msk $0xffff, v23;
	v23 =	vadd.s32 v3, v24;
	v19 =	vadd.s32 $0xCF5, v0  }
0x1dc: {  	v17 =	vadd.s32 v4, v24;
	[tilespmem:v21+s9+$0x0] =	vst.idx.msk $0xffff, v23;
	v21 =	vadd.s32 $0xCF6, v0  }
0x1dd: {  	[tilespmem:v22+s9+$0x0] =	vst.idx.msk $0xffff, v17;
	v17 =	vadd.s32 v5, v24;
	v22 =	vadd.s32 $0xCF7, v0  }
0x1de: {  	v23 =	vmul.f32 $4.750000000e+00, v6;
	[tilespmem:v20+s9+$0x0] =	vst.idx.msk $0xffff, v17;
	v17 =	vadd.s32 v7, v24;
	v20 =	vadd.s32 $0xCF8, v0  }
0x1df: {  	[tilespmem:v18+s9+$0x0] =	vst.idx.msk $0xffff, v17;
	v17 =	vadd.s32 v8, v24;
	v18 =	vadd.s32 $0xCF9, v0  }
0x1e0: {  	v23 =	vadd.f32 v23, v2;
	[tilespmem:v19+s9+$0x0] =	vst.idx.msk $0xffff, v17;
	v17 =	vadd.s32 v9, v24;
	v19 =	vadd.s32 $0xCFA, v0  }
0x1e1: {  	[tilespmem:v21+s9+$0x0] =	vst.idx.msk $0xffff, v17;
	v17 =	vadd.s32 v11, v24;
	v21 =	vadd.s32 $0xCFB, v0  }
0x1e2: {  	v23 =	vtrunc.f32 v23;
	[tilespmem:v22+s9+$0x0] =	vst.idx.msk $0xffff, v17;
	v17 =	vadd.s32 v10, v24;
	v22 =	vadd.s32 $0xCFC, v0  }
0x1e3: {  	v23 =	vcvt.f32.s32 v23;
	[tilespmem:v20+s9+$0x0] =	vst.idx.msk $0xffff, v17;
	v17 =	vadd.s32 v12, v24;
	v20 =	vadd.s32 $0xCFD, v0  }
0x1e4: {  	[tilespmem:v18+s9+$0x0] =	vst.idx.msk $0xffff, v17;
	v17 =	vadd.s32 v13, v24;
	v18 =	vadd.s32 $0xCFE, v0  }
0x1e5: {  	vm11 =	vlt.s32 v23, $0x3F;
	[tilespmem:v19+s9+$0x0] =	vst.idx.msk $0xffff, v17;
	v17 =	vadd.s32 v14, v24;
	v19 =	vadd.s32 $0xCFF, v0  }
0x1e6: {  	v23 =	vnsel vm11, $0x3F, v23;
	[tilespmem:v21+s9+$0x0] =	vst.idx.msk $0xffff, v17;
	v17 =	vadd.s32 v15, v24;
	v21 =	vadd.s32 $0xD00, v0  }
0x1e7: {  	v23 =	vshll.u32 v23, $0x6;
	[tilespmem:v22+s9+$0x0] =	vst.idx.msk $0xffff, v17;
	v17 =	vadd.s32 v16, v24;
	v22 =	vadd.s32 $0xD01, v0  }
0x1e8: {  	[tilespmem:v20+s9+$0x0] =	vst.idx.msk $0xffff, v17;
	v17 =	vadd.s32 v1, v23;
	v20 =	vadd.s32 $0xD02, v0  }
0x1e9: {  	[tilespmem:v18+s9+$0x0] =	vst.idx.msk $0xffff, v17;
	v17 =	vadd.s32 v3, v23;
	v18 =	vadd.s32 $0xD03, v0  }
0x1ea: {  	[tilespmem:v19+s9+$0x0] =	vst.idx.msk $0xffff, v17;
	v17 =	vadd.s32 v4, v23;
	v19 =	vadd.s32 $0xD04, v0  }
0x1eb: {  	[tilespmem:v21+s9+$0x0] =	vst.idx.msk $0xffff, v17;
	v17 =	vadd.s32 v5, v23;
	v21 =	vadd.s32 $0xD05, v0  }
0x1ec: {  	v24 =	vmul.f32 $5.250000000e+00, v6;
	[tilespmem:v22+s9+$0x0] =	vst.idx.msk $0xffff, v17;
	v17 =	vadd.s32 v7, v23;
	v22 =	vadd.s32 $0xD06, v0  }
0x1ed: {  	[tilespmem:v20+s9+$0x0] =	vst.idx.msk $0xffff, v17;
	v17 =	vadd.s32 v8, v23;
	v20 =	vadd.s32 $0xD07, v0  }
0x1ee: {  	v24 =	vadd.f32 v24, v2;
	[tilespmem:v18+s9+$0x0] =	vst.idx.msk $0xffff, v17;
	v17 =	vadd.s32 v9, v23;
	v18 =	vadd.s32 $0xD08, v0  }
0x1ef: {  	[tilespmem:v19+s9+$0x0] =	vst.idx.msk $0xffff, v17;
	v17 =	vadd.s32 v11, v23;
	v19 =	vadd.s32 $0xD09, v0  }
0x1f0: {  	v24 =	vtrunc.f32 v24;
	[tilespmem:v21+s9+$0x0] =	vst.idx.msk $0xffff, v17;
	v17 =	vadd.s32 v10, v23;
	v21 =	vadd.s32 $0xD0A, v0  }
0x1f1: {  	v24 =	vcvt.f32.s32 v24;
	[tilespmem:v22+s9+$0x0] =	vst.idx.msk $0xffff, v17;
	v17 =	vadd.s32 v12, v23;
	v22 =	vadd.s32 $0xD0B, v0  }
0x1f2: {  	[tilespmem:v20+s9+$0x0] =	vst.idx.msk $0xffff, v17;
	v17 =	vadd.s32 v13, v23;
	v20 =	vadd.s32 $0xD0C, v0  }
0x1f3: {  	vm12 =	vlt.s32 v24, $0x3F;
	[tilespmem:v18+s9+$0x0] =	vst.idx.msk $0xffff, v17;
	v17 =	vadd.s32 v14, v23;
	v18 =	vadd.s32 $0xD0D, v0  }
0x1f4: {  	v24 =	vnsel vm12, $0x3F, v24;
	[tilespmem:v19+s9+$0x0] =	vst.idx.msk $0xffff, v17;
	v17 =	vadd.s32 v15, v23;
	v19 =	vadd.s32 $0xD0E, v0  }
0x1f5: {  	v24 =	vshll.u32 v24, $0x6;
	[tilespmem:v21+s9+$0x0] =	vst.idx.msk $0xffff, v17;
	v17 =	vadd.s32 v16, v23;
	v21 =	vadd.s32 $0xD0F, v0  }
0x1f6: {  	[tilespmem:v22+s9+$0x0] =	vst.idx.msk $0xffff, v17;
	v17 =	vadd.s32 v1, v24;
	v22 =	vadd.s32 $0xD10, v0  }
0x1f7: {  	[tilespmem:v20+s9+$0x0] =	vst.idx.msk $0xffff, v17;
	v17 =	vadd.s32 v3, v24;
	v20 =	vadd.s32 $0xD11, v0  }
0x1f8: {  	v23 =	vadd.s32 v4, v24;
	[tilespmem:v18+s9+$0x0] =	vst.idx.msk $0xffff, v17;
	v18 =	vadd.s32 $0xD12, v0  }
0x1f9: {  	v17 =	vadd.s32 v5, v24;
	[tilespmem:v19+s9+$0x0] =	vst.idx.msk $0xffff, v23;
	v19 =	vadd.s32 $0xD13, v0  }
0x1fa: {  	v23 =	vmul.f32 $5.750000000e+00, v6;
	[tilespmem:v21+s9+$0x0] =	vst.idx.msk $0xffff, v17;
	v17 =	vadd.s32 v7, v24;
	v21 =	vadd.s32 $0xD14, v0  }
0x1fb: {  	[tilespmem:v22+s9+$0x0] =	vst.idx.msk $0xffff, v17;
	v17 =	vadd.s32 v8, v24;
	v22 =	vadd.s32 $0xD15, v0  }
0x1fc: {  	v23 =	vadd.f32 v23, v2;
	[tilespmem:v20+s9+$0x0] =	vst.idx.msk $0xffff, v17;
	v17 =	vadd.s32 v9, v24;
	v20 =	vadd.s32 $0xD16, v0  }
0x1fd: {  	[tilespmem:v18+s9+$0x0] =	vst.idx.msk $0xffff, v17;
	v17 =	vadd.s32 v11, v24;
	v18 =	vadd.s32 $0xD17, v0  }
0x1fe: {  	v23 =	vtrunc.f32 v23;
	[tilespmem:v19+s9+$0x0] =	vst.idx.msk $0xffff, v17;
	v17 =	vadd.s32 v10, v24;
	v19 =	vadd.s32 $0xD18, v0  }
0x1ff: {  	v23 =	vcvt.f32.s32 v23;
	[tilespmem:v21+s9+$0x0] =	vst.idx.msk $0xffff, v17;
	v17 =	vadd.s32 v12, v24;
	v21 =	vadd.s32 $0xD19, v0  }
0x200: {  	[tilespmem:v22+s9+$0x0] =	vst.idx.msk $0xffff, v17;
	v17 =	vadd.s32 v13, v24;
	v22 =	vadd.s32 $0xD1A, v0  }
0x201: {  	vm13 =	vlt.s32 v23, $0x3F;
	[tilespmem:v20+s9+$0x0] =	vst.idx.msk $0xffff, v17;
	v17 =	vadd.s32 v14, v24;
	v20 =	vadd.s32 $0xD1B, v0  }
0x202: {  	v23 =	vnsel vm13, $0x3F, v23;
	[tilespmem:v18+s9+$0x0] =	vst.idx.msk $0xffff, v17;
	v17 =	vadd.s32 v15, v24;
	v18 =	vadd.s32 $0xD1C, v0  }
0x203: {  	v23 =	vshll.u32 v23, $0x6;
	[tilespmem:v19+s9+$0x0] =	vst.idx.msk $0xffff, v17;
	v17 =	vadd.s32 v16, v24;
	v19 =	vadd.s32 $0xD1D, v0  }
0x204: {  	[tilespmem:v21+s9+$0x0] =	vst.idx.msk $0xffff, v17;
	v17 =	vadd.s32 v1, v23;
	v21 =	vadd.s32 $0xD1E, v0  }
0x205: {  	[tilespmem:v22+s9+$0x0] =	vst.idx.msk $0xffff, v17;
	v17 =	vadd.s32 v3, v23;
	v22 =	vadd.s32 $0xD1F, v0  }
0x206: {  	[tilespmem:v20+s9+$0x0] =	vst.idx.msk $0xffff, v17;
	v17 =	vadd.s32 v4, v23;
	v20 =	vadd.s32 $0xD20, v0  }
0x207: {  	[tilespmem:v18+s9+$0x0] =	vst.idx.msk $0xffff, v17;
	v17 =	vadd.s32 v5, v23;
	v18 =	vadd.s32 $0xD21, v0  }
0x208: {  	v24 =	vmul.f32 $6.250000000e+00, v6;
	[tilespmem:v19+s9+$0x0] =	vst.idx.msk $0xffff, v17;
	v17 =	vadd.s32 v7, v23;
	v19 =	vadd.s32 $0xD22, v0  }
0x209: {  	[tilespmem:v21+s9+$0x0] =	vst.idx.msk $0xffff, v17;
	v17 =	vadd.s32 v8, v23;
	v21 =	vadd.s32 $0xD23, v0  }
0x20a: {  	v24 =	vadd.f32 v24, v2;
	[tilespmem:v22+s9+$0x0] =	vst.idx.msk $0xffff, v17;
	v17 =	vadd.s32 v9, v23;
	v22 =	vadd.s32 $0xD24, v0  }
0x20b: {  	[tilespmem:v20+s9+$0x0] =	vst.idx.msk $0xffff, v17;
	v17 =	vadd.s32 v11, v23;
	v20 =	vadd.s32 $0xD25, v0  }
0x20c: {  	v24 =	vtrunc.f32 v24;
	[tilespmem:v18+s9+$0x0] =	vst.idx.msk $0xffff, v17;
	v17 =	vadd.s32 v10, v23;
	v18 =	vadd.s32 $0xD26, v0  }
0x20d: {  	v24 =	vcvt.f32.s32 v24;
	[tilespmem:v19+s9+$0x0] =	vst.idx.msk $0xffff, v17;
	v17 =	vadd.s32 v12, v23;
	v19 =	vadd.s32 $0xD27, v0  }
0x20e: {  	[tilespmem:v21+s9+$0x0] =	vst.idx.msk $0xffff, v17;
	v17 =	vadd.s32 v13, v23;
	v21 =	vadd.s32 $0xD28, v0  }
0x20f: {  	vm14 =	vlt.s32 v24, $0x3F;
	[tilespmem:v22+s9+$0x0] =	vst.idx.msk $0xffff, v17;
	v17 =	vadd.s32 v14, v23;
	v22 =	vadd.s32 $0xD29, v0  }
0x210: {  	v24 =	vnsel vm14, $0x3F, v24;
	[tilespmem:v20+s9+$0x0] =	vst.idx.msk $0xffff, v17;
	v17 =	vadd.s32 v15, v23;
	v20 =	vadd.s32 $0xD2A, v0  }
0x211: {  	[tilespmem:v18+s9+$0x0] =	vst.idx.msk $0xffff, v17;
	v17 =	vshll.u32 v24, $0x6;
	v18 =	vadd.s32 v16, v23;
	v23 =	vadd.s32 $0xD2B, v0  }
0x212: {  	[tilespmem:v19+s9+$0x0] =	vst.idx.msk $0xffff, v18;
	v18 =	vadd.s32 v1, v17;
	v19 =	vadd.s32 $0xD2C, v0  }
0x213: {  	[tilespmem:v21+s9+$0x0] =	vst.idx.msk $0xffff, v18;
	v18 =	vadd.s32 v3, v17;
	v21 =	vadd.s32 $0xD2D, v0  }
0x214: {  	[tilespmem:v22+s9+$0x0] =	vst.idx.msk $0xffff, v18;
	v18 =	vadd.s32 v4, v17;
	v22 =	vadd.s32 $0xD2E, v0  }
0x215: {  	[tilespmem:v20+s9+$0x0] =	vst.idx.msk $0xffff, v18;
	v18 =	vadd.s32 v5, v17;
	v20 =	vadd.s32 $0xD2F, v0  }
0x216: {  	v6 =	vmul.f32 $6.750000000e+00, v6;
	[tilespmem:v23+s9+$0x0] =	vst.idx.msk $0xffff, v18;
	v18 =	vadd.s32 v7, v17;
	v23 =	vadd.s32 $0xD30, v0  }
0x217: {  	[tilespmem:v19+s9+$0x0] =	vst.idx.msk $0xffff, v18;
	v18 =	vadd.s32 v8, v17;
	v19 =	vadd.s32 $0xD31, v0  }
0x218: {  	v2 =	vadd.f32 v6, v2;
	[tilespmem:v21+s9+$0x0] =	vst.idx.msk $0xffff, v18;
	v21 =	vadd.s32 v9, v17;
	v18 =	vadd.s32 $0xD32, v0  }
0x219: {  	v6 =	vadd.s32 v11, v17;
	[tilespmem:v22+s9+$0x0] =	vst.idx.msk $0xffff, v21;
	v21 =	vadd.s32 $0xD33, v0  }
0x21a: {  	v2 =	vtrunc.f32 v2;
	[tilespmem:v20+s9+$0x0] =	vst.idx.msk $0xffff, v6;
	v6 =	vadd.s32 v10, v17;
	v20 =	vadd.s32 $0xD34, v0  }
0x21b: {  	v2 =	vcvt.f32.s32 v2;
	v22 =	vadd.s32 $0xD35, v0;
	[tilespmem:v23+s9+$0x0] =	vst.idx.msk $0xffff, v6;
	v6 =	vadd.s32 v12, v17  }
0x21c: {  	v23 =	vadd.s32 v13, v17;
	[tilespmem:v19+s9+$0x0] =	vst.idx.msk $0xffff, v6;
	v19 =	vadd.s32 $0xD36, v0  }
0x21d: {  	vm15 =	vlt.s32 v2, $0x3F;
	[tilespmem:v18+s9+$0x0] =	vst.idx.msk $0xffff, v23;
	v23 =	vadd.s32 v14, v17;
	v18 =	vadd.s32 $0xD37, v0  }
0x21e: {  	v2 =	vnsel vm15, $0x3F, v2;
	v6 =	vadd.s32 v15, v17;
	[tilespmem:v21+s9+$0x0] =	vst.idx.msk $0xffff, v23;
	v21 =	vadd.s32 $0xD38, v0  }
0x21f: {  	v2 =	vshll.u32 v2, $0x6;
	v23 =	vadd.s32 v16, v17;
	v17 =	vadd.s32 $0xD39, v0;
	[tilespmem:v20+s9+$0x0] =	vst.idx.msk $0xffff, v6  }
0x220: {  	v1 =	vadd.s32 v1, v2;
	v20 =	vadd.s32 $0xD3A, v0;
	[tilespmem:v22+s9+$0x0] =	vst.idx.msk $0xffff, v23  }
0x221: {  	[tilespmem:v19+s9+$0x0] =	vst.idx.msk $0xffff, v1;
	v1 =	vadd.s32 v3, v2;
	v3 =	vadd.s32 $0xD3B, v0  }
0x222: {  	v22 =	vadd.s32 $0xD3C, v0;
	[tilespmem:v18+s9+$0x0] =	vst.idx.msk $0xffff, v1;
	v1 =	vadd.s32 v4, v2  }
0x223: {  	v23 =	vadd.s32 $0xD3D, v0;
	[tilespmem:v21+s9+$0x0] =	vst.idx.msk $0xffff, v1;
	v1 =	vadd.s32 v5, v2  }
0x224: {  	[tilespmem:v17+s9+$0x0] =	vst.idx.msk $0xffff, v1;
	v1 =	vadd.s32 v7, v2;
	v17 =	vadd.s32 $0xD3E, v0  }
0x225: {  	v18 =	vadd.s32 $0xD3F, v0;
	[tilespmem:v20+s9+$0x0] =	vst.idx.msk $0xffff, v1;
	v1 =	vadd.s32 v8, v2  }
0x226: {  	[tilespmem:v3+s9+$0x0] =	vst.idx.msk $0xffff, v1;
	v1 =	vadd.s32 v9, v2;
	v3 =	vadd.s32 $0xD40, v0  }
0x227: {  	v19 =	vadd.s32 $0xD41, v0;
	[tilespmem:v22+s9+$0x0] =	vst.idx.msk $0xffff, v1;
	v1 =	vadd.s32 v11, v2  }
0x228: {  	v20 =	vadd.s32 $0xD42, v0;
	[tilespmem:v23+s9+$0x0] =	vst.idx.msk $0xffff, v1;
	v1 =	vadd.s32 v10, v2  }
0x229: {  	v21 =	vadd.s32 $0xD43, v0;
	[tilespmem:v17+s9+$0x0] =	vst.idx.msk $0xffff, v1;
	v1 =	vadd.s32 v12, v2  }
0x22a: {  	v22 =	vadd.s32 $0xD44, v0;
	[tilespmem:v18+s9+$0x0] =	vst.idx.msk $0xffff, v1;
	v1 =	vadd.s32 v13, v2  }
0x22b: {  	[tilespmem:v3+s9+$0x0] =	vst.idx.msk $0xffff, v1;
	v1 =	vadd.s32 v14, v2;
	v3 =	vadd.s32 $0xD45, v0  }
0x22c: {  	v23 =	vadd.s32 $0xD46, v0;
	[tilespmem:v19+s9+$0x0] =	vst.idx.msk $0xffff, v1;
	v1 =	vadd.s32 v15, v2  }
0x22d: {  	[tilespmem:v20+s9+$0x0] =	vst.idx.msk $0xffff, v1;
	v1 =	vadd.s32 v16, v2;
	v2 =	vadd.s32 $0xD47, v0  }
0x22e: {  	[tilespmem:v21+s9+$0x0] =	vst.idx.msk $0xffff, v1  }
0x22f: {  	[tilespmem:v22+s9+$0x0] =	vst.idx.msk $0xffff, v1  }
0x230: {  	[tilespmem:v3+s9+$0x0] =	vst.idx.msk $0xffff, v1  }
0x231: {  	[tilespmem:v23+s9+$0x0] =	vst.idx.msk $0xffff, v1  }
0x232: {  	s0 =	simm.s32 $0x1980;
	[tilespmem:v2+s9+$0x0] =	vst.idx.msk $0xffff, v1  }
0x233: {  	[tilespmem:s0], [sflag:$0x1] =	stream.indirect.gather [hbm4b:s1+s10], $0x80, s9, s10, $0xb8;
	[tilespmem:$0x11280] =	vst v63  }
0x234: {  	s31 =	simm.s32 $0xE0  }
0x235: {  	[tilespmem:s14], [sflag:$0x1] =	stream.indirect.gather [hbm4b:s1+s12], $0x80, s31, s12, $0xb8;
	[tilespmem:$0x11280] =	vst v63  }
0x236: {  	_ = 	snop  }
0x237: {  	[tilespmem:s16], [sflag:$0x2] =	stream.indirect.gather [hbm4b:s1+s10], $0x80, s15, s10, $0xb8;
	[tilespmem:$0x11280] =	vst v63  }
0x238: {  	s26 =	simm.s32 $0x0  }
0x239: {  	[tilespmem:s18], [sflag:$0x2] =	stream.indirect.gather [hbm4b:s1+s12], $0x80, s17, s12, $0xb8;
	[tilespmem:$0x11280] =	vst v63  }
.LBB2_2:
0x23a: {  	s0 =	simm.s32 $0x0  }
0x23b: {  	s0 =	smul.u32 $0x25, s0;
	_ =	sdelay $0x1  }
0x23c: {  	s0 =	sshrl.u32 s0, $0x8  }
0x23d: {  	s28 =	ssub.s32 $0x0, s0  }
0x23e: {  	s28 =	sand.u32 $0xFE, s28  }
0x23f: {  	s28 =	sshrl.u32 s28, $0x1  }
0x240: {  	s0 =	sadd.s32 s0, s28  }
0x241: {  	s0 =	sand.u32 $0xFC, s0  }
0x242: {  	s0 =	sshrl.u32 s0, $0x2  }
0x243: {  	s28 =	smul.u32 $0x7, s0  }
0x244: {  	_ =	swait.ge [sflag:s19], $0x6400;
	p0 =	seq.s32 s26, $0x0  }
0x245: {  	[sflag:s19] =	ssyncset.done $0x0;
	s29 =	simm.s32 @!p0 $0x3;
	s28 =	ssub.s32 $0x0, s28  }
0x246: {  	[sflag:s19] =	ssyncadd.s32 $0xFFFF9C00;
	s0 =	smul.u32 $0x1C, s0;
	s28 =	sshll.u32 s28, $0x1  }
0x247: {  	_ =	swait.ge @!p0 [sflag:s29], $0x1880;
	s28 =	sand.u32 $0xFE, s28  }
0x248: {  	[sflag:s29] =	ssyncset.done @!p0 $0x0;
	s0 =	sadd.s32 s28, s0  }
0x249: {  	[sflag:s29] =	ssyncadd.s32 @!p0 $0xFFFFE780;
	s29 =	sshll.u32 s0, $0x7  }
0x24a: {  	v1 =	vld [tilespmem:s29+$0x2100]  }
0x24b: {  	v2 =	vld [tilespmem:s29+$0x1980]  }
0x24c: {  	v3 =	vld [tilespmem:s29+$0x2080]  }
0x24d: {  	v4 =	vld [tilespmem:s29+$0x1A00];
	_ =	sdelay $0x4  }
0x24e: {  	v1 =	vmax.bf16 v3, v1;
	v2 =	vmax.bf16 v2, v4  }
0x24f: {  	s30 =	simm.s32 $0xE1C0;
	v1 =	vmax.bf16 v2, v1  }
0x250: {  	[tilespmem:s30+$0xFFFFFFC0] =	vst v1  }
0x251: {  	v1 =	vld [tilespmem:s29+$0x2110]  }
0x252: {  	v2 =	vld [tilespmem:s29+$0x1A10]  }
0x253: {  	v3 =	vld [tilespmem:s29+$0x1990]  }
0x254: {  	v4 =	vld [tilespmem:s29+$0x2090];
	_ =	sdelay $0x4  }
0x255: {  	v2 =	vmax.bf16 v3, v2;
	v1 =	vmax.bf16 v4, v1  }
0x256: {  	v1 =	vmax.bf16 v2, v1  }
0x257: {  	[tilespmem:s30+$0xFFFFFFD0] =	vst v1  }
0x258: {  	v1 =	vld [tilespmem:s29+$0x20A0]  }
0x259: {  	v2 =	vld [tilespmem:s29+$0x1A20]  }
0x25a: {  	v3 =	vld [tilespmem:s29+$0x19A0]  }
0x25b: {  	v4 =	vld [tilespmem:s29+$0x2120];
	_ =	sdelay $0x4  }
0x25c: {  	v2 =	vmax.bf16 v3, v2;
	v1 =	vmax.bf16 v1, v4  }
0x25d: {  	v1 =	vmax.bf16 v2, v1  }
0x25e: {  	[tilespmem:s30+$0xFFFFFFE0] =	vst v1  }
0x25f: {  	v1 =	vld [tilespmem:s29+$0x2130]  }
0x260: {  	v2 =	vld [tilespmem:s29+$0x19B0]  }
0x261: {  	v3 =	vld [tilespmem:s29+$0x1A30]  }
0x262: {  	v4 =	vld [tilespmem:s29+$0x20B0];
	_ =	sdelay $0x4  }
0x263: {  	v2 =	vmax.bf16 v2, v3;
	v1 =	vmax.bf16 v4, v1  }
0x264: {  	v1 =	vmax.bf16 v2, v1  }
0x265: {  	[tilespmem:s30+$0xFFFFFFF0] =	vst v1  }
0x266: {  	v1 =	vld [tilespmem:s29+$0x1A40]  }
0x267: {  	v2 =	vld [tilespmem:s29+$0x2140]  }
0x268: {  	v3 =	vld [tilespmem:s29+$0x20C0]  }
0x269: {  	v4 =	vld [tilespmem:s29+$0x19C0];
	_ =	sdelay $0x4  }
0x26a: {  	v2 =	vmax.bf16 v3, v2;
	v1 =	vmax.bf16 v4, v1  }
0x26b: {  	v1 =	vmax.bf16 v1, v2  }
0x26c: {  	[tilespmem:s30+$0x0] =	vst v1  }
0x26d: {  	v3 =	vld [tilespmem:s29+$0x1A50]  }
0x26e: {  	v4 =	vld [tilespmem:s29+$0x19D0];
	_ =	sdelay $0x3  }
0x26f: {  	v1 =	vld [tilespmem:s29+$0x2150]  }
0x270: {  	s31 =	simm.s32 $0xE1C0;
	s28 =	sshll.u32 s26, $0x1;
	s0 =	simm.s32 $0x1;
	v2 =	vld [tilespmem:s29+$0x20D0];
	v3 =	vmax.bf16 v4, v3  }
.LBB2_3:
0x271: {  	p1 =	sne.s32 s0, $0x30  }
0x272: {  	s30 =	sadd.s32 $0x80, s30;
	s4 =	smov.u32 s0;
	s0 =	sadd.s32 $0x1, s0  }
0x273: {  	_ =	sdelay $0x9  }
0x274: {  	v1 =	vmax.bf16 v2, v1  }
0x275: {  	v1 =	vmax.bf16 v3, v1  }
0x276: {  	[tilespmem:s31+$0x10] =	vst v1  }
0x277: {  	v1 =	vld [tilespmem:s29+$0x2160]  }
0x278: {  	v2 =	vld [tilespmem:s29+$0x19E0]  }
0x279: {  	v3 =	vld [tilespmem:s29+$0x20E0]  }
0x27a: {  	v4 =	vld [tilespmem:s29+$0x1A60];
	_ =	sdelay $0x2  }
0x27b: {  	s11 =	smul.u32 $0x25, s4  }
0x27c: {  	v1 =	vmax.bf16 v3, v1  }
0x27d: {  	s11 =	sshrl.u32 s11, $0x8;
	v2 =	vmax.bf16 v2, v4  }
0x27e: {  	s13 =	ssub.s32 s4, s11;
	v1 =	vmax.bf16 v2, v1  }
0x27f: {  	s13 =	sand.u32 $0xFE, s13;
	[tilespmem:s31+$0x20] =	vst v1  }
0x280: {  	s13 =	sshrl.u32 s13, $0x1;
	v1 =	vld [tilespmem:s29+$0x19F0]  }
0x281: {  	s11 =	sadd.s32 s11, s13;
	v2 =	vld [tilespmem:s29+$0x2170]  }
0x282: {  	s11 =	sand.u32 $0xFC, s11;
	v3 =	vld [tilespmem:s29+$0x1A70]  }
0x283: {  	s11 =	sshrl.u32 s11, $0x2;
	v4 =	vld [tilespmem:s29+$0x20F0]  }
0x284: {  	s13 =	smul.u32 $0x7, s11;
	_ =	sdelay $0x1  }
0x285: {  	s4 =	ssub.s32 s4, s13  }
0x286: {  	s11 =	smul.u32 $0x1C, s11;
	s4 =	sshll.u32 s4, $0x1;
	v1 =	vmax.bf16 v1, v3  }
0x287: {  	s4 =	sand.u32 $0xFE, s4;
	v2 =	vmax.bf16 v4, v2  }
0x288: {  	s4 =	sadd.s32 s4, s11;
	v1 =	vmax.bf16 v1, v2  }
0x289: {  	s29 =	sshll.u32 s4, $0x7;
	[tilespmem:s31+$0x30] =	vst v1;
	s31 =	smov.u32 s30  }
0x28a: {  	v1 =	vld [tilespmem:s29+$0x2100]  }
0x28b: {  	v2 =	vld [tilespmem:s29+$0x1980]  }
0x28c: {  	v3 =	vld [tilespmem:s29+$0x2080]  }
0x28d: {  	v4 =	vld [tilespmem:s29+$0x1A00];
	_ =	sdelay $0x3  }
0x28e: {  	v1 =	vmax.bf16 v3, v1  }
0x28f: {  	v2 =	vmax.bf16 v2, v4  }
0x290: {  	v1 =	vmax.bf16 v2, v1  }
0x291: {  	[tilespmem:s30+$0xFFFFFFC0] =	vst v1  }
0x292: {  	v1 =	vld [tilespmem:s29+$0x2110]  }
0x293: {  	v2 =	vld [tilespmem:s29+$0x1A10]  }
0x294: {  	v3 =	vld [tilespmem:s29+$0x1990]  }
0x295: {  	v4 =	vld [tilespmem:s29+$0x2090];
	_ =	sdelay $0x3  }
0x296: {  	v2 =	vmax.bf16 v3, v2  }
0x297: {  	v1 =	vmax.bf16 v4, v1  }
0x298: {  	v1 =	vmax.bf16 v2, v1  }
0x299: {  	[tilespmem:s30+$0xFFFFFFD0] =	vst v1  }
0x29a: {  	v1 =	vld [tilespmem:s29+$0x20A0]  }
0x29b: {  	v2 =	vld [tilespmem:s29+$0x1A20]  }
0x29c: {  	v3 =	vld [tilespmem:s29+$0x19A0]  }
0x29d: {  	v4 =	vld [tilespmem:s29+$0x2120];
	_ =	sdelay $0x3  }
0x29e: {  	v2 =	vmax.bf16 v3, v2  }
0x29f: {  	v1 =	vmax.bf16 v1, v4  }
0x2a0: {  	v1 =	vmax.bf16 v2, v1  }
0x2a1: {  	[tilespmem:s30+$0xFFFFFFE0] =	vst v1  }
0x2a2: {  	v1 =	vld [tilespmem:s29+$0x2130]  }
0x2a3: {  	v2 =	vld [tilespmem:s29+$0x19B0]  }
0x2a4: {  	v3 =	vld [tilespmem:s29+$0x1A30]  }
0x2a5: {  	v4 =	vld [tilespmem:s29+$0x20B0];
	_ =	sdelay $0x3  }
0x2a6: {  	v2 =	vmax.bf16 v2, v3  }
0x2a7: {  	v1 =	vmax.bf16 v4, v1  }
0x2a8: {  	v1 =	vmax.bf16 v2, v1  }
0x2a9: {  	[tilespmem:s30+$0xFFFFFFF0] =	vst v1  }
0x2aa: {  	v1 =	vld [tilespmem:s29+$0x1A40]  }
0x2ab: {  	v2 =	vld [tilespmem:s29+$0x2140]  }
0x2ac: {  	v3 =	vld [tilespmem:s29+$0x20C0]  }
0x2ad: {  	v4 =	vld [tilespmem:s29+$0x19C0];
	_ =	sdelay $0x3  }
0x2ae: {  	v2 =	vmax.bf16 v3, v2  }
0x2af: {  	v1 =	vmax.bf16 v4, v1  }
0x2b0: {  	v1 =	vmax.bf16 v1, v2  }
0x2b1: {  	[tilespmem:s30+$0x0] =	vst v1  }
0x2b2: {  	v3 =	vld [tilespmem:s29+$0x1A50]  }
0x2b3: {  	v1 =	vld [tilespmem:s29+$0x2150]  }
0x2b4: {  	v4 =	vld [tilespmem:s29+$0x19D0]  }
.Ltmp2:
0x2b5: {  	v2 =	vld [tilespmem:s29+$0x20D0];
	(pc) =	sbr.rel @p1 .LBB2_3-.Ltmp2, $2  }
0x2b6: {  	_ =	sdelay $0x2  }
0x2b7: {  	v3 =	vmax.bf16 v4, v3  }
0x2b8: {  	v1 =	vmax.bf16 v2, v1  }
0x2b9: {  	v1 =	vmax.bf16 v3, v1  }
0x2ba: {  	[tilespmem:s31+$0x10] =	vst v1  }
0x2bb: {  	v1 =	vld [tilespmem:s29+$0x2160]  }
0x2bc: {  	v2 =	vld [tilespmem:s29+$0x19E0]  }
0x2bd: {  	v3 =	vld [tilespmem:s29+$0x20E0]  }
0x2be: {  	v4 =	vld [tilespmem:s29+$0x1A60];
	_ =	sdelay $0x4  }
0x2bf: {  	v1 =	vmax.bf16 v3, v1;
	v2 =	vmax.bf16 v2, v4  }
0x2c0: {  	v1 =	vmax.bf16 v2, v1  }
0x2c1: {  	[tilespmem:s31+$0x20] =	vst v1  }
0x2c2: {  	v1 =	vld [tilespmem:s29+$0x19F0]  }
0x2c3: {  	v2 =	vld [tilespmem:s29+$0x2170]  }
0x2c4: {  	v3 =	vld [tilespmem:s29+$0x1A70]  }
0x2c5: {  	v4 =	vld [tilespmem:s29+$0x20F0];
	_ =	sdelay $0x3  }
0x2c6: {  	s0 =	sadd.s32 s5, s28  }
0x2c7: {  	s0 =	smul.u32 $0x310, s0;
	v1 =	vmax.bf16 v1, v3;
	v2 =	vmax.bf16 v4, v2  }
0x2c8: {  	p1 =	seq.s32 s26, $0xF;
	v1 =	vmax.bf16 v1, v2  }
0x2c9: {  	s4 =	smul.u32 @!p1 $0x640, s26;
	s0 =	sadd.s32 s2, s0;
	[tilespmem:s31+$0x30] =	vst v1  }
0x2ca: {  	[hbm4b:s0+s3] =	stream.linear.scatter [tilespmem:s20], [sflag:$0x3], $0x1880, $0x38;
	[tilespmem:$0x11280] =	vst v63  }
0x2cb: {  	s0 =	sshra.s32 @!p1 s4, $0x2  }
0x2cc: {  	s11 =	simm.s32 @!p1 $0x60;
	s13 =	simm.s32 @!p1 $0x1980;
	s4 =	sadd.s32 @!p1 $0x210, s0  }
0x2cd: {  	[tilespmem:s13], [sflag:$0x1] =	stream.indirect.gather @!p1 [hbm4b:s1+s11], $0x80, s4, s11, $0xb8;
	[tilespmem:$0x11280] =	vst v63  }
0x2ce: {  	s0 =	sadd.s32 @!p1 $0x270, s0;
	s4 =	simm.s32 $0x0  }
0x2cf: {  	s11 =	simm.s32 @!p1 $0x68;
	s13 =	simm.s32 @!p1 $0x4980;
	s4 =	smul.u32 $0x25, s4  }
0x2d0: {  	[tilespmem:s13], [sflag:$0x1] =	stream.indirect.gather @!p1 [hbm4b:s1+s11], $0x80, s0, s11, $0xb8;
	[tilespmem:$0x11280] =	vst v63  }
0x2d1: {  	s11 =	sshrl.u32 s4, $0x8  }
0x2d2: {  	s4 =	ssub.s32 $0x0, s11  }
0x2d3: {  	s4 =	sand.u32 $0xFE, s4  }
0x2d4: {  	s4 =	sshrl.u32 s4, $0x1  }
0x2d5: {  	s0 =	sadd.s32 s11, s4  }
0x2d6: {  	s0 =	sand.u32 $0xFC, s0  }
0x2d7: {  	s0 =	sshrl.u32 s0, $0x2  }
0x2d8: {  	_ =	swait.ge [sflag:s21], $0x6400;
	s13 =	smul.u32 $0x7, s0  }
0x2d9: {  	[sflag:s21] =	ssyncset.done $0x0  }
0x2da: {  	[sflag:s21] =	ssyncadd.s32 $0xFFFF9C00;
	s4 =	ssub.s32 $0x0, s13  }
0x2db: {  	s11 =	simm.s32 @!p0 $0x4;
	s0 =	smul.u32 $0x1C, s0;
	s4 =	sshll.u32 s4, $0x1  }
0x2dc: {  	_ =	swait.ge @!p0 [sflag:s11], $0x1880;
	s4 =	sand.u32 $0xFE, s4  }
0x2dd: {  	[sflag:s11] =	ssyncset.done @!p0 $0x0;
	s0 =	sadd.s32 s4, s0  }
0x2de: {  	[sflag:s11] =	ssyncadd.s32 @!p0 $0xFFFFE780;
	s29 =	sshll.u32 s0, $0x7  }
0x2df: {  	v1 =	vld [tilespmem:s29+$0x8500]  }
0x2e0: {  	v2 =	vld [tilespmem:s29+$0x7D80]  }
0x2e1: {  	v3 =	vld [tilespmem:s29+$0x8480]  }
0x2e2: {  	v4 =	vld [tilespmem:s29+$0x7E00];
	_ =	sdelay $0x4  }
0x2e3: {  	v1 =	vmax.bf16 v3, v1;
	v2 =	vmax.bf16 v2, v4  }
0x2e4: {  	s30 =	simm.s32 $0xFA40;
	v1 =	vmax.bf16 v2, v1  }
0x2e5: {  	[tilespmem:s30+$0xFFFFFFC0] =	vst v1  }
0x2e6: {  	v1 =	vld [tilespmem:s29+$0x8510]  }
0x2e7: {  	v2 =	vld [tilespmem:s29+$0x7E10]  }
0x2e8: {  	v3 =	vld [tilespmem:s29+$0x7D90]  }
0x2e9: {  	v4 =	vld [tilespmem:s29+$0x8490];
	_ =	sdelay $0x4  }
0x2ea: {  	v2 =	vmax.bf16 v3, v2;
	v1 =	vmax.bf16 v4, v1  }
0x2eb: {  	v1 =	vmax.bf16 v2, v1  }
0x2ec: {  	[tilespmem:s30+$0xFFFFFFD0] =	vst v1  }
0x2ed: {  	v1 =	vld [tilespmem:s29+$0x84A0]  }
0x2ee: {  	v2 =	vld [tilespmem:s29+$0x7E20]  }
0x2ef: {  	v3 =	vld [tilespmem:s29+$0x7DA0]  }
0x2f0: {  	v4 =	vld [tilespmem:s29+$0x8520];
	_ =	sdelay $0x4  }
0x2f1: {  	v2 =	vmax.bf16 v3, v2;
	v1 =	vmax.bf16 v1, v4  }
0x2f2: {  	v1 =	vmax.bf16 v2, v1  }
0x2f3: {  	[tilespmem:s30+$0xFFFFFFE0] =	vst v1  }
0x2f4: {  	v1 =	vld [tilespmem:s29+$0x8530]  }
0x2f5: {  	v2 =	vld [tilespmem:s29+$0x7DB0]  }
0x2f6: {  	v3 =	vld [tilespmem:s29+$0x7E30]  }
0x2f7: {  	v4 =	vld [tilespmem:s29+$0x84B0];
	_ =	sdelay $0x4  }
0x2f8: {  	v2 =	vmax.bf16 v2, v3;
	v1 =	vmax.bf16 v4, v1  }
0x2f9: {  	v1 =	vmax.bf16 v2, v1  }
0x2fa: {  	[tilespmem:s30+$0xFFFFFFF0] =	vst v1  }
0x2fb: {  	v1 =	vld [tilespmem:s29+$0x7E40]  }
0x2fc: {  	v2 =	vld [tilespmem:s29+$0x8540]  }
0x2fd: {  	v3 =	vld [tilespmem:s29+$0x84C0]  }
0x2fe: {  	v4 =	vld [tilespmem:s29+$0x7DC0];
	_ =	sdelay $0x4  }
0x2ff: {  	v2 =	vmax.bf16 v3, v2;
	v1 =	vmax.bf16 v4, v1  }
0x300: {  	v1 =	vmax.bf16 v1, v2  }
0x301: {  	[tilespmem:s30+$0x0] =	vst v1  }
0x302: {  	v3 =	vld [tilespmem:s29+$0x7E50]  }
0x303: {  	v4 =	vld [tilespmem:s29+$0x7DD0];
	_ =	sdelay $0x3  }
0x304: {  	v1 =	vld [tilespmem:s29+$0x8550]  }
0x305: {  	s31 =	sor.u32 $0x1, s28;
	s28 =	simm.s32 $0xFA40;
	s0 =	simm.s32 $0x1;
	v2 =	vld [tilespmem:s29+$0x84D0];
	v3 =	vmax.bf16 v4, v3  }
.LBB2_5:
0x306: {  	p0 =	sne.s32 s0, $0x30  }
0x307: {  	s30 =	sadd.s32 $0x80, s30;
	s4 =	smov.u32 s0;
	s0 =	sadd.s32 $0x1, s0  }
0x308: {  	_ =	sdelay $0x9  }
0x309: {  	v1 =	vmax.bf16 v2, v1  }
0x30a: {  	v1 =	vmax.bf16 v3, v1  }
0x30b: {  	[tilespmem:s28+$0x10] =	vst v1  }
0x30c: {  	v1 =	vld [tilespmem:s29+$0x8560]  }
0x30d: {  	v2 =	vld [tilespmem:s29+$0x7DE0]  }
0x30e: {  	v3 =	vld [tilespmem:s29+$0x84E0]  }
0x30f: {  	v4 =	vld [tilespmem:s29+$0x7E60];
	_ =	sdelay $0x2  }
0x310: {  	s11 =	smul.u32 $0x25, s4  }
0x311: {  	v1 =	vmax.bf16 v3, v1  }
0x312: {  	s11 =	sshrl.u32 s11, $0x8;
	v2 =	vmax.bf16 v2, v4  }
0x313: {  	s13 =	ssub.s32 s4, s11;
	v1 =	vmax.bf16 v2, v1  }
0x314: {  	s13 =	sand.u32 $0xFE, s13;
	[tilespmem:s28+$0x20] =	vst v1  }
0x315: {  	s13 =	sshrl.u32 s13, $0x1;
	v1 =	vld [tilespmem:s29+$0x7DF0]  }
0x316: {  	s11 =	sadd.s32 s11, s13;
	v2 =	vld [tilespmem:s29+$0x8570]  }
0x317: {  	s11 =	sand.u32 $0xFC, s11;
	v3 =	vld [tilespmem:s29+$0x7E70]  }
0x318: {  	s11 =	sshrl.u32 s11, $0x2;
	v4 =	vld [tilespmem:s29+$0x84F0]  }
0x319: {  	s13 =	smul.u32 $0x7, s11;
	_ =	sdelay $0x1  }
0x31a: {  	s4 =	ssub.s32 s4, s13  }
0x31b: {  	s11 =	smul.u32 $0x1C, s11;
	s4 =	sshll.u32 s4, $0x1;
	v1 =	vmax.bf16 v1, v3  }
0x31c: {  	s4 =	sand.u32 $0xFE, s4;
	v2 =	vmax.bf16 v4, v2  }
0x31d: {  	s4 =	sadd.s32 s4, s11;
	v1 =	vmax.bf16 v1, v2  }
0x31e: {  	s29 =	sshll.u32 s4, $0x7;
	[tilespmem:s28+$0x30] =	vst v1;
	s28 =	smov.u32 s30  }
0x31f: {  	v1 =	vld [tilespmem:s29+$0x8500]  }
0x320: {  	v2 =	vld [tilespmem:s29+$0x7D80]  }
0x321: {  	v3 =	vld [tilespmem:s29+$0x8480]  }
0x322: {  	v4 =	vld [tilespmem:s29+$0x7E00];
	_ =	sdelay $0x3  }
0x323: {  	v1 =	vmax.bf16 v3, v1  }
0x324: {  	v2 =	vmax.bf16 v2, v4  }
0x325: {  	v1 =	vmax.bf16 v2, v1  }
0x326: {  	[tilespmem:s30+$0xFFFFFFC0] =	vst v1  }
0x327: {  	v1 =	vld [tilespmem:s29+$0x8510]  }
0x328: {  	v2 =	vld [tilespmem:s29+$0x7E10]  }
0x329: {  	v3 =	vld [tilespmem:s29+$0x7D90]  }
0x32a: {  	v4 =	vld [tilespmem:s29+$0x8490];
	_ =	sdelay $0x3  }
0x32b: {  	v2 =	vmax.bf16 v3, v2  }
0x32c: {  	v1 =	vmax.bf16 v4, v1  }
0x32d: {  	v1 =	vmax.bf16 v2, v1  }
0x32e: {  	[tilespmem:s30+$0xFFFFFFD0] =	vst v1  }
0x32f: {  	v1 =	vld [tilespmem:s29+$0x84A0]  }
0x330: {  	v2 =	vld [tilespmem:s29+$0x7E20]  }
0x331: {  	v3 =	vld [tilespmem:s29+$0x7DA0]  }
0x332: {  	v4 =	vld [tilespmem:s29+$0x8520];
	_ =	sdelay $0x3  }
0x333: {  	v2 =	vmax.bf16 v3, v2  }
0x334: {  	v1 =	vmax.bf16 v1, v4  }
0x335: {  	v1 =	vmax.bf16 v2, v1  }
0x336: {  	[tilespmem:s30+$0xFFFFFFE0] =	vst v1  }
0x337: {  	v1 =	vld [tilespmem:s29+$0x8530]  }
0x338: {  	v2 =	vld [tilespmem:s29+$0x7DB0]  }
0x339: {  	v3 =	vld [tilespmem:s29+$0x7E30]  }
0x33a: {  	v4 =	vld [tilespmem:s29+$0x84B0];
	_ =	sdelay $0x3  }
0x33b: {  	v2 =	vmax.bf16 v2, v3  }
0x33c: {  	v1 =	vmax.bf16 v4, v1  }
0x33d: {  	v1 =	vmax.bf16 v2, v1  }
0x33e: {  	[tilespmem:s30+$0xFFFFFFF0] =	vst v1  }
0x33f: {  	v1 =	vld [tilespmem:s29+$0x7E40]  }
0x340: {  	v2 =	vld [tilespmem:s29+$0x8540]  }
0x341: {  	v3 =	vld [tilespmem:s29+$0x84C0]  }
0x342: {  	v4 =	vld [tilespmem:s29+$0x7DC0];
	_ =	sdelay $0x3  }
0x343: {  	v2 =	vmax.bf16 v3, v2  }
0x344: {  	v1 =	vmax.bf16 v4, v1  }
0x345: {  	v1 =	vmax.bf16 v1, v2  }
0x346: {  	[tilespmem:s30+$0x0] =	vst v1  }
0x347: {  	v3 =	vld [tilespmem:s29+$0x7E50]  }
0x348: {  	v1 =	vld [tilespmem:s29+$0x8550]  }
0x349: {  	v4 =	vld [tilespmem:s29+$0x7DD0]  }
.Ltmp3:
0x34a: {  	v2 =	vld [tilespmem:s29+$0x84D0];
	(pc) =	sbr.rel @p0 .LBB2_5-.Ltmp3, $2  }
0x34b: {  	_ =	sdelay $0x2  }
0x34c: {  	v3 =	vmax.bf16 v4, v3  }
0x34d: {  	v1 =	vmax.bf16 v2, v1  }
0x34e: {  	v1 =	vmax.bf16 v3, v1  }
0x34f: {  	[tilespmem:s28+$0x10] =	vst v1  }
0x350: {  	v1 =	vld [tilespmem:s29+$0x8560]  }
0x351: {  	v2 =	vld [tilespmem:s29+$0x7DE0]  }
0x352: {  	v3 =	vld [tilespmem:s29+$0x84E0]  }
0x353: {  	v4 =	vld [tilespmem:s29+$0x7E60];
	_ =	sdelay $0x4  }
0x354: {  	v1 =	vmax.bf16 v3, v1;
	v2 =	vmax.bf16 v2, v4  }
0x355: {  	v1 =	vmax.bf16 v2, v1  }
0x356: {  	[tilespmem:s28+$0x20] =	vst v1  }
0x357: {  	v1 =	vld [tilespmem:s29+$0x7DF0]  }
0x358: {  	v2 =	vld [tilespmem:s29+$0x8570]  }
0x359: {  	v3 =	vld [tilespmem:s29+$0x7E70]  }
0x35a: {  	v23 =	vld [tilespmem:s29+$0x84F0];
	_ =	sdelay $0x3  }
.Ltmp4:
0x35b: {  	s0 =	sadd.s32 s5, s31;
	(pc) =	sbr.rel @p1 .LBB2_8-.Ltmp4, $4  }
0x35c: {  	s0 =	smul.u32 $0x310, s0;
	v1 =	vmax.bf16 v1, v3;
	v2 =	vmax.bf16 v23, v2  }
0x35d: {  	v1 =	vmax.bf16 v1, v2  }
0x35e: {  	s0 =	sadd.s32 s2, s0;
	[tilespmem:s28+$0x30] =	vst v1  }
0x35f: {  	[hbm4b:s0+s3] =	stream.linear.scatter [tilespmem:s22], [sflag:$0x4], $0x1880, $0x38;
	[tilespmem:$0x11280] =	vst v63  }
0x360: {  	s0 =	smul.u32 $0x640, s26;
	_ =	sdelay $0x1  }
.Ltmp5:
0x361: {  	s0 =	sshra.s32 s0, $0x2;
	(pc) =	sbr.rel .LBB2_2-.Ltmp5, $4  }
0x362: {  	s4 =	sadd.s32 $0x2D8, s0  }
0x363: {  	[tilespmem:s16], [sflag:$0x2] =	stream.indirect.gather [hbm4b:s1+s10], $0x80, s4, s10, $0xb8;
	[tilespmem:$0x11280] =	vst v63  }
0x364: {  	s26 =	sadd.s32 $0x1, s26;
	s0 =	sadd.s32 $0x338, s0  }
0x365: {  	[tilespmem:s18], [sflag:$0x2] =	stream.indirect.gather [hbm4b:s1+s12], $0x80, s0, s12, $0xb8;
	[tilespmem:$0x11280] =	vst v63  }
.LBB2_9:
0x366: {  	_ =	sfence.sel $0x180000  }
0x367: {  	[bflag:$0x0] =	sbarrier.arrive $0xFFFF  }
0x368: {  	_ =	strace $0x90000047  }
0x369: {  	s0 =	stileid.u32;
	[bflag:$0x2] =	sbarrier.arrive $0xFFFF  }
0x36a: {  	p0 =	sne.s32 s0, $0x0;
	s0 =	rddreg [dreg:$0x3]  }
0x36b: {  	s0 =	sadd.s32 @!p0 $0x100000, s0  }
0x36c: {  	[sflag:s0] =	ssyncadd.tile.s32 @!p0 $0x1;
	_ =	shalt  }
.Lfunc_end2:
_tile_overlayer_lowered:
.L_overlay_start_2:
0x36d: {  	(tag) =	ssettag $0x2  }
0x36e: {  	s0 =	rddreg [dreg:$0x0];
	s2 =	stileid.u32  }
0x36f: {  	s1 =	rddreg [dreg:$0x1];
	p0 =	sne.s32 s2, $0x0  }
0x370: {  	s3 =	rddreg [dreg:$0x2];
	[bflag:$0x3] =	sbarrier.arrive $0xFFFF;
	s2 =	simm.s32 @!p0 $0x1C05  }
0x371: {  	[timem:s3], [sflag:s2] =	dma.local @!p0 [hbm:s0], s1  }
0x372: {  	s0 =	simm.s32 @!p0 $0x5  }
0x373: {  	_ =	swait.ge @!p0 [sflag:s0], s1  }
0x374: {  	s1 =	ssub.s32 @!p0 $0x0, s1;
	[sflag:s0] =	ssyncset.done @!p0 $0x0  }
0x375: {  	[sflag:s0] =	ssyncadd.s32 @!p0 s1  }
0x376: {  	[bflag:$0x3] =	sbarrier.arrive $0xFFFF  }
0x377: {  	_ =	shalt  }

</sc_bundles>
